<compile_context>
chip_gen: v7x
topology: tpu7x:2x2x1
jax: 0.10.2.dev20260603
libtpu: 0.0.44.dev20260713+nightly
codegen_flags: <defaults>
</compile_context>

<pallas_src>
import functools

import jax
import jax.numpy as jnp
from jax import lax
from jax.experimental import pallas as pl
from jax.experimental.pallas import tpu as pltpu
from jax.experimental.pallas import tpu_sc as plsc

N = 10000
NNZ = 160000
C = 256
G = 64
NCORES = 2
NTILES = 16
B = 128
NCHUNK = 80
PER_TILE = NCHUNK * B
NNZ_PAD = NTILES * PER_TILE
APAD = 10112
RPT = APAD // NTILES
NBUF = 2

_MESH = plsc.VectorSubcoreMesh(
    core_axis_name="c", subcore_axis_name="s",
    num_cores=NCORES, num_subcores=NTILES)


def _mm_body(x_ref, w_ref, b_ref, o0_ref, o1_ref, o2_ref, o3_ref):
    acc = jnp.dot(x_ref[...], w_ref[...],
                  preferred_element_type=jnp.float32) + b_ref[...]
    o0_ref[...] = acc[:, 0 * G:1 * G]
    o1_ref[...] = acc[:, 1 * G:2 * G]
    o2_ref[...] = acc[:, 2 * G:3 * G]
    o3_ref[...] = acc[:, 3 * G:4 * G]


def _matmul(x, w, b2):
    return pl.pallas_call(
        _mm_body,
        grid=(10,),
        in_specs=[
            pl.BlockSpec((1000, C), lambda i: (i, 0)),
            pl.BlockSpec((C, C), lambda i: (0, 0)),
            pl.BlockSpec((1, C), lambda i: (0, 0)),
        ],
        out_specs=[pl.BlockSpec((1000, G), lambda i: (i, 0))] * 4,
        out_shape=[jax.ShapeDtypeStruct((N, G), jnp.float32)] * 4,
    )(x, w, b2)


def _stream_loop(table, gidx_v, sidx_v, bufs, acc, cnt_add=None):

    def _issue(chunk, rows, gsem):
        pltpu.async_copy(table.at[gidx_v.at[chunk]], rows, gsem)

    for b, (rows, gsem, ssem) in enumerate(bufs):
        _issue(b, rows, gsem)

    @pl.loop(0, NCHUNK, step=NBUF)
    def _(j):
        for b, (rows, gsem, ssem) in enumerate(bufs):
            jj = j + b
            pltpu.make_async_copy(table.at[gidx_v.at[jj]], rows, gsem).wait()
            pltpu.async_copy(rows, acc.at[sidx_v.at[jj]], ssem, add=True)
            if cnt_add is not None:
                ones_v, cnt_acc = cnt_add
                pltpu.async_copy(ones_v, cnt_acc.at[sidx_v.at[jj]], ssem,
                                 add=True)

            @pl.when(jj + NBUF < NCHUNK)
            def _():
                pltpu.make_async_copy(rows, acc.at[sidx_v.at[jj]], ssem).wait()
                if cnt_add is not None:
                    ones_v, cnt_acc = cnt_add
                    pltpu.make_async_copy(
                        ones_v, cnt_acc.at[sidx_v.at[jj]], ssem).wait()
                _issue(jj + NBUF, rows, gsem)

    for b, (rows, gsem, ssem) in enumerate(bufs):
        jj = NCHUNK - NBUF + b
        pltpu.make_async_copy(rows, acc.at[sidx_v.at[jj]], ssem).wait()
        if cnt_add is not None:
            ones_v, cnt_acc = cnt_add
            pltpu.make_async_copy(ones_v, cnt_acc.at[sidx_v.at[jj]],
                                  ssem).wait()


def _convert(acc, cnt_acc, tbl, rows0, ones_v, r0):
    for off, rows_n in ((0, B), (B, B), (2 * B, B), (3 * B, B), (4 * B, 120)):
        base = r0 + off
        pltpu.sync_copy(acc.at[pl.ds(base, rows_n)],
                        rows0.at[pl.ds(0, rows_n)])
        pltpu.sync_copy(cnt_acc.at[pl.ds(base, rows_n)],
                        ones_v.at[pl.ds(0, rows_n)])

        @pl.loop(0, rows_n)
        def _(r):
            inv = 1.0 / jnp.maximum(ones_v[r], 1.0)
            for k in range(G // 16):
                sl = pl.ds(k * 16, 16)
                rows0[r, sl] = rows0[r, sl] * inv

        pltpu.sync_copy(rows0.at[pl.ds(0, rows_n)],
                        tbl.at[pl.ds(base, rows_n)])


def _conv_body(t0, t1, t2, t3, vg_h, es_h, eg_h, vs_h, zrow, zcnt, ones_h,
               o0, o1, o2, o3,
               gidx_v, sidx_v, r0b, r1b, ones_v, tbl, acc, cnt_acc,
               g0, g1, s0m, s1m):
    bufs = [(r0b, g0, s0m), (r1b, g1, s1m)]
    cid = lax.axis_index("c")
    sid = lax.axis_index("s")
    r0 = sid * RPT

    for phase in (0, 1):
        pltpu.async_copy(zrow, acc.at[pl.ds(r0, RPT)], g0)
        pltpu.async_copy(vg_h.at[sid], gidx_v, g1)
        pltpu.async_copy(es_h.at[sid], sidx_v, s0m)
        if phase == 0:
            pltpu.async_copy(zcnt, cnt_acc.at[pl.ds(r0, RPT)], s1m)
            pltpu.async_copy(ones_h, ones_v, s1m)

        off = sid * 1000

        @pl.when(jnp.logical_and(cid == 0, sid < 10))
        def _():
            src = t0 if phase == 0 else t1
            pltpu.async_copy(src.at[pl.ds(off, 1000)],
                             tbl.at[pl.ds(off, 1000)], g0)

        @pl.when(jnp.logical_and(cid == 1, sid < 10))
        def _():
            src = t2 if phase == 0 else t3
            pltpu.async_copy(src.at[pl.ds(off, 1000)],
                             tbl.at[pl.ds(off, 1000)], g0)

        pltpu.make_async_copy(zrow, acc.at[pl.ds(r0, RPT)], g0).wait()
        pltpu.make_async_copy(vg_h.at[sid], gidx_v, g1).wait()
        pltpu.make_async_copy(es_h.at[sid], sidx_v, s0m).wait()
        if phase == 0:
            pltpu.make_async_copy(zcnt, cnt_acc.at[pl.ds(r0, RPT)],
                                  s1m).wait()
            pltpu.make_async_copy(ones_h, ones_v, s1m).wait()

        @pl.when(sid < 10)
        def _():
            pltpu.make_async_copy(t0.at[pl.ds(off, 1000)],
                                  tbl.at[pl.ds(off, 1000)], g0).wait()

        plsc.subcore_barrier()

        cadd = (ones_v, cnt_acc) if phase == 0 else None
        _stream_loop(tbl, gidx_v, sidx_v, bufs, acc, cnt_add=cadd)
        plsc.subcore_barrier()

        pltpu.async_copy(eg_h.at[sid], gidx_v, g1)
        pltpu.async_copy(vs_h.at[sid], sidx_v, s0m)
        _convert(acc, cnt_acc, tbl, r0b, ones_v, r0)
        pltpu.async_copy(zrow, acc.at[pl.ds(r0, RPT)], g0)
        pltpu.make_async_copy(zrow, acc.at[pl.ds(r0, RPT)], g0).wait()
        pltpu.make_async_copy(eg_h.at[sid], gidx_v, g1).wait()
        pltpu.make_async_copy(vs_h.at[sid], sidx_v, s0m).wait()
        plsc.subcore_barrier()

        _stream_loop(tbl, gidx_v, sidx_v, bufs, acc)
        plsc.subcore_barrier()

        @pl.when(cid == 0)
        def _():
            out = o0 if phase == 0 else o1
            pltpu.sync_copy(acc.at[pl.ds(r0, RPT)], out.at[pl.ds(r0, RPT)])

        @pl.when(cid == 1)
        def _():
            out = o2 if phase == 0 else o3
            pltpu.sync_copy(acc.at[pl.ds(r0, RPT)], out.at[pl.ds(r0, RPT)])

        if phase == 0:
            plsc.subcore_barrier()


_conv = functools.partial(
    pl.kernel,
    out_type=[jax.ShapeDtypeStruct((APAD, G), jnp.float32)] * 4,
    mesh=_MESH,
    compiler_params=pltpu.CompilerParams(use_tc_tiling_on_sc=False),
    scratch_types=[
        pltpu.VMEM((NCHUNK, B), jnp.int32),
        pltpu.VMEM((NCHUNK, B), jnp.int32),
        pltpu.VMEM((B, G), jnp.float32),
        pltpu.VMEM((B, G), jnp.float32),
        pltpu.VMEM((B, 16), jnp.float32),
        pltpu.VMEM_SHARED((APAD, G), jnp.float32),
        pltpu.VMEM_SHARED((APAD, G), jnp.float32),
        pltpu.VMEM_SHARED((APAD, 16), jnp.float32),
    ] + [pltpu.SemaphoreType.DMA] * 4,
)(_conv_body)


def _final_body(a0, a1, a2, a3, x0, x1, x2, x3, o_ref):
    o_ref[:, 0 * G:1 * G] = jnp.maximum(a0[...] + x0[...], 0.0)
    o_ref[:, 1 * G:2 * G] = jnp.maximum(a1[...] + x1[...], 0.0)
    o_ref[:, 2 * G:3 * G] = jnp.maximum(a2[...] + x2[...], 0.0)
    o_ref[:, 3 * G:4 * G] = jnp.maximum(a3[...] + x3[...], 0.0)


def _final(aggs, xts):
    return pl.pallas_call(
        _final_body,
        grid=(10,),
        in_specs=[pl.BlockSpec((1000, G), lambda i: (i, 0))] * 8,
        out_specs=pl.BlockSpec((1000, C), lambda i: (i, 0)),
        out_shape=jax.ShapeDtypeStruct((N, C), jnp.float32),
    )(*aggs, *xts)


def kernel(X, hyperedge_index, W, b):
    v = hyperedge_index[0].astype(jnp.int32)
    e = hyperedge_index[1].astype(jnp.int32)
    pad = NNZ_PAD - NNZ

    def _padded(idx, fill):
        p = jnp.concatenate([idx, jnp.full((pad,), fill, jnp.int32)])
        return p.reshape(NTILES, NCHUNK, B)

    v_g, v_s = _padded(v, 0), _padded(v, N)
    e_g, e_s = _padded(e, 0), _padded(e, N)

    zrow = jnp.zeros((RPT, G), jnp.float32)
    zcnt = jnp.zeros((RPT, 16), jnp.float32)
    ones = jnp.ones((B, 16), jnp.float32)

    xt = _matmul(X, W, b.reshape(1, C))
    aggs = _conv(*xt, v_g, e_s, e_g, v_s, zrow, zcnt, ones)
    return _final(aggs, xt)

# --- scband reference (transcript-rebuilt; emitter-appended) ---
"""Pipeline reference for scband-uni-ginconv-21131239096603 (READ-ONLY COPY).

The authoritative reference and input builder live on the scoring server;
editing this copy changes nothing except your own understanding.
"""

import jax, jax.numpy as jnp
import numpy as np

N = 10000      # vertices
M = 10000      # hyperedges
NNZ = 160000   # incidence pairs
C_IN = 256
C_OUT = 256
EPS = 0.0


def setup_inputs(seed: int = 0) -> dict:
    key = jax.random.key(seed)
    k1, k2, k3, k4 = jax.random.split(key, 4)
    X = jax.random.normal(k1, (N, C_IN), dtype=jnp.float32)
    # row 0: vertex ids in [0, N); row 1: hyperedge ids in [0, M)
    hyperedge_index = jax.random.randint(k2, (2, NNZ), 0, N, dtype=jnp.int64)
    # nn.Linear(in_channels, out_channels): store as [C_IN, C_OUT] for X @ W + b
    W = jax.random.normal(k3, (C_IN, C_OUT), dtype=jnp.float32) * 0.05
    b = jax.random.normal(k4, (C_OUT,), dtype=jnp.float32) * 0.05
    return {"X": X, "hyperedge_index": hyperedge_index, "W": W, "b": b}


def reference(X, hyperedge_index, W, b):
    # theta: linear projection
    Xt = X @ W + b
    v_idx = hyperedge_index[0]
    e_idx = hyperedge_index[1]
    # v2e with aggr='mean': h_e = mean over incident vertices of Xt[v]
    sums = jax.ops.segment_sum(jnp.take(Xt, v_idx, axis=0), e_idx, num_segments=M)
    counts = jax.ops.segment_sum(jnp.ones((NNZ,), dtype=jnp.float32), e_idx, num_segments=M)
    Y = sums / jnp.maximum(counts, 1.0)[:, None]
    # e2v with aggr='sum': sum over incident hyperedges of Y[e]
    agg = jax.ops.segment_sum(jnp.take(Y, e_idx, axis=0), v_idx, num_segments=N)
    out = (1.0 + EPS) * agg + Xt
    # is_last=False: ReLU; use_bn=False; drop_rate=0.0 -> identity
    out = jax.nn.relu(out)
    return out

if __name__ == "__main__":
    import jax
    _d = setup_inputs()
    print(jax.jit(kernel)(*tuple(_d.values())))

</pallas_src>

<mosaic_0001>
#map = affine_map<(d0, d1) -> (0, 0)>
#map1 = affine_map<(d0, d1) -> (0, 0, 0)>
module attributes {stable_mosaic.version = 14 : i64} {
  func.func @_conv_body(%arg0: i32, %arg1: i32, %arg2: memref<10000x64xf32, #tpu.memory_space<hbm>>, %arg3: memref<10000x64xf32, #tpu.memory_space<hbm>>, %arg4: memref<10000x64xf32, #tpu.memory_space<hbm>>, %arg5: memref<10000x64xf32, #tpu.memory_space<hbm>>, %arg6: memref<16x80x128xi32, #tpu.memory_space<hbm>>, %arg7: memref<16x80x128xi32, #tpu.memory_space<hbm>>, %arg8: memref<16x80x128xi32, #tpu.memory_space<hbm>>, %arg9: memref<16x80x128xi32, #tpu.memory_space<hbm>>, %arg10: memref<632x64xf32, #tpu.memory_space<hbm>>, %arg11: memref<632x16xf32, #tpu.memory_space<hbm>>, %arg12: memref<128x16xf32, #tpu.memory_space<hbm>>, %arg13: memref<10112x64xf32, #tpu.memory_space<hbm>>, %arg14: memref<10112x64xf32, #tpu.memory_space<hbm>>, %arg15: memref<10112x64xf32, #tpu.memory_space<hbm>>, %arg16: memref<10112x64xf32, #tpu.memory_space<hbm>>, %arg17: memref<80x128xi32, #tpu.memory_space<vmem>>, %arg18: memref<80x128xi32, #tpu.memory_space<vmem>>, %arg19: memref<128x64xf32, #tpu.memory_space<vmem>>, %arg20: memref<128x64xf32, #tpu.memory_space<vmem>>, %arg21: memref<128x16xf32, #tpu.memory_space<vmem>>, %arg22: memref<10112x64xf32, #tpu.memory_space<vmem_shared>>, %arg23: memref<10112x64xf32, #tpu.memory_space<vmem_shared>>, %arg24: memref<10112x16xf32, #tpu.memory_space<vmem_shared>>, %arg25: memref<!tpu.dma_semaphore, #tpu.memory_space<semaphore_mem>>, %arg26: memref<!tpu.dma_semaphore, #tpu.memory_space<semaphore_mem>>, %arg27: memref<!tpu.dma_semaphore, #tpu.memory_space<semaphore_mem>>, %arg28: memref<!tpu.dma_semaphore, #tpu.memory_space<semaphore_mem>>) attributes {dimension_semantics = [#tpu.dimension_semantics<core_parallel>, #tpu.dimension_semantics<subcore_parallel>], iteration_bounds = array<i64: 2, 16>, scalar_prefetch = 0 : i64, scratch_operands = 12 : i64, tpu.core_type = #tpu.core_type<sc_vector_subcore>, window_params = [{transform_indices = #map}, {transform_indices = #map}, {transform_indices = #map}, {transform_indices = #map}, {transform_indices = #map1}, {transform_indices = #map1}, {transform_indices = #map1}, {transform_indices = #map1}, {transform_indices = #map}, {transform_indices = #map}, {transform_indices = #map}, {transform_indices = #map}, {transform_indices = #map}, {transform_indices = #map}, {transform_indices = #map}]} {
    %mul3A = arith.constant 632 : i32
    %mul3A_0 = arith.muli %arg1, %mul3A : i32
    %dma_start3A = arith.constant 0 : i32
    %dma_start3A_1 = tpu.memref_slice %arg23[%mul3A_0, %dma_start3A] : memref<10112x64xf32, #tpu.memory_space<vmem_shared>> -> memref<632x64xf32, #tpu.memory_space<vmem_shared>>
    tpu.enqueue_dma source(%arg10 : memref<632x64xf32, #tpu.memory_space<hbm>>) target(%dma_start3A_1 : memref<632x64xf32, #tpu.memory_space<vmem_shared>>) target_semaphore(%arg25 : memref<!tpu.dma_semaphore, #tpu.memory_space<semaphore_mem>>)
    %dma_start3A_2 = arith.constant 0 : i32
    %dma_start3A_3 = arith.constant 0 : i32
    %dma_start3A_4 = tpu.memref_slice %arg6[%arg1, %dma_start3A_2, %dma_start3A_3] : memref<16x80x128xi32, #tpu.memory_space<hbm>> -> memref<1x80x128xi32, #tpu.memory_space<hbm>>
    %dma_start3A_5 = tpu.memref_squeeze %dma_start3A_4 : memref<1x80x128xi32, #tpu.memory_space<hbm>> -> memref<80x128xi32, #tpu.memory_space<hbm>>
    %dma_start3A_6 = arith.constant 0 : i32
    %dma_start3A_7 = arith.constant 0 : i32
    %dma_start3A_8 = tpu.memref_slice %arg6[%arg1, %dma_start3A_6, %dma_start3A_7] : memref<16x80x128xi32, #tpu.memory_space<hbm>> -> memref<1x80x128xi32, #tpu.memory_space<hbm>>
    %dma_start3A_9 = tpu.memref_squeeze %dma_start3A_8 : memref<1x80x128xi32, #tpu.memory_space<hbm>> -> memref<80x128xi32, #tpu.memory_space<hbm>>
    tpu.enqueue_dma source(%dma_start3A_9 : memref<80x128xi32, #tpu.memory_space<hbm>>) target(%arg17 : memref<80x128xi32, #tpu.memory_space<vmem>>) target_semaphore(%arg26 : memref<!tpu.dma_semaphore, #tpu.memory_space<semaphore_mem>>)
    %dma_start3A_10 = arith.constant 0 : i32
    %dma_start3A_11 = arith.constant 0 : i32
    %dma_start3A_12 = tpu.memref_slice %arg7[%arg1, %dma_start3A_10, %dma_start3A_11] : memref<16x80x128xi32, #tpu.memory_space<hbm>> -> memref<1x80x128xi32, #tpu.memory_space<hbm>>
    %dma_start3A_13 = tpu.memref_squeeze %dma_start3A_12 : memref<1x80x128xi32, #tpu.memory_space<hbm>> -> memref<80x128xi32, #tpu.memory_space<hbm>>
    %dma_start3A_14 = arith.constant 0 : i32
    %dma_start3A_15 = arith.constant 0 : i32
    %dma_start3A_16 = tpu.memref_slice %arg7[%arg1, %dma_start3A_14, %dma_start3A_15] : memref<16x80x128xi32, #tpu.memory_space<hbm>> -> memref<1x80x128xi32, #tpu.memory_space<hbm>>
    %dma_start3A_17 = tpu.memref_squeeze %dma_start3A_16 : memref<1x80x128xi32, #tpu.memory_space<hbm>> -> memref<80x128xi32, #tpu.memory_space<hbm>>
    tpu.enqueue_dma source(%dma_start3A_17 : memref<80x128xi32, #tpu.memory_space<hbm>>) target(%arg18 : memref<80x128xi32, #tpu.memory_space<vmem>>) target_semaphore(%arg27 : memref<!tpu.dma_semaphore, #tpu.memory_space<semaphore_mem>>)
    %dma_start3A_18 = arith.constant 0 : i32
    %dma_start3A_19 = tpu.memref_slice %arg24[%mul3A_0, %dma_start3A_18] : memref<10112x16xf32, #tpu.memory_space<vmem_shared>> -> memref<632x16xf32, #tpu.memory_space<vmem_shared>>
    tpu.enqueue_dma source(%arg11 : memref<632x16xf32, #tpu.memory_space<hbm>>) target(%dma_start3A_19 : memref<632x16xf32, #tpu.memory_space<vmem_shared>>) target_semaphore(%arg28 : memref<!tpu.dma_semaphore, #tpu.memory_space<semaphore_mem>>)
    tpu.enqueue_dma source(%arg12 : memref<128x16xf32, #tpu.memory_space<hbm>>) target(%arg21 : memref<128x16xf32, #tpu.memory_space<vmem>>) target_semaphore(%arg28 : memref<!tpu.dma_semaphore, #tpu.memory_space<semaphore_mem>>)
    %mul3A_20 = arith.constant 1000 : i32
    %mul3A_21 = arith.muli %arg1, %mul3A_20 : i32
    %eq3A = arith.constant 0 : i32
    %eq3A_22 = arith.cmpi eq, %arg0, %eq3A : i32
    %lt3A = arith.constant 10 : i32
    %lt3A_23 = arith.cmpi slt, %arg1, %lt3A : i32
    %and3A = arith.andi %eq3A_22, %lt3A_23 : i1
    %convert_element_type3A = arith.extui %and3A : i1 to i32
    %cond3A = arith.constant 0 : i32
    %cond3A_24 = arith.cmpi ne, %convert_element_type3A, %cond3A : i32
    scf.if %cond3A_24 {
      %dma_start3A_430 = arith.constant 0 : i32
      %dma_start3A_431 = tpu.memref_slice %arg22[%mul3A_21, %dma_start3A_430] : memref<10112x64xf32, #tpu.memory_space<vmem_shared>> -> memref<1000x64xf32, #tpu.memory_space<vmem_shared>>
      %dma_start3A_432 = arith.constant 0 : i32
      %dma_start3A_433 = tpu.memref_slice %arg2[%mul3A_21, %dma_start3A_432] : memref<10000x64xf32, #tpu.memory_space<hbm>> -> memref<1000x64xf32, #tpu.memory_space<hbm>>
      tpu.enqueue_dma source(%dma_start3A_433 : memref<1000x64xf32, #tpu.memory_space<hbm>>) target(%dma_start3A_431 : memref<1000x64xf32, #tpu.memory_space<vmem_shared>>) target_semaphore(%arg25 : memref<!tpu.dma_semaphore, #tpu.memory_space<semaphore_mem>>)
    } else {
    }
    %eq3A_25 = arith.constant 1 : i32
    %eq3A_26 = arith.cmpi eq, %arg0, %eq3A_25 : i32
    %lt3A_27 = arith.constant 10 : i32
    %lt3A_28 = arith.cmpi slt, %arg1, %lt3A_27 : i32
    %and3A_29 = arith.andi %eq3A_26, %lt3A_28 : i1
    %convert_element_type3A_30 = arith.extui %and3A_29 : i1 to i32
    %cond3A_31 = arith.constant 0 : i32
    %cond3A_32 = arith.cmpi ne, %convert_element_type3A_30, %cond3A_31 : i32
    scf.if %cond3A_32 {
      %dma_start3A_430 = arith.constant 0 : i32
      %dma_start3A_431 = tpu.memref_slice %arg22[%mul3A_21, %dma_start3A_430] : memref<10112x64xf32, #tpu.memory_space<vmem_shared>> -> memref<1000x64xf32, #tpu.memory_space<vmem_shared>>
      %dma_start3A_432 = arith.constant 0 : i32
      %dma_start3A_433 = tpu.memref_slice %arg4[%mul3A_21, %dma_start3A_432] : memref<10000x64xf32, #tpu.memory_space<hbm>> -> memref<1000x64xf32, #tpu.memory_space<hbm>>
      tpu.enqueue_dma source(%dma_start3A_433 : memref<1000x64xf32, #tpu.memory_space<hbm>>) target(%dma_start3A_431 : memref<1000x64xf32, #tpu.memory_space<vmem_shared>>) target_semaphore(%arg25 : memref<!tpu.dma_semaphore, #tpu.memory_space<semaphore_mem>>)
    } else {
    }
    %dma_wait3A = arith.constant 0 : i32
    %dma_wait3A_33 = tpu.memref_slice %arg23[%mul3A_0, %dma_wait3A] : memref<10112x64xf32, #tpu.memory_space<vmem_shared>> -> memref<632x64xf32, #tpu.memory_space<vmem_shared>>
    tpu.wait_dma2 semaphore(%arg25 : memref<!tpu.dma_semaphore, #tpu.memory_space<semaphore_mem>>) src(%arg10 : memref<632x64xf32, #tpu.memory_space<hbm>>) dst(%dma_wait3A_33 : memref<632x64xf32, #tpu.memory_space<vmem_shared>>)
    %dma_wait3A_34 = arith.constant 0 : i32
    %dma_wait3A_35 = arith.constant 0 : i32
    %dma_wait3A_36 = tpu.memref_slice %arg6[%arg1, %dma_wait3A_34, %dma_wait3A_35] : memref<16x80x128xi32, #tpu.memory_space<hbm>> -> memref<1x80x128xi32, #tpu.memory_space<hbm>>
    %dma_wait3A_37 = tpu.memref_squeeze %dma_wait3A_36 : memref<1x80x128xi32, #tpu.memory_space<hbm>> -> memref<80x128xi32, #tpu.memory_space<hbm>>
    %dma_wait3A_38 = arith.constant 0 : i32
    %dma_wait3A_39 = arith.constant 0 : i32
    %dma_wait3A_40 = tpu.memref_slice %arg6[%arg1, %dma_wait3A_38, %dma_wait3A_39] : memref<16x80x128xi32, #tpu.memory_space<hbm>> -> memref<1x80x128xi32, #tpu.memory_space<hbm>>
    %dma_wait3A_41 = tpu.memref_squeeze %dma_wait3A_40 : memref<1x80x128xi32, #tpu.memory_space<hbm>> -> memref<80x128xi32, #tpu.memory_space<hbm>>
    tpu.wait_dma2 semaphore(%arg26 : memref<!tpu.dma_semaphore, #tpu.memory_space<semaphore_mem>>) src(%dma_wait3A_41 : memref<80x128xi32, #tpu.memory_space<hbm>>) dst(%arg17 : memref<80x128xi32, #tpu.memory_space<vmem>>)
    %dma_wait3A_42 = arith.constant 0 : i32
    %dma_wait3A_43 = arith.constant 0 : i32
    %dma_wait3A_44 = tpu.memref_slice %arg7[%arg1, %dma_wait3A_42, %dma_wait3A_43] : memref<16x80x128xi32, #tpu.memory_space<hbm>> -> memref<1x80x128xi32, #tpu.memory_space<hbm>>
    %dma_wait3A_45 = tpu.memref_squeeze %dma_wait3A_44 : memref<1x80x128xi32, #tpu.memory_space<hbm>> -> memref<80x128xi32, #tpu.memory_space<hbm>>
    %dma_wait3A_46 = arith.constant 0 : i32
    %dma_wait3A_47 = arith.constant 0 : i32
    %dma_wait3A_48 = tpu.memref_slice %arg7[%arg1, %dma_wait3A_46, %dma_wait3A_47] : memref<16x80x128xi32, #tpu.memory_space<hbm>> -> memref<1x80x128xi32, #tpu.memory_space<hbm>>
    %dma_wait3A_49 = tpu.memref_squeeze %dma_wait3A_48 : memref<1x80x128xi32, #tpu.memory_space<hbm>> -> memref<80x128xi32, #tpu.memory_space<hbm>>
    tpu.wait_dma2 semaphore(%arg27 : memref<!tpu.dma_semaphore, #tpu.memory_space<semaphore_mem>>) src(%dma_wait3A_49 : memref<80x128xi32, #tpu.memory_space<hbm>>) dst(%arg18 : memref<80x128xi32, #tpu.memory_space<vmem>>)
    %dma_wait3A_50 = arith.constant 0 : i32
    %dma_wait3A_51 = tpu.memref_slice %arg24[%mul3A_0, %dma_wait3A_50] : memref<10112x16xf32, #tpu.memory_space<vmem_shared>> -> memref<632x16xf32, #tpu.memory_space<vmem_shared>>
    tpu.wait_dma2 semaphore(%arg28 : memref<!tpu.dma_semaphore, #tpu.memory_space<semaphore_mem>>) src(%arg11 : memref<632x16xf32, #tpu.memory_space<hbm>>) dst(%dma_wait3A_51 : memref<632x16xf32, #tpu.memory_space<vmem_shared>>)
    tpu.wait_dma2 semaphore(%arg28 : memref<!tpu.dma_semaphore, #tpu.memory_space<semaphore_mem>>) src(%arg12 : memref<128x16xf32, #tpu.memory_space<hbm>>) dst(%arg21 : memref<128x16xf32, #tpu.memory_space<vmem>>)
    %lt3A_52 = arith.constant 10 : i32
    %lt3A_53 = arith.cmpi slt, %arg1, %lt3A_52 : i32
    %convert_element_type3A_54 = arith.extui %lt3A_53 : i1 to i32
    %cond3A_55 = arith.constant 0 : i32
    %cond3A_56 = arith.cmpi ne, %convert_element_type3A_54, %cond3A_55 : i32
    scf.if %cond3A_56 {
      %dma_wait3A_430 = arith.constant 0 : i32
      %dma_wait3A_431 = tpu.memref_slice %arg22[%mul3A_21, %dma_wait3A_430] : memref<10112x64xf32, #tpu.memory_space<vmem_shared>> -> memref<1000x64xf32, #tpu.memory_space<vmem_shared>>
      %dma_wait3A_432 = arith.constant 0 : i32
      %dma_wait3A_433 = tpu.memref_slice %arg2[%mul3A_21, %dma_wait3A_432] : memref<10000x64xf32, #tpu.memory_space<hbm>> -> memref<1000x64xf32, #tpu.memory_space<hbm>>
      tpu.wait_dma2 semaphore(%arg25 : memref<!tpu.dma_semaphore, #tpu.memory_space<semaphore_mem>>) src(%dma_wait3A_433 : memref<1000x64xf32, #tpu.memory_space<hbm>>) dst(%dma_wait3A_431 : memref<1000x64xf32, #tpu.memory_space<vmem_shared>>)
    } else {
    }
    %barrier3A = arith.constant 0 : index
    tpu.barrier barrier_id(%barrier3A)
    %dma_start3A_57 = arith.constant 0 : i32
    %dma_start3A_58 = arith.constant 0 : i32
    %dma_start3A_59 = tpu.memref_slice %arg17[%dma_start3A_57, %dma_start3A_58] : memref<80x128xi32, #tpu.memory_space<vmem>> -> memref<1x128xi32, #tpu.memory_space<vmem>>
    %dma_start3A_60 = tpu.memref_squeeze %dma_start3A_59 : memref<1x128xi32, #tpu.memory_space<vmem>> -> memref<128xi32, #tpu.memory_space<vmem>>
    %dma_start3A_61 = arith.constant 0 : i32
    %dma_start3A_62 = arith.constant 0 : i32
    %dma_start3A_63 = tpu.memref_slice %arg22[%dma_start3A_61, %dma_start3A_62] : memref<10112x64xf32, #tpu.memory_space<vmem_shared>> -> memref<10112x64xf32, #tpu.memory_space<vmem_shared>>
    tpu.enqueue_indirect_dma source(%dma_start3A_63 : memref<10112x64xf32, #tpu.memory_space<vmem_shared>>) target(%arg19 : memref<128x64xf32, #tpu.memory_space<vmem>>) offsets(%dma_start3A_60 : memref<128xi32, #tpu.memory_space<vmem>>) semaphore(%arg25 : memref<!tpu.dma_semaphore, #tpu.memory_space<semaphore_mem>>)
    %dma_start3A_64 = arith.constant 1 : i32
    %dma_start3A_65 = arith.constant 0 : i32
    %dma_start3A_66 = tpu.memref_slice %arg17[%dma_start3A_64, %dma_start3A_65] : memref<80x128xi32, #tpu.memory_space<vmem>> -> memref<1x128xi32, #tpu.memory_space<vmem>>
    %dma_start3A_67 = tpu.memref_squeeze %dma_start3A_66 : memref<1x128xi32, #tpu.memory_space<vmem>> -> memref<128xi32, #tpu.memory_space<vmem>>
    %dma_start3A_68 = arith.constant 0 : i32
    %dma_start3A_69 = arith.constant 0 : i32
    %dma_start3A_70 = tpu.memref_slice %arg22[%dma_start3A_68, %dma_start3A_69] : memref<10112x64xf32, #tpu.memory_space<vmem_shared>> -> memref<10112x64xf32, #tpu.memory_space<vmem_shared>>
    tpu.enqueue_indirect_dma source(%dma_start3A_70 : memref<10112x64xf32, #tpu.memory_space<vmem_shared>>) target(%arg20 : memref<128x64xf32, #tpu.memory_space<vmem>>) offsets(%dma_start3A_67 : memref<128xi32, #tpu.memory_space<vmem>>) semaphore(%arg26 : memref<!tpu.dma_semaphore, #tpu.memory_space<semaphore_mem>>)
    %scan3A = arith.constant 0 : i32
    %scan3A_71 = arith.constant 40 : i32
    %scan3A_72 = arith.addi %scan3A, %scan3A_71 : i32
    %scan3A_73 = arith.constant 1 : i32
    scf.for %scan3A_430 = %scan3A to %scan3A_72 step %scan3A_73  : i32 {
      %mul3A_431 = arith.constant 2 : i32
      %mul3A_432 = arith.muli %scan3A_430, %mul3A_431 : i32
      %add3A_433 = arith.constant 0 : i32
      %add3A_434 = arith.addi %add3A_433, %mul3A_432 : i32
      %add3A_435 = arith.constant 0 : i32
      %add3A_436 = arith.addi %add3A_434, %add3A_435 : i32
      %dma_wait3A_437 = arith.constant 0 : i32
      %dma_wait3A_438 = tpu.memref_slice %arg17[%add3A_436, %dma_wait3A_437] : memref<80x128xi32, #tpu.memory_space<vmem>> -> memref<1x128xi32, #tpu.memory_space<vmem>>
      %dma_wait3A_439 = tpu.memref_squeeze %dma_wait3A_438 : memref<1x128xi32, #tpu.memory_space<vmem>> -> memref<128xi32, #tpu.memory_space<vmem>>
      %dma_wait3A_440 = arith.constant 0 : i32
      %dma_wait3A_441 = arith.constant 0 : i32
      %dma_wait3A_442 = tpu.memref_slice %arg22[%dma_wait3A_440, %dma_wait3A_441] : memref<10112x64xf32, #tpu.memory_space<vmem_shared>> -> memref<10112x64xf32, #tpu.memory_space<vmem_shared>>
      tpu.wait_indirect_dma semaphore(%arg25 : memref<!tpu.dma_semaphore, #tpu.memory_space<semaphore_mem>>) src(%dma_wait3A_442 : memref<10112x64xf32, #tpu.memory_space<vmem_shared>>) dst(%arg19 : memref<128x64xf32, #tpu.memory_space<vmem>>)
      %dma_start3A_443 = arith.constant 0 : i32
      %dma_start3A_444 = tpu.memref_slice %arg18[%add3A_436, %dma_start3A_443] : memref<80x128xi32, #tpu.memory_space<vmem>> -> memref<1x128xi32, #tpu.memory_space<vmem>>
      %dma_start3A_445 = tpu.memref_squeeze %dma_start3A_444 : memref<1x128xi32, #tpu.memory_space<vmem>> -> memref<128xi32, #tpu.memory_space<vmem>>
      %dma_start3A_446 = arith.constant 0 : i32
      %dma_start3A_447 = arith.constant 0 : i32
      %dma_start3A_448 = tpu.memref_slice %arg23[%dma_start3A_446, %dma_start3A_447] : memref<10112x64xf32, #tpu.memory_space<vmem_shared>> -> memref<10112x64xf32, #tpu.memory_space<vmem_shared>>
      tpu.enqueue_indirect_dma source(%arg19 : memref<128x64xf32, #tpu.memory_space<vmem>>) target(%dma_start3A_448 : memref<10112x64xf32, #tpu.memory_space<vmem_shared>>) offsets(%dma_start3A_445 : memref<128xi32, #tpu.memory_space<vmem>>) semaphore(%arg27 : memref<!tpu.dma_semaphore, #tpu.memory_space<semaphore_mem>>) {add = true}
      %dma_start3A_449 = arith.constant 0 : i32
      %dma_start3A_450 = tpu.memref_slice %arg18[%add3A_436, %dma_start3A_449] : memref<80x128xi32, #tpu.memory_space<vmem>> -> memref<1x128xi32, #tpu.memory_space<vmem>>
      %dma_start3A_451 = tpu.memref_squeeze %dma_start3A_450 : memref<1x128xi32, #tpu.memory_space<vmem>> -> memref<128xi32, #tpu.memory_space<vmem>>
      %dma_start3A_452 = arith.constant 0 : i32
      %dma_start3A_453 = arith.constant 0 : i32
      %dma_start3A_454 = tpu.memref_slice %arg24[%dma_start3A_452, %dma_start3A_453] : memref<10112x16xf32, #tpu.memory_space<vmem_shared>> -> memref<10112x16xf32, #tpu.memory_space<vmem_shared>>
      tpu.enqueue_indirect_dma source(%arg21 : memref<128x16xf32, #tpu.memory_space<vmem>>) target(%dma_start3A_454 : memref<10112x16xf32, #tpu.memory_space<vmem_shared>>) offsets(%dma_start3A_451 : memref<128xi32, #tpu.memory_space<vmem>>) semaphore(%arg27 : memref<!tpu.dma_semaphore, #tpu.memory_space<semaphore_mem>>) {add = true}
      %add3A_455 = arith.constant 2 : i32
      %add3A_456 = arith.addi %add3A_436, %add3A_455 : i32
      %lt3A_457 = arith.constant 80 : i32
      %lt3A_458 = arith.cmpi slt, %add3A_456, %lt3A_457 : i32
      %convert_element_type3A_459 = arith.extui %lt3A_458 : i1 to i32
      %cond3A_460 = arith.constant 0 : i32
      %cond3A_461 = arith.cmpi ne, %convert_element_type3A_459, %cond3A_460 : i32
      scf.if %cond3A_461 {
        %dma_wait3A_489 = arith.constant 0 : i32
        %dma_wait3A_490 = tpu.memref_slice %arg18[%add3A_436, %dma_wait3A_489] : memref<80x128xi32, #tpu.memory_space<vmem>> -> memref<1x128xi32, #tpu.memory_space<vmem>>
        %dma_wait3A_491 = tpu.memref_squeeze %dma_wait3A_490 : memref<1x128xi32, #tpu.memory_space<vmem>> -> memref<128xi32, #tpu.memory_space<vmem>>
        %dma_wait3A_492 = arith.constant 0 : i32
        %dma_wait3A_493 = arith.constant 0 : i32
        %dma_wait3A_494 = tpu.memref_slice %arg23[%dma_wait3A_492, %dma_wait3A_493] : memref<10112x64xf32, #tpu.memory_space<vmem_shared>> -> memref<10112x64xf32, #tpu.memory_space<vmem_shared>>
        tpu.wait_indirect_dma semaphore(%arg27 : memref<!tpu.dma_semaphore, #tpu.memory_space<semaphore_mem>>) src(%arg19 : memref<128x64xf32, #tpu.memory_space<vmem>>) dst(%dma_wait3A_494 : memref<10112x64xf32, #tpu.memory_space<vmem_shared>>)
        %dma_wait3A_495 = arith.constant 0 : i32
        %dma_wait3A_496 = tpu.memref_slice %arg18[%add3A_436, %dma_wait3A_495] : memref<80x128xi32, #tpu.memory_space<vmem>> -> memref<1x128xi32, #tpu.memory_space<vmem>>
        %dma_wait3A_497 = tpu.memref_squeeze %dma_wait3A_496 : memref<1x128xi32, #tpu.memory_space<vmem>> -> memref<128xi32, #tpu.memory_space<vmem>>
        %dma_wait3A_498 = arith.constant 0 : i32
        %dma_wait3A_499 = arith.constant 0 : i32
        %dma_wait3A_500 = tpu.memref_slice %arg24[%dma_wait3A_498, %dma_wait3A_499] : memref<10112x16xf32, #tpu.memory_space<vmem_shared>> -> memref<10112x16xf32, #tpu.memory_space<vmem_shared>>
        tpu.wait_indirect_dma semaphore(%arg27 : memref<!tpu.dma_semaphore, #tpu.memory_space<semaphore_mem>>) src(%arg21 : memref<128x16xf32, #tpu.memory_space<vmem>>) dst(%dma_wait3A_500 : memref<10112x16xf32, #tpu.memory_space<vmem_shared>>)
        %add3A_501 = arith.constant 2 : i32
        %add3A_502 = arith.addi %add3A_436, %add3A_501 : i32
        %dma_start3A_503 = arith.constant 0 : i32
        %dma_start3A_504 = tpu.memref_slice %arg17[%add3A_502, %dma_start3A_503] : memref<80x128xi32, #tpu.memory_space<vmem>> -> memref<1x128xi32, #tpu.memory_space<vmem>>
        %dma_start3A_505 = tpu.memref_squeeze %dma_start3A_504 : memref<1x128xi32, #tpu.memory_space<vmem>> -> memref<128xi32, #tpu.memory_space<vmem>>
        %dma_start3A_506 = arith.constant 0 : i32
        %dma_start3A_507 = arith.constant 0 : i32
        %dma_start3A_508 = tpu.memref_slice %arg22[%dma_start3A_506, %dma_start3A_507] : memref<10112x64xf32, #tpu.memory_space<vmem_shared>> -> memref<10112x64xf32, #tpu.memory_space<vmem_shared>>
        tpu.enqueue_indirect_dma source(%dma_start3A_508 : memref<10112x64xf32, #tpu.memory_space<vmem_shared>>) target(%arg19 : memref<128x64xf32, #tpu.memory_space<vmem>>) offsets(%dma_start3A_505 : memref<128xi32, #tpu.memory_space<vmem>>) semaphore(%arg25 : memref<!tpu.dma_semaphore, #tpu.memory_space<semaphore_mem>>)
      } else {
      }
      %add3A_462 = arith.constant 1 : i32
      %add3A_463 = arith.addi %add3A_434, %add3A_462 : i32
      %dma_wait3A_464 = arith.constant 0 : i32
      %dma_wait3A_465 = tpu.memref_slice %arg17[%add3A_463, %dma_wait3A_464] : memref<80x128xi32, #tpu.memory_space<vmem>> -> memref<1x128xi32, #tpu.memory_space<vmem>>
      %dma_wait3A_466 = tpu.memref_squeeze %dma_wait3A_465 : memref<1x128xi32, #tpu.memory_space<vmem>> -> memref<128xi32, #tpu.memory_space<vmem>>
      %dma_wait3A_467 = arith.constant 0 : i32
      %dma_wait3A_468 = arith.constant 0 : i32
      %dma_wait3A_469 = tpu.memref_slice %arg22[%dma_wait3A_467, %dma_wait3A_468] : memref<10112x64xf32, #tpu.memory_space<vmem_shared>> -> memref<10112x64xf32, #tpu.memory_space<vmem_shared>>
      tpu.wait_indirect_dma semaphore(%arg26 : memref<!tpu.dma_semaphore, #tpu.memory_space<semaphore_mem>>) src(%dma_wait3A_469 : memref<10112x64xf32, #tpu.memory_space<vmem_shared>>) dst(%arg20 : memref<128x64xf32, #tpu.memory_space<vmem>>)
      %dma_start3A_470 = arith.constant 0 : i32
      %dma_start3A_471 = tpu.memref_slice %arg18[%add3A_463, %dma_start3A_470] : memref<80x128xi32, #tpu.memory_space<vmem>> -> memref<1x128xi32, #tpu.memory_space<vmem>>
      %dma_start3A_472 = tpu.memref_squeeze %dma_start3A_471 : memref<1x128xi32, #tpu.memory_space<vmem>> -> memref<128xi32, #tpu.memory_space<vmem>>
      %dma_start3A_473 = arith.constant 0 : i32
      %dma_start3A_474 = arith.constant 0 : i32
      %dma_start3A_475 = tpu.memref_slice %arg23[%dma_start3A_473, %dma_start3A_474] : memref<10112x64xf32, #tpu.memory_space<vmem_shared>> -> memref<10112x64xf32, #tpu.memory_space<vmem_shared>>
      tpu.enqueue_indirect_dma source(%arg20 : memref<128x64xf32, #tpu.memory_space<vmem>>) target(%dma_start3A_475 : memref<10112x64xf32, #tpu.memory_space<vmem_shared>>) offsets(%dma_start3A_472 : memref<128xi32, #tpu.memory_space<vmem>>) semaphore(%arg28 : memref<!tpu.dma_semaphore, #tpu.memory_space<semaphore_mem>>) {add = true}
      %dma_start3A_476 = arith.constant 0 : i32
      %dma_start3A_477 = tpu.memref_slice %arg18[%add3A_463, %dma_start3A_476] : memref<80x128xi32, #tpu.memory_space<vmem>> -> memref<1x128xi32, #tpu.memory_space<vmem>>
      %dma_start3A_478 = tpu.memref_squeeze %dma_start3A_477 : memref<1x128xi32, #tpu.memory_space<vmem>> -> memref<128xi32, #tpu.memory_space<vmem>>
      %dma_start3A_479 = arith.constant 0 : i32
      %dma_start3A_480 = arith.constant 0 : i32
      %dma_start3A_481 = tpu.memref_slice %arg24[%dma_start3A_479, %dma_start3A_480] : memref<10112x16xf32, #tpu.memory_space<vmem_shared>> -> memref<10112x16xf32, #tpu.memory_space<vmem_shared>>
      tpu.enqueue_indirect_dma source(%arg21 : memref<128x16xf32, #tpu.memory_space<vmem>>) target(%dma_start3A_481 : memref<10112x16xf32, #tpu.memory_space<vmem_shared>>) offsets(%dma_start3A_478 : memref<128xi32, #tpu.memory_space<vmem>>) semaphore(%arg28 : memref<!tpu.dma_semaphore, #tpu.memory_space<semaphore_mem>>) {add = true}
      %add3A_482 = arith.constant 2 : i32
      %add3A_483 = arith.addi %add3A_463, %add3A_482 : i32
      %lt3A_484 = arith.constant 80 : i32
      %lt3A_485 = arith.cmpi slt, %add3A_483, %lt3A_484 : i32
      %convert_element_type3A_486 = arith.extui %lt3A_485 : i1 to i32
      %cond3A_487 = arith.constant 0 : i32
      %cond3A_488 = arith.cmpi ne, %convert_element_type3A_486, %cond3A_487 : i32
      scf.if %cond3A_488 {
        %dma_wait3A_489 = arith.constant 0 : i32
        %dma_wait3A_490 = tpu.memref_slice %arg18[%add3A_463, %dma_wait3A_489] : memref<80x128xi32, #tpu.memory_space<vmem>> -> memref<1x128xi32, #tpu.memory_space<vmem>>
        %dma_wait3A_491 = tpu.memref_squeeze %dma_wait3A_490 : memref<1x128xi32, #tpu.memory_space<vmem>> -> memref<128xi32, #tpu.memory_space<vmem>>
        %dma_wait3A_492 = arith.constant 0 : i32
        %dma_wait3A_493 = arith.constant 0 : i32
        %dma_wait3A_494 = tpu.memref_slice %arg23[%dma_wait3A_492, %dma_wait3A_493] : memref<10112x64xf32, #tpu.memory_space<vmem_shared>> -> memref<10112x64xf32, #tpu.memory_space<vmem_shared>>
        tpu.wait_indirect_dma semaphore(%arg28 : memref<!tpu.dma_semaphore, #tpu.memory_space<semaphore_mem>>) src(%arg20 : memref<128x64xf32, #tpu.memory_space<vmem>>) dst(%dma_wait3A_494 : memref<10112x64xf32, #tpu.memory_space<vmem_shared>>)
        %dma_wait3A_495 = arith.constant 0 : i32
        %dma_wait3A_496 = tpu.memref_slice %arg18[%add3A_463, %dma_wait3A_495] : memref<80x128xi32, #tpu.memory_space<vmem>> -> memref<1x128xi32, #tpu.memory_space<vmem>>
        %dma_wait3A_497 = tpu.memref_squeeze %dma_wait3A_496 : memref<1x128xi32, #tpu.memory_space<vmem>> -> memref<128xi32, #tpu.memory_space<vmem>>
        %dma_wait3A_498 = arith.constant 0 : i32
        %dma_wait3A_499 = arith.constant 0 : i32
        %dma_wait3A_500 = tpu.memref_slice %arg24[%dma_wait3A_498, %dma_wait3A_499] : memref<10112x16xf32, #tpu.memory_space<vmem_shared>> -> memref<10112x16xf32, #tpu.memory_space<vmem_shared>>
        tpu.wait_indirect_dma semaphore(%arg28 : memref<!tpu.dma_semaphore, #tpu.memory_space<semaphore_mem>>) src(%arg21 : memref<128x16xf32, #tpu.memory_space<vmem>>) dst(%dma_wait3A_500 : memref<10112x16xf32, #tpu.memory_space<vmem_shared>>)
        %add3A_501 = arith.constant 2 : i32
        %add3A_502 = arith.addi %add3A_463, %add3A_501 : i32
        %dma_start3A_503 = arith.constant 0 : i32
        %dma_start3A_504 = tpu.memref_slice %arg17[%add3A_502, %dma_start3A_503] : memref<80x128xi32, #tpu.memory_space<vmem>> -> memref<1x128xi32, #tpu.memory_space<vmem>>
        %dma_start3A_505 = tpu.memref_squeeze %dma_start3A_504 : memref<1x128xi32, #tpu.memory_space<vmem>> -> memref<128xi32, #tpu.memory_space<vmem>>
        %dma_start3A_506 = arith.constant 0 : i32
        %dma_start3A_507 = arith.constant 0 : i32
        %dma_start3A_508 = tpu.memref_slice %arg22[%dma_start3A_506, %dma_start3A_507] : memref<10112x64xf32, #tpu.memory_space<vmem_shared>> -> memref<10112x64xf32, #tpu.memory_space<vmem_shared>>
        tpu.enqueue_indirect_dma source(%dma_start3A_508 : memref<10112x64xf32, #tpu.memory_space<vmem_shared>>) target(%arg20 : memref<128x64xf32, #tpu.memory_space<vmem>>) offsets(%dma_start3A_505 : memref<128xi32, #tpu.memory_space<vmem>>) semaphore(%arg26 : memref<!tpu.dma_semaphore, #tpu.memory_space<semaphore_mem>>)
      } else {
      }
    }
    %scan3A_74 = arith.constant 40 : i32
    %dma_wait3A_75 = arith.constant 78 : i32
    %dma_wait3A_76 = arith.constant 0 : i32
    %dma_wait3A_77 = tpu.memref_slice %arg18[%dma_wait3A_75, %dma_wait3A_76] : memref<80x128xi32, #tpu.memory_space<vmem>> -> memref<1x128xi32, #tpu.memory_space<vmem>>
    %dma_wait3A_78 = tpu.memref_squeeze %dma_wait3A_77 : memref<1x128xi32, #tpu.memory_space<vmem>> -> memref<128xi32, #tpu.memory_space<vmem>>
    %dma_wait3A_79 = arith.constant 0 : i32
    %dma_wait3A_80 = arith.constant 0 : i32
    %dma_wait3A_81 = tpu.memref_slice %arg23[%dma_wait3A_79, %dma_wait3A_80] : memref<10112x64xf32, #tpu.memory_space<vmem_shared>> -> memref<10112x64xf32, #tpu.memory_space<vmem_shared>>
    tpu.wait_indirect_dma semaphore(%arg27 : memref<!tpu.dma_semaphore, #tpu.memory_space<semaphore_mem>>) src(%arg19 : memref<128x64xf32, #tpu.memory_space<vmem>>) dst(%dma_wait3A_81 : memref<10112x64xf32, #tpu.memory_space<vmem_shared>>)
    %dma_wait3A_82 = arith.constant 78 : i32
    %dma_wait3A_83 = arith.constant 0 : i32
    %dma_wait3A_84 = tpu.memref_slice %arg18[%dma_wait3A_82, %dma_wait3A_83] : memref<80x128xi32, #tpu.memory_space<vmem>> -> memref<1x128xi32, #tpu.memory_space<vmem>>
    %dma_wait3A_85 = tpu.memref_squeeze %dma_wait3A_84 : memref<1x128xi32, #tpu.memory_space<vmem>> -> memref<128xi32, #tpu.memory_space<vmem>>
    %dma_wait3A_86 = arith.constant 0 : i32
    %dma_wait3A_87 = arith.constant 0 : i32
    %dma_wait3A_88 = tpu.memref_slice %arg24[%dma_wait3A_86, %dma_wait3A_87] : memref<10112x16xf32, #tpu.memory_space<vmem_shared>> -> memref<10112x16xf32, #tpu.memory_space<vmem_shared>>
    tpu.wait_indirect_dma semaphore(%arg27 : memref<!tpu.dma_semaphore, #tpu.memory_space<semaphore_mem>>) src(%arg21 : memref<128x16xf32, #tpu.memory_space<vmem>>) dst(%dma_wait3A_88 : memref<10112x16xf32, #tpu.memory_space<vmem_shared>>)
    %dma_wait3A_89 = arith.constant 79 : i32
    %dma_wait3A_90 = arith.constant 0 : i32
    %dma_wait3A_91 = tpu.memref_slice %arg18[%dma_wait3A_89, %dma_wait3A_90] : memref<80x128xi32, #tpu.memory_space<vmem>> -> memref<1x128xi32, #tpu.memory_space<vmem>>
    %dma_wait3A_92 = tpu.memref_squeeze %dma_wait3A_91 : memref<1x128xi32, #tpu.memory_space<vmem>> -> memref<128xi32, #tpu.memory_space<vmem>>
    %dma_wait3A_93 = arith.constant 0 : i32
    %dma_wait3A_94 = arith.constant 0 : i32
    %dma_wait3A_95 = tpu.memref_slice %arg23[%dma_wait3A_93, %dma_wait3A_94] : memref<10112x64xf32, #tpu.memory_space<vmem_shared>> -> memref<10112x64xf32, #tpu.memory_space<vmem_shared>>
    tpu.wait_indirect_dma semaphore(%arg28 : memref<!tpu.dma_semaphore, #tpu.memory_space<semaphore_mem>>) src(%arg20 : memref<128x64xf32, #tpu.memory_space<vmem>>) dst(%dma_wait3A_95 : memref<10112x64xf32, #tpu.memory_space<vmem_shared>>)
    %dma_wait3A_96 = arith.constant 79 : i32
    %dma_wait3A_97 = arith.constant 0 : i32
    %dma_wait3A_98 = tpu.memref_slice %arg18[%dma_wait3A_96, %dma_wait3A_97] : memref<80x128xi32, #tpu.memory_space<vmem>> -> memref<1x128xi32, #tpu.memory_space<vmem>>
    %dma_wait3A_99 = tpu.memref_squeeze %dma_wait3A_98 : memref<1x128xi32, #tpu.memory_space<vmem>> -> memref<128xi32, #tpu.memory_space<vmem>>
    %dma_wait3A_100 = arith.constant 0 : i32
    %dma_wait3A_101 = arith.constant 0 : i32
    %dma_wait3A_102 = tpu.memref_slice %arg24[%dma_wait3A_100, %dma_wait3A_101] : memref<10112x16xf32, #tpu.memory_space<vmem_shared>> -> memref<10112x16xf32, #tpu.memory_space<vmem_shared>>
    tpu.wait_indirect_dma semaphore(%arg28 : memref<!tpu.dma_semaphore, #tpu.memory_space<semaphore_mem>>) src(%arg21 : memref<128x16xf32, #tpu.memory_space<vmem>>) dst(%dma_wait3A_102 : memref<10112x16xf32, #tpu.memory_space<vmem_shared>>)
    %barrier3A_103 = arith.constant 0 : index
    tpu.barrier barrier_id(%barrier3A_103)
    %dma_start3A_104 = arith.constant 0 : i32
    %dma_start3A_105 = arith.constant 0 : i32
    %dma_start3A_106 = tpu.memref_slice %arg8[%arg1, %dma_start3A_104, %dma_start3A_105] : memref<16x80x128xi32, #tpu.memory_space<hbm>> -> memref<1x80x128xi32, #tpu.memory_space<hbm>>
    %dma_start3A_107 = tpu.memref_squeeze %dma_start3A_106 : memref<1x80x128xi32, #tpu.memory_space<hbm>> -> memref<80x128xi32, #tpu.memory_space<hbm>>
    %dma_start3A_108 = arith.constant 0 : i32
    %dma_start3A_109 = arith.constant 0 : i32
    %dma_start3A_110 = tpu.memref_slice %arg8[%arg1, %dma_start3A_108, %dma_start3A_109] : memref<16x80x128xi32, #tpu.memory_space<hbm>> -> memref<1x80x128xi32, #tpu.memory_space<hbm>>
    %dma_start3A_111 = tpu.memref_squeeze %dma_start3A_110 : memref<1x80x128xi32, #tpu.memory_space<hbm>> -> memref<80x128xi32, #tpu.memory_space<hbm>>
    tpu.enqueue_dma source(%dma_start3A_111 : memref<80x128xi32, #tpu.memory_space<hbm>>) target(%arg17 : memref<80x128xi32, #tpu.memory_space<vmem>>) target_semaphore(%arg26 : memref<!tpu.dma_semaphore, #tpu.memory_space<semaphore_mem>>)
    %dma_start3A_112 = arith.constant 0 : i32
    %dma_start3A_113 = arith.constant 0 : i32
    %dma_start3A_114 = tpu.memref_slice %arg9[%arg1, %dma_start3A_112, %dma_start3A_113] : memref<16x80x128xi32, #tpu.memory_space<hbm>> -> memref<1x80x128xi32, #tpu.memory_space<hbm>>
    %dma_start3A_115 = tpu.memref_squeeze %dma_start3A_114 : memref<1x80x128xi32, #tpu.memory_space<hbm>> -> memref<80x128xi32, #tpu.memory_space<hbm>>
    %dma_start3A_116 = arith.constant 0 : i32
    %dma_start3A_117 = arith.constant 0 : i32
    %dma_start3A_118 = tpu.memref_slice %arg9[%arg1, %dma_start3A_116, %dma_start3A_117] : memref<16x80x128xi32, #tpu.memory_space<hbm>> -> memref<1x80x128xi32, #tpu.memory_space<hbm>>
    %dma_start3A_119 = tpu.memref_squeeze %dma_start3A_118 : memref<1x80x128xi32, #tpu.memory_space<hbm>> -> memref<80x128xi32, #tpu.memory_space<hbm>>
    tpu.enqueue_dma source(%dma_start3A_119 : memref<80x128xi32, #tpu.memory_space<hbm>>) target(%arg18 : memref<80x128xi32, #tpu.memory_space<vmem>>) target_semaphore(%arg27 : memref<!tpu.dma_semaphore, #tpu.memory_space<semaphore_mem>>)
    %add3A = arith.constant 0 : i32
    %add3A_120 = arith.addi %mul3A_0, %add3A : i32
    "tpu.region"() ({
      %run_scoped3A = tpu.sem_alloc : memref<!tpu.dma_semaphore, #tpu.memory_space<semaphore_mem>>
      %dma_start3A_430 = arith.constant 0 : i32
      %dma_start3A_431 = arith.constant 0 : i32
      %dma_start3A_432 = tpu.memref_slice %arg19[%dma_start3A_430, %dma_start3A_431] : memref<128x64xf32, #tpu.memory_space<vmem>> -> memref<128x64xf32, #tpu.memory_space<vmem>>
      %dma_start3A_433 = arith.constant 0 : i32
      %dma_start3A_434 = tpu.memref_slice %arg23[%add3A_120, %dma_start3A_433] : memref<10112x64xf32, #tpu.memory_space<vmem_shared>> -> memref<128x64xf32, #tpu.memory_space<vmem_shared>>
      %dma_start3A_435 = arith.constant 0 : i32
      %dma_start3A_436 = arith.constant 0 : i32
      %dma_start3A_437 = tpu.memref_slice %arg19[%dma_start3A_435, %dma_start3A_436] : memref<128x64xf32, #tpu.memory_space<vmem>> -> memref<128x64xf32, #tpu.memory_space<vmem>>
      %dma_start3A_438 = arith.constant 0 : i32
      %dma_start3A_439 = tpu.memref_slice %arg23[%add3A_120, %dma_start3A_438] : memref<10112x64xf32, #tpu.memory_space<vmem_shared>> -> memref<128x64xf32, #tpu.memory_space<vmem_shared>>
      tpu.enqueue_dma source(%dma_start3A_439 : memref<128x64xf32, #tpu.memory_space<vmem_shared>>) target(%dma_start3A_437 : memref<128x64xf32, #tpu.memory_space<vmem>>) target_semaphore(%run_scoped3A : memref<!tpu.dma_semaphore, #tpu.memory_space<semaphore_mem>>)
      %dma_wait3A_440 = arith.constant 0 : i32
      %dma_wait3A_441 = arith.constant 0 : i32
      %dma_wait3A_442 = tpu.memref_slice %arg19[%dma_wait3A_440, %dma_wait3A_441] : memref<128x64xf32, #tpu.memory_space<vmem>> -> memref<128x64xf32, #tpu.memory_space<vmem>>
      %dma_wait3A_443 = arith.constant 0 : i32
      %dma_wait3A_444 = tpu.memref_slice %arg23[%add3A_120, %dma_wait3A_443] : memref<10112x64xf32, #tpu.memory_space<vmem_shared>> -> memref<128x64xf32, #tpu.memory_space<vmem_shared>>
      %dma_wait3A_445 = arith.constant 0 : i32
      %dma_wait3A_446 = arith.constant 0 : i32
      %dma_wait3A_447 = tpu.memref_slice %arg19[%dma_wait3A_445, %dma_wait3A_446] : memref<128x64xf32, #tpu.memory_space<vmem>> -> memref<128x64xf32, #tpu.memory_space<vmem>>
      %dma_wait3A_448 = arith.constant 0 : i32
      %dma_wait3A_449 = tpu.memref_slice %arg23[%add3A_120, %dma_wait3A_448] : memref<10112x64xf32, #tpu.memory_space<vmem_shared>> -> memref<128x64xf32, #tpu.memory_space<vmem_shared>>
      tpu.wait_dma2 semaphore(%run_scoped3A : memref<!tpu.dma_semaphore, #tpu.memory_space<semaphore_mem>>) src(%dma_wait3A_449 : memref<128x64xf32, #tpu.memory_space<vmem_shared>>) dst(%dma_wait3A_447 : memref<128x64xf32, #tpu.memory_space<vmem>>)
      tpu.yield
    }) : () -> ()
    "tpu.region"() ({
      %run_scoped3A = tpu.sem_alloc : memref<!tpu.dma_semaphore, #tpu.memory_space<semaphore_mem>>
      %dma_start3A_430 = arith.constant 0 : i32
      %dma_start3A_431 = arith.constant 0 : i32
      %dma_start3A_432 = tpu.memref_slice %arg21[%dma_start3A_430, %dma_start3A_431] : memref<128x16xf32, #tpu.memory_space<vmem>> -> memref<128x16xf32, #tpu.memory_space<vmem>>
      %dma_start3A_433 = arith.constant 0 : i32
      %dma_start3A_434 = tpu.memref_slice %arg24[%add3A_120, %dma_start3A_433] : memref<10112x16xf32, #tpu.memory_space<vmem_shared>> -> memref<128x16xf32, #tpu.memory_space<vmem_shared>>
      %dma_start3A_435 = arith.constant 0 : i32
      %dma_start3A_436 = arith.constant 0 : i32
      %dma_start3A_437 = tpu.memref_slice %arg21[%dma_start3A_435, %dma_start3A_436] : memref<128x16xf32, #tpu.memory_space<vmem>> -> memref<128x16xf32, #tpu.memory_space<vmem>>
      %dma_start3A_438 = arith.constant 0 : i32
      %dma_start3A_439 = tpu.memref_slice %arg24[%add3A_120, %dma_start3A_438] : memref<10112x16xf32, #tpu.memory_space<vmem_shared>> -> memref<128x16xf32, #tpu.memory_space<vmem_shared>>
      tpu.enqueue_dma source(%dma_start3A_439 : memref<128x16xf32, #tpu.memory_space<vmem_shared>>) target(%dma_start3A_437 : memref<128x16xf32, #tpu.memory_space<vmem>>) target_semaphore(%run_scoped3A : memref<!tpu.dma_semaphore, #tpu.memory_space<semaphore_mem>>)
      %dma_wait3A_440 = arith.constant 0 : i32
      %dma_wait3A_441 = arith.constant 0 : i32
      %dma_wait3A_442 = tpu.memref_slice %arg21[%dma_wait3A_440, %dma_wait3A_441] : memref<128x16xf32, #tpu.memory_space<vmem>> -> memref<128x16xf32, #tpu.memory_space<vmem>>
      %dma_wait3A_443 = arith.constant 0 : i32
      %dma_wait3A_444 = tpu.memref_slice %arg24[%add3A_120, %dma_wait3A_443] : memref<10112x16xf32, #tpu.memory_space<vmem_shared>> -> memref<128x16xf32, #tpu.memory_space<vmem_shared>>
      %dma_wait3A_445 = arith.constant 0 : i32
      %dma_wait3A_446 = arith.constant 0 : i32
      %dma_wait3A_447 = tpu.memref_slice %arg21[%dma_wait3A_445, %dma_wait3A_446] : memref<128x16xf32, #tpu.memory_space<vmem>> -> memref<128x16xf32, #tpu.memory_space<vmem>>
      %dma_wait3A_448 = arith.constant 0 : i32
      %dma_wait3A_449 = tpu.memref_slice %arg24[%add3A_120, %dma_wait3A_448] : memref<10112x16xf32, #tpu.memory_space<vmem_shared>> -> memref<128x16xf32, #tpu.memory_space<vmem_shared>>
      tpu.wait_dma2 semaphore(%run_scoped3A : memref<!tpu.dma_semaphore, #tpu.memory_space<semaphore_mem>>) src(%dma_wait3A_449 : memref<128x16xf32, #tpu.memory_space<vmem_shared>>) dst(%dma_wait3A_447 : memref<128x16xf32, #tpu.memory_space<vmem>>)
      tpu.yield
    }) : () -> ()
    %scan3A_121 = arith.constant 0 : i32
    %scan3A_122 = arith.constant 128 : i32
    %scan3A_123 = arith.addi %scan3A_121, %scan3A_122 : i32
    %scan3A_124 = arith.constant 1 : i32
    scf.for %scan3A_430 = %scan3A_121 to %scan3A_123 step %scan3A_124  : i32 {
      %mul3A_431 = arith.constant 1 : i32
      %mul3A_432 = arith.muli %scan3A_430, %mul3A_431 : i32
      %add3A_433 = arith.constant 0 : i32
      %add3A_434 = arith.addi %add3A_433, %mul3A_432 : i32
      %get3A = arith.index_cast %add3A_434 : i32 to index
      %get3A_435 = arith.constant 0 : index
      %get3A_436 = tpu.vector_load %arg21[%get3A, %get3A_435] {strides = array<i32>} : memref<128x16xf32, #tpu.memory_space<vmem>>, vector<1x16xf32>,
      %get3A_437 = vector.shape_cast %get3A_436 : vector<1x16xf32> to vector<16xf32>
      %max3A = arith.constant 1.000000e+00 : f32
      %max3A_438 = vector.broadcast %max3A : f32 to vector<16xf32>
      %max3A_439 = arith.maximumf %get3A_437, %max3A_438 : vector<16xf32>
      %div3A = arith.constant 1.000000e+00 : f32
      %div3A_440 = vector.broadcast %div3A : f32 to vector<16xf32>
      %div3A_441 = arith.divf %div3A_440, %max3A_439 : vector<16xf32>
      %get3A_442 = arith.index_cast %add3A_434 : i32 to index
      %get3A_443 = arith.constant 0 : index
      %get3A_444 = tpu.vector_load %arg19[%get3A_442, %get3A_443] {strides = array<i32>} : memref<128x64xf32, #tpu.memory_space<vmem>>, vector<1x16xf32>,
      %get3A_445 = vector.shape_cast %get3A_444 : vector<1x16xf32> to vector<16xf32>
      %mul3A_446 = arith.mulf %get3A_445, %div3A_441 : vector<16xf32>
      %swap3A = arith.index_cast %add3A_434 : i32 to index
      %swap3A_447 = arith.constant 0 : index
      %swap3A_448 = tpu.vector_load %arg19[%swap3A, %swap3A_447] {strides = array<i32>} : memref<128x64xf32, #tpu.memory_space<vmem>>, vector<1x16xf32>,
      %swap3A_449 = vector.shape_cast %swap3A_448 : vector<1x16xf32> to vector<16xf32>
      %swap3A_450 = vector.shape_cast %mul3A_446 : vector<16xf32> to vector<1x16xf32>
      tpu.vector_store %arg19[%swap3A, %swap3A_447], %swap3A_450 {strides = array<i32>} : memref<128x64xf32, #tpu.memory_space<vmem>>, vector<1x16xf32>,
      %get3A_451 = arith.index_cast %add3A_434 : i32 to index
      %get3A_452 = arith.constant 16 : index
      %get3A_453 = tpu.vector_load %arg19[%get3A_451, %get3A_452] {strides = array<i32>} : memref<128x64xf32, #tpu.memory_space<vmem>>, vector<1x16xf32>,
      %get3A_454 = vector.shape_cast %get3A_453 : vector<1x16xf32> to vector<16xf32>
      %mul3A_455 = arith.mulf %get3A_454, %div3A_441 : vector<16xf32>
      %swap3A_456 = arith.index_cast %add3A_434 : i32 to index
      %swap3A_457 = arith.constant 16 : index
      %swap3A_458 = tpu.vector_load %arg19[%swap3A_456, %swap3A_457] {strides = array<i32>} : memref<128x64xf32, #tpu.memory_space<vmem>>, vector<1x16xf32>,
      %swap3A_459 = vector.shape_cast %swap3A_458 : vector<1x16xf32> to vector<16xf32>
      %swap3A_460 = vector.shape_cast %mul3A_455 : vector<16xf32> to vector<1x16xf32>
      tpu.vector_store %arg19[%swap3A_456, %swap3A_457], %swap3A_460 {strides = array<i32>} : memref<128x64xf32, #tpu.memory_space<vmem>>, vector<1x16xf32>,
      %get3A_461 = arith.index_cast %add3A_434 : i32 to index
      %get3A_462 = arith.constant 32 : index
      %get3A_463 = tpu.vector_load %arg19[%get3A_461, %get3A_462] {strides = array<i32>} : memref<128x64xf32, #tpu.memory_space<vmem>>, vector<1x16xf32>,
      %get3A_464 = vector.shape_cast %get3A_463 : vector<1x16xf32> to vector<16xf32>
      %mul3A_465 = arith.mulf %get3A_464, %div3A_441 : vector<16xf32>
      %swap3A_466 = arith.index_cast %add3A_434 : i32 to index
      %swap3A_467 = arith.constant 32 : index
      %swap3A_468 = tpu.vector_load %arg19[%swap3A_466, %swap3A_467] {strides = array<i32>} : memref<128x64xf32, #tpu.memory_space<vmem>>, vector<1x16xf32>,
      %swap3A_469 = vector.shape_cast %swap3A_468 : vector<1x16xf32> to vector<16xf32>
      %swap3A_470 = vector.shape_cast %mul3A_465 : vector<16xf32> to vector<1x16xf32>
      tpu.vector_store %arg19[%swap3A_466, %swap3A_467], %swap3A_470 {strides = array<i32>} : memref<128x64xf32, #tpu.memory_space<vmem>>, vector<1x16xf32>,
      %get3A_471 = arith.index_cast %add3A_434 : i32 to index
      %get3A_472 = arith.constant 48 : index
      %get3A_473 = tpu.vector_load %arg19[%get3A_471, %get3A_472] {strides = array<i32>} : memref<128x64xf32, #tpu.memory_space<vmem>>, vector<1x16xf32>,
      %get3A_474 = vector.shape_cast %get3A_473 : vector<1x16xf32> to vector<16xf32>
      %mul3A_475 = arith.mulf %get3A_474, %div3A_441 : vector<16xf32>
      %swap3A_476 = arith.index_cast %add3A_434 : i32 to index
      %swap3A_477 = arith.constant 48 : index
      %swap3A_478 = tpu.vector_load %arg19[%swap3A_476, %swap3A_477] {strides = array<i32>} : memref<128x64xf32, #tpu.memory_space<vmem>>, vector<1x16xf32>,
      %swap3A_479 = vector.shape_cast %swap3A_478 : vector<1x16xf32> to vector<16xf32>
      %swap3A_480 = vector.shape_cast %mul3A_475 : vector<16xf32> to vector<1x16xf32>
      tpu.vector_store %arg19[%swap3A_476, %swap3A_477], %swap3A_480 {strides = array<i32>} : memref<128x64xf32, #tpu.memory_space<vmem>>, vector<1x16xf32>,
    }
    %scan3A_125 = arith.constant 128 : i32
    "tpu.region"() ({
      %run_scoped3A = tpu.sem_alloc : memref<!tpu.dma_semaphore, #tpu.memory_space<semaphore_mem>>
      %dma_start3A_430 = arith.constant 0 : i32
      %dma_start3A_431 = arith.constant 0 : i32
      %dma_start3A_432 = tpu.memref_slice %arg19[%dma_start3A_430, %dma_start3A_431] : memref<128x64xf32, #tpu.memory_space<vmem>> -> memref<128x64xf32, #tpu.memory_space<vmem>>
      %dma_start3A_433 = arith.constant 0 : i32
      %dma_start3A_434 = tpu.memref_slice %arg22[%add3A_120, %dma_start3A_433] : memref<10112x64xf32, #tpu.memory_space<vmem_shared>> -> memref<128x64xf32, #tpu.memory_space<vmem_shared>>
      %dma_start3A_435 = arith.constant 0 : i32
      %dma_start3A_436 = tpu.memref_slice %arg22[%add3A_120, %dma_start3A_435] : memref<10112x64xf32, #tpu.memory_space<vmem_shared>> -> memref<128x64xf32, #tpu.memory_space<vmem_shared>>
      %dma_start3A_437 = arith.constant 0 : i32
      %dma_start3A_438 = arith.constant 0 : i32
      %dma_start3A_439 = tpu.memref_slice %arg19[%dma_start3A_437, %dma_start3A_438] : memref<128x64xf32, #tpu.memory_space<vmem>> -> memref<128x64xf32, #tpu.memory_space<vmem>>
      tpu.enqueue_dma source(%dma_start3A_439 : memref<128x64xf32, #tpu.memory_space<vmem>>) target(%dma_start3A_436 : memref<128x64xf32, #tpu.memory_space<vmem_shared>>) target_semaphore(%run_scoped3A : memref<!tpu.dma_semaphore, #tpu.memory_space<semaphore_mem>>)
      %dma_wait3A_440 = arith.constant 0 : i32
      %dma_wait3A_441 = arith.constant 0 : i32
      %dma_wait3A_442 = tpu.memref_slice %arg19[%dma_wait3A_440, %dma_wait3A_441] : memref<128x64xf32, #tpu.memory_space<vmem>> -> memref<128x64xf32, #tpu.memory_space<vmem>>
      %dma_wait3A_443 = arith.constant 0 : i32
      %dma_wait3A_444 = tpu.memref_slice %arg22[%add3A_120, %dma_wait3A_443] : memref<10112x64xf32, #tpu.memory_space<vmem_shared>> -> memref<128x64xf32, #tpu.memory_space<vmem_shared>>
      %dma_wait3A_445 = arith.constant 0 : i32
      %dma_wait3A_446 = tpu.memref_slice %arg22[%add3A_120, %dma_wait3A_445] : memref<10112x64xf32, #tpu.memory_space<vmem_shared>> -> memref<128x64xf32, #tpu.memory_space<vmem_shared>>
      %dma_wait3A_447 = arith.constant 0 : i32
      %dma_wait3A_448 = arith.constant 0 : i32
      %dma_wait3A_449 = tpu.memref_slice %arg19[%dma_wait3A_447, %dma_wait3A_448] : memref<128x64xf32, #tpu.memory_space<vmem>> -> memref<128x64xf32, #tpu.memory_space<vmem>>
      tpu.wait_dma2 semaphore(%run_scoped3A : memref<!tpu.dma_semaphore, #tpu.memory_space<semaphore_mem>>) src(%dma_wait3A_449 : memref<128x64xf32, #tpu.memory_space<vmem>>) dst(%dma_wait3A_446 : memref<128x64xf32, #tpu.memory_space<vmem_shared>>)
      tpu.yield
    }) : () -> ()
    %add3A_126 = arith.constant 128 : i32
    %add3A_127 = arith.addi %mul3A_0, %add3A_126 : i32
    "tpu.region"() ({
      %run_scoped3A = tpu.sem_alloc : memref<!tpu.dma_semaphore, #tpu.memory_space<semaphore_mem>>
      %dma_start3A_430 = arith.constant 0 : i32
      %dma_start3A_431 = arith.constant 0 : i32
      %dma_start3A_432 = tpu.memref_slice %arg19[%dma_start3A_430, %dma_start3A_431] : memref<128x64xf32, #tpu.memory_space<vmem>> -> memref<128x64xf32, #tpu.memory_space<vmem>>
      %dma_start3A_433 = arith.constant 0 : i32
      %dma_start3A_434 = tpu.memref_slice %arg23[%add3A_127, %dma_start3A_433] : memref<10112x64xf32, #tpu.memory_space<vmem_shared>> -> memref<128x64xf32, #tpu.memory_space<vmem_shared>>
      %dma_start3A_435 = arith.constant 0 : i32
      %dma_start3A_436 = arith.constant 0 : i32
      %dma_start3A_437 = tpu.memref_slice %arg19[%dma_start3A_435, %dma_start3A_436] : memref<128x64xf32, #tpu.memory_space<vmem>> -> memref<128x64xf32, #tpu.memory_space<vmem>>
      %dma_start3A_438 = arith.constant 0 : i32
      %dma_start3A_439 = tpu.memref_slice %arg23[%add3A_127, %dma_start3A_438] : memref<10112x64xf32, #tpu.memory_space<vmem_shared>> -> memref<128x64xf32, #tpu.memory_space<vmem_shared>>
      tpu.enqueue_dma source(%dma_start3A_439 : memref<128x64xf32, #tpu.memory_space<vmem_shared>>) target(%dma_start3A_437 : memref<128x64xf32, #tpu.memory_space<vmem>>) target_semaphore(%run_scoped3A : memref<!tpu.dma_semaphore, #tpu.memory_space<semaphore_mem>>)
      %dma_wait3A_440 = arith.constant 0 : i32
      %dma_wait3A_441 = arith.constant 0 : i32
      %dma_wait3A_442 = tpu.memref_slice %arg19[%dma_wait3A_440, %dma_wait3A_441] : memref<128x64xf32, #tpu.memory_space<vmem>> -> memref<128x64xf32, #tpu.memory_space<vmem>>
      %dma_wait3A_443 = arith.constant 0 : i32
      %dma_wait3A_444 = tpu.memref_slice %arg23[%add3A_127, %dma_wait3A_443] : memref<10112x64xf32, #tpu.memory_space<vmem_shared>> -> memref<128x64xf32, #tpu.memory_space<vmem_shared>>
      %dma_wait3A_445 = arith.constant 0 : i32
      %dma_wait3A_446 = arith.constant 0 : i32
      %dma_wait3A_447 = tpu.memref_slice %arg19[%dma_wait3A_445, %dma_wait3A_446] : memref<128x64xf32, #tpu.memory_space<vmem>> -> memref<128x64xf32, #tpu.memory_space<vmem>>
      %dma_wait3A_448 = arith.constant 0 : i32
      %dma_wait3A_449 = tpu.memref_slice %arg23[%add3A_127, %dma_wait3A_448] : memref<10112x64xf32, #tpu.memory_space<vmem_shared>> -> memref<128x64xf32, #tpu.memory_space<vmem_shared>>
      tpu.wait_dma2 semaphore(%run_scoped3A : memref<!tpu.dma_semaphore, #tpu.memory_space<semaphore_mem>>) src(%dma_wait3A_449 : memref<128x64xf32, #tpu.memory_space<vmem_shared>>) dst(%dma_wait3A_447 : memref<128x64xf32, #tpu.memory_space<vmem>>)
      tpu.yield
    }) : () -> ()
    "tpu.region"() ({
      %run_scoped3A = tpu.sem_alloc : memref<!tpu.dma_semaphore, #tpu.memory_space<semaphore_mem>>
      %dma_start3A_430 = arith.constant 0 : i32
      %dma_start3A_431 = arith.constant 0 : i32
      %dma_start3A_432 = tpu.memref_slice %arg21[%dma_start3A_430, %dma_start3A_431] : memref<128x16xf32, #tpu.memory_space<vmem>> -> memref<128x16xf32, #tpu.memory_space<vmem>>
      %dma_start3A_433 = arith.constant 0 : i32
      %dma_start3A_434 = tpu.memref_slice %arg24[%add3A_127, %dma_start3A_433] : memref<10112x16xf32, #tpu.memory_space<vmem_shared>> -> memref<128x16xf32, #tpu.memory_space<vmem_shared>>
      %dma_start3A_435 = arith.constant 0 : i32
      %dma_start3A_436 = arith.constant 0 : i32
      %dma_start3A_437 = tpu.memref_slice %arg21[%dma_start3A_435, %dma_start3A_436] : memref<128x16xf32, #tpu.memory_space<vmem>> -> memref<128x16xf32, #tpu.memory_space<vmem>>
      %dma_start3A_438 = arith.constant 0 : i32
      %dma_start3A_439 = tpu.memref_slice %arg24[%add3A_127, %dma_start3A_438] : memref<10112x16xf32, #tpu.memory_space<vmem_shared>> -> memref<128x16xf32, #tpu.memory_space<vmem_shared>>
      tpu.enqueue_dma source(%dma_start3A_439 : memref<128x16xf32, #tpu.memory_space<vmem_shared>>) target(%dma_start3A_437 : memref<128x16xf32, #tpu.memory_space<vmem>>) target_semaphore(%run_scoped3A : memref<!tpu.dma_semaphore, #tpu.memory_space<semaphore_mem>>)
      %dma_wait3A_440 = arith.constant 0 : i32
      %dma_wait3A_441 = arith.constant 0 : i32
      %dma_wait3A_442 = tpu.memref_slice %arg21[%dma_wait3A_440, %dma_wait3A_441] : memref<128x16xf32, #tpu.memory_space<vmem>> -> memref<128x16xf32, #tpu.memory_space<vmem>>
      %dma_wait3A_443 = arith.constant 0 : i32
      %dma_wait3A_444 = tpu.memref_slice %arg24[%add3A_127, %dma_wait3A_443] : memref<10112x16xf32, #tpu.memory_space<vmem_shared>> -> memref<128x16xf32, #tpu.memory_space<vmem_shared>>
      %dma_wait3A_445 = arith.constant 0 : i32
      %dma_wait3A_446 = arith.constant 0 : i32
      %dma_wait3A_447 = tpu.memref_slice %arg21[%dma_wait3A_445, %dma_wait3A_446] : memref<128x16xf32, #tpu.memory_space<vmem>> -> memref<128x16xf32, #tpu.memory_space<vmem>>
      %dma_wait3A_448 = arith.constant 0 : i32
      %dma_wait3A_449 = tpu.memref_slice %arg24[%add3A_127, %dma_wait3A_448] : memref<10112x16xf32, #tpu.memory_space<vmem_shared>> -> memref<128x16xf32, #tpu.memory_space<vmem_shared>>
      tpu.wait_dma2 semaphore(%run_scoped3A : memref<!tpu.dma_semaphore, #tpu.memory_space<semaphore_mem>>) src(%dma_wait3A_449 : memref<128x16xf32, #tpu.memory_space<vmem_shared>>) dst(%dma_wait3A_447 : memref<128x16xf32, #tpu.memory_space<vmem>>)
      tpu.yield
    }) : () -> ()
    %scan3A_128 = arith.constant 0 : i32
    %scan3A_129 = arith.constant 128 : i32
    %scan3A_130 = arith.addi %scan3A_128, %scan3A_129 : i32
    %scan3A_131 = arith.constant 1 : i32
    scf.for %scan3A_430 = %scan3A_128 to %scan3A_130 step %scan3A_131  : i32 {
      %mul3A_431 = arith.constant 1 : i32
      %mul3A_432 = arith.muli %scan3A_430, %mul3A_431 : i32
      %add3A_433 = arith.constant 0 : i32
      %add3A_434 = arith.addi %add3A_433, %mul3A_432 : i32
      %get3A = arith.index_cast %add3A_434 : i32 to index
      %get3A_435 = arith.constant 0 : index
      %get3A_436 = tpu.vector_load %arg21[%get3A, %get3A_435] {strides = array<i32>} : memref<128x16xf32, #tpu.memory_space<vmem>>, vector<1x16xf32>,
      %get3A_437 = vector.shape_cast %get3A_436 : vector<1x16xf32> to vector<16xf32>
      %max3A = arith.constant 1.000000e+00 : f32
      %max3A_438 = vector.broadcast %max3A : f32 to vector<16xf32>
      %max3A_439 = arith.maximumf %get3A_437, %max3A_438 : vector<16xf32>
      %div3A = arith.constant 1.000000e+00 : f32
      %div3A_440 = vector.broadcast %div3A : f32 to vector<16xf32>
      %div3A_441 = arith.divf %div3A_440, %max3A_439 : vector<16xf32>
      %get3A_442 = arith.index_cast %add3A_434 : i32 to index
      %get3A_443 = arith.constant 0 : index
      %get3A_444 = tpu.vector_load %arg19[%get3A_442, %get3A_443] {strides = array<i32>} : memref<128x64xf32, #tpu.memory_space<vmem>>, vector<1x16xf32>,
      %get3A_445 = vector.shape_cast %get3A_444 : vector<1x16xf32> to vector<16xf32>
      %mul3A_446 = arith.mulf %get3A_445, %div3A_441 : vector<16xf32>
      %swap3A = arith.index_cast %add3A_434 : i32 to index
      %swap3A_447 = arith.constant 0 : index
      %swap3A_448 = tpu.vector_load %arg19[%swap3A, %swap3A_447] {strides = array<i32>} : memref<128x64xf32, #tpu.memory_space<vmem>>, vector<1x16xf32>,
      %swap3A_449 = vector.shape_cast %swap3A_448 : vector<1x16xf32> to vector<16xf32>
      %swap3A_450 = vector.shape_cast %mul3A_446 : vector<16xf32> to vector<1x16xf32>
      tpu.vector_store %arg19[%swap3A, %swap3A_447], %swap3A_450 {strides = array<i32>} : memref<128x64xf32, #tpu.memory_space<vmem>>, vector<1x16xf32>,
      %get3A_451 = arith.index_cast %add3A_434 : i32 to index
      %get3A_452 = arith.constant 16 : index
      %get3A_453 = tpu.vector_load %arg19[%get3A_451, %get3A_452] {strides = array<i32>} : memref<128x64xf32, #tpu.memory_space<vmem>>, vector<1x16xf32>,
      %get3A_454 = vector.shape_cast %get3A_453 : vector<1x16xf32> to vector<16xf32>
      %mul3A_455 = arith.mulf %get3A_454, %div3A_441 : vector<16xf32>
      %swap3A_456 = arith.index_cast %add3A_434 : i32 to index
      %swap3A_457 = arith.constant 16 : index
      %swap3A_458 = tpu.vector_load %arg19[%swap3A_456, %swap3A_457] {strides = array<i32>} : memref<128x64xf32, #tpu.memory_space<vmem>>, vector<1x16xf32>,
      %swap3A_459 = vector.shape_cast %swap3A_458 : vector<1x16xf32> to vector<16xf32>
      %swap3A_460 = vector.shape_cast %mul3A_455 : vector<16xf32> to vector<1x16xf32>
      tpu.vector_store %arg19[%swap3A_456, %swap3A_457], %swap3A_460 {strides = array<i32>} : memref<128x64xf32, #tpu.memory_space<vmem>>, vector<1x16xf32>,
      %get3A_461 = arith.index_cast %add3A_434 : i32 to index
      %get3A_462 = arith.constant 32 : index
      %get3A_463 = tpu.vector_load %arg19[%get3A_461, %get3A_462] {strides = array<i32>} : memref<128x64xf32, #tpu.memory_space<vmem>>, vector<1x16xf32>,
      %get3A_464 = vector.shape_cast %get3A_463 : vector<1x16xf32> to vector<16xf32>
      %mul3A_465 = arith.mulf %get3A_464, %div3A_441 : vector<16xf32>
      %swap3A_466 = arith.index_cast %add3A_434 : i32 to index
      %swap3A_467 = arith.constant 32 : index
      %swap3A_468 = tpu.vector_load %arg19[%swap3A_466, %swap3A_467] {strides = array<i32>} : memref<128x64xf32, #tpu.memory_space<vmem>>, vector<1x16xf32>,
      %swap3A_469 = vector.shape_cast %swap3A_468 : vector<1x16xf32> to vector<16xf32>
      %swap3A_470 = vector.shape_cast %mul3A_465 : vector<16xf32> to vector<1x16xf32>
      tpu.vector_store %arg19[%swap3A_466, %swap3A_467], %swap3A_470 {strides = array<i32>} : memref<128x64xf32, #tpu.memory_space<vmem>>, vector<1x16xf32>,
      %get3A_471 = arith.index_cast %add3A_434 : i32 to index
      %get3A_472 = arith.constant 48 : index
      %get3A_473 = tpu.vector_load %arg19[%get3A_471, %get3A_472] {strides = array<i32>} : memref<128x64xf32, #tpu.memory_space<vmem>>, vector<1x16xf32>,
      %get3A_474 = vector.shape_cast %get3A_473 : vector<1x16xf32> to vector<16xf32>
      %mul3A_475 = arith.mulf %get3A_474, %div3A_441 : vector<16xf32>
      %swap3A_476 = arith.index_cast %add3A_434 : i32 to index
      %swap3A_477 = arith.constant 48 : index
      %swap3A_478 = tpu.vector_load %arg19[%swap3A_476, %swap3A_477] {strides = array<i32>} : memref<128x64xf32, #tpu.memory_space<vmem>>, vector<1x16xf32>,
      %swap3A_479 = vector.shape_cast %swap3A_478 : vector<1x16xf32> to vector<16xf32>
      %swap3A_480 = vector.shape_cast %mul3A_475 : vector<16xf32> to vector<1x16xf32>
      tpu.vector_store %arg19[%swap3A_476, %swap3A_477], %swap3A_480 {strides = array<i32>} : memref<128x64xf32, #tpu.memory_space<vmem>>, vector<1x16xf32>,
    }
    %scan3A_132 = arith.constant 128 : i32
    "tpu.region"() ({
      %run_scoped3A = tpu.sem_alloc : memref<!tpu.dma_semaphore, #tpu.memory_space<semaphore_mem>>
      %dma_start3A_430 = arith.constant 0 : i32
      %dma_start3A_431 = arith.constant 0 : i32
      %dma_start3A_432 = tpu.memref_slice %arg19[%dma_start3A_430, %dma_start3A_431] : memref<128x64xf32, #tpu.memory_space<vmem>> -> memref<128x64xf32, #tpu.memory_space<vmem>>
      %dma_start3A_433 = arith.constant 0 : i32
      %dma_start3A_434 = tpu.memref_slice %arg22[%add3A_127, %dma_start3A_433] : memref<10112x64xf32, #tpu.memory_space<vmem_shared>> -> memref<128x64xf32, #tpu.memory_space<vmem_shared>>
      %dma_start3A_435 = arith.constant 0 : i32
      %dma_start3A_436 = tpu.memref_slice %arg22[%add3A_127, %dma_start3A_435] : memref<10112x64xf32, #tpu.memory_space<vmem_shared>> -> memref<128x64xf32, #tpu.memory_space<vmem_shared>>
      %dma_start3A_437 = arith.constant 0 : i32
      %dma_start3A_438 = arith.constant 0 : i32
      %dma_start3A_439 = tpu.memref_slice %arg19[%dma_start3A_437, %dma_start3A_438] : memref<128x64xf32, #tpu.memory_space<vmem>> -> memref<128x64xf32, #tpu.memory_space<vmem>>
      tpu.enqueue_dma source(%dma_start3A_439 : memref<128x64xf32, #tpu.memory_space<vmem>>) target(%dma_start3A_436 : memref<128x64xf32, #tpu.memory_space<vmem_shared>>) target_semaphore(%run_scoped3A : memref<!tpu.dma_semaphore, #tpu.memory_space<semaphore_mem>>)
      %dma_wait3A_440 = arith.constant 0 : i32
      %dma_wait3A_441 = arith.constant 0 : i32
      %dma_wait3A_442 = tpu.memref_slice %arg19[%dma_wait3A_440, %dma_wait3A_441] : memref<128x64xf32, #tpu.memory_space<vmem>> -> memref<128x64xf32, #tpu.memory_space<vmem>>
      %dma_wait3A_443 = arith.constant 0 : i32
      %dma_wait3A_444 = tpu.memref_slice %arg22[%add3A_127, %dma_wait3A_443] : memref<10112x64xf32, #tpu.memory_space<vmem_shared>> -> memref<128x64xf32, #tpu.memory_space<vmem_shared>>
      %dma_wait3A_445 = arith.constant 0 : i32
      %dma_wait3A_446 = tpu.memref_slice %arg22[%add3A_127, %dma_wait3A_445] : memref<10112x64xf32, #tpu.memory_space<vmem_shared>> -> memref<128x64xf32, #tpu.memory_space<vmem_shared>>
      %dma_wait3A_447 = arith.constant 0 : i32
      %dma_wait3A_448 = arith.constant 0 : i32
      %dma_wait3A_449 = tpu.memref_slice %arg19[%dma_wait3A_447, %dma_wait3A_448] : memref<128x64xf32, #tpu.memory_space<vmem>> -> memref<128x64xf32, #tpu.memory_space<vmem>>
      tpu.wait_dma2 semaphore(%run_scoped3A : memref<!tpu.dma_semaphore, #tpu.memory_space<semaphore_mem>>) src(%dma_wait3A_449 : memref<128x64xf32, #tpu.memory_space<vmem>>) dst(%dma_wait3A_446 : memref<128x64xf32, #tpu.memory_space<vmem_shared>>)
      tpu.yield
    }) : () -> ()
    %add3A_133 = arith.constant 256 : i32
    %add3A_134 = arith.addi %mul3A_0, %add3A_133 : i32
    "tpu.region"() ({
      %run_scoped3A = tpu.sem_alloc : memref<!tpu.dma_semaphore, #tpu.memory_space<semaphore_mem>>
      %dma_start3A_430 = arith.constant 0 : i32
      %dma_start3A_431 = arith.constant 0 : i32
      %dma_start3A_432 = tpu.memref_slice %arg19[%dma_start3A_430, %dma_start3A_431] : memref<128x64xf32, #tpu.memory_space<vmem>> -> memref<128x64xf32, #tpu.memory_space<vmem>>
      %dma_start3A_433 = arith.constant 0 : i32
      %dma_start3A_434 = tpu.memref_slice %arg23[%add3A_134, %dma_start3A_433] : memref<10112x64xf32, #tpu.memory_space<vmem_shared>> -> memref<128x64xf32, #tpu.memory_space<vmem_shared>>
      %dma_start3A_435 = arith.constant 0 : i32
      %dma_start3A_436 = arith.constant 0 : i32
      %dma_start3A_437 = tpu.memref_slice %arg19[%dma_start3A_435, %dma_start3A_436] : memref<128x64xf32, #tpu.memory_space<vmem>> -> memref<128x64xf32, #tpu.memory_space<vmem>>
      %dma_start3A_438 = arith.constant 0 : i32
      %dma_start3A_439 = tpu.memref_slice %arg23[%add3A_134, %dma_start3A_438] : memref<10112x64xf32, #tpu.memory_space<vmem_shared>> -> memref<128x64xf32, #tpu.memory_space<vmem_shared>>
      tpu.enqueue_dma source(%dma_start3A_439 : memref<128x64xf32, #tpu.memory_space<vmem_shared>>) target(%dma_start3A_437 : memref<128x64xf32, #tpu.memory_space<vmem>>) target_semaphore(%run_scoped3A : memref<!tpu.dma_semaphore, #tpu.memory_space<semaphore_mem>>)
      %dma_wait3A_440 = arith.constant 0 : i32
      %dma_wait3A_441 = arith.constant 0 : i32
      %dma_wait3A_442 = tpu.memref_slice %arg19[%dma_wait3A_440, %dma_wait3A_441] : memref<128x64xf32, #tpu.memory_space<vmem>> -> memref<128x64xf32, #tpu.memory_space<vmem>>
      %dma_wait3A_443 = arith.constant 0 : i32
      %dma_wait3A_444 = tpu.memref_slice %arg23[%add3A_134, %dma_wait3A_443] : memref<10112x64xf32, #tpu.memory_space<vmem_shared>> -> memref<128x64xf32, #tpu.memory_space<vmem_shared>>
      %dma_wait3A_445 = arith.constant 0 : i32
      %dma_wait3A_446 = arith.constant 0 : i32
      %dma_wait3A_447 = tpu.memref_slice %arg19[%dma_wait3A_445, %dma_wait3A_446] : memref<128x64xf32, #tpu.memory_space<vmem>> -> memref<128x64xf32, #tpu.memory_space<vmem>>
      %dma_wait3A_448 = arith.constant 0 : i32
      %dma_wait3A_449 = tpu.memref_slice %arg23[%add3A_134, %dma_wait3A_448] : memref<10112x64xf32, #tpu.memory_space<vmem_shared>> -> memref<128x64xf32, #tpu.memory_space<vmem_shared>>
      tpu.wait_dma2 semaphore(%run_scoped3A : memref<!tpu.dma_semaphore, #tpu.memory_space<semaphore_mem>>) src(%dma_wait3A_449 : memref<128x64xf32, #tpu.memory_space<vmem_shared>>) dst(%dma_wait3A_447 : memref<128x64xf32, #tpu.memory_space<vmem>>)
      tpu.yield
    }) : () -> ()
    "tpu.region"() ({
      %run_scoped3A = tpu.sem_alloc : memref<!tpu.dma_semaphore, #tpu.memory_space<semaphore_mem>>
      %dma_start3A_430 = arith.constant 0 : i32
      %dma_start3A_431 = arith.constant 0 : i32
      %dma_start3A_432 = tpu.memref_slice %arg21[%dma_start3A_430, %dma_start3A_431] : memref<128x16xf32, #tpu.memory_space<vmem>> -> memref<128x16xf32, #tpu.memory_space<vmem>>
      %dma_start3A_433 = arith.constant 0 : i32
      %dma_start3A_434 = tpu.memref_slice %arg24[%add3A_134, %dma_start3A_433] : memref<10112x16xf32, #tpu.memory_space<vmem_shared>> -> memref<128x16xf32, #tpu.memory_space<vmem_shared>>
      %dma_start3A_435 = arith.constant 0 : i32
      %dma_start3A_436 = arith.constant 0 : i32
      %dma_start3A_437 = tpu.memref_slice %arg21[%dma_start3A_435, %dma_start3A_436] : memref<128x16xf32, #tpu.memory_space<vmem>> -> memref<128x16xf32, #tpu.memory_space<vmem>>
      %dma_start3A_438 = arith.constant 0 : i32
      %dma_start3A_439 = tpu.memref_slice %arg24[%add3A_134, %dma_start3A_438] : memref<10112x16xf32, #tpu.memory_space<vmem_shared>> -> memref<128x16xf32, #tpu.memory_space<vmem_shared>>
      tpu.enqueue_dma source(%dma_start3A_439 : memref<128x16xf32, #tpu.memory_space<vmem_shared>>) target(%dma_start3A_437 : memref<128x16xf32, #tpu.memory_space<vmem>>) target_semaphore(%run_scoped3A : memref<!tpu.dma_semaphore, #tpu.memory_space<semaphore_mem>>)
      %dma_wait3A_440 = arith.constant 0 : i32
      %dma_wait3A_441 = arith.constant 0 : i32
      %dma_wait3A_442 = tpu.memref_slice %arg21[%dma_wait3A_440, %dma_wait3A_441] : memref<128x16xf32, #tpu.memory_space<vmem>> -> memref<128x16xf32, #tpu.memory_space<vmem>>
      %dma_wait3A_443 = arith.constant 0 : i32
      %dma_wait3A_444 = tpu.memref_slice %arg24[%add3A_134, %dma_wait3A_443] : memref<10112x16xf32, #tpu.memory_space<vmem_shared>> -> memref<128x16xf32, #tpu.memory_space<vmem_shared>>
      %dma_wait3A_445 = arith.constant 0 : i32
      %dma_wait3A_446 = arith.constant 0 : i32
      %dma_wait3A_447 = tpu.memref_slice %arg21[%dma_wait3A_445, %dma_wait3A_446] : memref<128x16xf32, #tpu.memory_space<vmem>> -> memref<128x16xf32, #tpu.memory_space<vmem>>
      %dma_wait3A_448 = arith.constant 0 : i32
      %dma_wait3A_449 = tpu.memref_slice %arg24[%add3A_134, %dma_wait3A_448] : memref<10112x16xf32, #tpu.memory_space<vmem_shared>> -> memref<128x16xf32, #tpu.memory_space<vmem_shared>>
      tpu.wait_dma2 semaphore(%run_scoped3A : memref<!tpu.dma_semaphore, #tpu.memory_space<semaphore_mem>>) src(%dma_wait3A_449 : memref<128x16xf32, #tpu.memory_space<vmem_shared>>) dst(%dma_wait3A_447 : memref<128x16xf32, #tpu.memory_space<vmem>>)
      tpu.yield
    }) : () -> ()
    %scan3A_135 = arith.constant 0 : i32
    %scan3A_136 = arith.constant 128 : i32
    %scan3A_137 = arith.addi %scan3A_135, %scan3A_136 : i32
    %scan3A_138 = arith.constant 1 : i32
    scf.for %scan3A_430 = %scan3A_135 to %scan3A_137 step %scan3A_138  : i32 {
      %mul3A_431 = arith.constant 1 : i32
      %mul3A_432 = arith.muli %scan3A_430, %mul3A_431 : i32
      %add3A_433 = arith.constant 0 : i32
      %add3A_434 = arith.addi %add3A_433, %mul3A_432 : i32
      %get3A = arith.index_cast %add3A_434 : i32 to index
      %get3A_435 = arith.constant 0 : index
      %get3A_436 = tpu.vector_load %arg21[%get3A, %get3A_435] {strides = array<i32>} : memref<128x16xf32, #tpu.memory_space<vmem>>, vector<1x16xf32>,
      %get3A_437 = vector.shape_cast %get3A_436 : vector<1x16xf32> to vector<16xf32>
      %max3A = arith.constant 1.000000e+00 : f32
      %max3A_438 = vector.broadcast %max3A : f32 to vector<16xf32>
      %max3A_439 = arith.maximumf %get3A_437, %max3A_438 : vector<16xf32>
      %div3A = arith.constant 1.000000e+00 : f32
      %div3A_440 = vector.broadcast %div3A : f32 to vector<16xf32>
      %div3A_441 = arith.divf %div3A_440, %max3A_439 : vector<16xf32>
      %get3A_442 = arith.index_cast %add3A_434 : i32 to index
      %get3A_443 = arith.constant 0 : index
      %get3A_444 = tpu.vector_load %arg19[%get3A_442, %get3A_443] {strides = array<i32>} : memref<128x64xf32, #tpu.memory_space<vmem>>, vector<1x16xf32>,
      %get3A_445 = vector.shape_cast %get3A_444 : vector<1x16xf32> to vector<16xf32>
      %mul3A_446 = arith.mulf %get3A_445, %div3A_441 : vector<16xf32>
      %swap3A = arith.index_cast %add3A_434 : i32 to index
      %swap3A_447 = arith.constant 0 : index
      %swap3A_448 = tpu.vector_load %arg19[%swap3A, %swap3A_447] {strides = array<i32>} : memref<128x64xf32, #tpu.memory_space<vmem>>, vector<1x16xf32>,
      %swap3A_449 = vector.shape_cast %swap3A_448 : vector<1x16xf32> to vector<16xf32>
      %swap3A_450 = vector.shape_cast %mul3A_446 : vector<16xf32> to vector<1x16xf32>
      tpu.vector_store %arg19[%swap3A, %swap3A_447], %swap3A_450 {strides = array<i32>} : memref<128x64xf32, #tpu.memory_space<vmem>>, vector<1x16xf32>,
      %get3A_451 = arith.index_cast %add3A_434 : i32 to index
      %get3A_452 = arith.constant 16 : index
      %get3A_453 = tpu.vector_load %arg19[%get3A_451, %get3A_452] {strides = array<i32>} : memref<128x64xf32, #tpu.memory_space<vmem>>, vector<1x16xf32>,
      %get3A_454 = vector.shape_cast %get3A_453 : vector<1x16xf32> to vector<16xf32>
      %mul3A_455 = arith.mulf %get3A_454, %div3A_441 : vector<16xf32>
      %swap3A_456 = arith.index_cast %add3A_434 : i32 to index
      %swap3A_457 = arith.constant 16 : index
      %swap3A_458 = tpu.vector_load %arg19[%swap3A_456, %swap3A_457] {strides = array<i32>} : memref<128x64xf32, #tpu.memory_space<vmem>>, vector<1x16xf32>,
      %swap3A_459 = vector.shape_cast %swap3A_458 : vector<1x16xf32> to vector<16xf32>
      %swap3A_460 = vector.shape_cast %mul3A_455 : vector<16xf32> to vector<1x16xf32>
      tpu.vector_store %arg19[%swap3A_456, %swap3A_457], %swap3A_460 {strides = array<i32>} : memref<128x64xf32, #tpu.memory_space<vmem>>, vector<1x16xf32>,
      %get3A_461 = arith.index_cast %add3A_434 : i32 to index
      %get3A_462 = arith.constant 32 : index
      %get3A_463 = tpu.vector_load %arg19[%get3A_461, %get3A_462] {strides = array<i32>} : memref<128x64xf32, #tpu.memory_space<vmem>>, vector<1x16xf32>,
      %get3A_464 = vector.shape_cast %get3A_463 : vector<1x16xf32> to vector<16xf32>
      %mul3A_465 = arith.mulf %get3A_464, %div3A_441 : vector<16xf32>
      %swap3A_466 = arith.index_cast %add3A_434 : i32 to index
      %swap3A_467 = arith.constant 32 : index
      %swap3A_468 = tpu.vector_load %arg19[%swap3A_466, %swap3A_467] {strides = array<i32>} : memref<128x64xf32, #tpu.memory_space<vmem>>, vector<1x16xf32>,
      %swap3A_469 = vector.shape_cast %swap3A_468 : vector<1x16xf32> to vector<16xf32>
      %swap3A_470 = vector.shape_cast %mul3A_465 : vector<16xf32> to vector<1x16xf32>
      tpu.vector_store %arg19[%swap3A_466, %swap3A_467], %swap3A_470 {strides = array<i32>} : memref<128x64xf32, #tpu.memory_space<vmem>>, vector<1x16xf32>,
      %get3A_471 = arith.index_cast %add3A_434 : i32 to index
      %get3A_472 = arith.constant 48 : index
      %get3A_473 = tpu.vector_load %arg19[%get3A_471, %get3A_472] {strides = array<i32>} : memref<128x64xf32, #tpu.memory_space<vmem>>, vector<1x16xf32>,
      %get3A_474 = vector.shape_cast %get3A_473 : vector<1x16xf32> to vector<16xf32>
      %mul3A_475 = arith.mulf %get3A_474, %div3A_441 : vector<16xf32>
      %swap3A_476 = arith.index_cast %add3A_434 : i32 to index
      %swap3A_477 = arith.constant 48 : index
      %swap3A_478 = tpu.vector_load %arg19[%swap3A_476, %swap3A_477] {strides = array<i32>} : memref<128x64xf32, #tpu.memory_space<vmem>>, vector<1x16xf32>,
      %swap3A_479 = vector.shape_cast %swap3A_478 : vector<1x16xf32> to vector<16xf32>
      %swap3A_480 = vector.shape_cast %mul3A_475 : vector<16xf32> to vector<1x16xf32>
      tpu.vector_store %arg19[%swap3A_476, %swap3A_477], %swap3A_480 {strides = array<i32>} : memref<128x64xf32, #tpu.memory_space<vmem>>, vector<1x16xf32>,
    }
    %scan3A_139 = arith.constant 128 : i32
    "tpu.region"() ({
      %run_scoped3A = tpu.sem_alloc : memref<!tpu.dma_semaphore, #tpu.memory_space<semaphore_mem>>
      %dma_start3A_430 = arith.constant 0 : i32
      %dma_start3A_431 = arith.constant 0 : i32
      %dma_start3A_432 = tpu.memref_slice %arg19[%dma_start3A_430, %dma_start3A_431] : memref<128x64xf32, #tpu.memory_space<vmem>> -> memref<128x64xf32, #tpu.memory_space<vmem>>
      %dma_start3A_433 = arith.constant 0 : i32
      %dma_start3A_434 = tpu.memref_slice %arg22[%add3A_134, %dma_start3A_433] : memref<10112x64xf32, #tpu.memory_space<vmem_shared>> -> memref<128x64xf32, #tpu.memory_space<vmem_shared>>
      %dma_start3A_435 = arith.constant 0 : i32
      %dma_start3A_436 = tpu.memref_slice %arg22[%add3A_134, %dma_start3A_435] : memref<10112x64xf32, #tpu.memory_space<vmem_shared>> -> memref<128x64xf32, #tpu.memory_space<vmem_shared>>
      %dma_start3A_437 = arith.constant 0 : i32
      %dma_start3A_438 = arith.constant 0 : i32
      %dma_start3A_439 = tpu.memref_slice %arg19[%dma_start3A_437, %dma_start3A_438] : memref<128x64xf32, #tpu.memory_space<vmem>> -> memref<128x64xf32, #tpu.memory_space<vmem>>
      tpu.enqueue_dma source(%dma_start3A_439 : memref<128x64xf32, #tpu.memory_space<vmem>>) target(%dma_start3A_436 : memref<128x64xf32, #tpu.memory_space<vmem_shared>>) target_semaphore(%run_scoped3A : memref<!tpu.dma_semaphore, #tpu.memory_space<semaphore_mem>>)
      %dma_wait3A_440 = arith.constant 0 : i32
      %dma_wait3A_441 = arith.constant 0 : i32
      %dma_wait3A_442 = tpu.memref_slice %arg19[%dma_wait3A_440, %dma_wait3A_441] : memref<128x64xf32, #tpu.memory_space<vmem>> -> memref<128x64xf32, #tpu.memory_space<vmem>>
      %dma_wait3A_443 = arith.constant 0 : i32
      %dma_wait3A_444 = tpu.memref_slice %arg22[%add3A_134, %dma_wait3A_443] : memref<10112x64xf32, #tpu.memory_space<vmem_shared>> -> memref<128x64xf32, #tpu.memory_space<vmem_shared>>
      %dma_wait3A_445 = arith.constant 0 : i32
      %dma_wait3A_446 = tpu.memref_slice %arg22[%add3A_134, %dma_wait3A_445] : memref<10112x64xf32, #tpu.memory_space<vmem_shared>> -> memref<128x64xf32, #tpu.memory_space<vmem_shared>>
      %dma_wait3A_447 = arith.constant 0 : i32
      %dma_wait3A_448 = arith.constant 0 : i32
      %dma_wait3A_449 = tpu.memref_slice %arg19[%dma_wait3A_447, %dma_wait3A_448] : memref<128x64xf32, #tpu.memory_space<vmem>> -> memref<128x64xf32, #tpu.memory_space<vmem>>
      tpu.wait_dma2 semaphore(%run_scoped3A : memref<!tpu.dma_semaphore, #tpu.memory_space<semaphore_mem>>) src(%dma_wait3A_449 : memref<128x64xf32, #tpu.memory_space<vmem>>) dst(%dma_wait3A_446 : memref<128x64xf32, #tpu.memory_space<vmem_shared>>)
      tpu.yield
    }) : () -> ()
    %add3A_140 = arith.constant 384 : i32
    %add3A_141 = arith.addi %mul3A_0, %add3A_140 : i32
    "tpu.region"() ({
      %run_scoped3A = tpu.sem_alloc : memref<!tpu.dma_semaphore, #tpu.memory_space<semaphore_mem>>
      %dma_start3A_430 = arith.constant 0 : i32
      %dma_start3A_431 = arith.constant 0 : i32
      %dma_start3A_432 = tpu.memref_slice %arg19[%dma_start3A_430, %dma_start3A_431] : memref<128x64xf32, #tpu.memory_space<vmem>> -> memref<128x64xf32, #tpu.memory_space<vmem>>
      %dma_start3A_433 = arith.constant 0 : i32
      %dma_start3A_434 = tpu.memref_slice %arg23[%add3A_141, %dma_start3A_433] : memref<10112x64xf32, #tpu.memory_space<vmem_shared>> -> memref<128x64xf32, #tpu.memory_space<vmem_shared>>
      %dma_start3A_435 = arith.constant 0 : i32
      %dma_start3A_436 = arith.constant 0 : i32
      %dma_start3A_437 = tpu.memref_slice %arg19[%dma_start3A_435, %dma_start3A_436] : memref<128x64xf32, #tpu.memory_space<vmem>> -> memref<128x64xf32, #tpu.memory_space<vmem>>
      %dma_start3A_438 = arith.constant 0 : i32
      %dma_start3A_439 = tpu.memref_slice %arg23[%add3A_141, %dma_start3A_438] : memref<10112x64xf32, #tpu.memory_space<vmem_shared>> -> memref<128x64xf32, #tpu.memory_space<vmem_shared>>
      tpu.enqueue_dma source(%dma_start3A_439 : memref<128x64xf32, #tpu.memory_space<vmem_shared>>) target(%dma_start3A_437 : memref<128x64xf32, #tpu.memory_space<vmem>>) target_semaphore(%run_scoped3A : memref<!tpu.dma_semaphore, #tpu.memory_space<semaphore_mem>>)
      %dma_wait3A_440 = arith.constant 0 : i32
      %dma_wait3A_441 = arith.constant 0 : i32
      %dma_wait3A_442 = tpu.memref_slice %arg19[%dma_wait3A_440, %dma_wait3A_441] : memref<128x64xf32, #tpu.memory_space<vmem>> -> memref<128x64xf32, #tpu.memory_space<vmem>>
      %dma_wait3A_443 = arith.constant 0 : i32
      %dma_wait3A_444 = tpu.memref_slice %arg23[%add3A_141, %dma_wait3A_443] : memref<10112x64xf32, #tpu.memory_space<vmem_shared>> -> memref<128x64xf32, #tpu.memory_space<vmem_shared>>
      %dma_wait3A_445 = arith.constant 0 : i32
      %dma_wait3A_446 = arith.constant 0 : i32
      %dma_wait3A_447 = tpu.memref_slice %arg19[%dma_wait3A_445, %dma_wait3A_446] : memref<128x64xf32, #tpu.memory_space<vmem>> -> memref<128x64xf32, #tpu.memory_space<vmem>>
      %dma_wait3A_448 = arith.constant 0 : i32
      %dma_wait3A_449 = tpu.memref_slice %arg23[%add3A_141, %dma_wait3A_448] : memref<10112x64xf32, #tpu.memory_space<vmem_shared>> -> memref<128x64xf32, #tpu.memory_space<vmem_shared>>
      tpu.wait_dma2 semaphore(%run_scoped3A : memref<!tpu.dma_semaphore, #tpu.memory_space<semaphore_mem>>) src(%dma_wait3A_449 : memref<128x64xf32, #tpu.memory_space<vmem_shared>>) dst(%dma_wait3A_447 : memref<128x64xf32, #tpu.memory_space<vmem>>)
      tpu.yield
    }) : () -> ()
    "tpu.region"() ({
      %run_scoped3A = tpu.sem_alloc : memref<!tpu.dma_semaphore, #tpu.memory_space<semaphore_mem>>
      %dma_start3A_430 = arith.constant 0 : i32
      %dma_start3A_431 = arith.constant 0 : i32
      %dma_start3A_432 = tpu.memref_slice %arg21[%dma_start3A_430, %dma_start3A_431] : memref<128x16xf32, #tpu.memory_space<vmem>> -> memref<128x16xf32, #tpu.memory_space<vmem>>
      %dma_start3A_433 = arith.constant 0 : i32
      %dma_start3A_434 = tpu.memref_slice %arg24[%add3A_141, %dma_start3A_433] : memref<10112x16xf32, #tpu.memory_space<vmem_shared>> -> memref<128x16xf32, #tpu.memory_space<vmem_shared>>
      %dma_start3A_435 = arith.constant 0 : i32
      %dma_start3A_436 = arith.constant 0 : i32
      %dma_start3A_437 = tpu.memref_slice %arg21[%dma_start3A_435, %dma_start3A_436] : memref<128x16xf32, #tpu.memory_space<vmem>> -> memref<128x16xf32, #tpu.memory_space<vmem>>
      %dma_start3A_438 = arith.constant 0 : i32
      %dma_start3A_439 = tpu.memref_slice %arg24[%add3A_141, %dma_start3A_438] : memref<10112x16xf32, #tpu.memory_space<vmem_shared>> -> memref<128x16xf32, #tpu.memory_space<vmem_shared>>
      tpu.enqueue_dma source(%dma_start3A_439 : memref<128x16xf32, #tpu.memory_space<vmem_shared>>) target(%dma_start3A_437 : memref<128x16xf32, #tpu.memory_space<vmem>>) target_semaphore(%run_scoped3A : memref<!tpu.dma_semaphore, #tpu.memory_space<semaphore_mem>>)
      %dma_wait3A_440 = arith.constant 0 : i32
      %dma_wait3A_441 = arith.constant 0 : i32
      %dma_wait3A_442 = tpu.memref_slice %arg21[%dma_wait3A_440, %dma_wait3A_441] : memref<128x16xf32, #tpu.memory_space<vmem>> -> memref<128x16xf32, #tpu.memory_space<vmem>>
      %dma_wait3A_443 = arith.constant 0 : i32
      %dma_wait3A_444 = tpu.memref_slice %arg24[%add3A_141, %dma_wait3A_443] : memref<10112x16xf32, #tpu.memory_space<vmem_shared>> -> memref<128x16xf32, #tpu.memory_space<vmem_shared>>
      %dma_wait3A_445 = arith.constant 0 : i32
      %dma_wait3A_446 = arith.constant 0 : i32
      %dma_wait3A_447 = tpu.memref_slice %arg21[%dma_wait3A_445, %dma_wait3A_446] : memref<128x16xf32, #tpu.memory_space<vmem>> -> memref<128x16xf32, #tpu.memory_space<vmem>>
      %dma_wait3A_448 = arith.constant 0 : i32
      %dma_wait3A_449 = tpu.memref_slice %arg24[%add3A_141, %dma_wait3A_448] : memref<10112x16xf32, #tpu.memory_space<vmem_shared>> -> memref<128x16xf32, #tpu.memory_space<vmem_shared>>
      tpu.wait_dma2 semaphore(%run_scoped3A : memref<!tpu.dma_semaphore, #tpu.memory_space<semaphore_mem>>) src(%dma_wait3A_449 : memref<128x16xf32, #tpu.memory_space<vmem_shared>>) dst(%dma_wait3A_447 : memref<128x16xf32, #tpu.memory_space<vmem>>)
      tpu.yield
    }) : () -> ()
    %scan3A_142 = arith.constant 0 : i32
    %scan3A_143 = arith.constant 128 : i32
    %scan3A_144 = arith.addi %scan3A_142, %scan3A_143 : i32
    %scan3A_145 = arith.constant 1 : i32
    scf.for %scan3A_430 = %scan3A_142 to %scan3A_144 step %scan3A_145  : i32 {
      %mul3A_431 = arith.constant 1 : i32
      %mul3A_432 = arith.muli %scan3A_430, %mul3A_431 : i32
      %add3A_433 = arith.constant 0 : i32
      %add3A_434 = arith.addi %add3A_433, %mul3A_432 : i32
      %get3A = arith.index_cast %add3A_434 : i32 to index
      %get3A_435 = arith.constant 0 : index
      %get3A_436 = tpu.vector_load %arg21[%get3A, %get3A_435] {strides = array<i32>} : memref<128x16xf32, #tpu.memory_space<vmem>>, vector<1x16xf32>,
      %get3A_437 = vector.shape_cast %get3A_436 : vector<1x16xf32> to vector<16xf32>
      %max3A = arith.constant 1.000000e+00 : f32
      %max3A_438 = vector.broadcast %max3A : f32 to vector<16xf32>
      %max3A_439 = arith.maximumf %get3A_437, %max3A_438 : vector<16xf32>
      %div3A = arith.constant 1.000000e+00 : f32
      %div3A_440 = vector.broadcast %div3A : f32 to vector<16xf32>
      %div3A_441 = arith.divf %div3A_440, %max3A_439 : vector<16xf32>
      %get3A_442 = arith.index_cast %add3A_434 : i32 to index
      %get3A_443 = arith.constant 0 : index
      %get3A_444 = tpu.vector_load %arg19[%get3A_442, %get3A_443] {strides = array<i32>} : memref<128x64xf32, #tpu.memory_space<vmem>>, vector<1x16xf32>,
      %get3A_445 = vector.shape_cast %get3A_444 : vector<1x16xf32> to vector<16xf32>
      %mul3A_446 = arith.mulf %get3A_445, %div3A_441 : vector<16xf32>
      %swap3A = arith.index_cast %add3A_434 : i32 to index
      %swap3A_447 = arith.constant 0 : index
      %swap3A_448 = tpu.vector_load %arg19[%swap3A, %swap3A_447] {strides = array<i32>} : memref<128x64xf32, #tpu.memory_space<vmem>>, vector<1x16xf32>,
      %swap3A_449 = vector.shape_cast %swap3A_448 : vector<1x16xf32> to vector<16xf32>
      %swap3A_450 = vector.shape_cast %mul3A_446 : vector<16xf32> to vector<1x16xf32>
      tpu.vector_store %arg19[%swap3A, %swap3A_447], %swap3A_450 {strides = array<i32>} : memref<128x64xf32, #tpu.memory_space<vmem>>, vector<1x16xf32>,
      %get3A_451 = arith.index_cast %add3A_434 : i32 to index
      %get3A_452 = arith.constant 16 : index
      %get3A_453 = tpu.vector_load %arg19[%get3A_451, %get3A_452] {strides = array<i32>} : memref<128x64xf32, #tpu.memory_space<vmem>>, vector<1x16xf32>,
      %get3A_454 = vector.shape_cast %get3A_453 : vector<1x16xf32> to vector<16xf32>
      %mul3A_455 = arith.mulf %get3A_454, %div3A_441 : vector<16xf32>
      %swap3A_456 = arith.index_cast %add3A_434 : i32 to index
      %swap3A_457 = arith.constant 16 : index
      %swap3A_458 = tpu.vector_load %arg19[%swap3A_456, %swap3A_457] {strides = array<i32>} : memref<128x64xf32, #tpu.memory_space<vmem>>, vector<1x16xf32>,
      %swap3A_459 = vector.shape_cast %swap3A_458 : vector<1x16xf32> to vector<16xf32>
      %swap3A_460 = vector.shape_cast %mul3A_455 : vector<16xf32> to vector<1x16xf32>
      tpu.vector_store %arg19[%swap3A_456, %swap3A_457], %swap3A_460 {strides = array<i32>} : memref<128x64xf32, #tpu.memory_space<vmem>>, vector<1x16xf32>,
      %get3A_461 = arith.index_cast %add3A_434 : i32 to index
      %get3A_462 = arith.constant 32 : index
      %get3A_463 = tpu.vector_load %arg19[%get3A_461, %get3A_462] {strides = array<i32>} : memref<128x64xf32, #tpu.memory_space<vmem>>, vector<1x16xf32>,
      %get3A_464 = vector.shape_cast %get3A_463 : vector<1x16xf32> to vector<16xf32>
      %mul3A_465 = arith.mulf %get3A_464, %div3A_441 : vector<16xf32>
      %swap3A_466 = arith.index_cast %add3A_434 : i32 to index
      %swap3A_467 = arith.constant 32 : index
      %swap3A_468 = tpu.vector_load %arg19[%swap3A_466, %swap3A_467] {strides = array<i32>} : memref<128x64xf32, #tpu.memory_space<vmem>>, vector<1x16xf32>,
      %swap3A_469 = vector.shape_cast %swap3A_468 : vector<1x16xf32> to vector<16xf32>
      %swap3A_470 = vector.shape_cast %mul3A_465 : vector<16xf32> to vector<1x16xf32>
      tpu.vector_store %arg19[%swap3A_466, %swap3A_467], %swap3A_470 {strides = array<i32>} : memref<128x64xf32, #tpu.memory_space<vmem>>, vector<1x16xf32>,
      %get3A_471 = arith.index_cast %add3A_434 : i32 to index
      %get3A_472 = arith.constant 48 : index
      %get3A_473 = tpu.vector_load %arg19[%get3A_471, %get3A_472] {strides = array<i32>} : memref<128x64xf32, #tpu.memory_space<vmem>>, vector<1x16xf32>,
      %get3A_474 = vector.shape_cast %get3A_473 : vector<1x16xf32> to vector<16xf32>
      %mul3A_475 = arith.mulf %get3A_474, %div3A_441 : vector<16xf32>
      %swap3A_476 = arith.index_cast %add3A_434 : i32 to index
      %swap3A_477 = arith.constant 48 : index
      %swap3A_478 = tpu.vector_load %arg19[%swap3A_476, %swap3A_477] {strides = array<i32>} : memref<128x64xf32, #tpu.memory_space<vmem>>, vector<1x16xf32>,
      %swap3A_479 = vector.shape_cast %swap3A_478 : vector<1x16xf32> to vector<16xf32>
      %swap3A_480 = vector.shape_cast %mul3A_475 : vector<16xf32> to vector<1x16xf32>
      tpu.vector_store %arg19[%swap3A_476, %swap3A_477], %swap3A_480 {strides = array<i32>} : memref<128x64xf32, #tpu.memory_space<vmem>>, vector<1x16xf32>,
    }
    %scan3A_146 = arith.constant 128 : i32
    "tpu.region"() ({
      %run_scoped3A = tpu.sem_alloc : memref<!tpu.dma_semaphore, #tpu.memory_space<semaphore_mem>>
      %dma_start3A_430 = arith.constant 0 : i32
      %dma_start3A_431 = arith.constant 0 : i32
      %dma_start3A_432 = tpu.memref_slice %arg19[%dma_start3A_430, %dma_start3A_431] : memref<128x64xf32, #tpu.memory_space<vmem>> -> memref<128x64xf32, #tpu.memory_space<vmem>>
      %dma_start3A_433 = arith.constant 0 : i32
      %dma_start3A_434 = tpu.memref_slice %arg22[%add3A_141, %dma_start3A_433] : memref<10112x64xf32, #tpu.memory_space<vmem_shared>> -> memref<128x64xf32, #tpu.memory_space<vmem_shared>>
      %dma_start3A_435 = arith.constant 0 : i32
      %dma_start3A_436 = tpu.memref_slice %arg22[%add3A_141, %dma_start3A_435] : memref<10112x64xf32, #tpu.memory_space<vmem_shared>> -> memref<128x64xf32, #tpu.memory_space<vmem_shared>>
      %dma_start3A_437 = arith.constant 0 : i32
      %dma_start3A_438 = arith.constant 0 : i32
      %dma_start3A_439 = tpu.memref_slice %arg19[%dma_start3A_437, %dma_start3A_438] : memref<128x64xf32, #tpu.memory_space<vmem>> -> memref<128x64xf32, #tpu.memory_space<vmem>>
      tpu.enqueue_dma source(%dma_start3A_439 : memref<128x64xf32, #tpu.memory_space<vmem>>) target(%dma_start3A_436 : memref<128x64xf32, #tpu.memory_space<vmem_shared>>) target_semaphore(%run_scoped3A : memref<!tpu.dma_semaphore, #tpu.memory_space<semaphore_mem>>)
      %dma_wait3A_440 = arith.constant 0 : i32
      %dma_wait3A_441 = arith.constant 0 : i32
      %dma_wait3A_442 = tpu.memref_slice %arg19[%dma_wait3A_440, %dma_wait3A_441] : memref<128x64xf32, #tpu.memory_space<vmem>> -> memref<128x64xf32, #tpu.memory_space<vmem>>
      %dma_wait3A_443 = arith.constant 0 : i32
      %dma_wait3A_444 = tpu.memref_slice %arg22[%add3A_141, %dma_wait3A_443] : memref<10112x64xf32, #tpu.memory_space<vmem_shared>> -> memref<128x64xf32, #tpu.memory_space<vmem_shared>>
      %dma_wait3A_445 = arith.constant 0 : i32
      %dma_wait3A_446 = tpu.memref_slice %arg22[%add3A_141, %dma_wait3A_445] : memref<10112x64xf32, #tpu.memory_space<vmem_shared>> -> memref<128x64xf32, #tpu.memory_space<vmem_shared>>
      %dma_wait3A_447 = arith.constant 0 : i32
      %dma_wait3A_448 = arith.constant 0 : i32
      %dma_wait3A_449 = tpu.memref_slice %arg19[%dma_wait3A_447, %dma_wait3A_448] : memref<128x64xf32, #tpu.memory_space<vmem>> -> memref<128x64xf32, #tpu.memory_space<vmem>>
      tpu.wait_dma2 semaphore(%run_scoped3A : memref<!tpu.dma_semaphore, #tpu.memory_space<semaphore_mem>>) src(%dma_wait3A_449 : memref<128x64xf32, #tpu.memory_space<vmem>>) dst(%dma_wait3A_446 : memref<128x64xf32, #tpu.memory_space<vmem_shared>>)
      tpu.yield
    }) : () -> ()
    %add3A_147 = arith.constant 512 : i32
    %add3A_148 = arith.addi %mul3A_0, %add3A_147 : i32
    "tpu.region"() ({
      %run_scoped3A = tpu.sem_alloc : memref<!tpu.dma_semaphore, #tpu.memory_space<semaphore_mem>>
      %dma_start3A_430 = arith.constant 0 : i32
      %dma_start3A_431 = arith.constant 0 : i32
      %dma_start3A_432 = tpu.memref_slice %arg19[%dma_start3A_430, %dma_start3A_431] : memref<128x64xf32, #tpu.memory_space<vmem>> -> memref<120x64xf32, #tpu.memory_space<vmem>>
      %dma_start3A_433 = arith.constant 0 : i32
      %dma_start3A_434 = tpu.memref_slice %arg23[%add3A_148, %dma_start3A_433] : memref<10112x64xf32, #tpu.memory_space<vmem_shared>> -> memref<120x64xf32, #tpu.memory_space<vmem_shared>>
      %dma_start3A_435 = arith.constant 0 : i32
      %dma_start3A_436 = arith.constant 0 : i32
      %dma_start3A_437 = tpu.memref_slice %arg19[%dma_start3A_435, %dma_start3A_436] : memref<128x64xf32, #tpu.memory_space<vmem>> -> memref<120x64xf32, #tpu.memory_space<vmem>>
      %dma_start3A_438 = arith.constant 0 : i32
      %dma_start3A_439 = tpu.memref_slice %arg23[%add3A_148, %dma_start3A_438] : memref<10112x64xf32, #tpu.memory_space<vmem_shared>> -> memref<120x64xf32, #tpu.memory_space<vmem_shared>>
      tpu.enqueue_dma source(%dma_start3A_439 : memref<120x64xf32, #tpu.memory_space<vmem_shared>>) target(%dma_start3A_437 : memref<120x64xf32, #tpu.memory_space<vmem>>) target_semaphore(%run_scoped3A : memref<!tpu.dma_semaphore, #tpu.memory_space<semaphore_mem>>)
      %dma_wait3A_440 = arith.constant 0 : i32
      %dma_wait3A_441 = arith.constant 0 : i32
      %dma_wait3A_442 = tpu.memref_slice %arg19[%dma_wait3A_440, %dma_wait3A_441] : memref<128x64xf32, #tpu.memory_space<vmem>> -> memref<120x64xf32, #tpu.memory_space<vmem>>
      %dma_wait3A_443 = arith.constant 0 : i32
      %dma_wait3A_444 = tpu.memref_slice %arg23[%add3A_148, %dma_wait3A_443] : memref<10112x64xf32, #tpu.memory_space<vmem_shared>> -> memref<120x64xf32, #tpu.memory_space<vmem_shared>>
      %dma_wait3A_445 = arith.constant 0 : i32
      %dma_wait3A_446 = arith.constant 0 : i32
      %dma_wait3A_447 = tpu.memref_slice %arg19[%dma_wait3A_445, %dma_wait3A_446] : memref<128x64xf32, #tpu.memory_space<vmem>> -> memref<120x64xf32, #tpu.memory_space<vmem>>
      %dma_wait3A_448 = arith.constant 0 : i32
      %dma_wait3A_449 = tpu.memref_slice %arg23[%add3A_148, %dma_wait3A_448] : memref<10112x64xf32, #tpu.memory_space<vmem_shared>> -> memref<120x64xf32, #tpu.memory_space<vmem_shared>>
      tpu.wait_dma2 semaphore(%run_scoped3A : memref<!tpu.dma_semaphore, #tpu.memory_space<semaphore_mem>>) src(%dma_wait3A_449 : memref<120x64xf32, #tpu.memory_space<vmem_shared>>) dst(%dma_wait3A_447 : memref<120x64xf32, #tpu.memory_space<vmem>>)
      tpu.yield
    }) : () -> ()
    "tpu.region"() ({
      %run_scoped3A = tpu.sem_alloc : memref<!tpu.dma_semaphore, #tpu.memory_space<semaphore_mem>>
      %dma_start3A_430 = arith.constant 0 : i32
      %dma_start3A_431 = arith.constant 0 : i32
      %dma_start3A_432 = tpu.memref_slice %arg21[%dma_start3A_430, %dma_start3A_431] : memref<128x16xf32, #tpu.memory_space<vmem>> -> memref<120x16xf32, #tpu.memory_space<vmem>>
      %dma_start3A_433 = arith.constant 0 : i32
      %dma_start3A_434 = tpu.memref_slice %arg24[%add3A_148, %dma_start3A_433] : memref<10112x16xf32, #tpu.memory_space<vmem_shared>> -> memref<120x16xf32, #tpu.memory_space<vmem_shared>>
      %dma_start3A_435 = arith.constant 0 : i32
      %dma_start3A_436 = arith.constant 0 : i32
      %dma_start3A_437 = tpu.memref_slice %arg21[%dma_start3A_435, %dma_start3A_436] : memref<128x16xf32, #tpu.memory_space<vmem>> -> memref<120x16xf32, #tpu.memory_space<vmem>>
      %dma_start3A_438 = arith.constant 0 : i32
      %dma_start3A_439 = tpu.memref_slice %arg24[%add3A_148, %dma_start3A_438] : memref<10112x16xf32, #tpu.memory_space<vmem_shared>> -> memref<120x16xf32, #tpu.memory_space<vmem_shared>>
      tpu.enqueue_dma source(%dma_start3A_439 : memref<120x16xf32, #tpu.memory_space<vmem_shared>>) target(%dma_start3A_437 : memref<120x16xf32, #tpu.memory_space<vmem>>) target_semaphore(%run_scoped3A : memref<!tpu.dma_semaphore, #tpu.memory_space<semaphore_mem>>)
      %dma_wait3A_440 = arith.constant 0 : i32
      %dma_wait3A_441 = arith.constant 0 : i32
      %dma_wait3A_442 = tpu.memref_slice %arg21[%dma_wait3A_440, %dma_wait3A_441] : memref<128x16xf32, #tpu.memory_space<vmem>> -> memref<120x16xf32, #tpu.memory_space<vmem>>
      %dma_wait3A_443 = arith.constant 0 : i32
      %dma_wait3A_444 = tpu.memref_slice %arg24[%add3A_148, %dma_wait3A_443] : memref<10112x16xf32, #tpu.memory_space<vmem_shared>> -> memref<120x16xf32, #tpu.memory_space<vmem_shared>>
      %dma_wait3A_445 = arith.constant 0 : i32
      %dma_wait3A_446 = arith.constant 0 : i32
      %dma_wait3A_447 = tpu.memref_slice %arg21[%dma_wait3A_445, %dma_wait3A_446] : memref<128x16xf32, #tpu.memory_space<vmem>> -> memref<120x16xf32, #tpu.memory_space<vmem>>
      %dma_wait3A_448 = arith.constant 0 : i32
      %dma_wait3A_449 = tpu.memref_slice %arg24[%add3A_148, %dma_wait3A_448] : memref<10112x16xf32, #tpu.memory_space<vmem_shared>> -> memref<120x16xf32, #tpu.memory_space<vmem_shared>>
      tpu.wait_dma2 semaphore(%run_scoped3A : memref<!tpu.dma_semaphore, #tpu.memory_space<semaphore_mem>>) src(%dma_wait3A_449 : memref<120x16xf32, #tpu.memory_space<vmem_shared>>) dst(%dma_wait3A_447 : memref<120x16xf32, #tpu.memory_space<vmem>>)
      tpu.yield
    }) : () -> ()
    %scan3A_149 = arith.constant 0 : i32
    %scan3A_150 = arith.constant 120 : i32
    %scan3A_151 = arith.addi %scan3A_149, %scan3A_150 : i32
    %scan3A_152 = arith.constant 1 : i32
    scf.for %scan3A_430 = %scan3A_149 to %scan3A_151 step %scan3A_152  : i32 {
      %mul3A_431 = arith.constant 1 : i32
      %mul3A_432 = arith.muli %scan3A_430, %mul3A_431 : i32
      %add3A_433 = arith.constant 0 : i32
      %add3A_434 = arith.addi %add3A_433, %mul3A_432 : i32
      %get3A = arith.index_cast %add3A_434 : i32 to index
      %get3A_435 = arith.constant 0 : index
      %get3A_436 = tpu.vector_load %arg21[%get3A, %get3A_435] {strides = array<i32>} : memref<128x16xf32, #tpu.memory_space<vmem>>, vector<1x16xf32>,
      %get3A_437 = vector.shape_cast %get3A_436 : vector<1x16xf32> to vector<16xf32>
      %max3A = arith.constant 1.000000e+00 : f32
      %max3A_438 = vector.broadcast %max3A : f32 to vector<16xf32>
      %max3A_439 = arith.maximumf %get3A_437, %max3A_438 : vector<16xf32>
      %div3A = arith.constant 1.000000e+00 : f32
      %div3A_440 = vector.broadcast %div3A : f32 to vector<16xf32>
      %div3A_441 = arith.divf %div3A_440, %max3A_439 : vector<16xf32>
      %get3A_442 = arith.index_cast %add3A_434 : i32 to index
      %get3A_443 = arith.constant 0 : index
      %get3A_444 = tpu.vector_load %arg19[%get3A_442, %get3A_443] {strides = array<i32>} : memref<128x64xf32, #tpu.memory_space<vmem>>, vector<1x16xf32>,
      %get3A_445 = vector.shape_cast %get3A_444 : vector<1x16xf32> to vector<16xf32>
      %mul3A_446 = arith.mulf %get3A_445, %div3A_441 : vector<16xf32>
      %swap3A = arith.index_cast %add3A_434 : i32 to index
      %swap3A_447 = arith.constant 0 : index
      %swap3A_448 = tpu.vector_load %arg19[%swap3A, %swap3A_447] {strides = array<i32>} : memref<128x64xf32, #tpu.memory_space<vmem>>, vector<1x16xf32>,
      %swap3A_449 = vector.shape_cast %swap3A_448 : vector<1x16xf32> to vector<16xf32>
      %swap3A_450 = vector.shape_cast %mul3A_446 : vector<16xf32> to vector<1x16xf32>
      tpu.vector_store %arg19[%swap3A, %swap3A_447], %swap3A_450 {strides = array<i32>} : memref<128x64xf32, #tpu.memory_space<vmem>>, vector<1x16xf32>,
      %get3A_451 = arith.index_cast %add3A_434 : i32 to index
      %get3A_452 = arith.constant 16 : index
      %get3A_453 = tpu.vector_load %arg19[%get3A_451, %get3A_452] {strides = array<i32>} : memref<128x64xf32, #tpu.memory_space<vmem>>, vector<1x16xf32>,
      %get3A_454 = vector.shape_cast %get3A_453 : vector<1x16xf32> to vector<16xf32>
      %mul3A_455 = arith.mulf %get3A_454, %div3A_441 : vector<16xf32>
      %swap3A_456 = arith.index_cast %add3A_434 : i32 to index
      %swap3A_457 = arith.constant 16 : index
      %swap3A_458 = tpu.vector_load %arg19[%swap3A_456, %swap3A_457] {strides = array<i32>} : memref<128x64xf32, #tpu.memory_space<vmem>>, vector<1x16xf32>,
      %swap3A_459 = vector.shape_cast %swap3A_458 : vector<1x16xf32> to vector<16xf32>
      %swap3A_460 = vector.shape_cast %mul3A_455 : vector<16xf32> to vector<1x16xf32>
      tpu.vector_store %arg19[%swap3A_456, %swap3A_457], %swap3A_460 {strides = array<i32>} : memref<128x64xf32, #tpu.memory_space<vmem>>, vector<1x16xf32>,
      %get3A_461 = arith.index_cast %add3A_434 : i32 to index
      %get3A_462 = arith.constant 32 : index
      %get3A_463 = tpu.vector_load %arg19[%get3A_461, %get3A_462] {strides = array<i32>} : memref<128x64xf32, #tpu.memory_space<vmem>>, vector<1x16xf32>,
      %get3A_464 = vector.shape_cast %get3A_463 : vector<1x16xf32> to vector<16xf32>
      %mul3A_465 = arith.mulf %get3A_464, %div3A_441 : vector<16xf32>
      %swap3A_466 = arith.index_cast %add3A_434 : i32 to index
      %swap3A_467 = arith.constant 32 : index
      %swap3A_468 = tpu.vector_load %arg19[%swap3A_466, %swap3A_467] {strides = array<i32>} : memref<128x64xf32, #tpu.memory_space<vmem>>, vector<1x16xf32>,
      %swap3A_469 = vector.shape_cast %swap3A_468 : vector<1x16xf32> to vector<16xf32>
      %swap3A_470 = vector.shape_cast %mul3A_465 : vector<16xf32> to vector<1x16xf32>
      tpu.vector_store %arg19[%swap3A_466, %swap3A_467], %swap3A_470 {strides = array<i32>} : memref<128x64xf32, #tpu.memory_space<vmem>>, vector<1x16xf32>,
      %get3A_471 = arith.index_cast %add3A_434 : i32 to index
      %get3A_472 = arith.constant 48 : index
      %get3A_473 = tpu.vector_load %arg19[%get3A_471, %get3A_472] {strides = array<i32>} : memref<128x64xf32, #tpu.memory_space<vmem>>, vector<1x16xf32>,
      %get3A_474 = vector.shape_cast %get3A_473 : vector<1x16xf32> to vector<16xf32>
      %mul3A_475 = arith.mulf %get3A_474, %div3A_441 : vector<16xf32>
      %swap3A_476 = arith.index_cast %add3A_434 : i32 to index
      %swap3A_477 = arith.constant 48 : index
      %swap3A_478 = tpu.vector_load %arg19[%swap3A_476, %swap3A_477] {strides = array<i32>} : memref<128x64xf32, #tpu.memory_space<vmem>>, vector<1x16xf32>,
      %swap3A_479 = vector.shape_cast %swap3A_478 : vector<1x16xf32> to vector<16xf32>
      %swap3A_480 = vector.shape_cast %mul3A_475 : vector<16xf32> to vector<1x16xf32>
      tpu.vector_store %arg19[%swap3A_476, %swap3A_477], %swap3A_480 {strides = array<i32>} : memref<128x64xf32, #tpu.memory_space<vmem>>, vector<1x16xf32>,
    }
    %scan3A_153 = arith.constant 120 : i32
    "tpu.region"() ({
      %run_scoped3A = tpu.sem_alloc : memref<!tpu.dma_semaphore, #tpu.memory_space<semaphore_mem>>
      %dma_start3A_430 = arith.constant 0 : i32
      %dma_start3A_431 = arith.constant 0 : i32
      %dma_start3A_432 = tpu.memref_slice %arg19[%dma_start3A_430, %dma_start3A_431] : memref<128x64xf32, #tpu.memory_space<vmem>> -> memref<120x64xf32, #tpu.memory_space<vmem>>
      %dma_start3A_433 = arith.constant 0 : i32
      %dma_start3A_434 = tpu.memref_slice %arg22[%add3A_148, %dma_start3A_433] : memref<10112x64xf32, #tpu.memory_space<vmem_shared>> -> memref<120x64xf32, #tpu.memory_space<vmem_shared>>
      %dma_start3A_435 = arith.constant 0 : i32
      %dma_start3A_436 = tpu.memref_slice %arg22[%add3A_148, %dma_start3A_435] : memref<10112x64xf32, #tpu.memory_space<vmem_shared>> -> memref<120x64xf32, #tpu.memory_space<vmem_shared>>
      %dma_start3A_437 = arith.constant 0 : i32
      %dma_start3A_438 = arith.constant 0 : i32
      %dma_start3A_439 = tpu.memref_slice %arg19[%dma_start3A_437, %dma_start3A_438] : memref<128x64xf32, #tpu.memory_space<vmem>> -> memref<120x64xf32, #tpu.memory_space<vmem>>
      tpu.enqueue_dma source(%dma_start3A_439 : memref<120x64xf32, #tpu.memory_space<vmem>>) target(%dma_start3A_436 : memref<120x64xf32, #tpu.memory_space<vmem_shared>>) target_semaphore(%run_scoped3A : memref<!tpu.dma_semaphore, #tpu.memory_space<semaphore_mem>>)
      %dma_wait3A_440 = arith.constant 0 : i32
      %dma_wait3A_441 = arith.constant 0 : i32
      %dma_wait3A_442 = tpu.memref_slice %arg19[%dma_wait3A_440, %dma_wait3A_441] : memref<128x64xf32, #tpu.memory_space<vmem>> -> memref<120x64xf32, #tpu.memory_space<vmem>>
      %dma_wait3A_443 = arith.constant 0 : i32
      %dma_wait3A_444 = tpu.memref_slice %arg22[%add3A_148, %dma_wait3A_443] : memref<10112x64xf32, #tpu.memory_space<vmem_shared>> -> memref<120x64xf32, #tpu.memory_space<vmem_shared>>
      %dma_wait3A_445 = arith.constant 0 : i32
      %dma_wait3A_446 = tpu.memref_slice %arg22[%add3A_148, %dma_wait3A_445] : memref<10112x64xf32, #tpu.memory_space<vmem_shared>> -> memref<120x64xf32, #tpu.memory_space<vmem_shared>>
      %dma_wait3A_447 = arith.constant 0 : i32
      %dma_wait3A_448 = arith.constant 0 : i32
      %dma_wait3A_449 = tpu.memref_slice %arg19[%dma_wait3A_447, %dma_wait3A_448] : memref<128x64xf32, #tpu.memory_space<vmem>> -> memref<120x64xf32, #tpu.memory_space<vmem>>
      tpu.wait_dma2 semaphore(%run_scoped3A : memref<!tpu.dma_semaphore, #tpu.memory_space<semaphore_mem>>) src(%dma_wait3A_449 : memref<120x64xf32, #tpu.memory_space<vmem>>) dst(%dma_wait3A_446 : memref<120x64xf32, #tpu.memory_space<vmem_shared>>)
      tpu.yield
    }) : () -> ()
    %dma_start3A_154 = arith.constant 0 : i32
    %dma_start3A_155 = tpu.memref_slice %arg23[%mul3A_0, %dma_start3A_154] : memref<10112x64xf32, #tpu.memory_space<vmem_shared>> -> memref<632x64xf32, #tpu.memory_space<vmem_shared>>
    tpu.enqueue_dma source(%arg10 : memref<632x64xf32, #tpu.memory_space<hbm>>) target(%dma_start3A_155 : memref<632x64xf32, #tpu.memory_space<vmem_shared>>) target_semaphore(%arg25 : memref<!tpu.dma_semaphore, #tpu.memory_space<semaphore_mem>>)
    %dma_wait3A_156 = arith.constant 0 : i32
    %dma_wait3A_157 = tpu.memref_slice %arg23[%mul3A_0, %dma_wait3A_156] : memref<10112x64xf32, #tpu.memory_space<vmem_shared>> -> memref<632x64xf32, #tpu.memory_space<vmem_shared>>
    tpu.wait_dma2 semaphore(%arg25 : memref<!tpu.dma_semaphore, #tpu.memory_space<semaphore_mem>>) src(%arg10 : memref<632x64xf32, #tpu.memory_space<hbm>>) dst(%dma_wait3A_157 : memref<632x64xf32, #tpu.memory_space<vmem_shared>>)
    %dma_wait3A_158 = arith.constant 0 : i32
    %dma_wait3A_159 = arith.constant 0 : i32
    %dma_wait3A_160 = tpu.memref_slice %arg8[%arg1, %dma_wait3A_158, %dma_wait3A_159] : memref<16x80x128xi32, #tpu.memory_space<hbm>> -> memref<1x80x128xi32, #tpu.memory_space<hbm>>
    %dma_wait3A_161 = tpu.memref_squeeze %dma_wait3A_160 : memref<1x80x128xi32, #tpu.memory_space<hbm>> -> memref<80x128xi32, #tpu.memory_space<hbm>>
    %dma_wait3A_162 = arith.constant 0 : i32
    %dma_wait3A_163 = arith.constant 0 : i32
    %dma_wait3A_164 = tpu.memref_slice %arg8[%arg1, %dma_wait3A_162, %dma_wait3A_163] : memref<16x80x128xi32, #tpu.memory_space<hbm>> -> memref<1x80x128xi32, #tpu.memory_space<hbm>>
    %dma_wait3A_165 = tpu.memref_squeeze %dma_wait3A_164 : memref<1x80x128xi32, #tpu.memory_space<hbm>> -> memref<80x128xi32, #tpu.memory_space<hbm>>
    tpu.wait_dma2 semaphore(%arg26 : memref<!tpu.dma_semaphore, #tpu.memory_space<semaphore_mem>>) src(%dma_wait3A_165 : memref<80x128xi32, #tpu.memory_space<hbm>>) dst(%arg17 : memref<80x128xi32, #tpu.memory_space<vmem>>)
    %dma_wait3A_166 = arith.constant 0 : i32
    %dma_wait3A_167 = arith.constant 0 : i32
    %dma_wait3A_168 = tpu.memref_slice %arg9[%arg1, %dma_wait3A_166, %dma_wait3A_167] : memref<16x80x128xi32, #tpu.memory_space<hbm>> -> memref<1x80x128xi32, #tpu.memory_space<hbm>>
    %dma_wait3A_169 = tpu.memref_squeeze %dma_wait3A_168 : memref<1x80x128xi32, #tpu.memory_space<hbm>> -> memref<80x128xi32, #tpu.memory_space<hbm>>
    %dma_wait3A_170 = arith.constant 0 : i32
    %dma_wait3A_171 = arith.constant 0 : i32
    %dma_wait3A_172 = tpu.memref_slice %arg9[%arg1, %dma_wait3A_170, %dma_wait3A_171] : memref<16x80x128xi32, #tpu.memory_space<hbm>> -> memref<1x80x128xi32, #tpu.memory_space<hbm>>
    %dma_wait3A_173 = tpu.memref_squeeze %dma_wait3A_172 : memref<1x80x128xi32, #tpu.memory_space<hbm>> -> memref<80x128xi32, #tpu.memory_space<hbm>>
    tpu.wait_dma2 semaphore(%arg27 : memref<!tpu.dma_semaphore, #tpu.memory_space<semaphore_mem>>) src(%dma_wait3A_173 : memref<80x128xi32, #tpu.memory_space<hbm>>) dst(%arg18 : memref<80x128xi32, #tpu.memory_space<vmem>>)
    %barrier3A_174 = arith.constant 0 : index
    tpu.barrier barrier_id(%barrier3A_174)
    %dma_start3A_175 = arith.constant 0 : i32
    %dma_start3A_176 = arith.constant 0 : i32
    %dma_start3A_177 = tpu.memref_slice %arg17[%dma_start3A_175, %dma_start3A_176] : memref<80x128xi32, #tpu.memory_space<vmem>> -> memref<1x128xi32, #tpu.memory_space<vmem>>
    %dma_start3A_178 = tpu.memref_squeeze %dma_start3A_177 : memref<1x128xi32, #tpu.memory_space<vmem>> -> memref<128xi32, #tpu.memory_space<vmem>>
    %dma_start3A_179 = arith.constant 0 : i32
    %dma_start3A_180 = arith.constant 0 : i32
    %dma_start3A_181 = tpu.memref_slice %arg22[%dma_start3A_179, %dma_start3A_180] : memref<10112x64xf32, #tpu.memory_space<vmem_shared>> -> memref<10112x64xf32, #tpu.memory_space<vmem_shared>>
    tpu.enqueue_indirect_dma source(%dma_start3A_181 : memref<10112x64xf32, #tpu.memory_space<vmem_shared>>) target(%arg19 : memref<128x64xf32, #tpu.memory_space<vmem>>) offsets(%dma_start3A_178 : memref<128xi32, #tpu.memory_space<vmem>>) semaphore(%arg25 : memref<!tpu.dma_semaphore, #tpu.memory_space<semaphore_mem>>)
    %dma_start3A_182 = arith.constant 1 : i32
    %dma_start3A_183 = arith.constant 0 : i32
    %dma_start3A_184 = tpu.memref_slice %arg17[%dma_start3A_182, %dma_start3A_183] : memref<80x128xi32, #tpu.memory_space<vmem>> -> memref<1x128xi32, #tpu.memory_space<vmem>>
    %dma_start3A_185 = tpu.memref_squeeze %dma_start3A_184 : memref<1x128xi32, #tpu.memory_space<vmem>> -> memref<128xi32, #tpu.memory_space<vmem>>
    %dma_start3A_186 = arith.constant 0 : i32
    %dma_start3A_187 = arith.constant 0 : i32
    %dma_start3A_188 = tpu.memref_slice %arg22[%dma_start3A_186, %dma_start3A_187] : memref<10112x64xf32, #tpu.memory_space<vmem_shared>> -> memref<10112x64xf32, #tpu.memory_space<vmem_shared>>
    tpu.enqueue_indirect_dma source(%dma_start3A_188 : memref<10112x64xf32, #tpu.memory_space<vmem_shared>>) target(%arg20 : memref<128x64xf32, #tpu.memory_space<vmem>>) offsets(%dma_start3A_185 : memref<128xi32, #tpu.memory_space<vmem>>) semaphore(%arg26 : memref<!tpu.dma_semaphore, #tpu.memory_space<semaphore_mem>>)
    %scan3A_189 = arith.constant 0 : i32
    %scan3A_190 = arith.constant 40 : i32
    %scan3A_191 = arith.addi %scan3A_189, %scan3A_190 : i32
    %scan3A_192 = arith.constant 1 : i32
    scf.for %scan3A_430 = %scan3A_189 to %scan3A_191 step %scan3A_192  : i32 {
      %mul3A_431 = arith.constant 2 : i32
      %mul3A_432 = arith.muli %scan3A_430, %mul3A_431 : i32
      %add3A_433 = arith.constant 0 : i32
      %add3A_434 = arith.addi %add3A_433, %mul3A_432 : i32
      %add3A_435 = arith.constant 0 : i32
      %add3A_436 = arith.addi %add3A_434, %add3A_435 : i32
      %dma_wait3A_437 = arith.constant 0 : i32
      %dma_wait3A_438 = tpu.memref_slice %arg17[%add3A_436, %dma_wait3A_437] : memref<80x128xi32, #tpu.memory_space<vmem>> -> memref<1x128xi32, #tpu.memory_space<vmem>>
      %dma_wait3A_439 = tpu.memref_squeeze %dma_wait3A_438 : memref<1x128xi32, #tpu.memory_space<vmem>> -> memref<128xi32, #tpu.memory_space<vmem>>
      %dma_wait3A_440 = arith.constant 0 : i32
      %dma_wait3A_441 = arith.constant 0 : i32
      %dma_wait3A_442 = tpu.memref_slice %arg22[%dma_wait3A_440, %dma_wait3A_441] : memref<10112x64xf32, #tpu.memory_space<vmem_shared>> -> memref<10112x64xf32, #tpu.memory_space<vmem_shared>>
      tpu.wait_indirect_dma semaphore(%arg25 : memref<!tpu.dma_semaphore, #tpu.memory_space<semaphore_mem>>) src(%dma_wait3A_442 : memref<10112x64xf32, #tpu.memory_space<vmem_shared>>) dst(%arg19 : memref<128x64xf32, #tpu.memory_space<vmem>>)
      %dma_start3A_443 = arith.constant 0 : i32
      %dma_start3A_444 = tpu.memref_slice %arg18[%add3A_436, %dma_start3A_443] : memref<80x128xi32, #tpu.memory_space<vmem>> -> memref<1x128xi32, #tpu.memory_space<vmem>>
      %dma_start3A_445 = tpu.memref_squeeze %dma_start3A_444 : memref<1x128xi32, #tpu.memory_space<vmem>> -> memref<128xi32, #tpu.memory_space<vmem>>
      %dma_start3A_446 = arith.constant 0 : i32
      %dma_start3A_447 = arith.constant 0 : i32
      %dma_start3A_448 = tpu.memref_slice %arg23[%dma_start3A_446, %dma_start3A_447] : memref<10112x64xf32, #tpu.memory_space<vmem_shared>> -> memref<10112x64xf32, #tpu.memory_space<vmem_shared>>
      tpu.enqueue_indirect_dma source(%arg19 : memref<128x64xf32, #tpu.memory_space<vmem>>) target(%dma_start3A_448 : memref<10112x64xf32, #tpu.memory_space<vmem_shared>>) offsets(%dma_start3A_445 : memref<128xi32, #tpu.memory_space<vmem>>) semaphore(%arg27 : memref<!tpu.dma_semaphore, #tpu.memory_space<semaphore_mem>>) {add = true}
      %add3A_449 = arith.constant 2 : i32
      %add3A_450 = arith.addi %add3A_436, %add3A_449 : i32
      %lt3A_451 = arith.constant 80 : i32
      %lt3A_452 = arith.cmpi slt, %add3A_450, %lt3A_451 : i32
      %convert_element_type3A_453 = arith.extui %lt3A_452 : i1 to i32
      %cond3A_454 = arith.constant 0 : i32
      %cond3A_455 = arith.cmpi ne, %convert_element_type3A_453, %cond3A_454 : i32
      scf.if %cond3A_455 {
        %dma_wait3A_477 = arith.constant 0 : i32
        %dma_wait3A_478 = tpu.memref_slice %arg18[%add3A_436, %dma_wait3A_477] : memref<80x128xi32, #tpu.memory_space<vmem>> -> memref<1x128xi32, #tpu.memory_space<vmem>>
        %dma_wait3A_479 = tpu.memref_squeeze %dma_wait3A_478 : memref<1x128xi32, #tpu.memory_space<vmem>> -> memref<128xi32, #tpu.memory_space<vmem>>
        %dma_wait3A_480 = arith.constant 0 : i32
        %dma_wait3A_481 = arith.constant 0 : i32
        %dma_wait3A_482 = tpu.memref_slice %arg23[%dma_wait3A_480, %dma_wait3A_481] : memref<10112x64xf32, #tpu.memory_space<vmem_shared>> -> memref<10112x64xf32, #tpu.memory_space<vmem_shared>>
        tpu.wait_indirect_dma semaphore(%arg27 : memref<!tpu.dma_semaphore, #tpu.memory_space<semaphore_mem>>) src(%arg19 : memref<128x64xf32, #tpu.memory_space<vmem>>) dst(%dma_wait3A_482 : memref<10112x64xf32, #tpu.memory_space<vmem_shared>>)
        %add3A_483 = arith.constant 2 : i32
        %add3A_484 = arith.addi %add3A_436, %add3A_483 : i32
        %dma_start3A_485 = arith.constant 0 : i32
        %dma_start3A_486 = tpu.memref_slice %arg17[%add3A_484, %dma_start3A_485] : memref<80x128xi32, #tpu.memory_space<vmem>> -> memref<1x128xi32, #tpu.memory_space<vmem>>
        %dma_start3A_487 = tpu.memref_squeeze %dma_start3A_486 : memref<1x128xi32, #tpu.memory_space<vmem>> -> memref<128xi32, #tpu.memory_space<vmem>>
        %dma_start3A_488 = arith.constant 0 : i32
        %dma_start3A_489 = arith.constant 0 : i32
        %dma_start3A_490 = tpu.memref_slice %arg22[%dma_start3A_488, %dma_start3A_489] : memref<10112x64xf32, #tpu.memory_space<vmem_shared>> -> memref<10112x64xf32, #tpu.memory_space<vmem_shared>>
        tpu.enqueue_indirect_dma source(%dma_start3A_490 : memref<10112x64xf32, #tpu.memory_space<vmem_shared>>) target(%arg19 : memref<128x64xf32, #tpu.memory_space<vmem>>) offsets(%dma_start3A_487 : memref<128xi32, #tpu.memory_space<vmem>>) semaphore(%arg25 : memref<!tpu.dma_semaphore, #tpu.memory_space<semaphore_mem>>)
      } else {
      }
      %add3A_456 = arith.constant 1 : i32
      %add3A_457 = arith.addi %add3A_434, %add3A_456 : i32
      %dma_wait3A_458 = arith.constant 0 : i32
      %dma_wait3A_459 = tpu.memref_slice %arg17[%add3A_457, %dma_wait3A_458] : memref<80x128xi32, #tpu.memory_space<vmem>> -> memref<1x128xi32, #tpu.memory_space<vmem>>
      %dma_wait3A_460 = tpu.memref_squeeze %dma_wait3A_459 : memref<1x128xi32, #tpu.memory_space<vmem>> -> memref<128xi32, #tpu.memory_space<vmem>>
      %dma_wait3A_461 = arith.constant 0 : i32
      %dma_wait3A_462 = arith.constant 0 : i32
      %dma_wait3A_463 = tpu.memref_slice %arg22[%dma_wait3A_461, %dma_wait3A_462] : memref<10112x64xf32, #tpu.memory_space<vmem_shared>> -> memref<10112x64xf32, #tpu.memory_space<vmem_shared>>
      tpu.wait_indirect_dma semaphore(%arg26 : memref<!tpu.dma_semaphore, #tpu.memory_space<semaphore_mem>>) src(%dma_wait3A_463 : memref<10112x64xf32, #tpu.memory_space<vmem_shared>>) dst(%arg20 : memref<128x64xf32, #tpu.memory_space<vmem>>)
      %dma_start3A_464 = arith.constant 0 : i32
      %dma_start3A_465 = tpu.memref_slice %arg18[%add3A_457, %dma_start3A_464] : memref<80x128xi32, #tpu.memory_space<vmem>> -> memref<1x128xi32, #tpu.memory_space<vmem>>
      %dma_start3A_466 = tpu.memref_squeeze %dma_start3A_465 : memref<1x128xi32, #tpu.memory_space<vmem>> -> memref<128xi32, #tpu.memory_space<vmem>>
      %dma_start3A_467 = arith.constant 0 : i32
      %dma_start3A_468 = arith.constant 0 : i32
      %dma_start3A_469 = tpu.memref_slice %arg23[%dma_start3A_467, %dma_start3A_468] : memref<10112x64xf32, #tpu.memory_space<vmem_shared>> -> memref<10112x64xf32, #tpu.memory_space<vmem_shared>>
      tpu.enqueue_indirect_dma source(%arg20 : memref<128x64xf32, #tpu.memory_space<vmem>>) target(%dma_start3A_469 : memref<10112x64xf32, #tpu.memory_space<vmem_shared>>) offsets(%dma_start3A_466 : memref<128xi32, #tpu.memory_space<vmem>>) semaphore(%arg28 : memref<!tpu.dma_semaphore, #tpu.memory_space<semaphore_mem>>) {add = true}
      %add3A_470 = arith.constant 2 : i32
      %add3A_471 = arith.addi %add3A_457, %add3A_470 : i32
      %lt3A_472 = arith.constant 80 : i32
      %lt3A_473 = arith.cmpi slt, %add3A_471, %lt3A_472 : i32
      %convert_element_type3A_474 = arith.extui %lt3A_473 : i1 to i32
      %cond3A_475 = arith.constant 0 : i32
      %cond3A_476 = arith.cmpi ne, %convert_element_type3A_474, %cond3A_475 : i32
      scf.if %cond3A_476 {
        %dma_wait3A_477 = arith.constant 0 : i32
        %dma_wait3A_478 = tpu.memref_slice %arg18[%add3A_457, %dma_wait3A_477] : memref<80x128xi32, #tpu.memory_space<vmem>> -> memref<1x128xi32, #tpu.memory_space<vmem>>
        %dma_wait3A_479 = tpu.memref_squeeze %dma_wait3A_478 : memref<1x128xi32, #tpu.memory_space<vmem>> -> memref<128xi32, #tpu.memory_space<vmem>>
        %dma_wait3A_480 = arith.constant 0 : i32
        %dma_wait3A_481 = arith.constant 0 : i32
        %dma_wait3A_482 = tpu.memref_slice %arg23[%dma_wait3A_480, %dma_wait3A_481] : memref<10112x64xf32, #tpu.memory_space<vmem_shared>> -> memref<10112x64xf32, #tpu.memory_space<vmem_shared>>
        tpu.wait_indirect_dma semaphore(%arg28 : memref<!tpu.dma_semaphore, #tpu.memory_space<semaphore_mem>>) src(%arg20 : memref<128x64xf32, #tpu.memory_space<vmem>>) dst(%dma_wait3A_482 : memref<10112x64xf32, #tpu.memory_space<vmem_shared>>)
        %add3A_483 = arith.constant 2 : i32
        %add3A_484 = arith.addi %add3A_457, %add3A_483 : i32
        %dma_start3A_485 = arith.constant 0 : i32
        %dma_start3A_486 = tpu.memref_slice %arg17[%add3A_484, %dma_start3A_485] : memref<80x128xi32, #tpu.memory_space<vmem>> -> memref<1x128xi32, #tpu.memory_space<vmem>>
        %dma_start3A_487 = tpu.memref_squeeze %dma_start3A_486 : memref<1x128xi32, #tpu.memory_space<vmem>> -> memref<128xi32, #tpu.memory_space<vmem>>
        %dma_start3A_488 = arith.constant 0 : i32
        %dma_start3A_489 = arith.constant 0 : i32
        %dma_start3A_490 = tpu.memref_slice %arg22[%dma_start3A_488, %dma_start3A_489] : memref<10112x64xf32, #tpu.memory_space<vmem_shared>> -> memref<10112x64xf32, #tpu.memory_space<vmem_shared>>
        tpu.enqueue_indirect_dma source(%dma_start3A_490 : memref<10112x64xf32, #tpu.memory_space<vmem_shared>>) target(%arg20 : memref<128x64xf32, #tpu.memory_space<vmem>>) offsets(%dma_start3A_487 : memref<128xi32, #tpu.memory_space<vmem>>) semaphore(%arg26 : memref<!tpu.dma_semaphore, #tpu.memory_space<semaphore_mem>>)
      } else {
      }
    }
    %scan3A_193 = arith.constant 40 : i32
    %dma_wait3A_194 = arith.constant 78 : i32
    %dma_wait3A_195 = arith.constant 0 : i32
    %dma_wait3A_196 = tpu.memref_slice %arg18[%dma_wait3A_194, %dma_wait3A_195] : memref<80x128xi32, #tpu.memory_space<vmem>> -> memref<1x128xi32, #tpu.memory_space<vmem>>
    %dma_wait3A_197 = tpu.memref_squeeze %dma_wait3A_196 : memref<1x128xi32, #tpu.memory_space<vmem>> -> memref<128xi32, #tpu.memory_space<vmem>>
    %dma_wait3A_198 = arith.constant 0 : i32
    %dma_wait3A_199 = arith.constant 0 : i32
    %dma_wait3A_200 = tpu.memref_slice %arg23[%dma_wait3A_198, %dma_wait3A_199] : memref<10112x64xf32, #tpu.memory_space<vmem_shared>> -> memref<10112x64xf32, #tpu.memory_space<vmem_shared>>
    tpu.wait_indirect_dma semaphore(%arg27 : memref<!tpu.dma_semaphore, #tpu.memory_space<semaphore_mem>>) src(%arg19 : memref<128x64xf32, #tpu.memory_space<vmem>>) dst(%dma_wait3A_200 : memref<10112x64xf32, #tpu.memory_space<vmem_shared>>)
    %dma_wait3A_201 = arith.constant 79 : i32
    %dma_wait3A_202 = arith.constant 0 : i32
    %dma_wait3A_203 = tpu.memref_slice %arg18[%dma_wait3A_201, %dma_wait3A_202] : memref<80x128xi32, #tpu.memory_space<vmem>> -> memref<1x128xi32, #tpu.memory_space<vmem>>
    %dma_wait3A_204 = tpu.memref_squeeze %dma_wait3A_203 : memref<1x128xi32, #tpu.memory_space<vmem>> -> memref<128xi32, #tpu.memory_space<vmem>>
    %dma_wait3A_205 = arith.constant 0 : i32
    %dma_wait3A_206 = arith.constant 0 : i32
    %dma_wait3A_207 = tpu.memref_slice %arg23[%dma_wait3A_205, %dma_wait3A_206] : memref<10112x64xf32, #tpu.memory_space<vmem_shared>> -> memref<10112x64xf32, #tpu.memory_space<vmem_shared>>
    tpu.wait_indirect_dma semaphore(%arg28 : memref<!tpu.dma_semaphore, #tpu.memory_space<semaphore_mem>>) src(%arg20 : memref<128x64xf32, #tpu.memory_space<vmem>>) dst(%dma_wait3A_207 : memref<10112x64xf32, #tpu.memory_space<vmem_shared>>)
    %barrier3A_208 = arith.constant 0 : index
    tpu.barrier barrier_id(%barrier3A_208)
    %eq3A_209 = arith.constant 0 : i32
    %eq3A_210 = arith.cmpi eq, %arg0, %eq3A_209 : i32
    %convert_element_type3A_211 = arith.extui %eq3A_210 : i1 to i32
    %cond3A_212 = arith.constant 0 : i32
    %cond3A_213 = arith.cmpi ne, %convert_element_type3A_211, %cond3A_212 : i32
    scf.if %cond3A_213 {
      "tpu.region"() ({
        %run_scoped3A = tpu.sem_alloc : memref<!tpu.dma_semaphore, #tpu.memory_space<semaphore_mem>>
        %dma_start3A_430 = arith.constant 0 : i32
        %dma_start3A_431 = tpu.memref_slice %arg13[%mul3A_0, %dma_start3A_430] : memref<10112x64xf32, #tpu.memory_space<hbm>> -> memref<632x64xf32, #tpu.memory_space<hbm>>
        %dma_start3A_432 = arith.constant 0 : i32
        %dma_start3A_433 = tpu.memref_slice %arg23[%mul3A_0, %dma_start3A_432] : memref<10112x64xf32, #tpu.memory_space<vmem_shared>> -> memref<632x64xf32, #tpu.memory_space<vmem_shared>>
        tpu.enqueue_dma source(%dma_start3A_433 : memref<632x64xf32, #tpu.memory_space<vmem_shared>>) target(%dma_start3A_431 : memref<632x64xf32, #tpu.memory_space<hbm>>) target_semaphore(%run_scoped3A : memref<!tpu.dma_semaphore, #tpu.memory_space<semaphore_mem>>)
        %dma_wait3A_434 = arith.constant 0 : i32
        %dma_wait3A_435 = tpu.memref_slice %arg13[%mul3A_0, %dma_wait3A_434] : memref<10112x64xf32, #tpu.memory_space<hbm>> -> memref<632x64xf32, #tpu.memory_space<hbm>>
        %dma_wait3A_436 = arith.constant 0 : i32
        %dma_wait3A_437 = tpu.memref_slice %arg23[%mul3A_0, %dma_wait3A_436] : memref<10112x64xf32, #tpu.memory_space<vmem_shared>> -> memref<632x64xf32, #tpu.memory_space<vmem_shared>>
        tpu.wait_dma2 semaphore(%run_scoped3A : memref<!tpu.dma_semaphore, #tpu.memory_space<semaphore_mem>>) src(%dma_wait3A_437 : memref<632x64xf32, #tpu.memory_space<vmem_shared>>) dst(%dma_wait3A_435 : memref<632x64xf32, #tpu.memory_space<hbm>>)
        tpu.yield
      }) : () -> ()
    } else {
    }
    %eq3A_214 = arith.constant 1 : i32
    %eq3A_215 = arith.cmpi eq, %arg0, %eq3A_214 : i32
    %convert_element_type3A_216 = arith.extui %eq3A_215 : i1 to i32
    %cond3A_217 = arith.constant 0 : i32
    %cond3A_218 = arith.cmpi ne, %convert_element_type3A_216, %cond3A_217 : i32
    scf.if %cond3A_218 {
      "tpu.region"() ({
        %run_scoped3A = tpu.sem_alloc : memref<!tpu.dma_semaphore, #tpu.memory_space<semaphore_mem>>
        %dma_start3A_430 = arith.constant 0 : i32
        %dma_start3A_431 = tpu.memref_slice %arg15[%mul3A_0, %dma_start3A_430] : memref<10112x64xf32, #tpu.memory_space<hbm>> -> memref<632x64xf32, #tpu.memory_space<hbm>>
        %dma_start3A_432 = arith.constant 0 : i32
        %dma_start3A_433 = tpu.memref_slice %arg23[%mul3A_0, %dma_start3A_432] : memref<10112x64xf32, #tpu.memory_space<vmem_shared>> -> memref<632x64xf32, #tpu.memory_space<vmem_shared>>
        tpu.enqueue_dma source(%dma_start3A_433 : memref<632x64xf32, #tpu.memory_space<vmem_shared>>) target(%dma_start3A_431 : memref<632x64xf32, #tpu.memory_space<hbm>>) target_semaphore(%run_scoped3A : memref<!tpu.dma_semaphore, #tpu.memory_space<semaphore_mem>>)
        %dma_wait3A_434 = arith.constant 0 : i32
        %dma_wait3A_435 = tpu.memref_slice %arg15[%mul3A_0, %dma_wait3A_434] : memref<10112x64xf32, #tpu.memory_space<hbm>> -> memref<632x64xf32, #tpu.memory_space<hbm>>
        %dma_wait3A_436 = arith.constant 0 : i32
        %dma_wait3A_437 = tpu.memref_slice %arg23[%mul3A_0, %dma_wait3A_436] : memref<10112x64xf32, #tpu.memory_space<vmem_shared>> -> memref<632x64xf32, #tpu.memory_space<vmem_shared>>
        tpu.wait_dma2 semaphore(%run_scoped3A : memref<!tpu.dma_semaphore, #tpu.memory_space<semaphore_mem>>) src(%dma_wait3A_437 : memref<632x64xf32, #tpu.memory_space<vmem_shared>>) dst(%dma_wait3A_435 : memref<632x64xf32, #tpu.memory_space<hbm>>)
        tpu.yield
      }) : () -> ()
    } else {
    }
    %barrier3A_219 = arith.constant 0 : index
    tpu.barrier barrier_id(%barrier3A_219)
    %dma_start3A_220 = arith.constant 0 : i32
    %dma_start3A_221 = tpu.memref_slice %arg23[%mul3A_0, %dma_start3A_220] : memref<10112x64xf32, #tpu.memory_space<vmem_shared>> -> memref<632x64xf32, #tpu.memory_space<vmem_shared>>
    tpu.enqueue_dma source(%arg10 : memref<632x64xf32, #tpu.memory_space<hbm>>) target(%dma_start3A_221 : memref<632x64xf32, #tpu.memory_space<vmem_shared>>) target_semaphore(%arg25 : memref<!tpu.dma_semaphore, #tpu.memory_space<semaphore_mem>>)
    %dma_start3A_222 = arith.constant 0 : i32
    %dma_start3A_223 = arith.constant 0 : i32
    %dma_start3A_224 = tpu.memref_slice %arg6[%arg1, %dma_start3A_222, %dma_start3A_223] : memref<16x80x128xi32, #tpu.memory_space<hbm>> -> memref<1x80x128xi32, #tpu.memory_space<hbm>>
    %dma_start3A_225 = tpu.memref_squeeze %dma_start3A_224 : memref<1x80x128xi32, #tpu.memory_space<hbm>> -> memref<80x128xi32, #tpu.memory_space<hbm>>
    %dma_start3A_226 = arith.constant 0 : i32
    %dma_start3A_227 = arith.constant 0 : i32
    %dma_start3A_228 = tpu.memref_slice %arg6[%arg1, %dma_start3A_226, %dma_start3A_227] : memref<16x80x128xi32, #tpu.memory_space<hbm>> -> memref<1x80x128xi32, #tpu.memory_space<hbm>>
    %dma_start3A_229 = tpu.memref_squeeze %dma_start3A_228 : memref<1x80x128xi32, #tpu.memory_space<hbm>> -> memref<80x128xi32, #tpu.memory_space<hbm>>
    tpu.enqueue_dma source(%dma_start3A_229 : memref<80x128xi32, #tpu.memory_space<hbm>>) target(%arg17 : memref<80x128xi32, #tpu.memory_space<vmem>>) target_semaphore(%arg26 : memref<!tpu.dma_semaphore, #tpu.memory_space<semaphore_mem>>)
    %dma_start3A_230 = arith.constant 0 : i32
    %dma_start3A_231 = arith.constant 0 : i32
    %dma_start3A_232 = tpu.memref_slice %arg7[%arg1, %dma_start3A_230, %dma_start3A_231] : memref<16x80x128xi32, #tpu.memory_space<hbm>> -> memref<1x80x128xi32, #tpu.memory_space<hbm>>
    %dma_start3A_233 = tpu.memref_squeeze %dma_start3A_232 : memref<1x80x128xi32, #tpu.memory_space<hbm>> -> memref<80x128xi32, #tpu.memory_space<hbm>>
    %dma_start3A_234 = arith.constant 0 : i32
    %dma_start3A_235 = arith.constant 0 : i32
    %dma_start3A_236 = tpu.memref_slice %arg7[%arg1, %dma_start3A_234, %dma_start3A_235] : memref<16x80x128xi32, #tpu.memory_space<hbm>> -> memref<1x80x128xi32, #tpu.memory_space<hbm>>
    %dma_start3A_237 = tpu.memref_squeeze %dma_start3A_236 : memref<1x80x128xi32, #tpu.memory_space<hbm>> -> memref<80x128xi32, #tpu.memory_space<hbm>>
    tpu.enqueue_dma source(%dma_start3A_237 : memref<80x128xi32, #tpu.memory_space<hbm>>) target(%arg18 : memref<80x128xi32, #tpu.memory_space<vmem>>) target_semaphore(%arg27 : memref<!tpu.dma_semaphore, #tpu.memory_space<semaphore_mem>>)
    %mul3A_238 = arith.constant 1000 : i32
    %mul3A_239 = arith.muli %arg1, %mul3A_238 : i32
    %eq3A_240 = arith.constant 0 : i32
    %eq3A_241 = arith.cmpi eq, %arg0, %eq3A_240 : i32
    %lt3A_242 = arith.constant 10 : i32
    %lt3A_243 = arith.cmpi slt, %arg1, %lt3A_242 : i32
    %and3A_244 = arith.andi %eq3A_241, %lt3A_243 : i1
    %convert_element_type3A_245 = arith.extui %and3A_244 : i1 to i32
    %cond3A_246 = arith.constant 0 : i32
    %cond3A_247 = arith.cmpi ne, %convert_element_type3A_245, %cond3A_246 : i32
    scf.if %cond3A_247 {
      %dma_start3A_430 = arith.constant 0 : i32
      %dma_start3A_431 = tpu.memref_slice %arg22[%mul3A_239, %dma_start3A_430] : memref<10112x64xf32, #tpu.memory_space<vmem_shared>> -> memref<1000x64xf32, #tpu.memory_space<vmem_shared>>
      %dma_start3A_432 = arith.constant 0 : i32
      %dma_start3A_433 = tpu.memref_slice %arg3[%mul3A_239, %dma_start3A_432] : memref<10000x64xf32, #tpu.memory_space<hbm>> -> memref<1000x64xf32, #tpu.memory_space<hbm>>
      tpu.enqueue_dma source(%dma_start3A_433 : memref<1000x64xf32, #tpu.memory_space<hbm>>) target(%dma_start3A_431 : memref<1000x64xf32, #tpu.memory_space<vmem_shared>>) target_semaphore(%arg25 : memref<!tpu.dma_semaphore, #tpu.memory_space<semaphore_mem>>)
    } else {
    }
    %eq3A_248 = arith.constant 1 : i32
    %eq3A_249 = arith.cmpi eq, %arg0, %eq3A_248 : i32
    %lt3A_250 = arith.constant 10 : i32
    %lt3A_251 = arith.cmpi slt, %arg1, %lt3A_250 : i32
    %and3A_252 = arith.andi %eq3A_249, %lt3A_251 : i1
    %convert_element_type3A_253 = arith.extui %and3A_252 : i1 to i32
    %cond3A_254 = arith.constant 0 : i32
    %cond3A_255 = arith.cmpi ne, %convert_element_type3A_253, %cond3A_254 : i32
    scf.if %cond3A_255 {
      %dma_start3A_430 = arith.constant 0 : i32
      %dma_start3A_431 = tpu.memref_slice %arg22[%mul3A_239, %dma_start3A_430] : memref<10112x64xf32, #tpu.memory_space<vmem_shared>> -> memref<1000x64xf32, #tpu.memory_space<vmem_shared>>
      %dma_start3A_432 = arith.constant 0 : i32
      %dma_start3A_433 = tpu.memref_slice %arg5[%mul3A_239, %dma_start3A_432] : memref<10000x64xf32, #tpu.memory_space<hbm>> -> memref<1000x64xf32, #tpu.memory_space<hbm>>
      tpu.enqueue_dma source(%dma_start3A_433 : memref<1000x64xf32, #tpu.memory_space<hbm>>) target(%dma_start3A_431 : memref<1000x64xf32, #tpu.memory_space<vmem_shared>>) target_semaphore(%arg25 : memref<!tpu.dma_semaphore, #tpu.memory_space<semaphore_mem>>)
    } else {
    }
    %dma_wait3A_256 = arith.constant 0 : i32
    %dma_wait3A_257 = tpu.memref_slice %arg23[%mul3A_0, %dma_wait3A_256] : memref<10112x64xf32, #tpu.memory_space<vmem_shared>> -> memref<632x64xf32, #tpu.memory_space<vmem_shared>>
    tpu.wait_dma2 semaphore(%arg25 : memref<!tpu.dma_semaphore, #tpu.memory_space<semaphore_mem>>) src(%arg10 : memref<632x64xf32, #tpu.memory_space<hbm>>) dst(%dma_wait3A_257 : memref<632x64xf32, #tpu.memory_space<vmem_shared>>)
    %dma_wait3A_258 = arith.constant 0 : i32
    %dma_wait3A_259 = arith.constant 0 : i32
    %dma_wait3A_260 = tpu.memref_slice %arg6[%arg1, %dma_wait3A_258, %dma_wait3A_259] : memref<16x80x128xi32, #tpu.memory_space<hbm>> -> memref<1x80x128xi32, #tpu.memory_space<hbm>>
    %dma_wait3A_261 = tpu.memref_squeeze %dma_wait3A_260 : memref<1x80x128xi32, #tpu.memory_space<hbm>> -> memref<80x128xi32, #tpu.memory_space<hbm>>
    %dma_wait3A_262 = arith.constant 0 : i32
    %dma_wait3A_263 = arith.constant 0 : i32
    %dma_wait3A_264 = tpu.memref_slice %arg6[%arg1, %dma_wait3A_262, %dma_wait3A_263] : memref<16x80x128xi32, #tpu.memory_space<hbm>> -> memref<1x80x128xi32, #tpu.memory_space<hbm>>
    %dma_wait3A_265 = tpu.memref_squeeze %dma_wait3A_264 : memref<1x80x128xi32, #tpu.memory_space<hbm>> -> memref<80x128xi32, #tpu.memory_space<hbm>>
    tpu.wait_dma2 semaphore(%arg26 : memref<!tpu.dma_semaphore, #tpu.memory_space<semaphore_mem>>) src(%dma_wait3A_265 : memref<80x128xi32, #tpu.memory_space<hbm>>) dst(%arg17 : memref<80x128xi32, #tpu.memory_space<vmem>>)
    %dma_wait3A_266 = arith.constant 0 : i32
    %dma_wait3A_267 = arith.constant 0 : i32
    %dma_wait3A_268 = tpu.memref_slice %arg7[%arg1, %dma_wait3A_266, %dma_wait3A_267] : memref<16x80x128xi32, #tpu.memory_space<hbm>> -> memref<1x80x128xi32, #tpu.memory_space<hbm>>
    %dma_wait3A_269 = tpu.memref_squeeze %dma_wait3A_268 : memref<1x80x128xi32, #tpu.memory_space<hbm>> -> memref<80x128xi32, #tpu.memory_space<hbm>>
    %dma_wait3A_270 = arith.constant 0 : i32
    %dma_wait3A_271 = arith.constant 0 : i32
    %dma_wait3A_272 = tpu.memref_slice %arg7[%arg1, %dma_wait3A_270, %dma_wait3A_271] : memref<16x80x128xi32, #tpu.memory_space<hbm>> -> memref<1x80x128xi32, #tpu.memory_space<hbm>>
    %dma_wait3A_273 = tpu.memref_squeeze %dma_wait3A_272 : memref<1x80x128xi32, #tpu.memory_space<hbm>> -> memref<80x128xi32, #tpu.memory_space<hbm>>
    tpu.wait_dma2 semaphore(%arg27 : memref<!tpu.dma_semaphore, #tpu.memory_space<semaphore_mem>>) src(%dma_wait3A_273 : memref<80x128xi32, #tpu.memory_space<hbm>>) dst(%arg18 : memref<80x128xi32, #tpu.memory_space<vmem>>)
    %lt3A_274 = arith.constant 10 : i32
    %lt3A_275 = arith.cmpi slt, %arg1, %lt3A_274 : i32
    %convert_element_type3A_276 = arith.extui %lt3A_275 : i1 to i32
    %cond3A_277 = arith.constant 0 : i32
    %cond3A_278 = arith.cmpi ne, %convert_element_type3A_276, %cond3A_277 : i32
    scf.if %cond3A_278 {
      %dma_wait3A_430 = arith.constant 0 : i32
      %dma_wait3A_431 = tpu.memref_slice %arg22[%mul3A_239, %dma_wait3A_430] : memref<10112x64xf32, #tpu.memory_space<vmem_shared>> -> memref<1000x64xf32, #tpu.memory_space<vmem_shared>>
      %dma_wait3A_432 = arith.constant 0 : i32
      %dma_wait3A_433 = tpu.memref_slice %arg2[%mul3A_239, %dma_wait3A_432] : memref<10000x64xf32, #tpu.memory_space<hbm>> -> memref<1000x64xf32, #tpu.memory_space<hbm>>
      tpu.wait_dma2 semaphore(%arg25 : memref<!tpu.dma_semaphore, #tpu.memory_space<semaphore_mem>>) src(%dma_wait3A_433 : memref<1000x64xf32, #tpu.memory_space<hbm>>) dst(%dma_wait3A_431 : memref<1000x64xf32, #tpu.memory_space<vmem_shared>>)
    } else {
    }
    %barrier3A_279 = arith.constant 0 : index
    tpu.barrier barrier_id(%barrier3A_279)
    %dma_start3A_280 = arith.constant 0 : i32
    %dma_start3A_281 = arith.constant 0 : i32
    %dma_start3A_282 = tpu.memref_slice %arg17[%dma_start3A_280, %dma_start3A_281] : memref<80x128xi32, #tpu.memory_space<vmem>> -> memref<1x128xi32, #tpu.memory_space<vmem>>
    %dma_start3A_283 = tpu.memref_squeeze %dma_start3A_282 : memref<1x128xi32, #tpu.memory_space<vmem>> -> memref<128xi32, #tpu.memory_space<vmem>>
    %dma_start3A_284 = arith.constant 0 : i32
    %dma_start3A_285 = arith.constant 0 : i32
    %dma_start3A_286 = tpu.memref_slice %arg22[%dma_start3A_284, %dma_start3A_285] : memref<10112x64xf32, #tpu.memory_space<vmem_shared>> -> memref<10112x64xf32, #tpu.memory_space<vmem_shared>>
    tpu.enqueue_indirect_dma source(%dma_start3A_286 : memref<10112x64xf32, #tpu.memory_space<vmem_shared>>) target(%arg19 : memref<128x64xf32, #tpu.memory_space<vmem>>) offsets(%dma_start3A_283 : memref<128xi32, #tpu.memory_space<vmem>>) semaphore(%arg25 : memref<!tpu.dma_semaphore, #tpu.memory_space<semaphore_mem>>)
    %dma_start3A_287 = arith.constant 1 : i32
    %dma_start3A_288 = arith.constant 0 : i32
    %dma_start3A_289 = tpu.memref_slice %arg17[%dma_start3A_287, %dma_start3A_288] : memref<80x128xi32, #tpu.memory_space<vmem>> -> memref<1x128xi32, #tpu.memory_space<vmem>>
    %dma_start3A_290 = tpu.memref_squeeze %dma_start3A_289 : memref<1x128xi32, #tpu.memory_space<vmem>> -> memref<128xi32, #tpu.memory_space<vmem>>
    %dma_start3A_291 = arith.constant 0 : i32
    %dma_start3A_292 = arith.constant 0 : i32
    %dma_start3A_293 = tpu.memref_slice %arg22[%dma_start3A_291, %dma_start3A_292] : memref<10112x64xf32, #tpu.memory_space<vmem_shared>> -> memref<10112x64xf32, #tpu.memory_space<vmem_shared>>
    tpu.enqueue_indirect_dma source(%dma_start3A_293 : memref<10112x64xf32, #tpu.memory_space<vmem_shared>>) target(%arg20 : memref<128x64xf32, #tpu.memory_space<vmem>>) offsets(%dma_start3A_290 : memref<128xi32, #tpu.memory_space<vmem>>) semaphore(%arg26 : memref<!tpu.dma_semaphore, #tpu.memory_space<semaphore_mem>>)
    %scan3A_294 = arith.constant 0 : i32
    %scan3A_295 = arith.constant 40 : i32
    %scan3A_296 = arith.addi %scan3A_294, %scan3A_295 : i32
    %scan3A_297 = arith.constant 1 : i32
    scf.for %scan3A_430 = %scan3A_294 to %scan3A_296 step %scan3A_297  : i32 {
      %mul3A_431 = arith.constant 2 : i32
      %mul3A_432 = arith.muli %scan3A_430, %mul3A_431 : i32
      %add3A_433 = arith.constant 0 : i32
      %add3A_434 = arith.addi %add3A_433, %mul3A_432 : i32
      %add3A_435 = arith.constant 0 : i32
      %add3A_436 = arith.addi %add3A_434, %add3A_435 : i32
      %dma_wait3A_437 = arith.constant 0 : i32
      %dma_wait3A_438 = tpu.memref_slice %arg17[%add3A_436, %dma_wait3A_437] : memref<80x128xi32, #tpu.memory_space<vmem>> -> memref<1x128xi32, #tpu.memory_space<vmem>>
      %dma_wait3A_439 = tpu.memref_squeeze %dma_wait3A_438 : memref<1x128xi32, #tpu.memory_space<vmem>> -> memref<128xi32, #tpu.memory_space<vmem>>
      %dma_wait3A_440 = arith.constant 0 : i32
      %dma_wait3A_441 = arith.constant 0 : i32
      %dma_wait3A_442 = tpu.memref_slice %arg22[%dma_wait3A_440, %dma_wait3A_441] : memref<10112x64xf32, #tpu.memory_space<vmem_shared>> -> memref<10112x64xf32, #tpu.memory_space<vmem_shared>>
      tpu.wait_indirect_dma semaphore(%arg25 : memref<!tpu.dma_semaphore, #tpu.memory_space<semaphore_mem>>) src(%dma_wait3A_442 : memref<10112x64xf32, #tpu.memory_space<vmem_shared>>) dst(%arg19 : memref<128x64xf32, #tpu.memory_space<vmem>>)
      %dma_start3A_443 = arith.constant 0 : i32
      %dma_start3A_444 = tpu.memref_slice %arg18[%add3A_436, %dma_start3A_443] : memref<80x128xi32, #tpu.memory_space<vmem>> -> memref<1x128xi32, #tpu.memory_space<vmem>>
      %dma_start3A_445 = tpu.memref_squeeze %dma_start3A_444 : memref<1x128xi32, #tpu.memory_space<vmem>> -> memref<128xi32, #tpu.memory_space<vmem>>
      %dma_start3A_446 = arith.constant 0 : i32
      %dma_start3A_447 = arith.constant 0 : i32
      %dma_start3A_448 = tpu.memref_slice %arg23[%dma_start3A_446, %dma_start3A_447] : memref<10112x64xf32, #tpu.memory_space<vmem_shared>> -> memref<10112x64xf32, #tpu.memory_space<vmem_shared>>
      tpu.enqueue_indirect_dma source(%arg19 : memref<128x64xf32, #tpu.memory_space<vmem>>) target(%dma_start3A_448 : memref<10112x64xf32, #tpu.memory_space<vmem_shared>>) offsets(%dma_start3A_445 : memref<128xi32, #tpu.memory_space<vmem>>) semaphore(%arg27 : memref<!tpu.dma_semaphore, #tpu.memory_space<semaphore_mem>>) {add = true}
      %add3A_449 = arith.constant 2 : i32
      %add3A_450 = arith.addi %add3A_436, %add3A_449 : i32
      %lt3A_451 = arith.constant 80 : i32
      %lt3A_452 = arith.cmpi slt, %add3A_450, %lt3A_451 : i32
      %convert_element_type3A_453 = arith.extui %lt3A_452 : i1 to i32
      %cond3A_454 = arith.constant 0 : i32
      %cond3A_455 = arith.cmpi ne, %convert_element_type3A_453, %cond3A_454 : i32
      scf.if %cond3A_455 {
        %dma_wait3A_477 = arith.constant 0 : i32
        %dma_wait3A_478 = tpu.memref_slice %arg18[%add3A_436, %dma_wait3A_477] : memref<80x128xi32, #tpu.memory_space<vmem>> -> memref<1x128xi32, #tpu.memory_space<vmem>>
        %dma_wait3A_479 = tpu.memref_squeeze %dma_wait3A_478 : memref<1x128xi32, #tpu.memory_space<vmem>> -> memref<128xi32, #tpu.memory_space<vmem>>
        %dma_wait3A_480 = arith.constant 0 : i32
        %dma_wait3A_481 = arith.constant 0 : i32
        %dma_wait3A_482 = tpu.memref_slice %arg23[%dma_wait3A_480, %dma_wait3A_481] : memref<10112x64xf32, #tpu.memory_space<vmem_shared>> -> memref<10112x64xf32, #tpu.memory_space<vmem_shared>>
        tpu.wait_indirect_dma semaphore(%arg27 : memref<!tpu.dma_semaphore, #tpu.memory_space<semaphore_mem>>) src(%arg19 : memref<128x64xf32, #tpu.memory_space<vmem>>) dst(%dma_wait3A_482 : memref<10112x64xf32, #tpu.memory_space<vmem_shared>>)
        %add3A_483 = arith.constant 2 : i32
        %add3A_484 = arith.addi %add3A_436, %add3A_483 : i32
        %dma_start3A_485 = arith.constant 0 : i32
        %dma_start3A_486 = tpu.memref_slice %arg17[%add3A_484, %dma_start3A_485] : memref<80x128xi32, #tpu.memory_space<vmem>> -> memref<1x128xi32, #tpu.memory_space<vmem>>
        %dma_start3A_487 = tpu.memref_squeeze %dma_start3A_486 : memref<1x128xi32, #tpu.memory_space<vmem>> -> memref<128xi32, #tpu.memory_space<vmem>>
        %dma_start3A_488 = arith.constant 0 : i32
        %dma_start3A_489 = arith.constant 0 : i32
        %dma_start3A_490 = tpu.memref_slice %arg22[%dma_start3A_488, %dma_start3A_489] : memref<10112x64xf32, #tpu.memory_space<vmem_shared>> -> memref<10112x64xf32, #tpu.memory_space<vmem_shared>>
        tpu.enqueue_indirect_dma source(%dma_start3A_490 : memref<10112x64xf32, #tpu.memory_space<vmem_shared>>) target(%arg19 : memref<128x64xf32, #tpu.memory_space<vmem>>) offsets(%dma_start3A_487 : memref<128xi32, #tpu.memory_space<vmem>>) semaphore(%arg25 : memref<!tpu.dma_semaphore, #tpu.memory_space<semaphore_mem>>)
      } else {
      }
      %add3A_456 = arith.constant 1 : i32
      %add3A_457 = arith.addi %add3A_434, %add3A_456 : i32
      %dma_wait3A_458 = arith.constant 0 : i32
      %dma_wait3A_459 = tpu.memref_slice %arg17[%add3A_457, %dma_wait3A_458] : memref<80x128xi32, #tpu.memory_space<vmem>> -> memref<1x128xi32, #tpu.memory_space<vmem>>
      %dma_wait3A_460 = tpu.memref_squeeze %dma_wait3A_459 : memref<1x128xi32, #tpu.memory_space<vmem>> -> memref<128xi32, #tpu.memory_space<vmem>>
      %dma_wait3A_461 = arith.constant 0 : i32
      %dma_wait3A_462 = arith.constant 0 : i32
      %dma_wait3A_463 = tpu.memref_slice %arg22[%dma_wait3A_461, %dma_wait3A_462] : memref<10112x64xf32, #tpu.memory_space<vmem_shared>> -> memref<10112x64xf32, #tpu.memory_space<vmem_shared>>
      tpu.wait_indirect_dma semaphore(%arg26 : memref<!tpu.dma_semaphore, #tpu.memory_space<semaphore_mem>>) src(%dma_wait3A_463 : memref<10112x64xf32, #tpu.memory_space<vmem_shared>>) dst(%arg20 : memref<128x64xf32, #tpu.memory_space<vmem>>)
      %dma_start3A_464 = arith.constant 0 : i32
      %dma_start3A_465 = tpu.memref_slice %arg18[%add3A_457, %dma_start3A_464] : memref<80x128xi32, #tpu.memory_space<vmem>> -> memref<1x128xi32, #tpu.memory_space<vmem>>
      %dma_start3A_466 = tpu.memref_squeeze %dma_start3A_465 : memref<1x128xi32, #tpu.memory_space<vmem>> -> memref<128xi32, #tpu.memory_space<vmem>>
      %dma_start3A_467 = arith.constant 0 : i32
      %dma_start3A_468 = arith.constant 0 : i32
      %dma_start3A_469 = tpu.memref_slice %arg23[%dma_start3A_467, %dma_start3A_468] : memref<10112x64xf32, #tpu.memory_space<vmem_shared>> -> memref<10112x64xf32, #tpu.memory_space<vmem_shared>>
      tpu.enqueue_indirect_dma source(%arg20 : memref<128x64xf32, #tpu.memory_space<vmem>>) target(%dma_start3A_469 : memref<10112x64xf32, #tpu.memory_space<vmem_shared>>) offsets(%dma_start3A_466 : memref<128xi32, #tpu.memory_space<vmem>>) semaphore(%arg28 : memref<!tpu.dma_semaphore, #tpu.memory_space<semaphore_mem>>) {add = true}
      %add3A_470 = arith.constant 2 : i32
      %add3A_471 = arith.addi %add3A_457, %add3A_470 : i32
      %lt3A_472 = arith.constant 80 : i32
      %lt3A_473 = arith.cmpi slt, %add3A_471, %lt3A_472 : i32
      %convert_element_type3A_474 = arith.extui %lt3A_473 : i1 to i32
      %cond3A_475 = arith.constant 0 : i32
      %cond3A_476 = arith.cmpi ne, %convert_element_type3A_474, %cond3A_475 : i32
      scf.if %cond3A_476 {
        %dma_wait3A_477 = arith.constant 0 : i32
        %dma_wait3A_478 = tpu.memref_slice %arg18[%add3A_457, %dma_wait3A_477] : memref<80x128xi32, #tpu.memory_space<vmem>> -> memref<1x128xi32, #tpu.memory_space<vmem>>
        %dma_wait3A_479 = tpu.memref_squeeze %dma_wait3A_478 : memref<1x128xi32, #tpu.memory_space<vmem>> -> memref<128xi32, #tpu.memory_space<vmem>>
        %dma_wait3A_480 = arith.constant 0 : i32
        %dma_wait3A_481 = arith.constant 0 : i32
        %dma_wait3A_482 = tpu.memref_slice %arg23[%dma_wait3A_480, %dma_wait3A_481] : memref<10112x64xf32, #tpu.memory_space<vmem_shared>> -> memref<10112x64xf32, #tpu.memory_space<vmem_shared>>
        tpu.wait_indirect_dma semaphore(%arg28 : memref<!tpu.dma_semaphore, #tpu.memory_space<semaphore_mem>>) src(%arg20 : memref<128x64xf32, #tpu.memory_space<vmem>>) dst(%dma_wait3A_482 : memref<10112x64xf32, #tpu.memory_space<vmem_shared>>)
        %add3A_483 = arith.constant 2 : i32
        %add3A_484 = arith.addi %add3A_457, %add3A_483 : i32
        %dma_start3A_485 = arith.constant 0 : i32
        %dma_start3A_486 = tpu.memref_slice %arg17[%add3A_484, %dma_start3A_485] : memref<80x128xi32, #tpu.memory_space<vmem>> -> memref<1x128xi32, #tpu.memory_space<vmem>>
        %dma_start3A_487 = tpu.memref_squeeze %dma_start3A_486 : memref<1x128xi32, #tpu.memory_space<vmem>> -> memref<128xi32, #tpu.memory_space<vmem>>
        %dma_start3A_488 = arith.constant 0 : i32
        %dma_start3A_489 = arith.constant 0 : i32
        %dma_start3A_490 = tpu.memref_slice %arg22[%dma_start3A_488, %dma_start3A_489] : memref<10112x64xf32, #tpu.memory_space<vmem_shared>> -> memref<10112x64xf32, #tpu.memory_space<vmem_shared>>
        tpu.enqueue_indirect_dma source(%dma_start3A_490 : memref<10112x64xf32, #tpu.memory_space<vmem_shared>>) target(%arg20 : memref<128x64xf32, #tpu.memory_space<vmem>>) offsets(%dma_start3A_487 : memref<128xi32, #tpu.memory_space<vmem>>) semaphore(%arg26 : memref<!tpu.dma_semaphore, #tpu.memory_space<semaphore_mem>>)
      } else {
      }
    }
    %scan3A_298 = arith.constant 40 : i32
    %dma_wait3A_299 = arith.constant 78 : i32
    %dma_wait3A_300 = arith.constant 0 : i32
    %dma_wait3A_301 = tpu.memref_slice %arg18[%dma_wait3A_299, %dma_wait3A_300] : memref<80x128xi32, #tpu.memory_space<vmem>> -> memref<1x128xi32, #tpu.memory_space<vmem>>
    %dma_wait3A_302 = tpu.memref_squeeze %dma_wait3A_301 : memref<1x128xi32, #tpu.memory_space<vmem>> -> memref<128xi32, #tpu.memory_space<vmem>>
    %dma_wait3A_303 = arith.constant 0 : i32
    %dma_wait3A_304 = arith.constant 0 : i32
    %dma_wait3A_305 = tpu.memref_slice %arg23[%dma_wait3A_303, %dma_wait3A_304] : memref<10112x64xf32, #tpu.memory_space<vmem_shared>> -> memref<10112x64xf32, #tpu.memory_space<vmem_shared>>
    tpu.wait_indirect_dma semaphore(%arg27 : memref<!tpu.dma_semaphore, #tpu.memory_space<semaphore_mem>>) src(%arg19 : memref<128x64xf32, #tpu.memory_space<vmem>>) dst(%dma_wait3A_305 : memref<10112x64xf32, #tpu.memory_space<vmem_shared>>)
    %dma_wait3A_306 = arith.constant 79 : i32
    %dma_wait3A_307 = arith.constant 0 : i32
    %dma_wait3A_308 = tpu.memref_slice %arg18[%dma_wait3A_306, %dma_wait3A_307] : memref<80x128xi32, #tpu.memory_space<vmem>> -> memref<1x128xi32, #tpu.memory_space<vmem>>
    %dma_wait3A_309 = tpu.memref_squeeze %dma_wait3A_308 : memref<1x128xi32, #tpu.memory_space<vmem>> -> memref<128xi32, #tpu.memory_space<vmem>>
    %dma_wait3A_310 = arith.constant 0 : i32
    %dma_wait3A_311 = arith.constant 0 : i32
    %dma_wait3A_312 = tpu.memref_slice %arg23[%dma_wait3A_310, %dma_wait3A_311] : memref<10112x64xf32, #tpu.memory_space<vmem_shared>> -> memref<10112x64xf32, #tpu.memory_space<vmem_shared>>
    tpu.wait_indirect_dma semaphore(%arg28 : memref<!tpu.dma_semaphore, #tpu.memory_space<semaphore_mem>>) src(%arg20 : memref<128x64xf32, #tpu.memory_space<vmem>>) dst(%dma_wait3A_312 : memref<10112x64xf32, #tpu.memory_space<vmem_shared>>)
    %barrier3A_313 = arith.constant 0 : index
    tpu.barrier barrier_id(%barrier3A_313)
    %dma_start3A_314 = arith.constant 0 : i32
    %dma_start3A_315 = arith.constant 0 : i32
    %dma_start3A_316 = tpu.memref_slice %arg8[%arg1, %dma_start3A_314, %dma_start3A_315] : memref<16x80x128xi32, #tpu.memory_space<hbm>> -> memref<1x80x128xi32, #tpu.memory_space<hbm>>
    %dma_start3A_317 = tpu.memref_squeeze %dma_start3A_316 : memref<1x80x128xi32, #tpu.memory_space<hbm>> -> memref<80x128xi32, #tpu.memory_space<hbm>>
    %dma_start3A_318 = arith.constant 0 : i32
    %dma_start3A_319 = arith.constant 0 : i32
    %dma_start3A_320 = tpu.memref_slice %arg8[%arg1, %dma_start3A_318, %dma_start3A_319] : memref<16x80x128xi32, #tpu.memory_space<hbm>> -> memref<1x80x128xi32, #tpu.memory_space<hbm>>
    %dma_start3A_321 = tpu.memref_squeeze %dma_start3A_320 : memref<1x80x128xi32, #tpu.memory_space<hbm>> -> memref<80x128xi32, #tpu.memory_space<hbm>>
    tpu.enqueue_dma source(%dma_start3A_321 : memref<80x128xi32, #tpu.memory_space<hbm>>) target(%arg17 : memref<80x128xi32, #tpu.memory_space<vmem>>) target_semaphore(%arg26 : memref<!tpu.dma_semaphore, #tpu.memory_space<semaphore_mem>>)
    %dma_start3A_322 = arith.constant 0 : i32
    %dma_start3A_323 = arith.constant 0 : i32
    %dma_start3A_324 = tpu.memref_slice %arg9[%arg1, %dma_start3A_322, %dma_start3A_323] : memref<16x80x128xi32, #tpu.memory_space<hbm>> -> memref<1x80x128xi32, #tpu.memory_space<hbm>>
    %dma_start3A_325 = tpu.memref_squeeze %dma_start3A_324 : memref<1x80x128xi32, #tpu.memory_space<hbm>> -> memref<80x128xi32, #tpu.memory_space<hbm>>
    %dma_start3A_326 = arith.constant 0 : i32
    %dma_start3A_327 = arith.constant 0 : i32
    %dma_start3A_328 = tpu.memref_slice %arg9[%arg1, %dma_start3A_326, %dma_start3A_327] : memref<16x80x128xi32, #tpu.memory_space<hbm>> -> memref<1x80x128xi32, #tpu.memory_space<hbm>>
    %dma_start3A_329 = tpu.memref_squeeze %dma_start3A_328 : memref<1x80x128xi32, #tpu.memory_space<hbm>> -> memref<80x128xi32, #tpu.memory_space<hbm>>
    tpu.enqueue_dma source(%dma_start3A_329 : memref<80x128xi32, #tpu.memory_space<hbm>>) target(%arg18 : memref<80x128xi32, #tpu.memory_space<vmem>>) target_semaphore(%arg27 : memref<!tpu.dma_semaphore, #tpu.memory_space<semaphore_mem>>)
    %add3A_330 = arith.constant 0 : i32
    %add3A_331 = arith.addi %mul3A_0, %add3A_330 : i32
    "tpu.region"() ({
      %run_scoped3A = tpu.sem_alloc : memref<!tpu.dma_semaphore, #tpu.memory_space<semaphore_mem>>
      %dma_start3A_430 = arith.constant 0 : i32
      %dma_start3A_431 = arith.constant 0 : i32
      %dma_start3A_432 = tpu.memref_slice %arg19[%dma_start3A_430, %dma_start3A_431] : memref<128x64xf32, #tpu.memory_space<vmem>> -> memref<128x64xf32, #tpu.memory_space<vmem>>
      %dma_start3A_433 = arith.constant 0 : i32
      %dma_start3A_434 = tpu.memref_slice %arg23[%add3A_331, %dma_start3A_433] : memref<10112x64xf32, #tpu.memory_space<vmem_shared>> -> memref<128x64xf32, #tpu.memory_space<vmem_shared>>
      %dma_start3A_435 = arith.constant 0 : i32
      %dma_start3A_436 = arith.constant 0 : i32
      %dma_start3A_437 = tpu.memref_slice %arg19[%dma_start3A_435, %dma_start3A_436] : memref<128x64xf32, #tpu.memory_space<vmem>> -> memref<128x64xf32, #tpu.memory_space<vmem>>
      %dma_start3A_438 = arith.constant 0 : i32
      %dma_start3A_439 = tpu.memref_slice %arg23[%add3A_331, %dma_start3A_438] : memref<10112x64xf32, #tpu.memory_space<vmem_shared>> -> memref<128x64xf32, #tpu.memory_space<vmem_shared>>
      tpu.enqueue_dma source(%dma_start3A_439 : memref<128x64xf32, #tpu.memory_space<vmem_shared>>) target(%dma_start3A_437 : memref<128x64xf32, #tpu.memory_space<vmem>>) target_semaphore(%run_scoped3A : memref<!tpu.dma_semaphore, #tpu.memory_space<semaphore_mem>>)
      %dma_wait3A_440 = arith.constant 0 : i32
      %dma_wait3A_441 = arith.constant 0 : i32
      %dma_wait3A_442 = tpu.memref_slice %arg19[%dma_wait3A_440, %dma_wait3A_441] : memref<128x64xf32, #tpu.memory_space<vmem>> -> memref<128x64xf32, #tpu.memory_space<vmem>>
      %dma_wait3A_443 = arith.constant 0 : i32
      %dma_wait3A_444 = tpu.memref_slice %arg23[%add3A_331, %dma_wait3A_443] : memref<10112x64xf32, #tpu.memory_space<vmem_shared>> -> memref<128x64xf32, #tpu.memory_space<vmem_shared>>
      %dma_wait3A_445 = arith.constant 0 : i32
      %dma_wait3A_446 = arith.constant 0 : i32
      %dma_wait3A_447 = tpu.memref_slice %arg19[%dma_wait3A_445, %dma_wait3A_446] : memref<128x64xf32, #tpu.memory_space<vmem>> -> memref<128x64xf32, #tpu.memory_space<vmem>>
      %dma_wait3A_448 = arith.constant 0 : i32
      %dma_wait3A_449 = tpu.memref_slice %arg23[%add3A_331, %dma_wait3A_448] : memref<10112x64xf32, #tpu.memory_space<vmem_shared>> -> memref<128x64xf32, #tpu.memory_space<vmem_shared>>
      tpu.wait_dma2 semaphore(%run_scoped3A : memref<!tpu.dma_semaphore, #tpu.memory_space<semaphore_mem>>) src(%dma_wait3A_449 : memref<128x64xf32, #tpu.memory_space<vmem_shared>>) dst(%dma_wait3A_447 : memref<128x64xf32, #tpu.memory_space<vmem>>)
      tpu.yield
    }) : () -> ()
    "tpu.region"() ({
      %run_scoped3A = tpu.sem_alloc : memref<!tpu.dma_semaphore, #tpu.memory_space<semaphore_mem>>
      %dma_start3A_430 = arith.constant 0 : i32
      %dma_start3A_431 = arith.constant 0 : i32
      %dma_start3A_432 = tpu.memref_slice %arg21[%dma_start3A_430, %dma_start3A_431] : memref<128x16xf32, #tpu.memory_space<vmem>> -> memref<128x16xf32, #tpu.memory_space<vmem>>
      %dma_start3A_433 = arith.constant 0 : i32
      %dma_start3A_434 = tpu.memref_slice %arg24[%add3A_331, %dma_start3A_433] : memref<10112x16xf32, #tpu.memory_space<vmem_shared>> -> memref<128x16xf32, #tpu.memory_space<vmem_shared>>
      %dma_start3A_435 = arith.constant 0 : i32
      %dma_start3A_436 = arith.constant 0 : i32
      %dma_start3A_437 = tpu.memref_slice %arg21[%dma_start3A_435, %dma_start3A_436] : memref<128x16xf32, #tpu.memory_space<vmem>> -> memref<128x16xf32, #tpu.memory_space<vmem>>
      %dma_start3A_438 = arith.constant 0 : i32
      %dma_start3A_439 = tpu.memref_slice %arg24[%add3A_331, %dma_start3A_438] : memref<10112x16xf32, #tpu.memory_space<vmem_shared>> -> memref<128x16xf32, #tpu.memory_space<vmem_shared>>
      tpu.enqueue_dma source(%dma_start3A_439 : memref<128x16xf32, #tpu.memory_space<vmem_shared>>) target(%dma_start3A_437 : memref<128x16xf32, #tpu.memory_space<vmem>>) target_semaphore(%run_scoped3A : memref<!tpu.dma_semaphore, #tpu.memory_space<semaphore_mem>>)
      %dma_wait3A_440 = arith.constant 0 : i32
      %dma_wait3A_441 = arith.constant 0 : i32
      %dma_wait3A_442 = tpu.memref_slice %arg21[%dma_wait3A_440, %dma_wait3A_441] : memref<128x16xf32, #tpu.memory_space<vmem>> -> memref<128x16xf32, #tpu.memory_space<vmem>>
      %dma_wait3A_443 = arith.constant 0 : i32
      %dma_wait3A_444 = tpu.memref_slice %arg24[%add3A_331, %dma_wait3A_443] : memref<10112x16xf32, #tpu.memory_space<vmem_shared>> -> memref<128x16xf32, #tpu.memory_space<vmem_shared>>
      %dma_wait3A_445 = arith.constant 0 : i32
      %dma_wait3A_446 = arith.constant 0 : i32
      %dma_wait3A_447 = tpu.memref_slice %arg21[%dma_wait3A_445, %dma_wait3A_446] : memref<128x16xf32, #tpu.memory_space<vmem>> -> memref<128x16xf32, #tpu.memory_space<vmem>>
      %dma_wait3A_448 = arith.constant 0 : i32
      %dma_wait3A_449 = tpu.memref_slice %arg24[%add3A_331, %dma_wait3A_448] : memref<10112x16xf32, #tpu.memory_space<vmem_shared>> -> memref<128x16xf32, #tpu.memory_space<vmem_shared>>
      tpu.wait_dma2 semaphore(%run_scoped3A : memref<!tpu.dma_semaphore, #tpu.memory_space<semaphore_mem>>) src(%dma_wait3A_449 : memref<128x16xf32, #tpu.memory_space<vmem_shared>>) dst(%dma_wait3A_447 : memref<128x16xf32, #tpu.memory_space<vmem>>)
      tpu.yield
    }) : () -> ()
    %scan3A_332 = arith.constant 0 : i32
    %scan3A_333 = arith.constant 128 : i32
    %scan3A_334 = arith.addi %scan3A_332, %scan3A_333 : i32
    %scan3A_335 = arith.constant 1 : i32
    scf.for %scan3A_430 = %scan3A_332 to %scan3A_334 step %scan3A_335  : i32 {
      %mul3A_431 = arith.constant 1 : i32
      %mul3A_432 = arith.muli %scan3A_430, %mul3A_431 : i32
      %add3A_433 = arith.constant 0 : i32
      %add3A_434 = arith.addi %add3A_433, %mul3A_432 : i32
      %get3A = arith.index_cast %add3A_434 : i32 to index
      %get3A_435 = arith.constant 0 : index
      %get3A_436 = tpu.vector_load %arg21[%get3A, %get3A_435] {strides = array<i32>} : memref<128x16xf32, #tpu.memory_space<vmem>>, vector<1x16xf32>,
      %get3A_437 = vector.shape_cast %get3A_436 : vector<1x16xf32> to vector<16xf32>
      %max3A = arith.constant 1.000000e+00 : f32
      %max3A_438 = vector.broadcast %max3A : f32 to vector<16xf32>
      %max3A_439 = arith.maximumf %get3A_437, %max3A_438 : vector<16xf32>
      %div3A = arith.constant 1.000000e+00 : f32
      %div3A_440 = vector.broadcast %div3A : f32 to vector<16xf32>
      %div3A_441 = arith.divf %div3A_440, %max3A_439 : vector<16xf32>
      %get3A_442 = arith.index_cast %add3A_434 : i32 to index
      %get3A_443 = arith.constant 0 : index
      %get3A_444 = tpu.vector_load %arg19[%get3A_442, %get3A_443] {strides = array<i32>} : memref<128x64xf32, #tpu.memory_space<vmem>>, vector<1x16xf32>,
      %get3A_445 = vector.shape_cast %get3A_444 : vector<1x16xf32> to vector<16xf32>
      %mul3A_446 = arith.mulf %get3A_445, %div3A_441 : vector<16xf32>
      %swap3A = arith.index_cast %add3A_434 : i32 to index
      %swap3A_447 = arith.constant 0 : index
      %swap3A_448 = tpu.vector_load %arg19[%swap3A, %swap3A_447] {strides = array<i32>} : memref<128x64xf32, #tpu.memory_space<vmem>>, vector<1x16xf32>,
      %swap3A_449 = vector.shape_cast %swap3A_448 : vector<1x16xf32> to vector<16xf32>
      %swap3A_450 = vector.shape_cast %mul3A_446 : vector<16xf32> to vector<1x16xf32>
      tpu.vector_store %arg19[%swap3A, %swap3A_447], %swap3A_450 {strides = array<i32>} : memref<128x64xf32, #tpu.memory_space<vmem>>, vector<1x16xf32>,
      %get3A_451 = arith.index_cast %add3A_434 : i32 to index
      %get3A_452 = arith.constant 16 : index
      %get3A_453 = tpu.vector_load %arg19[%get3A_451, %get3A_452] {strides = array<i32>} : memref<128x64xf32, #tpu.memory_space<vmem>>, vector<1x16xf32>,
      %get3A_454 = vector.shape_cast %get3A_453 : vector<1x16xf32> to vector<16xf32>
      %mul3A_455 = arith.mulf %get3A_454, %div3A_441 : vector<16xf32>
      %swap3A_456 = arith.index_cast %add3A_434 : i32 to index
      %swap3A_457 = arith.constant 16 : index
      %swap3A_458 = tpu.vector_load %arg19[%swap3A_456, %swap3A_457] {strides = array<i32>} : memref<128x64xf32, #tpu.memory_space<vmem>>, vector<1x16xf32>,
      %swap3A_459 = vector.shape_cast %swap3A_458 : vector<1x16xf32> to vector<16xf32>
      %swap3A_460 = vector.shape_cast %mul3A_455 : vector<16xf32> to vector<1x16xf32>
      tpu.vector_store %arg19[%swap3A_456, %swap3A_457], %swap3A_460 {strides = array<i32>} : memref<128x64xf32, #tpu.memory_space<vmem>>, vector<1x16xf32>,
      %get3A_461 = arith.index_cast %add3A_434 : i32 to index
      %get3A_462 = arith.constant 32 : index
      %get3A_463 = tpu.vector_load %arg19[%get3A_461, %get3A_462] {strides = array<i32>} : memref<128x64xf32, #tpu.memory_space<vmem>>, vector<1x16xf32>,
      %get3A_464 = vector.shape_cast %get3A_463 : vector<1x16xf32> to vector<16xf32>
      %mul3A_465 = arith.mulf %get3A_464, %div3A_441 : vector<16xf32>
      %swap3A_466 = arith.index_cast %add3A_434 : i32 to index
      %swap3A_467 = arith.constant 32 : index
      %swap3A_468 = tpu.vector_load %arg19[%swap3A_466, %swap3A_467] {strides = array<i32>} : memref<128x64xf32, #tpu.memory_space<vmem>>, vector<1x16xf32>,
      %swap3A_469 = vector.shape_cast %swap3A_468 : vector<1x16xf32> to vector<16xf32>
      %swap3A_470 = vector.shape_cast %mul3A_465 : vector<16xf32> to vector<1x16xf32>
      tpu.vector_store %arg19[%swap3A_466, %swap3A_467], %swap3A_470 {strides = array<i32>} : memref<128x64xf32, #tpu.memory_space<vmem>>, vector<1x16xf32>,
      %get3A_471 = arith.index_cast %add3A_434 : i32 to index
      %get3A_472 = arith.constant 48 : index
      %get3A_473 = tpu.vector_load %arg19[%get3A_471, %get3A_472] {strides = array<i32>} : memref<128x64xf32, #tpu.memory_space<vmem>>, vector<1x16xf32>,
      %get3A_474 = vector.shape_cast %get3A_473 : vector<1x16xf32> to vector<16xf32>
      %mul3A_475 = arith.mulf %get3A_474, %div3A_441 : vector<16xf32>
      %swap3A_476 = arith.index_cast %add3A_434 : i32 to index
      %swap3A_477 = arith.constant 48 : index
      %swap3A_478 = tpu.vector_load %arg19[%swap3A_476, %swap3A_477] {strides = array<i32>} : memref<128x64xf32, #tpu.memory_space<vmem>>, vector<1x16xf32>,
      %swap3A_479 = vector.shape_cast %swap3A_478 : vector<1x16xf32> to vector<16xf32>
      %swap3A_480 = vector.shape_cast %mul3A_475 : vector<16xf32> to vector<1x16xf32>
      tpu.vector_store %arg19[%swap3A_476, %swap3A_477], %swap3A_480 {strides = array<i32>} : memref<128x64xf32, #tpu.memory_space<vmem>>, vector<1x16xf32>,
    }
    %scan3A_336 = arith.constant 128 : i32
    "tpu.region"() ({
      %run_scoped3A = tpu.sem_alloc : memref<!tpu.dma_semaphore, #tpu.memory_space<semaphore_mem>>
      %dma_start3A_430 = arith.constant 0 : i32
      %dma_start3A_431 = arith.constant 0 : i32
      %dma_start3A_432 = tpu.memref_slice %arg19[%dma_start3A_430, %dma_start3A_431] : memref<128x64xf32, #tpu.memory_space<vmem>> -> memref<128x64xf32, #tpu.memory_space<vmem>>
      %dma_start3A_433 = arith.constant 0 : i32
      %dma_start3A_434 = tpu.memref_slice %arg22[%add3A_331, %dma_start3A_433] : memref<10112x64xf32, #tpu.memory_space<vmem_shared>> -> memref<128x64xf32, #tpu.memory_space<vmem_shared>>
      %dma_start3A_435 = arith.constant 0 : i32
      %dma_start3A_436 = tpu.memref_slice %arg22[%add3A_331, %dma_start3A_435] : memref<10112x64xf32, #tpu.memory_space<vmem_shared>> -> memref<128x64xf32, #tpu.memory_space<vmem_shared>>
      %dma_start3A_437 = arith.constant 0 : i32
      %dma_start3A_438 = arith.constant 0 : i32
      %dma_start3A_439 = tpu.memref_slice %arg19[%dma_start3A_437, %dma_start3A_438] : memref<128x64xf32, #tpu.memory_space<vmem>> -> memref<128x64xf32, #tpu.memory_space<vmem>>
      tpu.enqueue_dma source(%dma_start3A_439 : memref<128x64xf32, #tpu.memory_space<vmem>>) target(%dma_start3A_436 : memref<128x64xf32, #tpu.memory_space<vmem_shared>>) target_semaphore(%run_scoped3A : memref<!tpu.dma_semaphore, #tpu.memory_space<semaphore_mem>>)
      %dma_wait3A_440 = arith.constant 0 : i32
      %dma_wait3A_441 = arith.constant 0 : i32
      %dma_wait3A_442 = tpu.memref_slice %arg19[%dma_wait3A_440, %dma_wait3A_441] : memref<128x64xf32, #tpu.memory_space<vmem>> -> memref<128x64xf32, #tpu.memory_space<vmem>>
      %dma_wait3A_443 = arith.constant 0 : i32
      %dma_wait3A_444 = tpu.memref_slice %arg22[%add3A_331, %dma_wait3A_443] : memref<10112x64xf32, #tpu.memory_space<vmem_shared>> -> memref<128x64xf32, #tpu.memory_space<vmem_shared>>
      %dma_wait3A_445 = arith.constant 0 : i32
      %dma_wait3A_446 = tpu.memref_slice %arg22[%add3A_331, %dma_wait3A_445] : memref<10112x64xf32, #tpu.memory_space<vmem_shared>> -> memref<128x64xf32, #tpu.memory_space<vmem_shared>>
      %dma_wait3A_447 = arith.constant 0 : i32
      %dma_wait3A_448 = arith.constant 0 : i32
      %dma_wait3A_449 = tpu.memref_slice %arg19[%dma_wait3A_447, %dma_wait3A_448] : memref<128x64xf32, #tpu.memory_space<vmem>> -> memref<128x64xf32, #tpu.memory_space<vmem>>
      tpu.wait_dma2 semaphore(%run_scoped3A : memref<!tpu.dma_semaphore, #tpu.memory_space<semaphore_mem>>) src(%dma_wait3A_449 : memref<128x64xf32, #tpu.memory_space<vmem>>) dst(%dma_wait3A_446 : memref<128x64xf32, #tpu.memory_space<vmem_shared>>)
      tpu.yield
    }) : () -> ()
    %add3A_337 = arith.constant 128 : i32
    %add3A_338 = arith.addi %mul3A_0, %add3A_337 : i32
    "tpu.region"() ({
      %run_scoped3A = tpu.sem_alloc : memref<!tpu.dma_semaphore, #tpu.memory_space<semaphore_mem>>
      %dma_start3A_430 = arith.constant 0 : i32
      %dma_start3A_431 = arith.constant 0 : i32
      %dma_start3A_432 = tpu.memref_slice %arg19[%dma_start3A_430, %dma_start3A_431] : memref<128x64xf32, #tpu.memory_space<vmem>> -> memref<128x64xf32, #tpu.memory_space<vmem>>
      %dma_start3A_433 = arith.constant 0 : i32
      %dma_start3A_434 = tpu.memref_slice %arg23[%add3A_338, %dma_start3A_433] : memref<10112x64xf32, #tpu.memory_space<vmem_shared>> -> memref<128x64xf32, #tpu.memory_space<vmem_shared>>
      %dma_start3A_435 = arith.constant 0 : i32
      %dma_start3A_436 = arith.constant 0 : i32
      %dma_start3A_437 = tpu.memref_slice %arg19[%dma_start3A_435, %dma_start3A_436] : memref<128x64xf32, #tpu.memory_space<vmem>> -> memref<128x64xf32, #tpu.memory_space<vmem>>
      %dma_start3A_438 = arith.constant 0 : i32
      %dma_start3A_439 = tpu.memref_slice %arg23[%add3A_338, %dma_start3A_438] : memref<10112x64xf32, #tpu.memory_space<vmem_shared>> -> memref<128x64xf32, #tpu.memory_space<vmem_shared>>
      tpu.enqueue_dma source(%dma_start3A_439 : memref<128x64xf32, #tpu.memory_space<vmem_shared>>) target(%dma_start3A_437 : memref<128x64xf32, #tpu.memory_space<vmem>>) target_semaphore(%run_scoped3A : memref<!tpu.dma_semaphore, #tpu.memory_space<semaphore_mem>>)
      %dma_wait3A_440 = arith.constant 0 : i32
      %dma_wait3A_441 = arith.constant 0 : i32
      %dma_wait3A_442 = tpu.memref_slice %arg19[%dma_wait3A_440, %dma_wait3A_441] : memref<128x64xf32, #tpu.memory_space<vmem>> -> memref<128x64xf32, #tpu.memory_space<vmem>>
      %dma_wait3A_443 = arith.constant 0 : i32
      %dma_wait3A_444 = tpu.memref_slice %arg23[%add3A_338, %dma_wait3A_443] : memref<10112x64xf32, #tpu.memory_space<vmem_shared>> -> memref<128x64xf32, #tpu.memory_space<vmem_shared>>
      %dma_wait3A_445 = arith.constant 0 : i32
      %dma_wait3A_446 = arith.constant 0 : i32
      %dma_wait3A_447 = tpu.memref_slice %arg19[%dma_wait3A_445, %dma_wait3A_446] : memref<128x64xf32, #tpu.memory_space<vmem>> -> memref<128x64xf32, #tpu.memory_space<vmem>>
      %dma_wait3A_448 = arith.constant 0 : i32
      %dma_wait3A_449 = tpu.memref_slice %arg23[%add3A_338, %dma_wait3A_448] : memref<10112x64xf32, #tpu.memory_space<vmem_shared>> -> memref<128x64xf32, #tpu.memory_space<vmem_shared>>
      tpu.wait_dma2 semaphore(%run_scoped3A : memref<!tpu.dma_semaphore, #tpu.memory_space<semaphore_mem>>) src(%dma_wait3A_449 : memref<128x64xf32, #tpu.memory_space<vmem_shared>>) dst(%dma_wait3A_447 : memref<128x64xf32, #tpu.memory_space<vmem>>)
      tpu.yield
    }) : () -> ()
    "tpu.region"() ({
      %run_scoped3A = tpu.sem_alloc : memref<!tpu.dma_semaphore, #tpu.memory_space<semaphore_mem>>
      %dma_start3A_430 = arith.constant 0 : i32
      %dma_start3A_431 = arith.constant 0 : i32
      %dma_start3A_432 = tpu.memref_slice %arg21[%dma_start3A_430, %dma_start3A_431] : memref<128x16xf32, #tpu.memory_space<vmem>> -> memref<128x16xf32, #tpu.memory_space<vmem>>
      %dma_start3A_433 = arith.constant 0 : i32
      %dma_start3A_434 = tpu.memref_slice %arg24[%add3A_338, %dma_start3A_433] : memref<10112x16xf32, #tpu.memory_space<vmem_shared>> -> memref<128x16xf32, #tpu.memory_space<vmem_shared>>
      %dma_start3A_435 = arith.constant 0 : i32
      %dma_start3A_436 = arith.constant 0 : i32
      %dma_start3A_437 = tpu.memref_slice %arg21[%dma_start3A_435, %dma_start3A_436] : memref<128x16xf32, #tpu.memory_space<vmem>> -> memref<128x16xf32, #tpu.memory_space<vmem>>
      %dma_start3A_438 = arith.constant 0 : i32
      %dma_start3A_439 = tpu.memref_slice %arg24[%add3A_338, %dma_start3A_438] : memref<10112x16xf32, #tpu.memory_space<vmem_shared>> -> memref<128x16xf32, #tpu.memory_space<vmem_shared>>
      tpu.enqueue_dma source(%dma_start3A_439 : memref<128x16xf32, #tpu.memory_space<vmem_shared>>) target(%dma_start3A_437 : memref<128x16xf32, #tpu.memory_space<vmem>>) target_semaphore(%run_scoped3A : memref<!tpu.dma_semaphore, #tpu.memory_space<semaphore_mem>>)
      %dma_wait3A_440 = arith.constant 0 : i32
      %dma_wait3A_441 = arith.constant 0 : i32
      %dma_wait3A_442 = tpu.memref_slice %arg21[%dma_wait3A_440, %dma_wait3A_441] : memref<128x16xf32, #tpu.memory_space<vmem>> -> memref<128x16xf32, #tpu.memory_space<vmem>>
      %dma_wait3A_443 = arith.constant 0 : i32
      %dma_wait3A_444 = tpu.memref_slice %arg24[%add3A_338, %dma_wait3A_443] : memref<10112x16xf32, #tpu.memory_space<vmem_shared>> -> memref<128x16xf32, #tpu.memory_space<vmem_shared>>
      %dma_wait3A_445 = arith.constant 0 : i32
      %dma_wait3A_446 = arith.constant 0 : i32
      %dma_wait3A_447 = tpu.memref_slice %arg21[%dma_wait3A_445, %dma_wait3A_446] : memref<128x16xf32, #tpu.memory_space<vmem>> -> memref<128x16xf32, #tpu.memory_space<vmem>>
      %dma_wait3A_448 = arith.constant 0 : i32
      %dma_wait3A_449 = tpu.memref_slice %arg24[%add3A_338, %dma_wait3A_448] : memref<10112x16xf32, #tpu.memory_space<vmem_shared>> -> memref<128x16xf32, #tpu.memory_space<vmem_shared>>
      tpu.wait_dma2 semaphore(%run_scoped3A : memref<!tpu.dma_semaphore, #tpu.memory_space<semaphore_mem>>) src(%dma_wait3A_449 : memref<128x16xf32, #tpu.memory_space<vmem_shared>>) dst(%dma_wait3A_447 : memref<128x16xf32, #tpu.memory_space<vmem>>)
      tpu.yield
    }) : () -> ()
    %scan3A_339 = arith.constant 0 : i32
    %scan3A_340 = arith.constant 128 : i32
    %scan3A_341 = arith.addi %scan3A_339, %scan3A_340 : i32
    %scan3A_342 = arith.constant 1 : i32
    scf.for %scan3A_430 = %scan3A_339 to %scan3A_341 step %scan3A_342  : i32 {
      %mul3A_431 = arith.constant 1 : i32
      %mul3A_432 = arith.muli %scan3A_430, %mul3A_431 : i32
      %add3A_433 = arith.constant 0 : i32
      %add3A_434 = arith.addi %add3A_433, %mul3A_432 : i32
      %get3A = arith.index_cast %add3A_434 : i32 to index
      %get3A_435 = arith.constant 0 : index
      %get3A_436 = tpu.vector_load %arg21[%get3A, %get3A_435] {strides = array<i32>} : memref<128x16xf32, #tpu.memory_space<vmem>>, vector<1x16xf32>,
      %get3A_437 = vector.shape_cast %get3A_436 : vector<1x16xf32> to vector<16xf32>
      %max3A = arith.constant 1.000000e+00 : f32
      %max3A_438 = vector.broadcast %max3A : f32 to vector<16xf32>
      %max3A_439 = arith.maximumf %get3A_437, %max3A_438 : vector<16xf32>
      %div3A = arith.constant 1.000000e+00 : f32
      %div3A_440 = vector.broadcast %div3A : f32 to vector<16xf32>
      %div3A_441 = arith.divf %div3A_440, %max3A_439 : vector<16xf32>
      %get3A_442 = arith.index_cast %add3A_434 : i32 to index
      %get3A_443 = arith.constant 0 : index
      %get3A_444 = tpu.vector_load %arg19[%get3A_442, %get3A_443] {strides = array<i32>} : memref<128x64xf32, #tpu.memory_space<vmem>>, vector<1x16xf32>,
      %get3A_445 = vector.shape_cast %get3A_444 : vector<1x16xf32> to vector<16xf32>
      %mul3A_446 = arith.mulf %get3A_445, %div3A_441 : vector<16xf32>
      %swap3A = arith.index_cast %add3A_434 : i32 to index
      %swap3A_447 = arith.constant 0 : index
      %swap3A_448 = tpu.vector_load %arg19[%swap3A, %swap3A_447] {strides = array<i32>} : memref<128x64xf32, #tpu.memory_space<vmem>>, vector<1x16xf32>,
      %swap3A_449 = vector.shape_cast %swap3A_448 : vector<1x16xf32> to vector<16xf32>
      %swap3A_450 = vector.shape_cast %mul3A_446 : vector<16xf32> to vector<1x16xf32>
      tpu.vector_store %arg19[%swap3A, %swap3A_447], %swap3A_450 {strides = array<i32>} : memref<128x64xf32, #tpu.memory_space<vmem>>, vector<1x16xf32>,
      %get3A_451 = arith.index_cast %add3A_434 : i32 to index
      %get3A_452 = arith.constant 16 : index
      %get3A_453 = tpu.vector_load %arg19[%get3A_451, %get3A_452] {strides = array<i32>} : memref<128x64xf32, #tpu.memory_space<vmem>>, vector<1x16xf32>,
      %get3A_454 = vector.shape_cast %get3A_453 : vector<1x16xf32> to vector<16xf32>
      %mul3A_455 = arith.mulf %get3A_454, %div3A_441 : vector<16xf32>
      %swap3A_456 = arith.index_cast %add3A_434 : i32 to index
      %swap3A_457 = arith.constant 16 : index
      %swap3A_458 = tpu.vector_load %arg19[%swap3A_456, %swap3A_457] {strides = array<i32>} : memref<128x64xf32, #tpu.memory_space<vmem>>, vector<1x16xf32>,
      %swap3A_459 = vector.shape_cast %swap3A_458 : vector<1x16xf32> to vector<16xf32>
      %swap3A_460 = vector.shape_cast %mul3A_455 : vector<16xf32> to vector<1x16xf32>
      tpu.vector_store %arg19[%swap3A_456, %swap3A_457], %swap3A_460 {strides = array<i32>} : memref<128x64xf32, #tpu.memory_space<vmem>>, vector<1x16xf32>,
      %get3A_461 = arith.index_cast %add3A_434 : i32 to index
      %get3A_462 = arith.constant 32 : index
      %get3A_463 = tpu.vector_load %arg19[%get3A_461, %get3A_462] {strides = array<i32>} : memref<128x64xf32, #tpu.memory_space<vmem>>, vector<1x16xf32>,
      %get3A_464 = vector.shape_cast %get3A_463 : vector<1x16xf32> to vector<16xf32>
      %mul3A_465 = arith.mulf %get3A_464, %div3A_441 : vector<16xf32>
      %swap3A_466 = arith.index_cast %add3A_434 : i32 to index
      %swap3A_467 = arith.constant 32 : index
      %swap3A_468 = tpu.vector_load %arg19[%swap3A_466, %swap3A_467] {strides = array<i32>} : memref<128x64xf32, #tpu.memory_space<vmem>>, vector<1x16xf32>,
      %swap3A_469 = vector.shape_cast %swap3A_468 : vector<1x16xf32> to vector<16xf32>
      %swap3A_470 = vector.shape_cast %mul3A_465 : vector<16xf32> to vector<1x16xf32>
      tpu.vector_store %arg19[%swap3A_466, %swap3A_467], %swap3A_470 {strides = array<i32>} : memref<128x64xf32, #tpu.memory_space<vmem>>, vector<1x16xf32>,
      %get3A_471 = arith.index_cast %add3A_434 : i32 to index
      %get3A_472 = arith.constant 48 : index
      %get3A_473 = tpu.vector_load %arg19[%get3A_471, %get3A_472] {strides = array<i32>} : memref<128x64xf32, #tpu.memory_space<vmem>>, vector<1x16xf32>,
      %get3A_474 = vector.shape_cast %get3A_473 : vector<1x16xf32> to vector<16xf32>
      %mul3A_475 = arith.mulf %get3A_474, %div3A_441 : vector<16xf32>
      %swap3A_476 = arith.index_cast %add3A_434 : i32 to index
      %swap3A_477 = arith.constant 48 : index
      %swap3A_478 = tpu.vector_load %arg19[%swap3A_476, %swap3A_477] {strides = array<i32>} : memref<128x64xf32, #tpu.memory_space<vmem>>, vector<1x16xf32>,
      %swap3A_479 = vector.shape_cast %swap3A_478 : vector<1x16xf32> to vector<16xf32>
      %swap3A_480 = vector.shape_cast %mul3A_475 : vector<16xf32> to vector<1x16xf32>
      tpu.vector_store %arg19[%swap3A_476, %swap3A_477], %swap3A_480 {strides = array<i32>} : memref<128x64xf32, #tpu.memory_space<vmem>>, vector<1x16xf32>,
    }
    %scan3A_343 = arith.constant 128 : i32
    "tpu.region"() ({
      %run_scoped3A = tpu.sem_alloc : memref<!tpu.dma_semaphore, #tpu.memory_space<semaphore_mem>>
      %dma_start3A_430 = arith.constant 0 : i32
      %dma_start3A_431 = arith.constant 0 : i32
      %dma_start3A_432 = tpu.memref_slice %arg19[%dma_start3A_430, %dma_start3A_431] : memref<128x64xf32, #tpu.memory_space<vmem>> -> memref<128x64xf32, #tpu.memory_space<vmem>>
      %dma_start3A_433 = arith.constant 0 : i32
      %dma_start3A_434 = tpu.memref_slice %arg22[%add3A_338, %dma_start3A_433] : memref<10112x64xf32, #tpu.memory_space<vmem_shared>> -> memref<128x64xf32, #tpu.memory_space<vmem_shared>>
      %dma_start3A_435 = arith.constant 0 : i32
      %dma_start3A_436 = tpu.memref_slice %arg22[%add3A_338, %dma_start3A_435] : memref<10112x64xf32, #tpu.memory_space<vmem_shared>> -> memref<128x64xf32, #tpu.memory_space<vmem_shared>>
      %dma_start3A_437 = arith.constant 0 : i32
      %dma_start3A_438 = arith.constant 0 : i32
      %dma_start3A_439 = tpu.memref_slice %arg19[%dma_start3A_437, %dma_start3A_438] : memref<128x64xf32, #tpu.memory_space<vmem>> -> memref<128x64xf32, #tpu.memory_space<vmem>>
      tpu.enqueue_dma source(%dma_start3A_439 : memref<128x64xf32, #tpu.memory_space<vmem>>) target(%dma_start3A_436 : memref<128x64xf32, #tpu.memory_space<vmem_shared>>) target_semaphore(%run_scoped3A : memref<!tpu.dma_semaphore, #tpu.memory_space<semaphore_mem>>)
      %dma_wait3A_440 = arith.constant 0 : i32
      %dma_wait3A_441 = arith.constant 0 : i32
      %dma_wait3A_442 = tpu.memref_slice %arg19[%dma_wait3A_440, %dma_wait3A_441] : memref<128x64xf32, #tpu.memory_space<vmem>> -> memref<128x64xf32, #tpu.memory_space<vmem>>
      %dma_wait3A_443 = arith.constant 0 : i32
      %dma_wait3A_444 = tpu.memref_slice %arg22[%add3A_338, %dma_wait3A_443] : memref<10112x64xf32, #tpu.memory_space<vmem_shared>> -> memref<128x64xf32, #tpu.memory_space<vmem_shared>>
      %dma_wait3A_445 = arith.constant 0 : i32
      %dma_wait3A_446 = tpu.memref_slice %arg22[%add3A_338, %dma_wait3A_445] : memref<10112x64xf32, #tpu.memory_space<vmem_shared>> -> memref<128x64xf32, #tpu.memory_space<vmem_shared>>
      %dma_wait3A_447 = arith.constant 0 : i32
      %dma_wait3A_448 = arith.constant 0 : i32
      %dma_wait3A_449 = tpu.memref_slice %arg19[%dma_wait3A_447, %dma_wait3A_448] : memref<128x64xf32, #tpu.memory_space<vmem>> -> memref<128x64xf32, #tpu.memory_space<vmem>>
      tpu.wait_dma2 semaphore(%run_scoped3A : memref<!tpu.dma_semaphore, #tpu.memory_space<semaphore_mem>>) src(%dma_wait3A_449 : memref<128x64xf32, #tpu.memory_space<vmem>>) dst(%dma_wait3A_446 : memref<128x64xf32, #tpu.memory_space<vmem_shared>>)
      tpu.yield
    }) : () -> ()
    %add3A_344 = arith.constant 256 : i32
    %add3A_345 = arith.addi %mul3A_0, %add3A_344 : i32
    "tpu.region"() ({
      %run_scoped3A = tpu.sem_alloc : memref<!tpu.dma_semaphore, #tpu.memory_space<semaphore_mem>>
      %dma_start3A_430 = arith.constant 0 : i32
      %dma_start3A_431 = arith.constant 0 : i32
      %dma_start3A_432 = tpu.memref_slice %arg19[%dma_start3A_430, %dma_start3A_431] : memref<128x64xf32, #tpu.memory_space<vmem>> -> memref<128x64xf32, #tpu.memory_space<vmem>>
      %dma_start3A_433 = arith.constant 0 : i32
      %dma_start3A_434 = tpu.memref_slice %arg23[%add3A_345, %dma_start3A_433] : memref<10112x64xf32, #tpu.memory_space<vmem_shared>> -> memref<128x64xf32, #tpu.memory_space<vmem_shared>>
      %dma_start3A_435 = arith.constant 0 : i32
      %dma_start3A_436 = arith.constant 0 : i32
      %dma_start3A_437 = tpu.memref_slice %arg19[%dma_start3A_435, %dma_start3A_436] : memref<128x64xf32, #tpu.memory_space<vmem>> -> memref<128x64xf32, #tpu.memory_space<vmem>>
      %dma_start3A_438 = arith.constant 0 : i32
      %dma_start3A_439 = tpu.memref_slice %arg23[%add3A_345, %dma_start3A_438] : memref<10112x64xf32, #tpu.memory_space<vmem_shared>> -> memref<128x64xf32, #tpu.memory_space<vmem_shared>>
      tpu.enqueue_dma source(%dma_start3A_439 : memref<128x64xf32, #tpu.memory_space<vmem_shared>>) target(%dma_start3A_437 : memref<128x64xf32, #tpu.memory_space<vmem>>) target_semaphore(%run_scoped3A : memref<!tpu.dma_semaphore, #tpu.memory_space<semaphore_mem>>)
      %dma_wait3A_440 = arith.constant 0 : i32
      %dma_wait3A_441 = arith.constant 0 : i32
      %dma_wait3A_442 = tpu.memref_slice %arg19[%dma_wait3A_440, %dma_wait3A_441] : memref<128x64xf32, #tpu.memory_space<vmem>> -> memref<128x64xf32, #tpu.memory_space<vmem>>
      %dma_wait3A_443 = arith.constant 0 : i32
      %dma_wait3A_444 = tpu.memref_slice %arg23[%add3A_345, %dma_wait3A_443] : memref<10112x64xf32, #tpu.memory_space<vmem_shared>> -> memref<128x64xf32, #tpu.memory_space<vmem_shared>>
      %dma_wait3A_445 = arith.constant 0 : i32
      %dma_wait3A_446 = arith.constant 0 : i32
      %dma_wait3A_447 = tpu.memref_slice %arg19[%dma_wait3A_445, %dma_wait3A_446] : memref<128x64xf32, #tpu.memory_space<vmem>> -> memref<128x64xf32, #tpu.memory_space<vmem>>
      %dma_wait3A_448 = arith.constant 0 : i32
      %dma_wait3A_449 = tpu.memref_slice %arg23[%add3A_345, %dma_wait3A_448] : memref<10112x64xf32, #tpu.memory_space<vmem_shared>> -> memref<128x64xf32, #tpu.memory_space<vmem_shared>>
      tpu.wait_dma2 semaphore(%run_scoped3A : memref<!tpu.dma_semaphore, #tpu.memory_space<semaphore_mem>>) src(%dma_wait3A_449 : memref<128x64xf32, #tpu.memory_space<vmem_shared>>) dst(%dma_wait3A_447 : memref<128x64xf32, #tpu.memory_space<vmem>>)
      tpu.yield
    }) : () -> ()
    "tpu.region"() ({
      %run_scoped3A = tpu.sem_alloc : memref<!tpu.dma_semaphore, #tpu.memory_space<semaphore_mem>>
      %dma_start3A_430 = arith.constant 0 : i32
      %dma_start3A_431 = arith.constant 0 : i32
      %dma_start3A_432 = tpu.memref_slice %arg21[%dma_start3A_430, %dma_start3A_431] : memref<128x16xf32, #tpu.memory_space<vmem>> -> memref<128x16xf32, #tpu.memory_space<vmem>>
      %dma_start3A_433 = arith.constant 0 : i32
      %dma_start3A_434 = tpu.memref_slice %arg24[%add3A_345, %dma_start3A_433] : memref<10112x16xf32, #tpu.memory_space<vmem_shared>> -> memref<128x16xf32, #tpu.memory_space<vmem_shared>>
      %dma_start3A_435 = arith.constant 0 : i32
      %dma_start3A_436 = arith.constant 0 : i32
      %dma_start3A_437 = tpu.memref_slice %arg21[%dma_start3A_435, %dma_start3A_436] : memref<128x16xf32, #tpu.memory_space<vmem>> -> memref<128x16xf32, #tpu.memory_space<vmem>>
      %dma_start3A_438 = arith.constant 0 : i32
      %dma_start3A_439 = tpu.memref_slice %arg24[%add3A_345, %dma_start3A_438] : memref<10112x16xf32, #tpu.memory_space<vmem_shared>> -> memref<128x16xf32, #tpu.memory_space<vmem_shared>>
      tpu.enqueue_dma source(%dma_start3A_439 : memref<128x16xf32, #tpu.memory_space<vmem_shared>>) target(%dma_start3A_437 : memref<128x16xf32, #tpu.memory_space<vmem>>) target_semaphore(%run_scoped3A : memref<!tpu.dma_semaphore, #tpu.memory_space<semaphore_mem>>)
      %dma_wait3A_440 = arith.constant 0 : i32
      %dma_wait3A_441 = arith.constant 0 : i32
      %dma_wait3A_442 = tpu.memref_slice %arg21[%dma_wait3A_440, %dma_wait3A_441] : memref<128x16xf32, #tpu.memory_space<vmem>> -> memref<128x16xf32, #tpu.memory_space<vmem>>
      %dma_wait3A_443 = arith.constant 0 : i32
      %dma_wait3A_444 = tpu.memref_slice %arg24[%add3A_345, %dma_wait3A_443] : memref<10112x16xf32, #tpu.memory_space<vmem_shared>> -> memref<128x16xf32, #tpu.memory_space<vmem_shared>>
      %dma_wait3A_445 = arith.constant 0 : i32
      %dma_wait3A_446 = arith.constant 0 : i32
      %dma_wait3A_447 = tpu.memref_slice %arg21[%dma_wait3A_445, %dma_wait3A_446] : memref<128x16xf32, #tpu.memory_space<vmem>> -> memref<128x16xf32, #tpu.memory_space<vmem>>
      %dma_wait3A_448 = arith.constant 0 : i32
      %dma_wait3A_449 = tpu.memref_slice %arg24[%add3A_345, %dma_wait3A_448] : memref<10112x16xf32, #tpu.memory_space<vmem_shared>> -> memref<128x16xf32, #tpu.memory_space<vmem_shared>>
      tpu.wait_dma2 semaphore(%run_scoped3A : memref<!tpu.dma_semaphore, #tpu.memory_space<semaphore_mem>>) src(%dma_wait3A_449 : memref<128x16xf32, #tpu.memory_space<vmem_shared>>) dst(%dma_wait3A_447 : memref<128x16xf32, #tpu.memory_space<vmem>>)
      tpu.yield
    }) : () -> ()
    %scan3A_346 = arith.constant 0 : i32
    %scan3A_347 = arith.constant 128 : i32
    %scan3A_348 = arith.addi %scan3A_346, %scan3A_347 : i32
    %scan3A_349 = arith.constant 1 : i32
    scf.for %scan3A_430 = %scan3A_346 to %scan3A_348 step %scan3A_349  : i32 {
      %mul3A_431 = arith.constant 1 : i32
      %mul3A_432 = arith.muli %scan3A_430, %mul3A_431 : i32
      %add3A_433 = arith.constant 0 : i32
      %add3A_434 = arith.addi %add3A_433, %mul3A_432 : i32
      %get3A = arith.index_cast %add3A_434 : i32 to index
      %get3A_435 = arith.constant 0 : index
      %get3A_436 = tpu.vector_load %arg21[%get3A, %get3A_435] {strides = array<i32>} : memref<128x16xf32, #tpu.memory_space<vmem>>, vector<1x16xf32>,
      %get3A_437 = vector.shape_cast %get3A_436 : vector<1x16xf32> to vector<16xf32>
      %max3A = arith.constant 1.000000e+00 : f32
      %max3A_438 = vector.broadcast %max3A : f32 to vector<16xf32>
      %max3A_439 = arith.maximumf %get3A_437, %max3A_438 : vector<16xf32>
      %div3A = arith.constant 1.000000e+00 : f32
      %div3A_440 = vector.broadcast %div3A : f32 to vector<16xf32>
      %div3A_441 = arith.divf %div3A_440, %max3A_439 : vector<16xf32>
      %get3A_442 = arith.index_cast %add3A_434 : i32 to index
      %get3A_443 = arith.constant 0 : index
      %get3A_444 = tpu.vector_load %arg19[%get3A_442, %get3A_443] {strides = array<i32>} : memref<128x64xf32, #tpu.memory_space<vmem>>, vector<1x16xf32>,
      %get3A_445 = vector.shape_cast %get3A_444 : vector<1x16xf32> to vector<16xf32>
      %mul3A_446 = arith.mulf %get3A_445, %div3A_441 : vector<16xf32>
      %swap3A = arith.index_cast %add3A_434 : i32 to index
      %swap3A_447 = arith.constant 0 : index
      %swap3A_448 = tpu.vector_load %arg19[%swap3A, %swap3A_447] {strides = array<i32>} : memref<128x64xf32, #tpu.memory_space<vmem>>, vector<1x16xf32>,
      %swap3A_449 = vector.shape_cast %swap3A_448 : vector<1x16xf32> to vector<16xf32>
      %swap3A_450 = vector.shape_cast %mul3A_446 : vector<16xf32> to vector<1x16xf32>
      tpu.vector_store %arg19[%swap3A, %swap3A_447], %swap3A_450 {strides = array<i32>} : memref<128x64xf32, #tpu.memory_space<vmem>>, vector<1x16xf32>,
      %get3A_451 = arith.index_cast %add3A_434 : i32 to index
      %get3A_452 = arith.constant 16 : index
      %get3A_453 = tpu.vector_load %arg19[%get3A_451, %get3A_452] {strides = array<i32>} : memref<128x64xf32, #tpu.memory_space<vmem>>, vector<1x16xf32>,
      %get3A_454 = vector.shape_cast %get3A_453 : vector<1x16xf32> to vector<16xf32>
      %mul3A_455 = arith.mulf %get3A_454, %div3A_441 : vector<16xf32>
      %swap3A_456 = arith.index_cast %add3A_434 : i32 to index
      %swap3A_457 = arith.constant 16 : index
      %swap3A_458 = tpu.vector_load %arg19[%swap3A_456, %swap3A_457] {strides = array<i32>} : memref<128x64xf32, #tpu.memory_space<vmem>>, vector<1x16xf32>,
      %swap3A_459 = vector.shape_cast %swap3A_458 : vector<1x16xf32> to vector<16xf32>
      %swap3A_460 = vector.shape_cast %mul3A_455 : vector<16xf32> to vector<1x16xf32>
      tpu.vector_store %arg19[%swap3A_456, %swap3A_457], %swap3A_460 {strides = array<i32>} : memref<128x64xf32, #tpu.memory_space<vmem>>, vector<1x16xf32>,
      %get3A_461 = arith.index_cast %add3A_434 : i32 to index
      %get3A_462 = arith.constant 32 : index
      %get3A_463 = tpu.vector_load %arg19[%get3A_461, %get3A_462] {strides = array<i32>} : memref<128x64xf32, #tpu.memory_space<vmem>>, vector<1x16xf32>,
      %get3A_464 = vector.shape_cast %get3A_463 : vector<1x16xf32> to vector<16xf32>
      %mul3A_465 = arith.mulf %get3A_464, %div3A_441 : vector<16xf32>
      %swap3A_466 = arith.index_cast %add3A_434 : i32 to index
      %swap3A_467 = arith.constant 32 : index
      %swap3A_468 = tpu.vector_load %arg19[%swap3A_466, %swap3A_467] {strides = array<i32>} : memref<128x64xf32, #tpu.memory_space<vmem>>, vector<1x16xf32>,
      %swap3A_469 = vector.shape_cast %swap3A_468 : vector<1x16xf32> to vector<16xf32>
      %swap3A_470 = vector.shape_cast %mul3A_465 : vector<16xf32> to vector<1x16xf32>
      tpu.vector_store %arg19[%swap3A_466, %swap3A_467], %swap3A_470 {strides = array<i32>} : memref<128x64xf32, #tpu.memory_space<vmem>>, vector<1x16xf32>,
      %get3A_471 = arith.index_cast %add3A_434 : i32 to index
      %get3A_472 = arith.constant 48 : index
      %get3A_473 = tpu.vector_load %arg19[%get3A_471, %get3A_472] {strides = array<i32>} : memref<128x64xf32, #tpu.memory_space<vmem>>, vector<1x16xf32>,
      %get3A_474 = vector.shape_cast %get3A_473 : vector<1x16xf32> to vector<16xf32>
      %mul3A_475 = arith.mulf %get3A_474, %div3A_441 : vector<16xf32>
      %swap3A_476 = arith.index_cast %add3A_434 : i32 to index
      %swap3A_477 = arith.constant 48 : index
      %swap3A_478 = tpu.vector_load %arg19[%swap3A_476, %swap3A_477] {strides = array<i32>} : memref<128x64xf32, #tpu.memory_space<vmem>>, vector<1x16xf32>,
      %swap3A_479 = vector.shape_cast %swap3A_478 : vector<1x16xf32> to vector<16xf32>
      %swap3A_480 = vector.shape_cast %mul3A_475 : vector<16xf32> to vector<1x16xf32>
      tpu.vector_store %arg19[%swap3A_476, %swap3A_477], %swap3A_480 {strides = array<i32>} : memref<128x64xf32, #tpu.memory_space<vmem>>, vector<1x16xf32>,
    }
    %scan3A_350 = arith.constant 128 : i32
    "tpu.region"() ({
      %run_scoped3A = tpu.sem_alloc : memref<!tpu.dma_semaphore, #tpu.memory_space<semaphore_mem>>
      %dma_start3A_430 = arith.constant 0 : i32
      %dma_start3A_431 = arith.constant 0 : i32
      %dma_start3A_432 = tpu.memref_slice %arg19[%dma_start3A_430, %dma_start3A_431] : memref<128x64xf32, #tpu.memory_space<vmem>> -> memref<128x64xf32, #tpu.memory_space<vmem>>
      %dma_start3A_433 = arith.constant 0 : i32
      %dma_start3A_434 = tpu.memref_slice %arg22[%add3A_345, %dma_start3A_433] : memref<10112x64xf32, #tpu.memory_space<vmem_shared>> -> memref<128x64xf32, #tpu.memory_space<vmem_shared>>
      %dma_start3A_435 = arith.constant 0 : i32
      %dma_start3A_436 = tpu.memref_slice %arg22[%add3A_345, %dma_start3A_435] : memref<10112x64xf32, #tpu.memory_space<vmem_shared>> -> memref<128x64xf32, #tpu.memory_space<vmem_shared>>
      %dma_start3A_437 = arith.constant 0 : i32
      %dma_start3A_438 = arith.constant 0 : i32
      %dma_start3A_439 = tpu.memref_slice %arg19[%dma_start3A_437, %dma_start3A_438] : memref<128x64xf32, #tpu.memory_space<vmem>> -> memref<128x64xf32, #tpu.memory_space<vmem>>
      tpu.enqueue_dma source(%dma_start3A_439 : memref<128x64xf32, #tpu.memory_space<vmem>>) target(%dma_start3A_436 : memref<128x64xf32, #tpu.memory_space<vmem_shared>>) target_semaphore(%run_scoped3A : memref<!tpu.dma_semaphore, #tpu.memory_space<semaphore_mem>>)
      %dma_wait3A_440 = arith.constant 0 : i32
      %dma_wait3A_441 = arith.constant 0 : i32
      %dma_wait3A_442 = tpu.memref_slice %arg19[%dma_wait3A_440, %dma_wait3A_441] : memref<128x64xf32, #tpu.memory_space<vmem>> -> memref<128x64xf32, #tpu.memory_space<vmem>>
      %dma_wait3A_443 = arith.constant 0 : i32
      %dma_wait3A_444 = tpu.memref_slice %arg22[%add3A_345, %dma_wait3A_443] : memref<10112x64xf32, #tpu.memory_space<vmem_shared>> -> memref<128x64xf32, #tpu.memory_space<vmem_shared>>
      %dma_wait3A_445 = arith.constant 0 : i32
      %dma_wait3A_446 = tpu.memref_slice %arg22[%add3A_345, %dma_wait3A_445] : memref<10112x64xf32, #tpu.memory_space<vmem_shared>> -> memref<128x64xf32, #tpu.memory_space<vmem_shared>>
      %dma_wait3A_447 = arith.constant 0 : i32
      %dma_wait3A_448 = arith.constant 0 : i32
      %dma_wait3A_449 = tpu.memref_slice %arg19[%dma_wait3A_447, %dma_wait3A_448] : memref<128x64xf32, #tpu.memory_space<vmem>> -> memref<128x64xf32, #tpu.memory_space<vmem>>
      tpu.wait_dma2 semaphore(%run_scoped3A : memref<!tpu.dma_semaphore, #tpu.memory_space<semaphore_mem>>) src(%dma_wait3A_449 : memref<128x64xf32, #tpu.memory_space<vmem>>) dst(%dma_wait3A_446 : memref<128x64xf32, #tpu.memory_space<vmem_shared>>)
      tpu.yield
    }) : () -> ()
    %add3A_351 = arith.constant 384 : i32
    %add3A_352 = arith.addi %mul3A_0, %add3A_351 : i32
    "tpu.region"() ({
      %run_scoped3A = tpu.sem_alloc : memref<!tpu.dma_semaphore, #tpu.memory_space<semaphore_mem>>
      %dma_start3A_430 = arith.constant 0 : i32
      %dma_start3A_431 = arith.constant 0 : i32
      %dma_start3A_432 = tpu.memref_slice %arg19[%dma_start3A_430, %dma_start3A_431] : memref<128x64xf32, #tpu.memory_space<vmem>> -> memref<128x64xf32, #tpu.memory_space<vmem>>
      %dma_start3A_433 = arith.constant 0 : i32
      %dma_start3A_434 = tpu.memref_slice %arg23[%add3A_352, %dma_start3A_433] : memref<10112x64xf32, #tpu.memory_space<vmem_shared>> -> memref<128x64xf32, #tpu.memory_space<vmem_shared>>
      %dma_start3A_435 = arith.constant 0 : i32
      %dma_start3A_436 = arith.constant 0 : i32
      %dma_start3A_437 = tpu.memref_slice %arg19[%dma_start3A_435, %dma_start3A_436] : memref<128x64xf32, #tpu.memory_space<vmem>> -> memref<128x64xf32, #tpu.memory_space<vmem>>
      %dma_start3A_438 = arith.constant 0 : i32
      %dma_start3A_439 = tpu.memref_slice %arg23[%add3A_352, %dma_start3A_438] : memref<10112x64xf32, #tpu.memory_space<vmem_shared>> -> memref<128x64xf32, #tpu.memory_space<vmem_shared>>
      tpu.enqueue_dma source(%dma_start3A_439 : memref<128x64xf32, #tpu.memory_space<vmem_shared>>) target(%dma_start3A_437 : memref<128x64xf32, #tpu.memory_space<vmem>>) target_semaphore(%run_scoped3A : memref<!tpu.dma_semaphore, #tpu.memory_space<semaphore_mem>>)
      %dma_wait3A_440 = arith.constant 0 : i32
      %dma_wait3A_441 = arith.constant 0 : i32
      %dma_wait3A_442 = tpu.memref_slice %arg19[%dma_wait3A_440, %dma_wait3A_441] : memref<128x64xf32, #tpu.memory_space<vmem>> -> memref<128x64xf32, #tpu.memory_space<vmem>>
      %dma_wait3A_443 = arith.constant 0 : i32
      %dma_wait3A_444 = tpu.memref_slice %arg23[%add3A_352, %dma_wait3A_443] : memref<10112x64xf32, #tpu.memory_space<vmem_shared>> -> memref<128x64xf32, #tpu.memory_space<vmem_shared>>
      %dma_wait3A_445 = arith.constant 0 : i32
      %dma_wait3A_446 = arith.constant 0 : i32
      %dma_wait3A_447 = tpu.memref_slice %arg19[%dma_wait3A_445, %dma_wait3A_446] : memref<128x64xf32, #tpu.memory_space<vmem>> -> memref<128x64xf32, #tpu.memory_space<vmem>>
      %dma_wait3A_448 = arith.constant 0 : i32
      %dma_wait3A_449 = tpu.memref_slice %arg23[%add3A_352, %dma_wait3A_448] : memref<10112x64xf32, #tpu.memory_space<vmem_shared>> -> memref<128x64xf32, #tpu.memory_space<vmem_shared>>
      tpu.wait_dma2 semaphore(%run_scoped3A : memref<!tpu.dma_semaphore, #tpu.memory_space<semaphore_mem>>) src(%dma_wait3A_449 : memref<128x64xf32, #tpu.memory_space<vmem_shared>>) dst(%dma_wait3A_447 : memref<128x64xf32, #tpu.memory_space<vmem>>)
      tpu.yield
    }) : () -> ()
    "tpu.region"() ({
      %run_scoped3A = tpu.sem_alloc : memref<!tpu.dma_semaphore, #tpu.memory_space<semaphore_mem>>
      %dma_start3A_430 = arith.constant 0 : i32
      %dma_start3A_431 = arith.constant 0 : i32
      %dma_start3A_432 = tpu.memref_slice %arg21[%dma_start3A_430, %dma_start3A_431] : memref<128x16xf32, #tpu.memory_space<vmem>> -> memref<128x16xf32, #tpu.memory_space<vmem>>
      %dma_start3A_433 = arith.constant 0 : i32
      %dma_start3A_434 = tpu.memref_slice %arg24[%add3A_352, %dma_start3A_433] : memref<10112x16xf32, #tpu.memory_space<vmem_shared>> -> memref<128x16xf32, #tpu.memory_space<vmem_shared>>
      %dma_start3A_435 = arith.constant 0 : i32
      %dma_start3A_436 = arith.constant 0 : i32
      %dma_start3A_437 = tpu.memref_slice %arg21[%dma_start3A_435, %dma_start3A_436] : memref<128x16xf32, #tpu.memory_space<vmem>> -> memref<128x16xf32, #tpu.memory_space<vmem>>
      %dma_start3A_438 = arith.constant 0 : i32
      %dma_start3A_439 = tpu.memref_slice %arg24[%add3A_352, %dma_start3A_438] : memref<10112x16xf32, #tpu.memory_space<vmem_shared>> -> memref<128x16xf32, #tpu.memory_space<vmem_shared>>
      tpu.enqueue_dma source(%dma_start3A_439 : memref<128x16xf32, #tpu.memory_space<vmem_shared>>) target(%dma_start3A_437 : memref<128x16xf32, #tpu.memory_space<vmem>>) target_semaphore(%run_scoped3A : memref<!tpu.dma_semaphore, #tpu.memory_space<semaphore_mem>>)
      %dma_wait3A_440 = arith.constant 0 : i32
      %dma_wait3A_441 = arith.constant 0 : i32
      %dma_wait3A_442 = tpu.memref_slice %arg21[%dma_wait3A_440, %dma_wait3A_441] : memref<128x16xf32, #tpu.memory_space<vmem>> -> memref<128x16xf32, #tpu.memory_space<vmem>>
      %dma_wait3A_443 = arith.constant 0 : i32
      %dma_wait3A_444 = tpu.memref_slice %arg24[%add3A_352, %dma_wait3A_443] : memref<10112x16xf32, #tpu.memory_space<vmem_shared>> -> memref<128x16xf32, #tpu.memory_space<vmem_shared>>
      %dma_wait3A_445 = arith.constant 0 : i32
      %dma_wait3A_446 = arith.constant 0 : i32
      %dma_wait3A_447 = tpu.memref_slice %arg21[%dma_wait3A_445, %dma_wait3A_446] : memref<128x16xf32, #tpu.memory_space<vmem>> -> memref<128x16xf32, #tpu.memory_space<vmem>>
      %dma_wait3A_448 = arith.constant 0 : i32
      %dma_wait3A_449 = tpu.memref_slice %arg24[%add3A_352, %dma_wait3A_448] : memref<10112x16xf32, #tpu.memory_space<vmem_shared>> -> memref<128x16xf32, #tpu.memory_space<vmem_shared>>
      tpu.wait_dma2 semaphore(%run_scoped3A : memref<!tpu.dma_semaphore, #tpu.memory_space<semaphore_mem>>) src(%dma_wait3A_449 : memref<128x16xf32, #tpu.memory_space<vmem_shared>>) dst(%dma_wait3A_447 : memref<128x16xf32, #tpu.memory_space<vmem>>)
      tpu.yield
    }) : () -> ()
    %scan3A_353 = arith.constant 0 : i32
    %scan3A_354 = arith.constant 128 : i32
    %scan3A_355 = arith.addi %scan3A_353, %scan3A_354 : i32
    %scan3A_356 = arith.constant 1 : i32
    scf.for %scan3A_430 = %scan3A_353 to %scan3A_355 step %scan3A_356  : i32 {
      %mul3A_431 = arith.constant 1 : i32
      %mul3A_432 = arith.muli %scan3A_430, %mul3A_431 : i32
      %add3A_433 = arith.constant 0 : i32
      %add3A_434 = arith.addi %add3A_433, %mul3A_432 : i32
      %get3A = arith.index_cast %add3A_434 : i32 to index
      %get3A_435 = arith.constant 0 : index
      %get3A_436 = tpu.vector_load %arg21[%get3A, %get3A_435] {strides = array<i32>} : memref<128x16xf32, #tpu.memory_space<vmem>>, vector<1x16xf32>,
      %get3A_437 = vector.shape_cast %get3A_436 : vector<1x16xf32> to vector<16xf32>
      %max3A = arith.constant 1.000000e+00 : f32
      %max3A_438 = vector.broadcast %max3A : f32 to vector<16xf32>
      %max3A_439 = arith.maximumf %get3A_437, %max3A_438 : vector<16xf32>
      %div3A = arith.constant 1.000000e+00 : f32
      %div3A_440 = vector.broadcast %div3A : f32 to vector<16xf32>
      %div3A_441 = arith.divf %div3A_440, %max3A_439 : vector<16xf32>
      %get3A_442 = arith.index_cast %add3A_434 : i32 to index
      %get3A_443 = arith.constant 0 : index
      %get3A_444 = tpu.vector_load %arg19[%get3A_442, %get3A_443] {strides = array<i32>} : memref<128x64xf32, #tpu.memory_space<vmem>>, vector<1x16xf32>,
      %get3A_445 = vector.shape_cast %get3A_444 : vector<1x16xf32> to vector<16xf32>
      %mul3A_446 = arith.mulf %get3A_445, %div3A_441 : vector<16xf32>
      %swap3A = arith.index_cast %add3A_434 : i32 to index
      %swap3A_447 = arith.constant 0 : index
      %swap3A_448 = tpu.vector_load %arg19[%swap3A, %swap3A_447] {strides = array<i32>} : memref<128x64xf32, #tpu.memory_space<vmem>>, vector<1x16xf32>,
      %swap3A_449 = vector.shape_cast %swap3A_448 : vector<1x16xf32> to vector<16xf32>
      %swap3A_450 = vector.shape_cast %mul3A_446 : vector<16xf32> to vector<1x16xf32>
      tpu.vector_store %arg19[%swap3A, %swap3A_447], %swap3A_450 {strides = array<i32>} : memref<128x64xf32, #tpu.memory_space<vmem>>, vector<1x16xf32>,
      %get3A_451 = arith.index_cast %add3A_434 : i32 to index
      %get3A_452 = arith.constant 16 : index
      %get3A_453 = tpu.vector_load %arg19[%get3A_451, %get3A_452] {strides = array<i32>} : memref<128x64xf32, #tpu.memory_space<vmem>>, vector<1x16xf32>,
      %get3A_454 = vector.shape_cast %get3A_453 : vector<1x16xf32> to vector<16xf32>
      %mul3A_455 = arith.mulf %get3A_454, %div3A_441 : vector<16xf32>
      %swap3A_456 = arith.index_cast %add3A_434 : i32 to index
      %swap3A_457 = arith.constant 16 : index
      %swap3A_458 = tpu.vector_load %arg19[%swap3A_456, %swap3A_457] {strides = array<i32>} : memref<128x64xf32, #tpu.memory_space<vmem>>, vector<1x16xf32>,
      %swap3A_459 = vector.shape_cast %swap3A_458 : vector<1x16xf32> to vector<16xf32>
      %swap3A_460 = vector.shape_cast %mul3A_455 : vector<16xf32> to vector<1x16xf32>
      tpu.vector_store %arg19[%swap3A_456, %swap3A_457], %swap3A_460 {strides = array<i32>} : memref<128x64xf32, #tpu.memory_space<vmem>>, vector<1x16xf32>,
      %get3A_461 = arith.index_cast %add3A_434 : i32 to index
      %get3A_462 = arith.constant 32 : index
      %get3A_463 = tpu.vector_load %arg19[%get3A_461, %get3A_462] {strides = array<i32>} : memref<128x64xf32, #tpu.memory_space<vmem>>, vector<1x16xf32>,
      %get3A_464 = vector.shape_cast %get3A_463 : vector<1x16xf32> to vector<16xf32>
      %mul3A_465 = arith.mulf %get3A_464, %div3A_441 : vector<16xf32>
      %swap3A_466 = arith.index_cast %add3A_434 : i32 to index
      %swap3A_467 = arith.constant 32 : index
      %swap3A_468 = tpu.vector_load %arg19[%swap3A_466, %swap3A_467] {strides = array<i32>} : memref<128x64xf32, #tpu.memory_space<vmem>>, vector<1x16xf32>,
      %swap3A_469 = vector.shape_cast %swap3A_468 : vector<1x16xf32> to vector<16xf32>
      %swap3A_470 = vector.shape_cast %mul3A_465 : vector<16xf32> to vector<1x16xf32>
      tpu.vector_store %arg19[%swap3A_466, %swap3A_467], %swap3A_470 {strides = array<i32>} : memref<128x64xf32, #tpu.memory_space<vmem>>, vector<1x16xf32>,
      %get3A_471 = arith.index_cast %add3A_434 : i32 to index
      %get3A_472 = arith.constant 48 : index
      %get3A_473 = tpu.vector_load %arg19[%get3A_471, %get3A_472] {strides = array<i32>} : memref<128x64xf32, #tpu.memory_space<vmem>>, vector<1x16xf32>,
      %get3A_474 = vector.shape_cast %get3A_473 : vector<1x16xf32> to vector<16xf32>
      %mul3A_475 = arith.mulf %get3A_474, %div3A_441 : vector<16xf32>
      %swap3A_476 = arith.index_cast %add3A_434 : i32 to index
      %swap3A_477 = arith.constant 48 : index
      %swap3A_478 = tpu.vector_load %arg19[%swap3A_476, %swap3A_477] {strides = array<i32>} : memref<128x64xf32, #tpu.memory_space<vmem>>, vector<1x16xf32>,
      %swap3A_479 = vector.shape_cast %swap3A_478 : vector<1x16xf32> to vector<16xf32>
      %swap3A_480 = vector.shape_cast %mul3A_475 : vector<16xf32> to vector<1x16xf32>
      tpu.vector_store %arg19[%swap3A_476, %swap3A_477], %swap3A_480 {strides = array<i32>} : memref<128x64xf32, #tpu.memory_space<vmem>>, vector<1x16xf32>,
    }
    %scan3A_357 = arith.constant 128 : i32
    "tpu.region"() ({
      %run_scoped3A = tpu.sem_alloc : memref<!tpu.dma_semaphore, #tpu.memory_space<semaphore_mem>>
      %dma_start3A_430 = arith.constant 0 : i32
      %dma_start3A_431 = arith.constant 0 : i32
      %dma_start3A_432 = tpu.memref_slice %arg19[%dma_start3A_430, %dma_start3A_431] : memref<128x64xf32, #tpu.memory_space<vmem>> -> memref<128x64xf32, #tpu.memory_space<vmem>>
      %dma_start3A_433 = arith.constant 0 : i32
      %dma_start3A_434 = tpu.memref_slice %arg22[%add3A_352, %dma_start3A_433] : memref<10112x64xf32, #tpu.memory_space<vmem_shared>> -> memref<128x64xf32, #tpu.memory_space<vmem_shared>>
      %dma_start3A_435 = arith.constant 0 : i32
      %dma_start3A_436 = tpu.memref_slice %arg22[%add3A_352, %dma_start3A_435] : memref<10112x64xf32, #tpu.memory_space<vmem_shared>> -> memref<128x64xf32, #tpu.memory_space<vmem_shared>>
      %dma_start3A_437 = arith.constant 0 : i32
      %dma_start3A_438 = arith.constant 0 : i32
      %dma_start3A_439 = tpu.memref_slice %arg19[%dma_start3A_437, %dma_start3A_438] : memref<128x64xf32, #tpu.memory_space<vmem>> -> memref<128x64xf32, #tpu.memory_space<vmem>>
      tpu.enqueue_dma source(%dma_start3A_439 : memref<128x64xf32, #tpu.memory_space<vmem>>) target(%dma_start3A_436 : memref<128x64xf32, #tpu.memory_space<vmem_shared>>) target_semaphore(%run_scoped3A : memref<!tpu.dma_semaphore, #tpu.memory_space<semaphore_mem>>)
      %dma_wait3A_440 = arith.constant 0 : i32
      %dma_wait3A_441 = arith.constant 0 : i32
      %dma_wait3A_442 = tpu.memref_slice %arg19[%dma_wait3A_440, %dma_wait3A_441] : memref<128x64xf32, #tpu.memory_space<vmem>> -> memref<128x64xf32, #tpu.memory_space<vmem>>
      %dma_wait3A_443 = arith.constant 0 : i32
      %dma_wait3A_444 = tpu.memref_slice %arg22[%add3A_352, %dma_wait3A_443] : memref<10112x64xf32, #tpu.memory_space<vmem_shared>> -> memref<128x64xf32, #tpu.memory_space<vmem_shared>>
      %dma_wait3A_445 = arith.constant 0 : i32
      %dma_wait3A_446 = tpu.memref_slice %arg22[%add3A_352, %dma_wait3A_445] : memref<10112x64xf32, #tpu.memory_space<vmem_shared>> -> memref<128x64xf32, #tpu.memory_space<vmem_shared>>
      %dma_wait3A_447 = arith.constant 0 : i32
      %dma_wait3A_448 = arith.constant 0 : i32
      %dma_wait3A_449 = tpu.memref_slice %arg19[%dma_wait3A_447, %dma_wait3A_448] : memref<128x64xf32, #tpu.memory_space<vmem>> -> memref<128x64xf32, #tpu.memory_space<vmem>>
      tpu.wait_dma2 semaphore(%run_scoped3A : memref<!tpu.dma_semaphore, #tpu.memory_space<semaphore_mem>>) src(%dma_wait3A_449 : memref<128x64xf32, #tpu.memory_space<vmem>>) dst(%dma_wait3A_446 : memref<128x64xf32, #tpu.memory_space<vmem_shared>>)
      tpu.yield
    }) : () -> ()
    %add3A_358 = arith.constant 512 : i32
    %add3A_359 = arith.addi %mul3A_0, %add3A_358 : i32
    "tpu.region"() ({
      %run_scoped3A = tpu.sem_alloc : memref<!tpu.dma_semaphore, #tpu.memory_space<semaphore_mem>>
      %dma_start3A_430 = arith.constant 0 : i32
      %dma_start3A_431 = arith.constant 0 : i32
      %dma_start3A_432 = tpu.memref_slice %arg19[%dma_start3A_430, %dma_start3A_431] : memref<128x64xf32, #tpu.memory_space<vmem>> -> memref<120x64xf32, #tpu.memory_space<vmem>>
      %dma_start3A_433 = arith.constant 0 : i32
      %dma_start3A_434 = tpu.memref_slice %arg23[%add3A_359, %dma_start3A_433] : memref<10112x64xf32, #tpu.memory_space<vmem_shared>> -> memref<120x64xf32, #tpu.memory_space<vmem_shared>>
      %dma_start3A_435 = arith.constant 0 : i32
      %dma_start3A_436 = arith.constant 0 : i32
      %dma_start3A_437 = tpu.memref_slice %arg19[%dma_start3A_435, %dma_start3A_436] : memref<128x64xf32, #tpu.memory_space<vmem>> -> memref<120x64xf32, #tpu.memory_space<vmem>>
      %dma_start3A_438 = arith.constant 0 : i32
      %dma_start3A_439 = tpu.memref_slice %arg23[%add3A_359, %dma_start3A_438] : memref<10112x64xf32, #tpu.memory_space<vmem_shared>> -> memref<120x64xf32, #tpu.memory_space<vmem_shared>>
      tpu.enqueue_dma source(%dma_start3A_439 : memref<120x64xf32, #tpu.memory_space<vmem_shared>>) target(%dma_start3A_437 : memref<120x64xf32, #tpu.memory_space<vmem>>) target_semaphore(%run_scoped3A : memref<!tpu.dma_semaphore, #tpu.memory_space<semaphore_mem>>)
      %dma_wait3A_440 = arith.constant 0 : i32
      %dma_wait3A_441 = arith.constant 0 : i32
      %dma_wait3A_442 = tpu.memref_slice %arg19[%dma_wait3A_440, %dma_wait3A_441] : memref<128x64xf32, #tpu.memory_space<vmem>> -> memref<120x64xf32, #tpu.memory_space<vmem>>
      %dma_wait3A_443 = arith.constant 0 : i32
      %dma_wait3A_444 = tpu.memref_slice %arg23[%add3A_359, %dma_wait3A_443] : memref<10112x64xf32, #tpu.memory_space<vmem_shared>> -> memref<120x64xf32, #tpu.memory_space<vmem_shared>>
      %dma_wait3A_445 = arith.constant 0 : i32
      %dma_wait3A_446 = arith.constant 0 : i32
      %dma_wait3A_447 = tpu.memref_slice %arg19[%dma_wait3A_445, %dma_wait3A_446] : memref<128x64xf32, #tpu.memory_space<vmem>> -> memref<120x64xf32, #tpu.memory_space<vmem>>
      %dma_wait3A_448 = arith.constant 0 : i32
      %dma_wait3A_449 = tpu.memref_slice %arg23[%add3A_359, %dma_wait3A_448] : memref<10112x64xf32, #tpu.memory_space<vmem_shared>> -> memref<120x64xf32, #tpu.memory_space<vmem_shared>>
      tpu.wait_dma2 semaphore(%run_scoped3A : memref<!tpu.dma_semaphore, #tpu.memory_space<semaphore_mem>>) src(%dma_wait3A_449 : memref<120x64xf32, #tpu.memory_space<vmem_shared>>) dst(%dma_wait3A_447 : memref<120x64xf32, #tpu.memory_space<vmem>>)
      tpu.yield
    }) : () -> ()
    "tpu.region"() ({
      %run_scoped3A = tpu.sem_alloc : memref<!tpu.dma_semaphore, #tpu.memory_space<semaphore_mem>>
      %dma_start3A_430 = arith.constant 0 : i32
      %dma_start3A_431 = arith.constant 0 : i32
      %dma_start3A_432 = tpu.memref_slice %arg21[%dma_start3A_430, %dma_start3A_431] : memref<128x16xf32, #tpu.memory_space<vmem>> -> memref<120x16xf32, #tpu.memory_space<vmem>>
      %dma_start3A_433 = arith.constant 0 : i32
      %dma_start3A_434 = tpu.memref_slice %arg24[%add3A_359, %dma_start3A_433] : memref<10112x16xf32, #tpu.memory_space<vmem_shared>> -> memref<120x16xf32, #tpu.memory_space<vmem_shared>>
      %dma_start3A_435 = arith.constant 0 : i32
      %dma_start3A_436 = arith.constant 0 : i32
      %dma_start3A_437 = tpu.memref_slice %arg21[%dma_start3A_435, %dma_start3A_436] : memref<128x16xf32, #tpu.memory_space<vmem>> -> memref<120x16xf32, #tpu.memory_space<vmem>>
      %dma_start3A_438 = arith.constant 0 : i32
      %dma_start3A_439 = tpu.memref_slice %arg24[%add3A_359, %dma_start3A_438] : memref<10112x16xf32, #tpu.memory_space<vmem_shared>> -> memref<120x16xf32, #tpu.memory_space<vmem_shared>>
      tpu.enqueue_dma source(%dma_start3A_439 : memref<120x16xf32, #tpu.memory_space<vmem_shared>>) target(%dma_start3A_437 : memref<120x16xf32, #tpu.memory_space<vmem>>) target_semaphore(%run_scoped3A : memref<!tpu.dma_semaphore, #tpu.memory_space<semaphore_mem>>)
      %dma_wait3A_440 = arith.constant 0 : i32
      %dma_wait3A_441 = arith.constant 0 : i32
      %dma_wait3A_442 = tpu.memref_slice %arg21[%dma_wait3A_440, %dma_wait3A_441] : memref<128x16xf32, #tpu.memory_space<vmem>> -> memref<120x16xf32, #tpu.memory_space<vmem>>
      %dma_wait3A_443 = arith.constant 0 : i32
      %dma_wait3A_444 = tpu.memref_slice %arg24[%add3A_359, %dma_wait3A_443] : memref<10112x16xf32, #tpu.memory_space<vmem_shared>> -> memref<120x16xf32, #tpu.memory_space<vmem_shared>>
      %dma_wait3A_445 = arith.constant 0 : i32
      %dma_wait3A_446 = arith.constant 0 : i32
      %dma_wait3A_447 = tpu.memref_slice %arg21[%dma_wait3A_445, %dma_wait3A_446] : memref<128x16xf32, #tpu.memory_space<vmem>> -> memref<120x16xf32, #tpu.memory_space<vmem>>
      %dma_wait3A_448 = arith.constant 0 : i32
      %dma_wait3A_449 = tpu.memref_slice %arg24[%add3A_359, %dma_wait3A_448] : memref<10112x16xf32, #tpu.memory_space<vmem_shared>> -> memref<120x16xf32, #tpu.memory_space<vmem_shared>>
      tpu.wait_dma2 semaphore(%run_scoped3A : memref<!tpu.dma_semaphore, #tpu.memory_space<semaphore_mem>>) src(%dma_wait3A_449 : memref<120x16xf32, #tpu.memory_space<vmem_shared>>) dst(%dma_wait3A_447 : memref<120x16xf32, #tpu.memory_space<vmem>>)
      tpu.yield
    }) : () -> ()
    %scan3A_360 = arith.constant 0 : i32
    %scan3A_361 = arith.constant 120 : i32
    %scan3A_362 = arith.addi %scan3A_360, %scan3A_361 : i32
    %scan3A_363 = arith.constant 1 : i32
    scf.for %scan3A_430 = %scan3A_360 to %scan3A_362 step %scan3A_363  : i32 {
      %mul3A_431 = arith.constant 1 : i32
      %mul3A_432 = arith.muli %scan3A_430, %mul3A_431 : i32
      %add3A_433 = arith.constant 0 : i32
      %add3A_434 = arith.addi %add3A_433, %mul3A_432 : i32
      %get3A = arith.index_cast %add3A_434 : i32 to index
      %get3A_435 = arith.constant 0 : index
      %get3A_436 = tpu.vector_load %arg21[%get3A, %get3A_435] {strides = array<i32>} : memref<128x16xf32, #tpu.memory_space<vmem>>, vector<1x16xf32>,
      %get3A_437 = vector.shape_cast %get3A_436 : vector<1x16xf32> to vector<16xf32>
      %max3A = arith.constant 1.000000e+00 : f32
      %max3A_438 = vector.broadcast %max3A : f32 to vector<16xf32>
      %max3A_439 = arith.maximumf %get3A_437, %max3A_438 : vector<16xf32>
      %div3A = arith.constant 1.000000e+00 : f32
      %div3A_440 = vector.broadcast %div3A : f32 to vector<16xf32>
      %div3A_441 = arith.divf %div3A_440, %max3A_439 : vector<16xf32>
      %get3A_442 = arith.index_cast %add3A_434 : i32 to index
      %get3A_443 = arith.constant 0 : index
      %get3A_444 = tpu.vector_load %arg19[%get3A_442, %get3A_443] {strides = array<i32>} : memref<128x64xf32, #tpu.memory_space<vmem>>, vector<1x16xf32>,
      %get3A_445 = vector.shape_cast %get3A_444 : vector<1x16xf32> to vector<16xf32>
      %mul3A_446 = arith.mulf %get3A_445, %div3A_441 : vector<16xf32>
      %swap3A = arith.index_cast %add3A_434 : i32 to index
      %swap3A_447 = arith.constant 0 : index
      %swap3A_448 = tpu.vector_load %arg19[%swap3A, %swap3A_447] {strides = array<i32>} : memref<128x64xf32, #tpu.memory_space<vmem>>, vector<1x16xf32>,
      %swap3A_449 = vector.shape_cast %swap3A_448 : vector<1x16xf32> to vector<16xf32>
      %swap3A_450 = vector.shape_cast %mul3A_446 : vector<16xf32> to vector<1x16xf32>
      tpu.vector_store %arg19[%swap3A, %swap3A_447], %swap3A_450 {strides = array<i32>} : memref<128x64xf32, #tpu.memory_space<vmem>>, vector<1x16xf32>,
      %get3A_451 = arith.index_cast %add3A_434 : i32 to index
      %get3A_452 = arith.constant 16 : index
      %get3A_453 = tpu.vector_load %arg19[%get3A_451, %get3A_452] {strides = array<i32>} : memref<128x64xf32, #tpu.memory_space<vmem>>, vector<1x16xf32>,
      %get3A_454 = vector.shape_cast %get3A_453 : vector<1x16xf32> to vector<16xf32>
      %mul3A_455 = arith.mulf %get3A_454, %div3A_441 : vector<16xf32>
      %swap3A_456 = arith.index_cast %add3A_434 : i32 to index
      %swap3A_457 = arith.constant 16 : index
      %swap3A_458 = tpu.vector_load %arg19[%swap3A_456, %swap3A_457] {strides = array<i32>} : memref<128x64xf32, #tpu.memory_space<vmem>>, vector<1x16xf32>,
      %swap3A_459 = vector.shape_cast %swap3A_458 : vector<1x16xf32> to vector<16xf32>
      %swap3A_460 = vector.shape_cast %mul3A_455 : vector<16xf32> to vector<1x16xf32>
      tpu.vector_store %arg19[%swap3A_456, %swap3A_457], %swap3A_460 {strides = array<i32>} : memref<128x64xf32, #tpu.memory_space<vmem>>, vector<1x16xf32>,
      %get3A_461 = arith.index_cast %add3A_434 : i32 to index
      %get3A_462 = arith.constant 32 : index
      %get3A_463 = tpu.vector_load %arg19[%get3A_461, %get3A_462] {strides = array<i32>} : memref<128x64xf32, #tpu.memory_space<vmem>>, vector<1x16xf32>,
      %get3A_464 = vector.shape_cast %get3A_463 : vector<1x16xf32> to vector<16xf32>
      %mul3A_465 = arith.mulf %get3A_464, %div3A_441 : vector<16xf32>
      %swap3A_466 = arith.index_cast %add3A_434 : i32 to index
      %swap3A_467 = arith.constant 32 : index
      %swap3A_468 = tpu.vector_load %arg19[%swap3A_466, %swap3A_467] {strides = array<i32>} : memref<128x64xf32, #tpu.memory_space<vmem>>, vector<1x16xf32>,
      %swap3A_469 = vector.shape_cast %swap3A_468 : vector<1x16xf32> to vector<16xf32>
      %swap3A_470 = vector.shape_cast %mul3A_465 : vector<16xf32> to vector<1x16xf32>
      tpu.vector_store %arg19[%swap3A_466, %swap3A_467], %swap3A_470 {strides = array<i32>} : memref<128x64xf32, #tpu.memory_space<vmem>>, vector<1x16xf32>,
      %get3A_471 = arith.index_cast %add3A_434 : i32 to index
      %get3A_472 = arith.constant 48 : index
      %get3A_473 = tpu.vector_load %arg19[%get3A_471, %get3A_472] {strides = array<i32>} : memref<128x64xf32, #tpu.memory_space<vmem>>, vector<1x16xf32>,
      %get3A_474 = vector.shape_cast %get3A_473 : vector<1x16xf32> to vector<16xf32>
      %mul3A_475 = arith.mulf %get3A_474, %div3A_441 : vector<16xf32>
      %swap3A_476 = arith.index_cast %add3A_434 : i32 to index
      %swap3A_477 = arith.constant 48 : index
      %swap3A_478 = tpu.vector_load %arg19[%swap3A_476, %swap3A_477] {strides = array<i32>} : memref<128x64xf32, #tpu.memory_space<vmem>>, vector<1x16xf32>,
      %swap3A_479 = vector.shape_cast %swap3A_478 : vector<1x16xf32> to vector<16xf32>
      %swap3A_480 = vector.shape_cast %mul3A_475 : vector<16xf32> to vector<1x16xf32>
      tpu.vector_store %arg19[%swap3A_476, %swap3A_477], %swap3A_480 {strides = array<i32>} : memref<128x64xf32, #tpu.memory_space<vmem>>, vector<1x16xf32>,
    }
    %scan3A_364 = arith.constant 120 : i32
    "tpu.region"() ({
      %run_scoped3A = tpu.sem_alloc : memref<!tpu.dma_semaphore, #tpu.memory_space<semaphore_mem>>
      %dma_start3A_430 = arith.constant 0 : i32
      %dma_start3A_431 = arith.constant 0 : i32
      %dma_start3A_432 = tpu.memref_slice %arg19[%dma_start3A_430, %dma_start3A_431] : memref<128x64xf32, #tpu.memory_space<vmem>> -> memref<120x64xf32, #tpu.memory_space<vmem>>
      %dma_start3A_433 = arith.constant 0 : i32
      %dma_start3A_434 = tpu.memref_slice %arg22[%add3A_359, %dma_start3A_433] : memref<10112x64xf32, #tpu.memory_space<vmem_shared>> -> memref<120x64xf32, #tpu.memory_space<vmem_shared>>
      %dma_start3A_435 = arith.constant 0 : i32
      %dma_start3A_436 = tpu.memref_slice %arg22[%add3A_359, %dma_start3A_435] : memref<10112x64xf32, #tpu.memory_space<vmem_shared>> -> memref<120x64xf32, #tpu.memory_space<vmem_shared>>
      %dma_start3A_437 = arith.constant 0 : i32
      %dma_start3A_438 = arith.constant 0 : i32
      %dma_start3A_439 = tpu.memref_slice %arg19[%dma_start3A_437, %dma_start3A_438] : memref<128x64xf32, #tpu.memory_space<vmem>> -> memref<120x64xf32, #tpu.memory_space<vmem>>
      tpu.enqueue_dma source(%dma_start3A_439 : memref<120x64xf32, #tpu.memory_space<vmem>>) target(%dma_start3A_436 : memref<120x64xf32, #tpu.memory_space<vmem_shared>>) target_semaphore(%run_scoped3A : memref<!tpu.dma_semaphore, #tpu.memory_space<semaphore_mem>>)
      %dma_wait3A_440 = arith.constant 0 : i32
      %dma_wait3A_441 = arith.constant 0 : i32
      %dma_wait3A_442 = tpu.memref_slice %arg19[%dma_wait3A_440, %dma_wait3A_441] : memref<128x64xf32, #tpu.memory_space<vmem>> -> memref<120x64xf32, #tpu.memory_space<vmem>>
      %dma_wait3A_443 = arith.constant 0 : i32
      %dma_wait3A_444 = tpu.memref_slice %arg22[%add3A_359, %dma_wait3A_443] : memref<10112x64xf32, #tpu.memory_space<vmem_shared>> -> memref<120x64xf32, #tpu.memory_space<vmem_shared>>
      %dma_wait3A_445 = arith.constant 0 : i32
      %dma_wait3A_446 = tpu.memref_slice %arg22[%add3A_359, %dma_wait3A_445] : memref<10112x64xf32, #tpu.memory_space<vmem_shared>> -> memref<120x64xf32, #tpu.memory_space<vmem_shared>>
      %dma_wait3A_447 = arith.constant 0 : i32
      %dma_wait3A_448 = arith.constant 0 : i32
      %dma_wait3A_449 = tpu.memref_slice %arg19[%dma_wait3A_447, %dma_wait3A_448] : memref<128x64xf32, #tpu.memory_space<vmem>> -> memref<120x64xf32, #tpu.memory_space<vmem>>
      tpu.wait_dma2 semaphore(%run_scoped3A : memref<!tpu.dma_semaphore, #tpu.memory_space<semaphore_mem>>) src(%dma_wait3A_449 : memref<120x64xf32, #tpu.memory_space<vmem>>) dst(%dma_wait3A_446 : memref<120x64xf32, #tpu.memory_space<vmem_shared>>)
      tpu.yield
    }) : () -> ()
    %dma_start3A_365 = arith.constant 0 : i32
    %dma_start3A_366 = tpu.memref_slice %arg23[%mul3A_0, %dma_start3A_365] : memref<10112x64xf32, #tpu.memory_space<vmem_shared>> -> memref<632x64xf32, #tpu.memory_space<vmem_shared>>
    tpu.enqueue_dma source(%arg10 : memref<632x64xf32, #tpu.memory_space<hbm>>) target(%dma_start3A_366 : memref<632x64xf32, #tpu.memory_space<vmem_shared>>) target_semaphore(%arg25 : memref<!tpu.dma_semaphore, #tpu.memory_space<semaphore_mem>>)
    %dma_wait3A_367 = arith.constant 0 : i32
    %dma_wait3A_368 = tpu.memref_slice %arg23[%mul3A_0, %dma_wait3A_367] : memref<10112x64xf32, #tpu.memory_space<vmem_shared>> -> memref<632x64xf32, #tpu.memory_space<vmem_shared>>
    tpu.wait_dma2 semaphore(%arg25 : memref<!tpu.dma_semaphore, #tpu.memory_space<semaphore_mem>>) src(%arg10 : memref<632x64xf32, #tpu.memory_space<hbm>>) dst(%dma_wait3A_368 : memref<632x64xf32, #tpu.memory_space<vmem_shared>>)
    %dma_wait3A_369 = arith.constant 0 : i32
    %dma_wait3A_370 = arith.constant 0 : i32
    %dma_wait3A_371 = tpu.memref_slice %arg8[%arg1, %dma_wait3A_369, %dma_wait3A_370] : memref<16x80x128xi32, #tpu.memory_space<hbm>> -> memref<1x80x128xi32, #tpu.memory_space<hbm>>
    %dma_wait3A_372 = tpu.memref_squeeze %dma_wait3A_371 : memref<1x80x128xi32, #tpu.memory_space<hbm>> -> memref<80x128xi32, #tpu.memory_space<hbm>>
    %dma_wait3A_373 = arith.constant 0 : i32
    %dma_wait3A_374 = arith.constant 0 : i32
    %dma_wait3A_375 = tpu.memref_slice %arg8[%arg1, %dma_wait3A_373, %dma_wait3A_374] : memref<16x80x128xi32, #tpu.memory_space<hbm>> -> memref<1x80x128xi32, #tpu.memory_space<hbm>>
    %dma_wait3A_376 = tpu.memref_squeeze %dma_wait3A_375 : memref<1x80x128xi32, #tpu.memory_space<hbm>> -> memref<80x128xi32, #tpu.memory_space<hbm>>
    tpu.wait_dma2 semaphore(%arg26 : memref<!tpu.dma_semaphore, #tpu.memory_space<semaphore_mem>>) src(%dma_wait3A_376 : memref<80x128xi32, #tpu.memory_space<hbm>>) dst(%arg17 : memref<80x128xi32, #tpu.memory_space<vmem>>)
    %dma_wait3A_377 = arith.constant 0 : i32
    %dma_wait3A_378 = arith.constant 0 : i32
    %dma_wait3A_379 = tpu.memref_slice %arg9[%arg1, %dma_wait3A_377, %dma_wait3A_378] : memref<16x80x128xi32, #tpu.memory_space<hbm>> -> memref<1x80x128xi32, #tpu.memory_space<hbm>>
    %dma_wait3A_380 = tpu.memref_squeeze %dma_wait3A_379 : memref<1x80x128xi32, #tpu.memory_space<hbm>> -> memref<80x128xi32, #tpu.memory_space<hbm>>
    %dma_wait3A_381 = arith.constant 0 : i32
    %dma_wait3A_382 = arith.constant 0 : i32
    %dma_wait3A_383 = tpu.memref_slice %arg9[%arg1, %dma_wait3A_381, %dma_wait3A_382] : memref<16x80x128xi32, #tpu.memory_space<hbm>> -> memref<1x80x128xi32, #tpu.memory_space<hbm>>
    %dma_wait3A_384 = tpu.memref_squeeze %dma_wait3A_383 : memref<1x80x128xi32, #tpu.memory_space<hbm>> -> memref<80x128xi32, #tpu.memory_space<hbm>>
    tpu.wait_dma2 semaphore(%arg27 : memref<!tpu.dma_semaphore, #tpu.memory_space<semaphore_mem>>) src(%dma_wait3A_384 : memref<80x128xi32, #tpu.memory_space<hbm>>) dst(%arg18 : memref<80x128xi32, #tpu.memory_space<vmem>>)
    %barrier3A_385 = arith.constant 0 : index
    tpu.barrier barrier_id(%barrier3A_385)
    %dma_start3A_386 = arith.constant 0 : i32
    %dma_start3A_387 = arith.constant 0 : i32
    %dma_start3A_388 = tpu.memref_slice %arg17[%dma_start3A_386, %dma_start3A_387] : memref<80x128xi32, #tpu.memory_space<vmem>> -> memref<1x128xi32, #tpu.memory_space<vmem>>
    %dma_start3A_389 = tpu.memref_squeeze %dma_start3A_388 : memref<1x128xi32, #tpu.memory_space<vmem>> -> memref<128xi32, #tpu.memory_space<vmem>>
    %dma_start3A_390 = arith.constant 0 : i32
    %dma_start3A_391 = arith.constant 0 : i32
    %dma_start3A_392 = tpu.memref_slice %arg22[%dma_start3A_390, %dma_start3A_391] : memref<10112x64xf32, #tpu.memory_space<vmem_shared>> -> memref<10112x64xf32, #tpu.memory_space<vmem_shared>>
    tpu.enqueue_indirect_dma source(%dma_start3A_392 : memref<10112x64xf32, #tpu.memory_space<vmem_shared>>) target(%arg19 : memref<128x64xf32, #tpu.memory_space<vmem>>) offsets(%dma_start3A_389 : memref<128xi32, #tpu.memory_space<vmem>>) semaphore(%arg25 : memref<!tpu.dma_semaphore, #tpu.memory_space<semaphore_mem>>)
    %dma_start3A_393 = arith.constant 1 : i32
    %dma_start3A_394 = arith.constant 0 : i32
    %dma_start3A_395 = tpu.memref_slice %arg17[%dma_start3A_393, %dma_start3A_394] : memref<80x128xi32, #tpu.memory_space<vmem>> -> memref<1x128xi32, #tpu.memory_space<vmem>>
    %dma_start3A_396 = tpu.memref_squeeze %dma_start3A_395 : memref<1x128xi32, #tpu.memory_space<vmem>> -> memref<128xi32, #tpu.memory_space<vmem>>
    %dma_start3A_397 = arith.constant 0 : i32
    %dma_start3A_398 = arith.constant 0 : i32
    %dma_start3A_399 = tpu.memref_slice %arg22[%dma_start3A_397, %dma_start3A_398] : memref<10112x64xf32, #tpu.memory_space<vmem_shared>> -> memref<10112x64xf32, #tpu.memory_space<vmem_shared>>
    tpu.enqueue_indirect_dma source(%dma_start3A_399 : memref<10112x64xf32, #tpu.memory_space<vmem_shared>>) target(%arg20 : memref<128x64xf32, #tpu.memory_space<vmem>>) offsets(%dma_start3A_396 : memref<128xi32, #tpu.memory_space<vmem>>) semaphore(%arg26 : memref<!tpu.dma_semaphore, #tpu.memory_space<semaphore_mem>>)
    %scan3A_400 = arith.constant 0 : i32
    %scan3A_401 = arith.constant 40 : i32
    %scan3A_402 = arith.addi %scan3A_400, %scan3A_401 : i32
    %scan3A_403 = arith.constant 1 : i32
    scf.for %scan3A_430 = %scan3A_400 to %scan3A_402 step %scan3A_403  : i32 {
      %mul3A_431 = arith.constant 2 : i32
      %mul3A_432 = arith.muli %scan3A_430, %mul3A_431 : i32
      %add3A_433 = arith.constant 0 : i32
      %add3A_434 = arith.addi %add3A_433, %mul3A_432 : i32
      %add3A_435 = arith.constant 0 : i32
      %add3A_436 = arith.addi %add3A_434, %add3A_435 : i32
      %dma_wait3A_437 = arith.constant 0 : i32
      %dma_wait3A_438 = tpu.memref_slice %arg17[%add3A_436, %dma_wait3A_437] : memref<80x128xi32, #tpu.memory_space<vmem>> -> memref<1x128xi32, #tpu.memory_space<vmem>>
      %dma_wait3A_439 = tpu.memref_squeeze %dma_wait3A_438 : memref<1x128xi32, #tpu.memory_space<vmem>> -> memref<128xi32, #tpu.memory_space<vmem>>
      %dma_wait3A_440 = arith.constant 0 : i32
      %dma_wait3A_441 = arith.constant 0 : i32
      %dma_wait3A_442 = tpu.memref_slice %arg22[%dma_wait3A_440, %dma_wait3A_441] : memref<10112x64xf32, #tpu.memory_space<vmem_shared>> -> memref<10112x64xf32, #tpu.memory_space<vmem_shared>>
      tpu.wait_indirect_dma semaphore(%arg25 : memref<!tpu.dma_semaphore, #tpu.memory_space<semaphore_mem>>) src(%dma_wait3A_442 : memref<10112x64xf32, #tpu.memory_space<vmem_shared>>) dst(%arg19 : memref<128x64xf32, #tpu.memory_space<vmem>>)
      %dma_start3A_443 = arith.constant 0 : i32
      %dma_start3A_444 = tpu.memref_slice %arg18[%add3A_436, %dma_start3A_443] : memref<80x128xi32, #tpu.memory_space<vmem>> -> memref<1x128xi32, #tpu.memory_space<vmem>>
      %dma_start3A_445 = tpu.memref_squeeze %dma_start3A_444 : memref<1x128xi32, #tpu.memory_space<vmem>> -> memref<128xi32, #tpu.memory_space<vmem>>
      %dma_start3A_446 = arith.constant 0 : i32
      %dma_start3A_447 = arith.constant 0 : i32
      %dma_start3A_448 = tpu.memref_slice %arg23[%dma_start3A_446, %dma_start3A_447] : memref<10112x64xf32, #tpu.memory_space<vmem_shared>> -> memref<10112x64xf32, #tpu.memory_space<vmem_shared>>
      tpu.enqueue_indirect_dma source(%arg19 : memref<128x64xf32, #tpu.memory_space<vmem>>) target(%dma_start3A_448 : memref<10112x64xf32, #tpu.memory_space<vmem_shared>>) offsets(%dma_start3A_445 : memref<128xi32, #tpu.memory_space<vmem>>) semaphore(%arg27 : memref<!tpu.dma_semaphore, #tpu.memory_space<semaphore_mem>>) {add = true}
      %add3A_449 = arith.constant 2 : i32
      %add3A_450 = arith.addi %add3A_436, %add3A_449 : i32
      %lt3A_451 = arith.constant 80 : i32
      %lt3A_452 = arith.cmpi slt, %add3A_450, %lt3A_451 : i32
      %convert_element_type3A_453 = arith.extui %lt3A_452 : i1 to i32
      %cond3A_454 = arith.constant 0 : i32
      %cond3A_455 = arith.cmpi ne, %convert_element_type3A_453, %cond3A_454 : i32
      scf.if %cond3A_455 {
        %dma_wait3A_477 = arith.constant 0 : i32
        %dma_wait3A_478 = tpu.memref_slice %arg18[%add3A_436, %dma_wait3A_477] : memref<80x128xi32, #tpu.memory_space<vmem>> -> memref<1x128xi32, #tpu.memory_space<vmem>>
        %dma_wait3A_479 = tpu.memref_squeeze %dma_wait3A_478 : memref<1x128xi32, #tpu.memory_space<vmem>> -> memref<128xi32, #tpu.memory_space<vmem>>
        %dma_wait3A_480 = arith.constant 0 : i32
        %dma_wait3A_481 = arith.constant 0 : i32
        %dma_wait3A_482 = tpu.memref_slice %arg23[%dma_wait3A_480, %dma_wait3A_481] : memref<10112x64xf32, #tpu.memory_space<vmem_shared>> -> memref<10112x64xf32, #tpu.memory_space<vmem_shared>>
        tpu.wait_indirect_dma semaphore(%arg27 : memref<!tpu.dma_semaphore, #tpu.memory_space<semaphore_mem>>) src(%arg19 : memref<128x64xf32, #tpu.memory_space<vmem>>) dst(%dma_wait3A_482 : memref<10112x64xf32, #tpu.memory_space<vmem_shared>>)
        %add3A_483 = arith.constant 2 : i32
        %add3A_484 = arith.addi %add3A_436, %add3A_483 : i32
        %dma_start3A_485 = arith.constant 0 : i32
        %dma_start3A_486 = tpu.memref_slice %arg17[%add3A_484, %dma_start3A_485] : memref<80x128xi32, #tpu.memory_space<vmem>> -> memref<1x128xi32, #tpu.memory_space<vmem>>
        %dma_start3A_487 = tpu.memref_squeeze %dma_start3A_486 : memref<1x128xi32, #tpu.memory_space<vmem>> -> memref<128xi32, #tpu.memory_space<vmem>>
        %dma_start3A_488 = arith.constant 0 : i32
        %dma_start3A_489 = arith.constant 0 : i32
        %dma_start3A_490 = tpu.memref_slice %arg22[%dma_start3A_488, %dma_start3A_489] : memref<10112x64xf32, #tpu.memory_space<vmem_shared>> -> memref<10112x64xf32, #tpu.memory_space<vmem_shared>>
        tpu.enqueue_indirect_dma source(%dma_start3A_490 : memref<10112x64xf32, #tpu.memory_space<vmem_shared>>) target(%arg19 : memref<128x64xf32, #tpu.memory_space<vmem>>) offsets(%dma_start3A_487 : memref<128xi32, #tpu.memory_space<vmem>>) semaphore(%arg25 : memref<!tpu.dma_semaphore, #tpu.memory_space<semaphore_mem>>)
      } else {
      }
      %add3A_456 = arith.constant 1 : i32
      %add3A_457 = arith.addi %add3A_434, %add3A_456 : i32
      %dma_wait3A_458 = arith.constant 0 : i32
      %dma_wait3A_459 = tpu.memref_slice %arg17[%add3A_457, %dma_wait3A_458] : memref<80x128xi32, #tpu.memory_space<vmem>> -> memref<1x128xi32, #tpu.memory_space<vmem>>
      %dma_wait3A_460 = tpu.memref_squeeze %dma_wait3A_459 : memref<1x128xi32, #tpu.memory_space<vmem>> -> memref<128xi32, #tpu.memory_space<vmem>>
      %dma_wait3A_461 = arith.constant 0 : i32
      %dma_wait3A_462 = arith.constant 0 : i32
      %dma_wait3A_463 = tpu.memref_slice %arg22[%dma_wait3A_461, %dma_wait3A_462] : memref<10112x64xf32, #tpu.memory_space<vmem_shared>> -> memref<10112x64xf32, #tpu.memory_space<vmem_shared>>
      tpu.wait_indirect_dma semaphore(%arg26 : memref<!tpu.dma_semaphore, #tpu.memory_space<semaphore_mem>>) src(%dma_wait3A_463 : memref<10112x64xf32, #tpu.memory_space<vmem_shared>>) dst(%arg20 : memref<128x64xf32, #tpu.memory_space<vmem>>)
      %dma_start3A_464 = arith.constant 0 : i32
      %dma_start3A_465 = tpu.memref_slice %arg18[%add3A_457, %dma_start3A_464] : memref<80x128xi32, #tpu.memory_space<vmem>> -> memref<1x128xi32, #tpu.memory_space<vmem>>
      %dma_start3A_466 = tpu.memref_squeeze %dma_start3A_465 : memref<1x128xi32, #tpu.memory_space<vmem>> -> memref<128xi32, #tpu.memory_space<vmem>>
      %dma_start3A_467 = arith.constant 0 : i32
      %dma_start3A_468 = arith.constant 0 : i32
      %dma_start3A_469 = tpu.memref_slice %arg23[%dma_start3A_467, %dma_start3A_468] : memref<10112x64xf32, #tpu.memory_space<vmem_shared>> -> memref<10112x64xf32, #tpu.memory_space<vmem_shared>>
      tpu.enqueue_indirect_dma source(%arg20 : memref<128x64xf32, #tpu.memory_space<vmem>>) target(%dma_start3A_469 : memref<10112x64xf32, #tpu.memory_space<vmem_shared>>) offsets(%dma_start3A_466 : memref<128xi32, #tpu.memory_space<vmem>>) semaphore(%arg28 : memref<!tpu.dma_semaphore, #tpu.memory_space<semaphore_mem>>) {add = true}
      %add3A_470 = arith.constant 2 : i32
      %add3A_471 = arith.addi %add3A_457, %add3A_470 : i32
      %lt3A_472 = arith.constant 80 : i32
      %lt3A_473 = arith.cmpi slt, %add3A_471, %lt3A_472 : i32
      %convert_element_type3A_474 = arith.extui %lt3A_473 : i1 to i32
      %cond3A_475 = arith.constant 0 : i32
      %cond3A_476 = arith.cmpi ne, %convert_element_type3A_474, %cond3A_475 : i32
      scf.if %cond3A_476 {
        %dma_wait3A_477 = arith.constant 0 : i32
        %dma_wait3A_478 = tpu.memref_slice %arg18[%add3A_457, %dma_wait3A_477] : memref<80x128xi32, #tpu.memory_space<vmem>> -> memref<1x128xi32, #tpu.memory_space<vmem>>
        %dma_wait3A_479 = tpu.memref_squeeze %dma_wait3A_478 : memref<1x128xi32, #tpu.memory_space<vmem>> -> memref<128xi32, #tpu.memory_space<vmem>>
        %dma_wait3A_480 = arith.constant 0 : i32
        %dma_wait3A_481 = arith.constant 0 : i32
        %dma_wait3A_482 = tpu.memref_slice %arg23[%dma_wait3A_480, %dma_wait3A_481] : memref<10112x64xf32, #tpu.memory_space<vmem_shared>> -> memref<10112x64xf32, #tpu.memory_space<vmem_shared>>
        tpu.wait_indirect_dma semaphore(%arg28 : memref<!tpu.dma_semaphore, #tpu.memory_space<semaphore_mem>>) src(%arg20 : memref<128x64xf32, #tpu.memory_space<vmem>>) dst(%dma_wait3A_482 : memref<10112x64xf32, #tpu.memory_space<vmem_shared>>)
        %add3A_483 = arith.constant 2 : i32
        %add3A_484 = arith.addi %add3A_457, %add3A_483 : i32
        %dma_start3A_485 = arith.constant 0 : i32
        %dma_start3A_486 = tpu.memref_slice %arg17[%add3A_484, %dma_start3A_485] : memref<80x128xi32, #tpu.memory_space<vmem>> -> memref<1x128xi32, #tpu.memory_space<vmem>>
        %dma_start3A_487 = tpu.memref_squeeze %dma_start3A_486 : memref<1x128xi32, #tpu.memory_space<vmem>> -> memref<128xi32, #tpu.memory_space<vmem>>
        %dma_start3A_488 = arith.constant 0 : i32
        %dma_start3A_489 = arith.constant 0 : i32
        %dma_start3A_490 = tpu.memref_slice %arg22[%dma_start3A_488, %dma_start3A_489] : memref<10112x64xf32, #tpu.memory_space<vmem_shared>> -> memref<10112x64xf32, #tpu.memory_space<vmem_shared>>
        tpu.enqueue_indirect_dma source(%dma_start3A_490 : memref<10112x64xf32, #tpu.memory_space<vmem_shared>>) target(%arg20 : memref<128x64xf32, #tpu.memory_space<vmem>>) offsets(%dma_start3A_487 : memref<128xi32, #tpu.memory_space<vmem>>) semaphore(%arg26 : memref<!tpu.dma_semaphore, #tpu.memory_space<semaphore_mem>>)
      } else {
      }
    }
    %scan3A_404 = arith.constant 40 : i32
    %dma_wait3A_405 = arith.constant 78 : i32
    %dma_wait3A_406 = arith.constant 0 : i32
    %dma_wait3A_407 = tpu.memref_slice %arg18[%dma_wait3A_405, %dma_wait3A_406] : memref<80x128xi32, #tpu.memory_space<vmem>> -> memref<1x128xi32, #tpu.memory_space<vmem>>
    %dma_wait3A_408 = tpu.memref_squeeze %dma_wait3A_407 : memref<1x128xi32, #tpu.memory_space<vmem>> -> memref<128xi32, #tpu.memory_space<vmem>>
    %dma_wait3A_409 = arith.constant 0 : i32
    %dma_wait3A_410 = arith.constant 0 : i32
    %dma_wait3A_411 = tpu.memref_slice %arg23[%dma_wait3A_409, %dma_wait3A_410] : memref<10112x64xf32, #tpu.memory_space<vmem_shared>> -> memref<10112x64xf32, #tpu.memory_space<vmem_shared>>
    tpu.wait_indirect_dma semaphore(%arg27 : memref<!tpu.dma_semaphore, #tpu.memory_space<semaphore_mem>>) src(%arg19 : memref<128x64xf32, #tpu.memory_space<vmem>>) dst(%dma_wait3A_411 : memref<10112x64xf32, #tpu.memory_space<vmem_shared>>)
    %dma_wait3A_412 = arith.constant 79 : i32
    %dma_wait3A_413 = arith.constant 0 : i32
    %dma_wait3A_414 = tpu.memref_slice %arg18[%dma_wait3A_412, %dma_wait3A_413] : memref<80x128xi32, #tpu.memory_space<vmem>> -> memref<1x128xi32, #tpu.memory_space<vmem>>
    %dma_wait3A_415 = tpu.memref_squeeze %dma_wait3A_414 : memref<1x128xi32, #tpu.memory_space<vmem>> -> memref<128xi32, #tpu.memory_space<vmem>>
    %dma_wait3A_416 = arith.constant 0 : i32
    %dma_wait3A_417 = arith.constant 0 : i32
    %dma_wait3A_418 = tpu.memref_slice %arg23[%dma_wait3A_416, %dma_wait3A_417] : memref<10112x64xf32, #tpu.memory_space<vmem_shared>> -> memref<10112x64xf32, #tpu.memory_space<vmem_shared>>
    tpu.wait_indirect_dma semaphore(%arg28 : memref<!tpu.dma_semaphore, #tpu.memory_space<semaphore_mem>>) src(%arg20 : memref<128x64xf32, #tpu.memory_space<vmem>>) dst(%dma_wait3A_418 : memref<10112x64xf32, #tpu.memory_space<vmem_shared>>)
    %barrier3A_419 = arith.constant 0 : index
    tpu.barrier barrier_id(%barrier3A_419)
    %eq3A_420 = arith.constant 0 : i32
    %eq3A_421 = arith.cmpi eq, %arg0, %eq3A_420 : i32
    %convert_element_type3A_422 = arith.extui %eq3A_421 : i1 to i32
    %cond3A_423 = arith.constant 0 : i32
    %cond3A_424 = arith.cmpi ne, %convert_element_type3A_422, %cond3A_423 : i32
    scf.if %cond3A_424 {
      "tpu.region"() ({
        %run_scoped3A = tpu.sem_alloc : memref<!tpu.dma_semaphore, #tpu.memory_space<semaphore_mem>>
        %dma_start3A_430 = arith.constant 0 : i32
        %dma_start3A_431 = tpu.memref_slice %arg14[%mul3A_0, %dma_start3A_430] : memref<10112x64xf32, #tpu.memory_space<hbm>> -> memref<632x64xf32, #tpu.memory_space<hbm>>
        %dma_start3A_432 = arith.constant 0 : i32
        %dma_start3A_433 = tpu.memref_slice %arg23[%mul3A_0, %dma_start3A_432] : memref<10112x64xf32, #tpu.memory_space<vmem_shared>> -> memref<632x64xf32, #tpu.memory_space<vmem_shared>>
        tpu.enqueue_dma source(%dma_start3A_433 : memref<632x64xf32, #tpu.memory_space<vmem_shared>>) target(%dma_start3A_431 : memref<632x64xf32, #tpu.memory_space<hbm>>) target_semaphore(%run_scoped3A : memref<!tpu.dma_semaphore, #tpu.memory_space<semaphore_mem>>)
        %dma_wait3A_434 = arith.constant 0 : i32
        %dma_wait3A_435 = tpu.memref_slice %arg14[%mul3A_0, %dma_wait3A_434] : memref<10112x64xf32, #tpu.memory_space<hbm>> -> memref<632x64xf32, #tpu.memory_space<hbm>>
        %dma_wait3A_436 = arith.constant 0 : i32
        %dma_wait3A_437 = tpu.memref_slice %arg23[%mul3A_0, %dma_wait3A_436] : memref<10112x64xf32, #tpu.memory_space<vmem_shared>> -> memref<632x64xf32, #tpu.memory_space<vmem_shared>>
        tpu.wait_dma2 semaphore(%run_scoped3A : memref<!tpu.dma_semaphore, #tpu.memory_space<semaphore_mem>>) src(%dma_wait3A_437 : memref<632x64xf32, #tpu.memory_space<vmem_shared>>) dst(%dma_wait3A_435 : memref<632x64xf32, #tpu.memory_space<hbm>>)
        tpu.yield
      }) : () -> ()
    } else {
    }
    %eq3A_425 = arith.constant 1 : i32
    %eq3A_426 = arith.cmpi eq, %arg0, %eq3A_425 : i32
    %convert_element_type3A_427 = arith.extui %eq3A_426 : i1 to i32
    %cond3A_428 = arith.constant 0 : i32
    %cond3A_429 = arith.cmpi ne, %convert_element_type3A_427, %cond3A_428 : i32
    scf.if %cond3A_429 {
      "tpu.region"() ({
        %run_scoped3A = tpu.sem_alloc : memref<!tpu.dma_semaphore, #tpu.memory_space<semaphore_mem>>
        %dma_start3A_430 = arith.constant 0 : i32
        %dma_start3A_431 = tpu.memref_slice %arg16[%mul3A_0, %dma_start3A_430] : memref<10112x64xf32, #tpu.memory_space<hbm>> -> memref<632x64xf32, #tpu.memory_space<hbm>>
        %dma_start3A_432 = arith.constant 0 : i32
        %dma_start3A_433 = tpu.memref_slice %arg23[%mul3A_0, %dma_start3A_432] : memref<10112x64xf32, #tpu.memory_space<vmem_shared>> -> memref<632x64xf32, #tpu.memory_space<vmem_shared>>
        tpu.enqueue_dma source(%dma_start3A_433 : memref<632x64xf32, #tpu.memory_space<vmem_shared>>) target(%dma_start3A_431 : memref<632x64xf32, #tpu.memory_space<hbm>>) target_semaphore(%run_scoped3A : memref<!tpu.dma_semaphore, #tpu.memory_space<semaphore_mem>>)
        %dma_wait3A_434 = arith.constant 0 : i32
        %dma_wait3A_435 = tpu.memref_slice %arg16[%mul3A_0, %dma_wait3A_434] : memref<10112x64xf32, #tpu.memory_space<hbm>> -> memref<632x64xf32, #tpu.memory_space<hbm>>
        %dma_wait3A_436 = arith.constant 0 : i32
        %dma_wait3A_437 = tpu.memref_slice %arg23[%mul3A_0, %dma_wait3A_436] : memref<10112x64xf32, #tpu.memory_space<vmem_shared>> -> memref<632x64xf32, #tpu.memory_space<vmem_shared>>
        tpu.wait_dma2 semaphore(%run_scoped3A : memref<!tpu.dma_semaphore, #tpu.memory_space<semaphore_mem>>) src(%dma_wait3A_437 : memref<632x64xf32, #tpu.memory_space<vmem_shared>>) dst(%dma_wait3A_435 : memref<632x64xf32, #tpu.memory_space<hbm>>)
        tpu.yield
      }) : () -> ()
    } else {
    }
    return
  }
}

module attributes {stable_mosaic.version = 14 : i64} {
  func.func @_mm_body(%arg0: i32, %arg1: memref<1000x256xf32, #tpu.memory_space<vmem>>, %arg2: memref<256x256xf32, #tpu.memory_space<vmem>>, %arg3: memref<1x256xf32, #tpu.memory_space<vmem>>, %arg4: memref<1000x64xf32, #tpu.memory_space<vmem>>, %arg5: memref<1000x64xf32, #tpu.memory_space<vmem>>, %arg6: memref<1000x64xf32, #tpu.memory_space<vmem>>, %arg7: memref<1000x64xf32, #tpu.memory_space<vmem>>) attributes {dimension_semantics = [#tpu.dimension_semantics<arbitrary>], iteration_bounds = array<i64: 10>, scalar_prefetch = 0 : i64, scratch_operands = 0 : i64, tpu.core_type = #tpu.core_type<tc>, window_params = [{transform_indices = @transform_0, window_bounds = array<i64: 1000, 256>}, {pipeline_mode = #tpu.pipeline_mode<synchronous>, transform_indices = @transform_1, window_bounds = array<i64: 256, 256>}, {pipeline_mode = #tpu.pipeline_mode<synchronous>, transform_indices = @transform_2, window_bounds = array<i64: 1, 256>}, {transform_indices = @transform_3, window_bounds = array<i64: 1000, 64>}, {transform_indices = @transform_4, window_bounds = array<i64: 1000, 64>}, {transform_indices = @transform_5, window_bounds = array<i64: 1000, 64>}, {transform_indices = @transform_6, window_bounds = array<i64: 1000, 64>}]} {
    %get3A = arith.constant 0 : index
    %get3A_0 = arith.constant 0 : index
    %get3A_1 = vector.load %arg1[%get3A, %get3A_0] : memref<1000x256xf32, #tpu.memory_space<vmem>>, vector<1000x256xf32>
    %get3A_2 = arith.constant 0 : index
    %get3A_3 = arith.constant 0 : index
    %get3A_4 = vector.load %arg2[%get3A_2, %get3A_3] : memref<256x256xf32, #tpu.memory_space<vmem>>, vector<256x256xf32>
    %dot_general3A = arith.constant dense<0.000000e+00> : vector<1000x256xf32>
    %dot_general3A_5 = tpu.matmul %get3A_1, %get3A_4, %dot_general3A {dimension_numbers = #tpu.dot_dimension_numbers<[1], [0], [0], [1], [0, 0, 1, 1], [], []>, transpose_lhs_hint = false} : vector<1000x256xf32>, vector<256x256xf32>, vector<1000x256xf32> -> vector<1000x256xf32>
    %get3A_6 = arith.constant 0 : index
    %get3A_7 = arith.constant 0 : index
    %get3A_8 = vector.load %arg3[%get3A_6, %get3A_7] : memref<1x256xf32, #tpu.memory_space<vmem>>, vector<1x256xf32>
    %add3A = vector.broadcast %get3A_8 : vector<1x256xf32> to vector<1000x256xf32>
    %add3A_9 = arith.addf %dot_general3A_5, %add3A : vector<1000x256xf32>
    %slice3A = vector.extract_strided_slice %add3A_9 {offsets = [0, 0], sizes = [1000, 64], strides = [1, 1]} : vector<1000x256xf32> to vector<1000x64xf32>
    %swap3A = arith.constant 0 : index
    %swap3A_10 = arith.constant 0 : index
    %swap3A_11 = vector.load %arg4[%swap3A, %swap3A_10] : memref<1000x64xf32, #tpu.memory_space<vmem>>, vector<1000x64xf32>
    tpu.vector_store %arg4[%swap3A, %swap3A_10], %slice3A {strides = array<i32>} : memref<1000x64xf32, #tpu.memory_space<vmem>>, vector<1000x64xf32>,
    %slice3A_12 = vector.extract_strided_slice %add3A_9 {offsets = [0, 64], sizes = [1000, 64], strides = [1, 1]} : vector<1000x256xf32> to vector<1000x64xf32>
    %swap3A_13 = arith.constant 0 : index
    %swap3A_14 = arith.constant 0 : index
    %swap3A_15 = vector.load %arg5[%swap3A_13, %swap3A_14] : memref<1000x64xf32, #tpu.memory_space<vmem>>, vector<1000x64xf32>
    tpu.vector_store %arg5[%swap3A_13, %swap3A_14], %slice3A_12 {strides = array<i32>} : memref<1000x64xf32, #tpu.memory_space<vmem>>, vector<1000x64xf32>,
    %slice3A_16 = vector.extract_strided_slice %add3A_9 {offsets = [0, 128], sizes = [1000, 64], strides = [1, 1]} : vector<1000x256xf32> to vector<1000x64xf32>
    %swap3A_17 = arith.constant 0 : index
    %swap3A_18 = arith.constant 0 : index
    %swap3A_19 = vector.load %arg6[%swap3A_17, %swap3A_18] : memref<1000x64xf32, #tpu.memory_space<vmem>>, vector<1000x64xf32>
    tpu.vector_store %arg6[%swap3A_17, %swap3A_18], %slice3A_16 {strides = array<i32>} : memref<1000x64xf32, #tpu.memory_space<vmem>>, vector<1000x64xf32>,
    %slice3A_20 = vector.extract_strided_slice %add3A_9 {offsets = [0, 192], sizes = [1000, 64], strides = [1, 1]} : vector<1000x256xf32> to vector<1000x64xf32>
    %swap3A_21 = arith.constant 0 : index
    %swap3A_22 = arith.constant 0 : index
    %swap3A_23 = vector.load %arg7[%swap3A_21, %swap3A_22] : memref<1000x64xf32, #tpu.memory_space<vmem>>, vector<1000x64xf32>
    tpu.vector_store %arg7[%swap3A_21, %swap3A_22], %slice3A_20 {strides = array<i32>} : memref<1000x64xf32, #tpu.memory_space<vmem>>, vector<1000x64xf32>,
    return
  }
  func.func @transform_0(%arg0: i32) -> (i32, i32) {
    %c0_i32 = arith.constant 0 : i32
    %c0_i32_0 = arith.constant 0 : i32
    return %arg0, %c0_i32 : i32, i32
  }
  func.func @transform_1(%arg0: i32) -> (i32, i32) {
    %c0_i32 = arith.constant 0 : i32
    %c0_i32_0 = arith.constant 0 : i32
    %c0_i32_1 = arith.constant 0 : i32
    return %c0_i32, %c0_i32_0 : i32, i32
  }
  func.func @transform_2(%arg0: i32) -> (i32, i32) {
    %c0_i32 = arith.constant 0 : i32
    %c0_i32_0 = arith.constant 0 : i32
    %c0_i32_1 = arith.constant 0 : i32
    return %c0_i32, %c0_i32_0 : i32, i32
  }
  func.func @transform_3(%arg0: i32) -> (i32, i32) {
    %c0_i32 = arith.constant 0 : i32
    %c0_i32_0 = arith.constant 0 : i32
    return %arg0, %c0_i32 : i32, i32
  }
  func.func @transform_4(%arg0: i32) -> (i32, i32) {
    %c0_i32 = arith.constant 0 : i32
    %c0_i32_0 = arith.constant 0 : i32
    return %arg0, %c0_i32 : i32, i32
  }
  func.func @transform_5(%arg0: i32) -> (i32, i32) {
    %c0_i32 = arith.constant 0 : i32
    %c0_i32_0 = arith.constant 0 : i32
    return %arg0, %c0_i32 : i32, i32
  }
  func.func @transform_6(%arg0: i32) -> (i32, i32) {
    %c0_i32 = arith.constant 0 : i32
    %c0_i32_0 = arith.constant 0 : i32
    return %arg0, %c0_i32 : i32, i32
  }
}

module attributes {stable_mosaic.version = 14 : i64} {
  func.func @_final_body(%arg0: i32, %arg1: memref<1000x64xf32, #tpu.memory_space<vmem>>, %arg2: memref<1000x64xf32, #tpu.memory_space<vmem>>, %arg3: memref<1000x64xf32, #tpu.memory_space<vmem>>, %arg4: memref<1000x64xf32, #tpu.memory_space<vmem>>, %arg5: memref<1000x64xf32, #tpu.memory_space<vmem>>, %arg6: memref<1000x64xf32, #tpu.memory_space<vmem>>, %arg7: memref<1000x64xf32, #tpu.memory_space<vmem>>, %arg8: memref<1000x64xf32, #tpu.memory_space<vmem>>, %arg9: memref<1000x256xf32, #tpu.memory_space<vmem>>) attributes {dimension_semantics = [#tpu.dimension_semantics<arbitrary>], iteration_bounds = array<i64: 10>, scalar_prefetch = 0 : i64, scratch_operands = 0 : i64, tpu.core_type = #tpu.core_type<tc>, window_params = [{transform_indices = @transform_0, window_bounds = array<i64: 1000, 64>}, {transform_indices = @transform_1, window_bounds = array<i64: 1000, 64>}, {transform_indices = @transform_2, window_bounds = array<i64: 1000, 64>}, {transform_indices = @transform_3, window_bounds = array<i64: 1000, 64>}, {transform_indices = @transform_4, window_bounds = array<i64: 1000, 64>}, {transform_indices = @transform_5, window_bounds = array<i64: 1000, 64>}, {transform_indices = @transform_6, window_bounds = array<i64: 1000, 64>}, {transform_indices = @transform_7, window_bounds = array<i64: 1000, 64>}, {transform_indices = @transform_8, window_bounds = array<i64: 1000, 256>}]} {
    %get3A = arith.constant 0 : index
    %get3A_0 = arith.constant 0 : index
    %get3A_1 = vector.load %arg1[%get3A, %get3A_0] : memref<1000x64xf32, #tpu.memory_space<vmem>>, vector<1000x64xf32>
    %get3A_2 = arith.constant 0 : index
    %get3A_3 = arith.constant 0 : index
    %get3A_4 = vector.load %arg5[%get3A_2, %get3A_3] : memref<1000x64xf32, #tpu.memory_space<vmem>>, vector<1000x64xf32>
    %add3A = arith.addf %get3A_1, %get3A_4 : vector<1000x64xf32>
    %max3A = arith.constant 0.000000e+00 : f32
    %max3A_5 = vector.broadcast %max3A : f32 to vector<1000x64xf32>
    %max3A_6 = arith.maximumf %add3A, %max3A_5 : vector<1000x64xf32>
    %swap3A = arith.constant 0 : index
    %swap3A_7 = arith.constant 0 : index
    %swap3A_8 = vector.load %arg9[%swap3A, %swap3A_7] : memref<1000x256xf32, #tpu.memory_space<vmem>>, vector<1000x64xf32>
    tpu.vector_store %arg9[%swap3A, %swap3A_7], %max3A_6 {strides = array<i32>} : memref<1000x256xf32, #tpu.memory_space<vmem>>, vector<1000x64xf32>,
    %get3A_9 = arith.constant 0 : index
    %get3A_10 = arith.constant 0 : index
    %get3A_11 = vector.load %arg2[%get3A_9, %get3A_10] : memref<1000x64xf32, #tpu.memory_space<vmem>>, vector<1000x64xf32>
    %get3A_12 = arith.constant 0 : index
    %get3A_13 = arith.constant 0 : index
    %get3A_14 = vector.load %arg6[%get3A_12, %get3A_13] : memref<1000x64xf32, #tpu.memory_space<vmem>>, vector<1000x64xf32>
    %add3A_15 = arith.addf %get3A_11, %get3A_14 : vector<1000x64xf32>
    %max3A_16 = arith.constant 0.000000e+00 : f32
    %max3A_17 = vector.broadcast %max3A_16 : f32 to vector<1000x64xf32>
    %max3A_18 = arith.maximumf %add3A_15, %max3A_17 : vector<1000x64xf32>
    %swap3A_19 = arith.constant 0 : index
    %swap3A_20 = arith.constant 64 : index
    %swap3A_21 = vector.load %arg9[%swap3A_19, %swap3A_20] : memref<1000x256xf32, #tpu.memory_space<vmem>>, vector<1000x64xf32>
    tpu.vector_store %arg9[%swap3A_19, %swap3A_20], %max3A_18 {strides = array<i32>} : memref<1000x256xf32, #tpu.memory_space<vmem>>, vector<1000x64xf32>,
    %get3A_22 = arith.constant 0 : index
    %get3A_23 = arith.constant 0 : index
    %get3A_24 = vector.load %arg3[%get3A_22, %get3A_23] : memref<1000x64xf32, #tpu.memory_space<vmem>>, vector<1000x64xf32>
    %get3A_25 = arith.constant 0 : index
    %get3A_26 = arith.constant 0 : index
    %get3A_27 = vector.load %arg7[%get3A_25, %get3A_26] : memref<1000x64xf32, #tpu.memory_space<vmem>>, vector<1000x64xf32>
    %add3A_28 = arith.addf %get3A_24, %get3A_27 : vector<1000x64xf32>
    %max3A_29 = arith.constant 0.000000e+00 : f32
    %max3A_30 = vector.broadcast %max3A_29 : f32 to vector<1000x64xf32>
    %max3A_31 = arith.maximumf %add3A_28, %max3A_30 : vector<1000x64xf32>
    %swap3A_32 = arith.constant 0 : index
    %swap3A_33 = arith.constant 128 : index
    %swap3A_34 = vector.load %arg9[%swap3A_32, %swap3A_33] : memref<1000x256xf32, #tpu.memory_space<vmem>>, vector<1000x64xf32>
    tpu.vector_store %arg9[%swap3A_32, %swap3A_33], %max3A_31 {strides = array<i32>} : memref<1000x256xf32, #tpu.memory_space<vmem>>, vector<1000x64xf32>,
    %get3A_35 = arith.constant 0 : index
    %get3A_36 = arith.constant 0 : index
    %get3A_37 = vector.load %arg4[%get3A_35, %get3A_36] : memref<1000x64xf32, #tpu.memory_space<vmem>>, vector<1000x64xf32>
    %get3A_38 = arith.constant 0 : index
    %get3A_39 = arith.constant 0 : index
    %get3A_40 = vector.load %arg8[%get3A_38, %get3A_39] : memref<1000x64xf32, #tpu.memory_space<vmem>>, vector<1000x64xf32>
    %add3A_41 = arith.addf %get3A_37, %get3A_40 : vector<1000x64xf32>
    %max3A_42 = arith.constant 0.000000e+00 : f32
    %max3A_43 = vector.broadcast %max3A_42 : f32 to vector<1000x64xf32>
    %max3A_44 = arith.maximumf %add3A_41, %max3A_43 : vector<1000x64xf32>
    %swap3A_45 = arith.constant 0 : index
    %swap3A_46 = arith.constant 192 : index
    %swap3A_47 = vector.load %arg9[%swap3A_45, %swap3A_46] : memref<1000x256xf32, #tpu.memory_space<vmem>>, vector<1000x64xf32>
    tpu.vector_store %arg9[%swap3A_45, %swap3A_46], %max3A_44 {strides = array<i32>} : memref<1000x256xf32, #tpu.memory_space<vmem>>, vector<1000x64xf32>,
    return
  }
  func.func @transform_0(%arg0: i32) -> (i32, i32) {
    %c0_i32 = arith.constant 0 : i32
    %c0_i32_0 = arith.constant 0 : i32
    return %arg0, %c0_i32 : i32, i32
  }
  func.func @transform_1(%arg0: i32) -> (i32, i32) {
    %c0_i32 = arith.constant 0 : i32
    %c0_i32_0 = arith.constant 0 : i32
    return %arg0, %c0_i32 : i32, i32
  }
  func.func @transform_2(%arg0: i32) -> (i32, i32) {
    %c0_i32 = arith.constant 0 : i32
    %c0_i32_0 = arith.constant 0 : i32
    return %arg0, %c0_i32 : i32, i32
  }
  func.func @transform_3(%arg0: i32) -> (i32, i32) {
    %c0_i32 = arith.constant 0 : i32
    %c0_i32_0 = arith.constant 0 : i32
    return %arg0, %c0_i32 : i32, i32
  }
  func.func @transform_4(%arg0: i32) -> (i32, i32) {
    %c0_i32 = arith.constant 0 : i32
    %c0_i32_0 = arith.constant 0 : i32
    return %arg0, %c0_i32 : i32, i32
  }
  func.func @transform_5(%arg0: i32) -> (i32, i32) {
    %c0_i32 = arith.constant 0 : i32
    %c0_i32_0 = arith.constant 0 : i32
    return %arg0, %c0_i32 : i32, i32
  }
  func.func @transform_6(%arg0: i32) -> (i32, i32) {
    %c0_i32 = arith.constant 0 : i32
    %c0_i32_0 = arith.constant 0 : i32
    return %arg0, %c0_i32 : i32, i32
  }
  func.func @transform_7(%arg0: i32) -> (i32, i32) {
    %c0_i32 = arith.constant 0 : i32
    %c0_i32_0 = arith.constant 0 : i32
    return %arg0, %c0_i32 : i32, i32
  }
  func.func @transform_8(%arg0: i32) -> (i32, i32) {
    %c0_i32 = arith.constant 0 : i32
    %c0_i32_0 = arith.constant 0 : i32
    return %arg0, %c0_i32 : i32, i32
  }
}

</mosaic_0001>

<sc_bundles>
// kernel: kernel.5.cloned.1.call-start
scs
__scs_entry_jumppad:
0x0: {  	(pc) =	sbr.rel $0x88, $3  }
0x1: {  	(tag) =	ssettag $0x0;
	lr =	simm.s32 $0x1  }
0x2: {  	[smem:$0x3F9D] =	sst lr;
	_ =	strace $0xD0000000  }
0x3: {  	_ = 	snop  }
0x4: {  	_ = 	snop  }
0x5: {  	_ = 	snop  }
0x6: {  	_ = 	snop  }
0x7: {  	_ = 	snop  }
__scs_overlays_trampoline_lowered:
0x8: {  	[smem:$0x3FAC] =	sst s0  }
0x9: {  	[smem:$0x3FAD] =	sst s1  }
0xa: {  	[smem:$0x3FAE] =	sst s2  }
0xb: {  	[smem:$0x3FAF] =	sst s3  }
0xc: {  	[smem:$0x3FB0] =	sst s4  }
0xd: {  	[smem:$0x3FB1] =	sst s5  }
0xe: {  	[smem:$0x3FB2] =	sst s6  }
0xf: {  	[smem:$0x3FB3] =	sst s7  }
0x10: {  	[smem:$0x3FB4] =	sst s8  }
0x11: {  	[smem:$0x3FB5] =	sst s9;
	s0 =	simm.s32 @!p0 $0x0  }
0x12: {  	s1 =	sld [smem:$0x3F9B];
	s0 =	simm.s32 @p0 $0x1  }
0x13: {  	[smem:$0x3FB6] =	sst s0;
	s0 =	simm.s32 @!p1 $0x0  }
0x14: {  	s2 =	sld [smem:$0x3F9A];
	s0 =	simm.s32 @p1 $0x1  }
0x15: {  	[smem:$0x3FB7] =	sst s0;
	s0 =	simm.s32 @!p2 $0x0  }
0x16: {  	s3 =	sld [smem:$0x3FDB];
	s0 =	simm.s32 @p2 $0x1  }
0x17: {  	s4 =	simm.s32 $0x1BF5;
	[smem:$0x3FB9] =	sst s0  }
0x18: {  	s0 =	sld [smem:$0x3F9C];
	_ =	swait.ge [sflag:s4], $0x0  }
0x19: {  	s7 =	sld [smem:$0x3F9D]  }
0x1a: {  	s8 =	sadd.s32 $0xFFFFE003, lr  }
0x1b: {  	s9 =	sadd.s32 $0xFFFFFEF7, lr;
	s5 =	simm.s32 $0xFFFFFFFF;
	p2 =	slt.u32 s8, $0xFFFFF086  }
0x1c: {  	p1 =	slt.u32 s9, $0xF7A;
	s5 =	simm.s32 @!p2 $0x0  }
0x1d: {  	s5 =	simm.s32 @p1 $0x1;
	p0 =	seq.s32 s7, s2  }
0x1e: {  	s7 =	smul.u32 @!p0 $0xF7A, s2;
	p2 =	seq.s32 @!p0 s5, $0x0  }
0x1f: {  	s9 =	smul.u32 $0xF7A, s1;
	s8 =	simm.s32 @!p0 $0x1BF5;
	p2 =	por !p2, p0  }
0x20: {  	[sflag:s8] =	ssyncset.s32 @!p0 $0xFFFFF086;
	s6 =	sadd.s32 @!p0 s3, s7;
	s7 =	simm.s32 @!p0 $0x108  }
0x21: {  	s3 =	sadd.s32 s3, s9;
	s6 =	sadd.s32 @!p0 $0x88, s6;
	s7 =	simm.s32 @p2 $0x1082  }
0x22: {  	[simem:s7], [sflag:s8] =	dma.local @!p0 [hbm:s6], $0xF7A  }
0x23: {  	s9 =	sor.u32 $0xD0000000, s2;
	s6 =	simm.s32 $0x108;
	_ =	swait.ge @!p0 [sflag:s8], $0x0  }
0x24: {  	s3 =	sadd.s32 $0x88, s3;
	s6 =	simm.s32 @!p1 $0x1082;
	[sflag:s4] =	ssyncset.s32 $0xFFFFF086  }
0x25: {  	[simem:s6], [sflag:s4] =	dma.local [hbm:s3], $0xF7A  }
0x26: {  	[smem:$0x3F9D] =	sst s1;
	(tag) =	ssettag s2;
	_ =	strace s9  }
0x27: {  	s1 =	sld [smem:$0x3FAD]  }
0x28: {  	s2 =	sld [smem:$0x3FAE]  }
0x29: {  	s4 =	sld [smem:$0x3FB0]  }
0x2a: {  	p0 =	seq.s32 s5, $0x0;
	s5 =	sld [smem:$0x3FB1]  }
0x2b: {  	s6 =	sld [smem:$0x3FB2]  }
0x2c: {  	s7 =	sld [smem:$0x3FB3]  }
0x2d: {  	s3 =	simm.s32 $0x108;
	s8 =	sld [smem:$0x3FB4]  }
0x2e: {  	s3 =	simm.s32 @!p0 $0x1082;
	s9 =	sld [smem:$0x3FB5]  }
0x2f: {  	lr =	sadd.s32 s0, s3;
	s0 =	sld [smem:$0x3FAC]  }
0x30: {  	s3 =	sld [smem:$0x3FAF]  }
0x31: {  	[smem:$0x3FB8] =	sst s10  }
0x32: {  	s10 =	sld [smem:$0x3FB6];
	_ =	sdelay $0x3  }
0x33: {  	p0 =	seq.s32 s10, $0x1;
	s10 =	sld [smem:$0x3FB8];
	_ =	sdelay $0x3  }
0x34: {  	[smem:$0x3FB8] =	sst s10  }
0x35: {  	s10 =	sld [smem:$0x3FB7];
	_ =	sdelay $0x3  }
0x36: {  	p1 =	seq.s32 s10, $0x1;
	s10 =	sld [smem:$0x3FB8];
	_ =	sdelay $0x3  }
0x37: {  	[smem:$0x3FB8] =	sst s10  }
0x38: {  	s10 =	sld [smem:$0x3FB9]  }
0x39: {  	_ = 	snop;
	(pc) =	sbr.ind lr, $3  }
0x3a: {  	_ = 	snop  }
0x3b: {  	_ = 	snop  }
0x3c: {  	p2 =	seq.s32 s10, $0x1;
	s10 =	sld [smem:$0x3FB8]  }
0x3d: {  	_ =	shalt  }
0x3e: {  	_ =	shalt  }
0x3f: {  	_ =	shalt  }
0x40: {  	_ =	shalt  }
0x41: {  	_ =	shalt  }
0x42: {  	_ =	shalt  }
0x43: {  	_ =	shalt  }
0x44: {  	_ =	shalt  }
0x45: {  	_ =	shalt  }
0x46: {  	_ =	shalt  }
0x47: {  	_ =	shalt  }
0x48: {  	_ =	shalt  }
0x49: {  	_ =	shalt  }
0x4a: {  	_ =	shalt  }
0x4b: {  	_ =	shalt  }
0x4c: {  	_ =	shalt  }
0x4d: {  	_ =	shalt  }
0x4e: {  	_ =	shalt  }
0x4f: {  	_ =	shalt  }
0x50: {  	_ =	shalt  }
0x51: {  	_ =	shalt  }
0x52: {  	_ =	shalt  }
0x53: {  	_ =	shalt  }
0x54: {  	_ =	shalt  }
0x55: {  	_ =	shalt  }
0x56: {  	_ =	shalt  }
0x57: {  	_ =	shalt  }
0x58: {  	_ =	shalt  }
0x59: {  	_ =	shalt  }
0x5a: {  	_ =	shalt  }
0x5b: {  	_ =	shalt  }
0x5c: {  	_ =	shalt  }
0x5d: {  	_ =	shalt  }
0x5e: {  	_ =	shalt  }
0x5f: {  	_ =	shalt  }
0x60: {  	_ =	shalt  }
0x61: {  	_ =	shalt  }
0x62: {  	_ =	shalt  }
0x63: {  	_ =	shalt  }
0x64: {  	_ =	shalt  }
0x65: {  	_ =	shalt  }
0x66: {  	_ =	shalt  }
0x67: {  	_ =	shalt  }
0x68: {  	_ =	shalt  }
0x69: {  	_ =	shalt  }
0x6a: {  	_ =	shalt  }
0x6b: {  	_ =	shalt  }
0x6c: {  	_ =	shalt  }
0x6d: {  	_ =	shalt  }
0x6e: {  	_ =	shalt  }
0x6f: {  	_ =	shalt  }
0x70: {  	_ =	shalt  }
0x71: {  	_ =	shalt  }
0x72: {  	_ =	shalt  }
0x73: {  	_ =	shalt  }
0x74: {  	_ =	shalt  }
0x75: {  	_ =	shalt  }
0x76: {  	_ =	shalt  }
0x77: {  	_ =	shalt  }
0x78: {  	_ =	shalt  }
0x79: {  	_ =	shalt  }
0x7a: {  	_ =	shalt  }
0x7b: {  	_ =	shalt  }
0x7c: {  	_ =	shalt  }
0x7d: {  	_ =	shalt  }
0x7e: {  	_ =	shalt  }
0x7f: {  	_ =	shalt  }
0x80: {  	_ =	shalt  }
0x81: {  	_ =	shalt  }
0x82: {  	_ =	shalt  }
0x83: {  	_ =	shalt  }
0x84: {  	_ =	shalt  }
0x85: {  	_ =	shalt  }
0x86: {  	_ =	shalt  }
0x87: {  	_ =	shalt  }
.Lfunc_end0:
.L_simem_size_0:
called_computation_lowered:
.L_overlay_start_0:
0x88: {  	s2 =	sld [smem:$0x3FD9]  }
0x89: {  	s3 =	sld [smem:$0x3FFE];
	_ =	sdelay $0x1  }
0x8a: {  	s1 =	srdreg.scid  }
0x8b: {  	s0 =	sand.u32 $0x1, s1  }
0x8c: {  	s17 =	sshll.u32 s0, $0xA;
	s2 =	sadd.s32 s3, s2  }
0x8d: {  	s2 =	sadd.s32 s2, s17  }
0x8e: {  	[smem:$0x3FC4] =	sst s2  }
0x8f: {  	_ = 	snop  }
0x90: {  	s2 =	sld [smem:$0x3FD0];
	(tm) =	ssettm $0x1  }
0x91: {  	s18 =	sld [smem:$0x3FFB];
	_ =	sdelay $0x3  }
0x92: {  	_ =	strace s18  }
0x93: {  	s3 =	sld [smem:$0x3FFC];
	_ =	sdelay $0x3  }
0x94: {  	_ =	strace s3  }
0x95: {  	s3 =	sld [smem:$0x3FFD];
	_ =	sdelay $0x3  }
0x96: {  	_ =	strace s3  }
0x97: {  	_ =	strace $0x8FFFFFFF  }
0x98: {  	s19 =	sld [smem:$0x3FDB];
	_ =	sdelay $0x1  }
0x99: {  	s4 =	simm.s32 $_scs_section_size  }
0x9a: {  	s5 =	simm.s32 $_size__tile_overlayer_lowered;
	s6 =	simm.s32 $_tile_overlayer_lowered  }
0x9b: {  	s22 =	simm.s32 $0x1BFF;
	s21 =	sshll.u32 s6, $0x1;
	s3 =	sadd.s32 s4, s19  }
0x9c: {  	s7 =	simm.s32 $0x0;
	s20 =	sshll.u32 s5, $0x1;
	s5 =	sadd.s32 s21, s3  }
0x9d: {  	[timem:s7], [sflag:s22] =	dma.local [hbm:s5], s20  }
0x9e: {  	_ =	swait.ge [sflag:s22], s20  }
0x9f: {  	s4 =	ssub.s32 $0x0, s20;
	[sflag:s22] =	ssyncset.done $0x0  }
0xa0: {  	[sflag:s22] =	ssyncadd.s32 s4;
	_ =	sdelay $0x1  }
0xa1: {  	s23 =	simm.s32 $0x1B8B  }
0xa2: {  	_ =	swait.ge [sflag:s23], $0x1  }
0xa3: {  	[sflag:s23] =	ssyncset.done $0x0  }
0xa4: {  	s25 =	simm.s32 $0x1B8E;
	s24 =	sld [smem:$0x3FFE];
	[sflag:s23] =	ssyncadd.s32 $0xFFFFFFFF  }
0xa5: {  	s26 =	simm.s32 $execute0_lowered;
	[smem:$0x3FD2] =	sst s25  }
0xa6: {  	s5 =	sshll.u32 s26, $0x1;
	_ =	strace $0x80000046;
	[dreg:$0x1] =	wrdreg $0xFFFFFFFF  }
0xa7: {  	s28 =	simm.s32 $_size_execute0_lowered;
	s3 =	sadd.s32 s3, s5;
	[dreg:$0x0] =	wrdreg $0x0  }
0xa8: {  	s5 =	sshll.u32 s28, $0x1;
	[dreg:$0x2] =	wrdreg s3  }
0xa9: {  	[dreg:$0x3] =	wrdreg s5  }
0xaa: {  	[dreg:$0x4] =	wrdreg $0xC0  }
0xab: {  	_ =	task [dreg:s7], $0x5FFFF  }
0xac: {  	[dreg:$0x1] =	wrdreg $0xFFFFFFFF  }
0xad: {  	[dreg:$0x0] =	wrdreg $0x60  }
0xae: {  	[dreg:$0x2] =	wrdreg s24  }
0xaf: {  	[dreg:$0x3] =	wrdreg s2  }
0xb0: {  	[dreg:$0x4] =	wrdreg $0x136000  }
0xb1: {  	[dreg:$0x5] =	wrdreg $0x1D4000  }
0xb2: {  	[dreg:$0x6] =	wrdreg $0x98000  }
0xb3: {  	[dreg:$0x7] =	wrdreg $0x9  }
0xb4: {  	_ =	task.clear_ibuf [dreg:s7], $0x8FFFF;
	_ =	strace $0x90000046  }
0xb5: {  	s29 =	simm.s32 $0x9;
	_ =	strace $0x80000048  }
0xb6: {  	_ =	swait.ge [sflag:s29], $0x1  }
0xb7: {  	[sflag:s29] =	ssyncadd.s32 $0xFFFFFFFF  }
0xb8: {  	_ =	strace $0x90000048  }
0xb9: {  	_ =	sfence  }
0xba: {  	s30 =	sld [smem:$0x0];
	_ =	sdelay $0x2  }
0xbb: {  	s31 =	sshll.u32 s1, $0xD;
	s1 =	sshrl.u32 s1, $0x2  }
0xbc: {  	s3 =	sand.u32 $0x4000, s31;
	s1 =	sadd.s32 s1, s30  }
0xbd: {  	s0 =	sor.u32 s3, s0;
	s1 =	sshll.u32 s1, $0x11  }
0xbe: {  	s0 =	sor.u32 s1, s0  }
0xbf: {  	s0 =	sadd.s32 $0x8F2B, s0  }
0xc0: {  	[sflag:s0] =	ssyncadd.remote.s32 $0x1  }
0xc1: {  	_ =	sfence.sel $0xFFFF  }
0xc2: {  	[dreg:$0x0] =	wrdreg $0xFFFFFFFF;
	(pc) =	sbr.abs _section_cstart, $3  }
0xc3: {  	[dreg:$0x1] =	wrdreg $0xFFFFFFFF  }
0xc4: {  	_ =	task.clear_ibuf [dreg:s7], $0x2FFFF;
	_ =	strace $0x9FFFFFFF  }
0xc5: {  	(tm) =	ssettm $0x7FFFFFFF  }
tec
execute0_lowered:
.L_overlay_start_1:
0x0: {  	(tag) =	ssettag $0x1  }
0x1: {  	s0 =	rddreg [dreg:$0x0]  }
0x2: {  	s1 =	rddreg [dreg:$0x1]  }
0x3: {  	s2 =	rddreg [dreg:$0x2]  }
0x4: {  	s3 =	rddreg [dreg:$0x3];
	s15 =	stileid.u32  }
0x5: {  	s4 =	rddreg [dreg:$0x4];
	s7 =	smul.u32 $0xFA00, s15  }
0x6: {  	s5 =	simm.s32 $0x0;
	s11 =	srdreg.scid;
	s8 =	smul.u32 $0x500, s15  }
0x7: {  	s31 =	simm.s32 $0x2800;
	[smem:$0x7FF] =	sst s5;
	s10 =	smul.u32 $0x9E00, s15  }
0x8: {  	s12 =	sand.u32 $0x1, s11;
	s24 =	sadd.s32 $0x63800, s0;
	s14 =	sadd.s32 $0x63600, s0  }
0x9: {  	p2 =	slt.u32 s15, $0xA;
	_ =	strace $0x80000047;
	[dreg:$0x6] =	wrdreg s24  }
0xa: {  	p4 =	sgt.u32 s15, $0x9;
	s25 =	ssub.s32 $0x2, s12;
	[dreg:$0x7] =	wrdreg s14  }
0xb: {  	p0 =	seq.s32 s12, $0x0;
	p3 =	sne.s32 s12, $0x0;
	s6 =	sshrl.u32 s7, $0x3  }
0xc: {  	s8 =	sadd.s32 s8, s0;
	s13 =	sshrl.u32 s10, $0x3;
	s26 =	sshrl.u32 s25, $0x1  }
0xd: {  	s17 =	sshrl.u32 s10, $0x2;
	p1 =	por !p0, !p2;
	p0 =	seq.s32 s12, $0x1  }
0xe: {  	s7 =	sadd.s32 s7, s4;
	s19 =	sadd.s32 $0x2000, s10;
	s22 =	sadd.s32 $0x4000, s10  }
0xf: {  	s24 =	sadd.s32 $0x6000, s10;
	s28 =	sadd.s32 $0x54600, s8;
	[dreg:$0xa] =	wrdreg s7  }
0x10: {  	s12 =	simm.s32 $0x5000;
	s16 =	sadd.s32 $0x59600, s8;
	[dreg:$0x8] =	wrdreg s28  }
0x11: {  	s9 =	sadd.s32 s6, s0;
	s18 =	sadd.s32 $0x5E600, s8;
	[dreg:$0x9] =	wrdreg s16  }
0x12: {  	s6 =	sadd.s32 $0x63E00, s0;
	s8 =	sadd.s32 $0x4F600, s8;
	[dreg:$0xb] =	wrdreg s18  }
0x13: {  	s0 =	sadd.s32 s13, s0;
	s20 =	sadd.s32 s19, s2;
	[dreg:$0xc] =	wrdreg s8  }
0x14: {  	s14 =	ssub.s32 s25, s26;
	s1 =	sadd.s32 s1, s13;
	[dreg:$0xd] =	wrdreg s20  }
0x15: {  	s11 =	sadd.s32 s17, s3;
	s7 =	sadd.s32 s19, s4;
	[dreg:$0xf] =	wrdreg s1  }
0x16: {  	p1 =	por !p1, !p1;
	s26 =	sadd.s32 s22, s2;
	[dreg:$0x10] =	wrdreg s7  }
0x17: {  	s21 =	sshrl.u32 s19, $0x2;
	s17 =	sadd.s32 s24, s4;
	[dreg:$0x12] =	wrdreg s26  }
0x18: {  	s23 =	sshrl.u32 s22, $0x2;
	s8 =	sadd.s32 s21, s3;
	[dreg:$0x17] =	wrdreg s17  }
0x19: {  	p2 =	por !p2, !p0;
	s1 =	sadd.s32 s23, s3;
	[dreg:$0xe] =	wrdreg s8  }
0x1a: {  	s25 =	sshrl.u32 s24, $0x2;
	s28 =	sadd.s32 s22, s4;
	[dreg:$0x11] =	wrdreg s1  }
0x1b: {  	s13 =	sadd.s32 $0x8000, s10;
	s16 =	sadd.s32 s24, s2;
	[dreg:$0x13] =	wrdreg s28  }
0x1c: {  	p2 =	por !p2, !p2;
	s19 =	sadd.s32 $0xE00, s9;
	[dreg:$0x16] =	wrdreg s16  }
0x1d: {  	s23 =	sadd.s32 s10, s2;
	s20 =	sadd.s32 $0x28200, s9;
	[dreg:$0x19] =	wrdreg s19  }
0x1e: {  	s18 =	sshrl.u32 s13, $0x2;
	s21 =	sadd.s32 $0x14800, s9;
	[dreg:$0x1a] =	wrdreg s20  }
0x1f: {  	s29 =	sadd.s32 s13, s2;
	s22 =	sadd.s32 $0x3BC00, s9;
	[dreg:$0x1b] =	wrdreg s21  }
0x20: {  	s30 =	sadd.s32 s13, s4;
	s24 =	sadd.s32 $0x78E00, s0;
	[dreg:$0x1c] =	wrdreg s22  }
0x21: {  	s26 =	smax.u32 s14, $0x1;
	s9 =	simm.s32 $0x4;
	[dreg:$0x1d] =	wrdreg s24  }
0x22: {  	s13 =	simm.s32 $0x7000;
	s1 =	sadd.s32 s25, s3;
	[smem:$0x7FC] =	sst s26  }
0x23: {  	s14 =	simm.s32 $0x4F00;
	s8 =	sadd.s32 s10, s4;
	[dreg:$0x14] =	wrdreg s1  }
0x24: {  	s7 =	sadd.s32 s18, s3;
	s25 =	sadd.s32 $0x65200, s0;
	[dreg:$0x15] =	wrdreg s8  }
0x25: {  	s0 =	sadd.s32 $0x8CA00, s0;
	s28 =	sshll.u32 s15, $0x6;
	[dreg:$0x18] =	wrdreg s7  }
0x26: {  	s10 =	simm.s32 $0x80;
	s15 =	simm.s32 $0x4F80;
	[dreg:$0x1e] =	wrdreg s25  }
0x27: {  	s16 =	simm.s32 $0x5;
	s18 =	simm.s32 $0x0;
	[dreg:$0x1f] =	wrdreg s0  }
0x28: {  	[smem:$0x7FD] =	sst s28;
	s17 =	sor.u32 $0x1C01, s28;
	s0 =	simm.s32 $0x9000  }
0x29: {  	s7 =	simm.s32 $0x1;
	s8 =	simm.s32 $0x2;
	s1 =	simm.s32 $0x3  }
.LBB2_1:
0x2a: {  	s19 =	sshrl.u32 s23, $0x3  }
0x2b: {  	[spmem:s19], [sflag:s17] =	dma.local [hbm:s6], $0x13C0  }
0x2c: {  	s20 =	rddreg [dreg:$0x8]  }
0x2d: {  	s24 =	sld [smem:$0x7FD]  }
0x2e: {  	[tilespmem:s5], [sflag:$0x2] =	stream.linear.gather [hbm4b:s20+s5], $0x2800, $0x38;
	[tilespmem:$0x1FB80] =	vst v63  }
0x2f: {  	s22 =	rddreg [dreg:$0x9]  }
0x30: {  	[tilespmem:s31], [sflag:$0x3] =	stream.linear.gather [hbm4b:s22+s5], $0x2800, $0x38;
	[tilespmem:$0x1FB80] =	vst v63  }
0x31: {  	s21 =	sshrl.u32 s11, $0x3;
	s20 =	sor.u32 $0x1C04, s24;
	s22 =	rddreg [dreg:$0x6]  }
0x32: {  	[spmem:s21], [sflag:s20] =	dma.local [hbm:s22], $0x4F0  }
0x33: {  	s20 =	rddreg [dreg:$0x7]  }
0x34: {  	s21 =	rddreg [dreg:$0xa]  }
0x35: {  	[tilespmem:s0], [sflag:$0x4] =	stream.linear.gather [hbm4b:s20+s5], $0x800, $0x38;
	[tilespmem:$0x1FB80] =	vst v63  }
0x36: {  	s22 =	rddreg [dreg:$0x19];
	s20 =	sshrl.u32 @p1 s21, $0x3  }
0x37: {  	[spmem:s20], [sflag:s17] =	dma.local @p1 [hbm:s22], $0x1F40  }
0x38: {  	s21 =	sshrl.u32 @p2 s21, $0x3;
	s22 =	rddreg [dreg:$0x1a]  }
0x39: {  	[spmem:s21], [sflag:s17] =	dma.local @p2 [hbm:s22], $0x1F40  }
0x3a: {  	_ =	swait.ge [sflag:s7], $0x13C0  }
0x3b: {  	[sflag:s7] =	ssyncset.done $0x0  }
0x3c: {  	[sflag:s7] =	ssyncadd.s32 $0xFFFFEC40  }
0x3d: {  	_ =	swait.ge [sflag:s8], $0x2800  }
0x3e: {  	[sflag:s8] =	ssyncset.done $0x0  }
0x3f: {  	[sflag:s8] =	ssyncadd.s32 $0xFFFFD800  }
0x40: {  	_ =	swait.ge [sflag:s1], $0x2800  }
0x41: {  	[sflag:s1] =	ssyncset.done $0x0  }
0x42: {  	[sflag:s1] =	ssyncadd.s32 $0xFFFFD800  }
0x43: {  	_ =	swait.ge [sflag:s9], $0x4F0  }
0x44: {  	[sflag:s9] =	ssyncset.done $0x0  }
0x45: {  	[sflag:s9] =	ssyncadd.s32 $0xFFFFFB10  }
0x46: {  	_ =	swait.ge [sflag:s9], $0x800  }
0x47: {  	[sflag:s9] =	ssyncset.done $0x0  }
0x48: {  	s22 =	simm.s32 @!p4 $0x1;
	[sflag:s9] =	ssyncadd.s32 $0xFFFFF800  }
0x49: {  	_ =	swait.ge @!p4 [sflag:s22], $0x1F40  }
0x4a: {  	[sflag:s22] =	ssyncset.done @!p4 $0x0  }
0x4b: {  	[sflag:s22] =	ssyncadd.s32 @!p4 $0xFFFFE0C0  }
0x4c: {  	[bflag:$0x0] =	sbarrier.arrive $0xFFFF  }
0x4d: {  	[tilespmem:s12], [sflag:$0x1] =	stream.indirect.gather [spmem:s4], $0x40, s5, s10, $0xb8;
	[tilespmem:$0x1FB80] =	vst v63  }
0x4e: {  	_ = 	snop  }
0x4f: {  	[tilespmem:s13], [sflag:$0x2] =	stream.indirect.gather [spmem:s4], $0x40, s10, s10, $0xb8;
	[tilespmem:$0x1FB80] =	vst v63  }
0x50: {  	_ =	swait.ge [sflag:s7], $0x2000  }
0x51: {  	[sflag:s7] =	ssyncset.done $0x0  }
0x52: {  	s25 =	simm.s32 $0x2800;
	[sflag:s7] =	ssyncadd.s32 $0xFFFFE000  }
0x53: {  	[spmem:s2] =	stream.indirect.scatter.add.f32 [tilespmem:s12], [sflag:$0x3], $0x40, s25, s10, $0xb8;
	[tilespmem:$0x1FB80] =	vst v63  }
0x54: {  	_ = 	snop  }
0x55: {  	[spmem:s3] =	stream.indirect.scatter.add.f32 [tilespmem:s0], [sflag:$0x3], $0x10, s25, s10, $0xb8;
	[tilespmem:$0x1FB80] =	vst v63  }
0x56: {  	_ =	swait.ge [sflag:s1], $0x2000  }
0x57: {  	[sflag:s1] =	ssyncset.done $0x0  }
0x58: {  	[sflag:s1] =	ssyncadd.s32 $0xFFFFE000  }
0x59: {  	_ =	swait.ge [sflag:s1], $0x800  }
0x5a: {  	[sflag:s1] =	ssyncset.done $0x0  }
0x5b: {  	s26 =	simm.s32 $0x100;
	[sflag:s1] =	ssyncadd.s32 $0xFFFFF800  }
0x5c: {  	[tilespmem:s12], [sflag:$0x1] =	stream.indirect.gather [spmem:s4], $0x40, s26, s10, $0xb8;
	[tilespmem:$0x1FB80] =	vst v63  }
0x5d: {  	_ =	swait.ge [sflag:s8], $0x2000  }
0x5e: {  	[sflag:s8] =	ssyncset.done $0x0  }
0x5f: {  	s28 =	simm.s32 $0x2880;
	[sflag:s8] =	ssyncadd.s32 $0xFFFFE000  }
0x60: {  	[spmem:s2] =	stream.indirect.scatter.add.f32 [tilespmem:s13], [sflag:$0x4], $0x40, s28, s10, $0xb8;
	[tilespmem:$0x1FB80] =	vst v63  }
0x61: {  	_ = 	snop  }
0x62: {  	[spmem:s3] =	stream.indirect.scatter.add.f32 [tilespmem:s0], [sflag:$0x4], $0x10, s28, s10, $0xb8;
	[tilespmem:$0x1FB80] =	vst v63  }
0x63: {  	_ =	swait.ge [sflag:s9], $0x2000  }
0x64: {  	[sflag:s9] =	ssyncset.done $0x0  }
0x65: {  	[sflag:s9] =	ssyncadd.s32 $0xFFFFE000  }
0x66: {  	_ =	swait.ge [sflag:s9], $0x800  }
0x67: {  	[sflag:s9] =	ssyncset.done $0x0  }
0x68: {  	s24 =	simm.s32 $0x180;
	s22 =	simm.s32 $0x400;
	[sflag:s9] =	ssyncadd.s32 $0xFFFFF800  }
.LBB2_2:
0x69: {  	[tilespmem:s13], [sflag:$0x2] =	stream.indirect.gather [spmem:s4], $0x40, s24, s10, $0xb8;
	[tilespmem:$0x1FB80] =	vst v63  }
0x6a: {  	s24 =	smov.u32 s22  }
0x6b: {  	p5 =	sne.s32 s22, $0x9800;
	s22 =	sadd.s32 $0x400, s22;
	_ =	swait.ge [sflag:s7], $0x2000  }
0x6c: {  	s24 =	sshra.s32 s24, $0x2;
	[sflag:s7] =	ssyncset.done $0x0  }
0x6d: {  	s25 =	sadd.s32 $0x2800, s24;
	[sflag:s7] =	ssyncadd.s32 $0xFFFFE000  }
0x6e: {  	[spmem:s2] =	stream.indirect.scatter.add.f32 [tilespmem:s12], [sflag:$0x3], $0x40, s25, s10, $0xb8;
	[tilespmem:$0x1FB80] =	vst v63  }
0x6f: {  	_ = 	snop  }
0x70: {  	[spmem:s3] =	stream.indirect.scatter.add.f32 [tilespmem:s0], [sflag:$0x3], $0x10, s25, s10, $0xb8;
	[tilespmem:$0x1FB80] =	vst v63  }
0x71: {  	_ =	swait.ge [sflag:s1], $0x2000  }
0x72: {  	[sflag:s1] =	ssyncset.done $0x0  }
0x73: {  	[sflag:s1] =	ssyncadd.s32 $0xFFFFE000  }
0x74: {  	_ =	swait.ge [sflag:s1], $0x800  }
0x75: {  	[sflag:s1] =	ssyncset.done $0x0  }
0x76: {  	s25 =	sadd.s32 $0x100, s24;
	[sflag:s1] =	ssyncadd.s32 $0xFFFFF800  }
0x77: {  	[tilespmem:s12], [sflag:$0x1] =	stream.indirect.gather [spmem:s4], $0x40, s25, s10, $0xb8;
	[tilespmem:$0x1FB80] =	vst v63  }
0x78: {  	_ =	swait.ge [sflag:s8], $0x2000  }
0x79: {  	[sflag:s8] =	ssyncset.done $0x0  }
0x7a: {  	s25 =	sadd.s32 $0x2880, s24;
	[sflag:s8] =	ssyncadd.s32 $0xFFFFE000  }
0x7b: {  	[spmem:s2] =	stream.indirect.scatter.add.f32 [tilespmem:s13], [sflag:$0x4], $0x40, s25, s10, $0xb8;
	[tilespmem:$0x1FB80] =	vst v63  }
0x7c: {  	_ = 	snop  }
0x7d: {  	[spmem:s3] =	stream.indirect.scatter.add.f32 [tilespmem:s0], [sflag:$0x4], $0x10, s25, s10, $0xb8;
	[tilespmem:$0x1FB80] =	vst v63  }
0x7e: {  	_ =	swait.ge [sflag:s9], $0x2000  }
.Ltmp0:
0x7f: {  	[sflag:s9] =	ssyncset.done $0x0;
	(pc) =	sbr.rel @p5 .LBB2_2-.Ltmp0, $4  }
0x80: {  	[sflag:s9] =	ssyncadd.s32 $0xFFFFE000  }
0x81: {  	_ =	swait.ge [sflag:s9], $0x800  }
0x82: {  	[sflag:s9] =	ssyncset.done $0x0  }
0x83: {  	s24 =	sadd.s32 $0x180, s24;
	[sflag:s9] =	ssyncadd.s32 $0xFFFFF800  }
0x84: {  	[tilespmem:s13], [sflag:$0x2] =	stream.indirect.gather [spmem:s4], $0x40, s24, s10, $0xb8;
	[tilespmem:$0x1FB80] =	vst v63  }
0x85: {  	_ =	swait.ge [sflag:s7], $0x2000  }
0x86: {  	[sflag:s7] =	ssyncset.done $0x0  }
0x87: {  	[sflag:s7] =	ssyncadd.s32 $0xFFFFE000  }
0x88: {  	[spmem:s2] =	stream.indirect.scatter.add.f32 [tilespmem:s12], [sflag:$0x3], $0x40, s14, s10, $0xb8;
	[tilespmem:$0x1FB80] =	vst v63  }
0x89: {  	_ = 	snop  }
0x8a: {  	[spmem:s3] =	stream.indirect.scatter.add.f32 [tilespmem:s0], [sflag:$0x3], $0x10, s14, s10, $0xb8;
	[tilespmem:$0x1FB80] =	vst v63  }
0x8b: {  	_ =	swait.ge [sflag:s8], $0x2000  }
0x8c: {  	[sflag:s8] =	ssyncset.done $0x0  }
0x8d: {  	[sflag:s8] =	ssyncadd.s32 $0xFFFFE000  }
0x8e: {  	[spmem:s2] =	stream.indirect.scatter.add.f32 [tilespmem:s13], [sflag:$0x4], $0x40, s15, s10, $0xb8;
	[tilespmem:$0x1FB80] =	vst v63  }
0x8f: {  	_ = 	snop  }
0x90: {  	[spmem:s3] =	stream.indirect.scatter.add.f32 [tilespmem:s0], [sflag:$0x4], $0x10, s15, s10, $0xb8;
	[tilespmem:$0x1FB80] =	vst v63  }
0x91: {  	_ =	swait.ge [sflag:s1], $0x2000  }
0x92: {  	[sflag:s1] =	ssyncset.done $0x0  }
0x93: {  	[sflag:s1] =	ssyncadd.s32 $0xFFFFE000  }
0x94: {  	_ =	swait.ge [sflag:s1], $0x800  }
0x95: {  	[sflag:s1] =	ssyncset.done $0x0  }
0x96: {  	[sflag:s1] =	ssyncadd.s32 $0xFFFFF800  }
0x97: {  	_ =	swait.ge [sflag:s9], $0x2000  }
0x98: {  	[sflag:s9] =	ssyncset.done $0x0  }
0x99: {  	[sflag:s9] =	ssyncadd.s32 $0xFFFFE000  }
0x9a: {  	_ =	swait.ge [sflag:s9], $0x800  }
0x9b: {  	[sflag:s9] =	ssyncset.done $0x0  }
0x9c: {  	[sflag:s9] =	ssyncadd.s32 $0xFFFFF800  }
0x9d: {  	[bflag:$0x0] =	sbarrier.arrive $0xFFFF  }
0x9e: {  	s22 =	simm.s32 $0x0;
	s25 =	rddreg [dreg:$0xb]  }
0x9f: {  	[tilespmem:s22], [sflag:$0x2] =	stream.linear.gather [hbm4b:s25+s22], $0x2800, $0x38;
	[tilespmem:$0x1FB80] =	vst v63  }
0xa0: {  	s26 =	rddreg [dreg:$0xc]  }
0xa1: {  	[tilespmem:s31], [sflag:$0x3] =	stream.linear.gather [hbm4b:s26+s22], $0x2800, $0x38;
	[tilespmem:$0x1FB80] =	vst v63  }
0xa2: {  	_ = 	snop  }
0xa3: {  	[tilespmem:s12], [sflag:$0x5] =	stream.linear.gather [spmem:s23], $0x2000, $0x38;
	[tilespmem:$0x1FB80] =	vst v63  }
0xa4: {  	_ =	swait.ge [sflag:s16], $0x2000  }
0xa5: {  	[sflag:s16] =	ssyncset.done $0x0  }
0xa6: {  	[sflag:s16] =	ssyncadd.s32 $0xFFFFE000  }
0xa7: {  	[tilespmem:s0], [sflag:$0x5] =	stream.linear.gather [spmem:s11], $0x800, $0x38;
	[tilespmem:$0x1FB80] =	vst v63  }
0xa8: {  	_ =	swait.ge [sflag:s16], $0x800  }
0xa9: {  	[sflag:s16] =	ssyncset.done $0x0  }
0xaa: {  	s28 =	simm.s32 $0x0;
	[sflag:s16] =	ssyncadd.s32 $0xFFFFF800  }
0xab: {  	v0 =	vld [tilespmem:s28+$0x9000];
	_ =	sdelay $0x4  }
0xac: {  	v0 =	vmax.f32 v0, $1.000000000e+00  }
0xad: {  	(erf) = vrcp.f32 v0;
	_ =	sdelay $0x3  }
0xae: {  	s22 =	simm.s32 $0x5020  }
0xaf: {  	v62 =	vld [tilespmem:s22+$0xFFFFFFE0]  }
0xb0: {  	v1 =	vld [tilespmem:s22+$0xFFFFFFF0]  }
0xb1: {  	v2 =	vld [tilespmem:s22+$0x0]  }
0xb2: {  	v3 =	vld [tilespmem:s22+$0x10]  }
0xb3: {  	v4 =	vpop (erf)  }
0xb4: {  	v0 =	vmul.f32 v4, v62  }
0xb5: {  	v1 =	vmul.f32 v1, v4  }
0xb6: {  	v2 =	vmul.f32 v2, v4;
	[tilespmem:s22+$0xFFFFFFE0] =	vst v0  }
0xb7: {  	v63 =	vmul.f32 v3, v4;
	[tilespmem:s22+$0xFFFFFFF0] =	vst v1  }
0xb8: {  	[tilespmem:s22+$0x0] =	vst v2  }
0xb9: {  	s24 =	simm.s32 $0x80;
	s25 =	simm.s32 $0x10;
	[tilespmem:s22+$0x10] =	vst v63  }
.LBB2_4:
0xba: {  	p5 =	sne.s32 s24, $0x1FC0;
	v0 =	vld [tilespmem:s25+$0x9000];
	_ =	sdelay $0x4  }
0xbb: {  	v0 =	vmax.f32 v0, $1.000000000e+00  }
0xbc: {  	(erf) = vrcp.f32 v0;
	_ =	sdelay $0x1  }
0xbd: {  	s22 =	sadd.s32 $0x40, s22  }
0xbe: {  	v0 =	vld [tilespmem:s22+$0xFFFFFFF0]  }
0xbf: {  	v1 =	vld [tilespmem:s22+$0x10]  }
0xc0: {  	v2 =	vld [tilespmem:s22+$0xFFFFFFE0]  }
0xc1: {  	v3 =	vld [tilespmem:s22+$0x0];
	_ =	sdelay $0x2  }
0xc2: {  	v4 =	vpop (erf)  }
0xc3: {  	v2 =	vmul.f32 v4, v2;
	v0 =	vmul.f32 v0, v4  }
.Ltmp1:
0xc4: {  	v1 =	vmul.f32 v1, v4;
	v3 =	vmul.f32 v3, v4;
	(pc) =	sbr.rel @p5 .LBB2_4-.Ltmp1, $4  }
0xc5: {  	[tilespmem:s22+$0xFFFFFFE0] =	vst v2  }
0xc6: {  	[tilespmem:s22+$0xFFFFFFF0] =	vst v0  }
0xc7: {  	[tilespmem:s22+$0x0] =	vst v3  }
0xc8: {  	s25 =	sshra.s32 s24, $0x2;
	s24 =	sadd.s32 $0x40, s24;
	[tilespmem:s22+$0x10] =	vst v1  }
0xc9: {  	v0 =	vld [tilespmem:s25+$0x9000];
	_ =	sdelay $0x4  }
0xca: {  	v0 =	vmax.f32 v0, $1.000000000e+00  }
0xcb: {  	(erf) = vrcp.f32 v0;
	_ =	sdelay $0x3  }
0xcc: {  	s22 =	sadd.s32 $0x40, s22  }
0xcd: {  	v55 =	vld [tilespmem:s22+$0xFFFFFFE0]  }
0xce: {  	v1 =	vld [tilespmem:s22+$0xFFFFFFF0]  }
0xcf: {  	v2 =	vld [tilespmem:s22+$0x0]  }
0xd0: {  	v3 =	vld [tilespmem:s22+$0x10]  }
0xd1: {  	v4 =	vpop (erf)  }
0xd2: {  	v0 =	vmul.f32 v4, v55  }
0xd3: {  	v1 =	vmul.f32 v1, v4  }
0xd4: {  	v2 =	vmul.f32 v2, v4;
	[tilespmem:s22+$0xFFFFFFE0] =	vst v0  }
0xd5: {  	v56 =	vmul.f32 v3, v4;
	[tilespmem:s22+$0xFFFFFFF0] =	vst v1  }
0xd6: {  	[tilespmem:s22+$0x0] =	vst v2  }
0xd7: {  	s24 =	rddreg [dreg:$0x15];
	[tilespmem:s22+$0x10] =	vst v56  }
0xd8: {  	[spmem:s24] =	stream.linear.scatter [tilespmem:s12], [sflag:$0x5], $0x2000, $0x38;
	[tilespmem:$0x1FB80] =	vst v63  }
0xd9: {  	_ =	swait.ge [sflag:s16], $0x2000  }
0xda: {  	[sflag:s16] =	ssyncset.done $0x0  }
0xdb: {  	s25 =	rddreg [dreg:$0xd];
	[sflag:s16] =	ssyncadd.s32 $0xFFFFE000  }
0xdc: {  	[tilespmem:s12], [sflag:$0x5] =	stream.linear.gather [spmem:s25], $0x2000, $0x38;
	[tilespmem:$0x1FB80] =	vst v63  }
0xdd: {  	_ =	swait.ge [sflag:s16], $0x2000  }
0xde: {  	[sflag:s16] =	ssyncset.done $0x0  }
0xdf: {  	s26 =	rddreg [dreg:$0xe];
	[sflag:s16] =	ssyncadd.s32 $0xFFFFE000  }
0xe0: {  	[tilespmem:s0], [sflag:$0x5] =	stream.linear.gather [spmem:s26], $0x800, $0x38;
	[tilespmem:$0x1FB80] =	vst v63  }
0xe1: {  	_ =	swait.ge [sflag:s16], $0x800  }
0xe2: {  	[sflag:s16] =	ssyncset.done $0x0  }
0xe3: {  	s28 =	simm.s32 $0x0;
	[sflag:s16] =	ssyncadd.s32 $0xFFFFF800  }
0xe4: {  	v57 =	vld [tilespmem:s28+$0x9000];
	_ =	sdelay $0x4  }
0xe5: {  	v0 =	vmax.f32 v57, $1.000000000e+00  }
0xe6: {  	(erf) = vrcp.f32 v0;
	_ =	sdelay $0x3  }
0xe7: {  	s22 =	simm.s32 $0x5020  }
0xe8: {  	v58 =	vld [tilespmem:s22+$0xFFFFFFE0]  }
0xe9: {  	v59 =	vld [tilespmem:s22+$0xFFFFFFF0]  }
0xea: {  	v60 =	vld [tilespmem:s22+$0x0]  }
0xeb: {  	v61 =	vld [tilespmem:s22+$0x10]  }
0xec: {  	v62 =	vpop (erf)  }
0xed: {  	v0 =	vmul.f32 v62, v58  }
0xee: {  	v1 =	vmul.f32 v59, v62  }
0xef: {  	v2 =	vmul.f32 v60, v62;
	[tilespmem:s22+$0xFFFFFFE0] =	vst v0  }
0xf0: {  	v63 =	vmul.f32 v61, v62;
	[tilespmem:s22+$0xFFFFFFF0] =	vst v1  }
0xf1: {  	[tilespmem:s22+$0x0] =	vst v2  }
0xf2: {  	s24 =	simm.s32 $0x80;
	s25 =	simm.s32 $0x10;
	[tilespmem:s22+$0x10] =	vst v63  }
.LBB2_6:
0xf3: {  	p5 =	sne.s32 s24, $0x1FC0;
	v0 =	vld [tilespmem:s25+$0x9000];
	_ =	sdelay $0x4  }
0xf4: {  	v0 =	vmax.f32 v0, $1.000000000e+00  }
0xf5: {  	(erf) = vrcp.f32 v0;
	_ =	sdelay $0x1  }
0xf6: {  	s22 =	sadd.s32 $0x40, s22  }
0xf7: {  	v0 =	vld [tilespmem:s22+$0xFFFFFFF0]  }
0xf8: {  	v1 =	vld [tilespmem:s22+$0x10]  }
0xf9: {  	v2 =	vld [tilespmem:s22+$0xFFFFFFE0]  }
0xfa: {  	v3 =	vld [tilespmem:s22+$0x0];
	_ =	sdelay $0x2  }
0xfb: {  	v4 =	vpop (erf)  }
0xfc: {  	v2 =	vmul.f32 v4, v2;
	v0 =	vmul.f32 v0, v4  }
.Ltmp2:
0xfd: {  	v1 =	vmul.f32 v1, v4;
	v3 =	vmul.f32 v3, v4;
	(pc) =	sbr.rel @p5 .LBB2_6-.Ltmp2, $4  }
0xfe: {  	[tilespmem:s22+$0xFFFFFFE0] =	vst v2  }
0xff: {  	[tilespmem:s22+$0xFFFFFFF0] =	vst v0  }
0x100: {  	[tilespmem:s22+$0x0] =	vst v3  }
0x101: {  	s25 =	sshra.s32 s24, $0x2;
	s24 =	sadd.s32 $0x40, s24;
	[tilespmem:s22+$0x10] =	vst v1  }
0x102: {  	v0 =	vld [tilespmem:s25+$0x9000];
	_ =	sdelay $0x4  }
0x103: {  	v0 =	vmax.f32 v0, $1.000000000e+00  }
0x104: {  	(erf) = vrcp.f32 v0;
	_ =	sdelay $0x3  }
0x105: {  	s22 =	sadd.s32 $0x40, s22  }
0x106: {  	v55 =	vld [tilespmem:s22+$0xFFFFFFE0]  }
0x107: {  	v1 =	vld [tilespmem:s22+$0xFFFFFFF0]  }
0x108: {  	v2 =	vld [tilespmem:s22+$0x0]  }
0x109: {  	v3 =	vld [tilespmem:s22+$0x10]  }
0x10a: {  	v4 =	vpop (erf)  }
0x10b: {  	v0 =	vmul.f32 v4, v55  }
0x10c: {  	v1 =	vmul.f32 v1, v4  }
0x10d: {  	v2 =	vmul.f32 v2, v4;
	[tilespmem:s22+$0xFFFFFFE0] =	vst v0  }
0x10e: {  	v56 =	vmul.f32 v3, v4;
	[tilespmem:s22+$0xFFFFFFF0] =	vst v1  }
0x10f: {  	[tilespmem:s22+$0x0] =	vst v2  }
0x110: {  	s24 =	rddreg [dreg:$0x10];
	[tilespmem:s22+$0x10] =	vst v56  }
0x111: {  	[spmem:s24] =	stream.linear.scatter [tilespmem:s12], [sflag:$0x5], $0x2000, $0x38;
	[tilespmem:$0x1FB80] =	vst v63  }
0x112: {  	_ =	swait.ge [sflag:s16], $0x2000  }
0x113: {  	[sflag:s16] =	ssyncset.done $0x0  }
0x114: {  	s25 =	rddreg [dreg:$0x12];
	[sflag:s16] =	ssyncadd.s32 $0xFFFFE000  }
0x115: {  	[tilespmem:s12], [sflag:$0x5] =	stream.linear.gather [spmem:s25], $0x2000, $0x38;
	[tilespmem:$0x1FB80] =	vst v63  }
0x116: {  	_ =	swait.ge [sflag:s16], $0x2000  }
0x117: {  	[sflag:s16] =	ssyncset.done $0x0  }
0x118: {  	s26 =	rddreg [dreg:$0x11];
	[sflag:s16] =	ssyncadd.s32 $0xFFFFE000  }
0x119: {  	[tilespmem:s0], [sflag:$0x5] =	stream.linear.gather [spmem:s26], $0x800, $0x38;
	[tilespmem:$0x1FB80] =	vst v63  }
0x11a: {  	_ =	swait.ge [sflag:s16], $0x800  }
0x11b: {  	[sflag:s16] =	ssyncset.done $0x0  }
0x11c: {  	s28 =	simm.s32 $0x0;
	[sflag:s16] =	ssyncadd.s32 $0xFFFFF800  }
0x11d: {  	v57 =	vld [tilespmem:s28+$0x9000];
	_ =	sdelay $0x4  }
0x11e: {  	v0 =	vmax.f32 v57, $1.000000000e+00  }
0x11f: {  	(erf) = vrcp.f32 v0;
	_ =	sdelay $0x3  }
0x120: {  	s22 =	simm.s32 $0x5020  }
0x121: {  	v58 =	vld [tilespmem:s22+$0xFFFFFFE0]  }
0x122: {  	v59 =	vld [tilespmem:s22+$0xFFFFFFF0]  }
0x123: {  	v60 =	vld [tilespmem:s22+$0x0]  }
0x124: {  	v61 =	vld [tilespmem:s22+$0x10]  }
0x125: {  	v62 =	vpop (erf)  }
0x126: {  	v0 =	vmul.f32 v62, v58  }
0x127: {  	v1 =	vmul.f32 v59, v62  }
0x128: {  	v2 =	vmul.f32 v60, v62;
	[tilespmem:s22+$0xFFFFFFE0] =	vst v0  }
0x129: {  	v63 =	vmul.f32 v61, v62;
	[tilespmem:s22+$0xFFFFFFF0] =	vst v1  }
0x12a: {  	[tilespmem:s22+$0x0] =	vst v2  }
0x12b: {  	s24 =	simm.s32 $0x80;
	s25 =	simm.s32 $0x10;
	[tilespmem:s22+$0x10] =	vst v63  }
.LBB2_8:
0x12c: {  	p5 =	sne.s32 s24, $0x1FC0;
	v0 =	vld [tilespmem:s25+$0x9000];
	_ =	sdelay $0x4  }
0x12d: {  	v0 =	vmax.f32 v0, $1.000000000e+00  }
0x12e: {  	(erf) = vrcp.f32 v0;
	_ =	sdelay $0x1  }
0x12f: {  	s22 =	sadd.s32 $0x40, s22  }
0x130: {  	v0 =	vld [tilespmem:s22+$0xFFFFFFF0]  }
0x131: {  	v1 =	vld [tilespmem:s22+$0x10]  }
0x132: {  	v2 =	vld [tilespmem:s22+$0xFFFFFFE0]  }
0x133: {  	v3 =	vld [tilespmem:s22+$0x0];
	_ =	sdelay $0x2  }
0x134: {  	v4 =	vpop (erf)  }
0x135: {  	v2 =	vmul.f32 v4, v2;
	v0 =	vmul.f32 v0, v4  }
.Ltmp3:
0x136: {  	v1 =	vmul.f32 v1, v4;
	v3 =	vmul.f32 v3, v4;
	(pc) =	sbr.rel @p5 .LBB2_8-.Ltmp3, $4  }
0x137: {  	[tilespmem:s22+$0xFFFFFFE0] =	vst v2  }
0x138: {  	[tilespmem:s22+$0xFFFFFFF0] =	vst v0  }
0x139: {  	[tilespmem:s22+$0x0] =	vst v3  }
0x13a: {  	s25 =	sshra.s32 s24, $0x2;
	s24 =	sadd.s32 $0x40, s24;
	[tilespmem:s22+$0x10] =	vst v1  }
0x13b: {  	v0 =	vld [tilespmem:s25+$0x9000];
	_ =	sdelay $0x4  }
0x13c: {  	v0 =	vmax.f32 v0, $1.000000000e+00  }
0x13d: {  	(erf) = vrcp.f32 v0;
	_ =	sdelay $0x3  }
0x13e: {  	s22 =	sadd.s32 $0x40, s22  }
0x13f: {  	v55 =	vld [tilespmem:s22+$0xFFFFFFE0]  }
0x140: {  	v1 =	vld [tilespmem:s22+$0xFFFFFFF0]  }
0x141: {  	v2 =	vld [tilespmem:s22+$0x0]  }
0x142: {  	v3 =	vld [tilespmem:s22+$0x10]  }
0x143: {  	v4 =	vpop (erf)  }
0x144: {  	v0 =	vmul.f32 v4, v55  }
0x145: {  	v1 =	vmul.f32 v1, v4  }
0x146: {  	v2 =	vmul.f32 v2, v4;
	[tilespmem:s22+$0xFFFFFFE0] =	vst v0  }
0x147: {  	v56 =	vmul.f32 v3, v4;
	[tilespmem:s22+$0xFFFFFFF0] =	vst v1  }
0x148: {  	[tilespmem:s22+$0x0] =	vst v2  }
0x149: {  	s24 =	rddreg [dreg:$0x13];
	[tilespmem:s22+$0x10] =	vst v56  }
0x14a: {  	[spmem:s24] =	stream.linear.scatter [tilespmem:s12], [sflag:$0x5], $0x2000, $0x38;
	[tilespmem:$0x1FB80] =	vst v63  }
0x14b: {  	_ =	swait.ge [sflag:s16], $0x2000  }
0x14c: {  	[sflag:s16] =	ssyncset.done $0x0  }
0x14d: {  	s25 =	rddreg [dreg:$0x16];
	[sflag:s16] =	ssyncadd.s32 $0xFFFFE000  }
0x14e: {  	[tilespmem:s12], [sflag:$0x5] =	stream.linear.gather [spmem:s25], $0x2000, $0x38;
	[tilespmem:$0x1FB80] =	vst v63  }
0x14f: {  	_ =	swait.ge [sflag:s16], $0x2000  }
0x150: {  	[sflag:s16] =	ssyncset.done $0x0  }
0x151: {  	s26 =	rddreg [dreg:$0x14];
	[sflag:s16] =	ssyncadd.s32 $0xFFFFE000  }
0x152: {  	[tilespmem:s0], [sflag:$0x5] =	stream.linear.gather [spmem:s26], $0x800, $0x38;
	[tilespmem:$0x1FB80] =	vst v63  }
0x153: {  	_ =	swait.ge [sflag:s16], $0x800  }
0x154: {  	[sflag:s16] =	ssyncset.done $0x0  }
0x155: {  	s28 =	simm.s32 $0x0;
	[sflag:s16] =	ssyncadd.s32 $0xFFFFF800  }
0x156: {  	v57 =	vld [tilespmem:s28+$0x9000];
	_ =	sdelay $0x4  }
0x157: {  	v0 =	vmax.f32 v57, $1.000000000e+00  }
0x158: {  	(erf) = vrcp.f32 v0;
	_ =	sdelay $0x3  }
0x159: {  	s22 =	simm.s32 $0x5020  }
0x15a: {  	v58 =	vld [tilespmem:s22+$0xFFFFFFE0]  }
0x15b: {  	v59 =	vld [tilespmem:s22+$0xFFFFFFF0]  }
0x15c: {  	v60 =	vld [tilespmem:s22+$0x0]  }
0x15d: {  	v61 =	vld [tilespmem:s22+$0x10]  }
0x15e: {  	v62 =	vpop (erf)  }
0x15f: {  	v0 =	vmul.f32 v62, v58  }
0x160: {  	v1 =	vmul.f32 v59, v62  }
0x161: {  	v2 =	vmul.f32 v60, v62;
	[tilespmem:s22+$0xFFFFFFE0] =	vst v0  }
0x162: {  	v63 =	vmul.f32 v61, v62;
	[tilespmem:s22+$0xFFFFFFF0] =	vst v1  }
0x163: {  	[tilespmem:s22+$0x0] =	vst v2  }
0x164: {  	s24 =	simm.s32 $0x80;
	s25 =	simm.s32 $0x10;
	[tilespmem:s22+$0x10] =	vst v63  }
.LBB2_10:
0x165: {  	p5 =	sne.s32 s24, $0x1FC0;
	v0 =	vld [tilespmem:s25+$0x9000];
	_ =	sdelay $0x4  }
0x166: {  	v0 =	vmax.f32 v0, $1.000000000e+00  }
0x167: {  	(erf) = vrcp.f32 v0;
	_ =	sdelay $0x1  }
0x168: {  	s22 =	sadd.s32 $0x40, s22  }
0x169: {  	v0 =	vld [tilespmem:s22+$0xFFFFFFF0]  }
0x16a: {  	v1 =	vld [tilespmem:s22+$0x10]  }
0x16b: {  	v2 =	vld [tilespmem:s22+$0xFFFFFFE0]  }
0x16c: {  	v3 =	vld [tilespmem:s22+$0x0];
	_ =	sdelay $0x2  }
0x16d: {  	v4 =	vpop (erf)  }
0x16e: {  	v2 =	vmul.f32 v4, v2;
	v0 =	vmul.f32 v0, v4  }
.Ltmp4:
0x16f: {  	v1 =	vmul.f32 v1, v4;
	v3 =	vmul.f32 v3, v4;
	(pc) =	sbr.rel @p5 .LBB2_10-.Ltmp4, $4  }
0x170: {  	[tilespmem:s22+$0xFFFFFFE0] =	vst v2  }
0x171: {  	[tilespmem:s22+$0xFFFFFFF0] =	vst v0  }
0x172: {  	[tilespmem:s22+$0x0] =	vst v3  }
0x173: {  	s25 =	sshra.s32 s24, $0x2;
	s24 =	sadd.s32 $0x40, s24;
	[tilespmem:s22+$0x10] =	vst v1  }
0x174: {  	v0 =	vld [tilespmem:s25+$0x9000];
	_ =	sdelay $0x4  }
0x175: {  	v0 =	vmax.f32 v0, $1.000000000e+00  }
0x176: {  	(erf) = vrcp.f32 v0;
	_ =	sdelay $0x3  }
0x177: {  	s22 =	sadd.s32 $0x40, s22  }
0x178: {  	v55 =	vld [tilespmem:s22+$0xFFFFFFE0]  }
0x179: {  	v1 =	vld [tilespmem:s22+$0xFFFFFFF0]  }
0x17a: {  	v2 =	vld [tilespmem:s22+$0x0]  }
0x17b: {  	v3 =	vld [tilespmem:s22+$0x10]  }
0x17c: {  	v4 =	vpop (erf)  }
0x17d: {  	v0 =	vmul.f32 v4, v55  }
0x17e: {  	v1 =	vmul.f32 v1, v4  }
0x17f: {  	v2 =	vmul.f32 v2, v4;
	[tilespmem:s22+$0xFFFFFFE0] =	vst v0  }
0x180: {  	v56 =	vmul.f32 v3, v4;
	[tilespmem:s22+$0xFFFFFFF0] =	vst v1  }
0x181: {  	[tilespmem:s22+$0x0] =	vst v2  }
0x182: {  	s25 =	rddreg [dreg:$0x17];
	[tilespmem:s22+$0x10] =	vst v56  }
0x183: {  	[spmem:s25] =	stream.linear.scatter [tilespmem:s12], [sflag:$0x5], $0x2000, $0x38;
	[tilespmem:$0x1FB80] =	vst v63  }
0x184: {  	_ =	swait.ge [sflag:s16], $0x2000  }
0x185: {  	[sflag:s16] =	ssyncset.done $0x0  }
0x186: {  	[sflag:s16] =	ssyncadd.s32 $0xFFFFE000  }
0x187: {  	[tilespmem:s12], [sflag:$0x5] =	stream.linear.gather [spmem:s29], $0x1E00, $0x38;
	[tilespmem:$0x1FB80] =	vst v63  }
0x188: {  	_ =	swait.ge [sflag:s16], $0x1E00  }
0x189: {  	[sflag:s16] =	ssyncset.done $0x0  }
0x18a: {  	s26 =	rddreg [dreg:$0x18];
	[sflag:s16] =	ssyncadd.s32 $0xFFFFE200  }
0x18b: {  	[tilespmem:s0], [sflag:$0x5] =	stream.linear.gather [spmem:s26], $0x780, $0x38;
	[tilespmem:$0x1FB80] =	vst v63  }
0x18c: {  	_ =	swait.ge [sflag:s16], $0x780  }
0x18d: {  	[sflag:s16] =	ssyncset.done $0x0  }
0x18e: {  	s28 =	simm.s32 $0x0;
	[sflag:s16] =	ssyncadd.s32 $0xFFFFF880  }
0x18f: {  	v57 =	vld [tilespmem:s28+$0x9000];
	_ =	sdelay $0x4  }
0x190: {  	v0 =	vmax.f32 v57, $1.000000000e+00  }
0x191: {  	(erf) = vrcp.f32 v0;
	_ =	sdelay $0x3  }
0x192: {  	s22 =	simm.s32 $0x5020  }
0x193: {  	v58 =	vld [tilespmem:s22+$0xFFFFFFE0]  }
0x194: {  	v59 =	vld [tilespmem:s22+$0xFFFFFFF0]  }
0x195: {  	v60 =	vld [tilespmem:s22+$0x0]  }
0x196: {  	v61 =	vld [tilespmem:s22+$0x10]  }
0x197: {  	v62 =	vpop (erf)  }
0x198: {  	v0 =	vmul.f32 v62, v58  }
0x199: {  	v1 =	vmul.f32 v59, v62  }
0x19a: {  	v2 =	vmul.f32 v60, v62;
	[tilespmem:s22+$0xFFFFFFE0] =	vst v0  }
0x19b: {  	v63 =	vmul.f32 v61, v62;
	[tilespmem:s22+$0xFFFFFFF0] =	vst v1  }
0x19c: {  	[tilespmem:s22+$0x0] =	vst v2  }
0x19d: {  	s24 =	simm.s32 $0x80;
	s25 =	simm.s32 $0x10;
	[tilespmem:s22+$0x10] =	vst v63  }
.LBB2_12:
0x19e: {  	p5 =	sne.s32 s24, $0x1DC0;
	v0 =	vld [tilespmem:s25+$0x9000];
	_ =	sdelay $0x4  }
0x19f: {  	v0 =	vmax.f32 v0, $1.000000000e+00  }
0x1a0: {  	(erf) = vrcp.f32 v0;
	_ =	sdelay $0x1  }
0x1a1: {  	s22 =	sadd.s32 $0x40, s22  }
0x1a2: {  	v0 =	vld [tilespmem:s22+$0xFFFFFFF0]  }
0x1a3: {  	v1 =	vld [tilespmem:s22+$0x10]  }
0x1a4: {  	v2 =	vld [tilespmem:s22+$0xFFFFFFE0]  }
0x1a5: {  	v3 =	vld [tilespmem:s22+$0x0];
	_ =	sdelay $0x2  }
0x1a6: {  	v4 =	vpop (erf)  }
0x1a7: {  	v2 =	vmul.f32 v4, v2;
	v0 =	vmul.f32 v0, v4  }
.Ltmp5:
0x1a8: {  	v1 =	vmul.f32 v1, v4;
	v3 =	vmul.f32 v3, v4;
	(pc) =	sbr.rel @p5 .LBB2_12-.Ltmp5, $4  }
0x1a9: {  	[tilespmem:s22+$0xFFFFFFE0] =	vst v2  }
0x1aa: {  	[tilespmem:s22+$0xFFFFFFF0] =	vst v0  }
0x1ab: {  	[tilespmem:s22+$0x0] =	vst v3  }
0x1ac: {  	s25 =	sshra.s32 s24, $0x2;
	s24 =	sadd.s32 $0x40, s24;
	[tilespmem:s22+$0x10] =	vst v1  }
0x1ad: {  	v0 =	vld [tilespmem:s25+$0x9000];
	_ =	sdelay $0x4  }
0x1ae: {  	v0 =	vmax.f32 v0, $1.000000000e+00  }
0x1af: {  	(erf) = vrcp.f32 v0;
	_ =	sdelay $0x3  }
0x1b0: {  	s22 =	sadd.s32 $0x40, s22  }
0x1b1: {  	v62 =	vld [tilespmem:s22+$0xFFFFFFE0]  }
0x1b2: {  	v1 =	vld [tilespmem:s22+$0xFFFFFFF0]  }
0x1b3: {  	v2 =	vld [tilespmem:s22+$0x0]  }
0x1b4: {  	v3 =	vld [tilespmem:s22+$0x10]  }
0x1b5: {  	v4 =	vpop (erf)  }
0x1b6: {  	v0 =	vmul.f32 v4, v62  }
0x1b7: {  	v1 =	vmul.f32 v1, v4  }
0x1b8: {  	v2 =	vmul.f32 v2, v4;
	[tilespmem:s22+$0xFFFFFFE0] =	vst v0  }
0x1b9: {  	v63 =	vmul.f32 v3, v4;
	[tilespmem:s22+$0xFFFFFFF0] =	vst v1  }
0x1ba: {  	[tilespmem:s22+$0x0] =	vst v2  }
0x1bb: {  	[tilespmem:s22+$0x10] =	vst v63  }
0x1bc: {  	[spmem:s30] =	stream.linear.scatter [tilespmem:s12], [sflag:$0x5], $0x1E00, $0x38;
	[tilespmem:$0x1FB80] =	vst v63  }
0x1bd: {  	_ =	swait.ge [sflag:s16], $0x1E00  }
0x1be: {  	[sflag:s16] =	ssyncset.done $0x0  }
0x1bf: {  	[sflag:s16] =	ssyncadd.s32 $0xFFFFE200  }
0x1c0: {  	[spmem:s19], [sflag:s17] =	dma.local [hbm:s6], $0x13C0  }
0x1c1: {  	_ =	swait.ge [sflag:s7], $0x13C0  }
0x1c2: {  	[sflag:s7] =	ssyncset.done $0x0  }
0x1c3: {  	[sflag:s7] =	ssyncadd.s32 $0xFFFFEC40  }
0x1c4: {  	_ =	swait.ge [sflag:s8], $0x2800  }
0x1c5: {  	[sflag:s8] =	ssyncset.done $0x0  }
0x1c6: {  	[sflag:s8] =	ssyncadd.s32 $0xFFFFD800  }
0x1c7: {  	_ =	swait.ge [sflag:s1], $0x2800  }
0x1c8: {  	[sflag:s1] =	ssyncset.done $0x0  }
0x1c9: {  	[sflag:s1] =	ssyncadd.s32 $0xFFFFD800  }
0x1ca: {  	s24 =	simm.s32 $0x0;
	[bflag:$0x0] =	sbarrier.arrive $0xFFFF  }
0x1cb: {  	[tilespmem:s12], [sflag:$0x1] =	stream.indirect.gather [spmem:s4], $0x40, s24, s10, $0xb8;
	[tilespmem:$0x1FB80] =	vst v63  }
0x1cc: {  	_ = 	snop  }
0x1cd: {  	[tilespmem:s13], [sflag:$0x2] =	stream.indirect.gather [spmem:s4], $0x40, s10, s10, $0xb8;
	[tilespmem:$0x1FB80] =	vst v63  }
0x1ce: {  	_ =	swait.ge [sflag:s7], $0x2000  }
0x1cf: {  	[sflag:s7] =	ssyncset.done $0x0  }
0x1d0: {  	s25 =	simm.s32 $0x2800;
	[sflag:s7] =	ssyncadd.s32 $0xFFFFE000  }
0x1d1: {  	[spmem:s2] =	stream.indirect.scatter.add.f32 [tilespmem:s12], [sflag:$0x3], $0x40, s25, s10, $0xb8;
	[tilespmem:$0x1FB80] =	vst v63  }
0x1d2: {  	_ =	swait.ge [sflag:s1], $0x2000  }
0x1d3: {  	[sflag:s1] =	ssyncset.done $0x0  }
0x1d4: {  	s26 =	simm.s32 $0x100;
	[sflag:s1] =	ssyncadd.s32 $0xFFFFE000  }
0x1d5: {  	[tilespmem:s12], [sflag:$0x1] =	stream.indirect.gather [spmem:s4], $0x40, s26, s10, $0xb8;
	[tilespmem:$0x1FB80] =	vst v63  }
0x1d6: {  	_ =	swait.ge [sflag:s8], $0x2000  }
0x1d7: {  	[sflag:s8] =	ssyncset.done $0x0  }
0x1d8: {  	s28 =	simm.s32 $0x2880;
	[sflag:s8] =	ssyncadd.s32 $0xFFFFE000  }
0x1d9: {  	[spmem:s2] =	stream.indirect.scatter.add.f32 [tilespmem:s13], [sflag:$0x4], $0x40, s28, s10, $0xb8;
	[tilespmem:$0x1FB80] =	vst v63  }
0x1da: {  	_ =	swait.ge [sflag:s9], $0x2000  }
0x1db: {  	[sflag:s9] =	ssyncset.done $0x0  }
0x1dc: {  	s22 =	simm.s32 $0x400;
	s24 =	simm.s32 $0x180;
	[sflag:s9] =	ssyncadd.s32 $0xFFFFE000  }
.LBB2_14:
0x1dd: {  	[tilespmem:s13], [sflag:$0x2] =	stream.indirect.gather [spmem:s4], $0x40, s24, s10, $0xb8;
	[tilespmem:$0x1FB80] =	vst v63  }
0x1de: {  	s24 =	smov.u32 s22  }
0x1df: {  	p5 =	sne.s32 s22, $0x9800;
	s22 =	sadd.s32 $0x400, s22;
	_ =	swait.ge [sflag:s7], $0x2000  }
0x1e0: {  	s24 =	sshra.s32 s24, $0x2;
	[sflag:s7] =	ssyncset.done $0x0  }
0x1e1: {  	s25 =	sadd.s32 $0x2800, s24;
	[sflag:s7] =	ssyncadd.s32 $0xFFFFE000  }
0x1e2: {  	[spmem:s2] =	stream.indirect.scatter.add.f32 [tilespmem:s12], [sflag:$0x3], $0x40, s25, s10, $0xb8;
	[tilespmem:$0x1FB80] =	vst v63  }
0x1e3: {  	_ =	swait.ge [sflag:s1], $0x2000  }
0x1e4: {  	[sflag:s1] =	ssyncset.done $0x0  }
0x1e5: {  	s25 =	sadd.s32 $0x100, s24;
	[sflag:s1] =	ssyncadd.s32 $0xFFFFE000  }
0x1e6: {  	[tilespmem:s12], [sflag:$0x1] =	stream.indirect.gather [spmem:s4], $0x40, s25, s10, $0xb8;
	[tilespmem:$0x1FB80] =	vst v63  }
0x1e7: {  	_ =	swait.ge [sflag:s8], $0x2000  }
0x1e8: {  	[sflag:s8] =	ssyncset.done $0x0  }
.Ltmp6:
0x1e9: {  	s25 =	sadd.s32 $0x2880, s24;
	[sflag:s8] =	ssyncadd.s32 $0xFFFFE000;
	(pc) =	sbr.rel @p5 .LBB2_14-.Ltmp6, $4  }
0x1ea: {  	[spmem:s2] =	stream.indirect.scatter.add.f32 [tilespmem:s13], [sflag:$0x4], $0x40, s25, s10, $0xb8;
	[tilespmem:$0x1FB80] =	vst v63  }
0x1eb: {  	_ =	swait.ge [sflag:s9], $0x2000  }
0x1ec: {  	[sflag:s9] =	ssyncset.done $0x0  }
0x1ed: {  	s24 =	sadd.s32 $0x180, s24;
	[sflag:s9] =	ssyncadd.s32 $0xFFFFE000  }
0x1ee: {  	[tilespmem:s13], [sflag:$0x2] =	stream.indirect.gather [spmem:s4], $0x40, s24, s10, $0xb8;
	[tilespmem:$0x1FB80] =	vst v63  }
0x1ef: {  	_ =	swait.ge [sflag:s7], $0x2000  }
0x1f0: {  	[sflag:s7] =	ssyncset.done $0x0  }
0x1f1: {  	[sflag:s7] =	ssyncadd.s32 $0xFFFFE000  }
0x1f2: {  	[spmem:s2] =	stream.indirect.scatter.add.f32 [tilespmem:s12], [sflag:$0x3], $0x40, s14, s10, $0xb8;
	[tilespmem:$0x1FB80] =	vst v63  }
0x1f3: {  	_ =	swait.ge [sflag:s8], $0x2000  }
0x1f4: {  	[sflag:s8] =	ssyncset.done $0x0  }
0x1f5: {  	[sflag:s8] =	ssyncadd.s32 $0xFFFFE000  }
0x1f6: {  	[spmem:s2] =	stream.indirect.scatter.add.f32 [tilespmem:s13], [sflag:$0x4], $0x40, s15, s10, $0xb8;
	[tilespmem:$0x1FB80] =	vst v63  }
0x1f7: {  	_ =	swait.ge [sflag:s1], $0x2000  }
0x1f8: {  	[sflag:s1] =	ssyncset.done $0x0  }
0x1f9: {  	[sflag:s1] =	ssyncadd.s32 $0xFFFFE000  }
0x1fa: {  	_ =	swait.ge [sflag:s9], $0x2000  }
0x1fb: {  	[sflag:s9] =	ssyncset.done $0x0  }
0x1fc: {  	s26 =	stileid.u32;
	[sflag:s9] =	ssyncadd.s32 $0xFFFFE000  }
0x1fd: {  	s22 =	sshll.u32 @!p3 s26, $0x6;
	[bflag:$0x0] =	sbarrier.arrive $0xFFFF  }
0x1fe: {  	s24 =	sshrl.u32 @!p3 s23, $0x3;
	s22 =	sor.u32 @!p3 $0x1C05, s22;
	s25 =	rddreg [dreg:$0xf]  }
0x1ff: {  	[hbm:s25], [sflag:s22] =	dma.local @!p3 [spmem:s24], $0x13C0  }
0x200: {  	s25 =	simm.s32 @!p3 $0x5  }
0x201: {  	_ =	swait.ge @!p3 [sflag:s25], $0x13C0  }
0x202: {  	s26 =	sshll.u32 @p0 s26, $0x6;
	[sflag:s25] =	ssyncset.done @!p3 $0x0;
	s28 =	rddreg [dreg:$0x1d]  }
0x203: {  	[sflag:s25] =	ssyncadd.s32 @!p3 $0xFFFFEC40;
	s25 =	sor.u32 @p0 $0x1C05, s26;
	s26 =	sshrl.u32 @p0 s23, $0x3  }
0x204: {  	[hbm:s28], [sflag:s25] =	dma.local @p0 [spmem:s26], $0x13C0  }
0x205: {  	s28 =	simm.s32 @p0 $0x5  }
0x206: {  	_ =	swait.ge @p0 [sflag:s28], $0x13C0  }
0x207: {  	[sflag:s28] =	ssyncset.done @p0 $0x0  }
0x208: {  	[sflag:s28] =	ssyncadd.s32 @p0 $0xFFFFEC40  }
0x209: {  	[bflag:$0x0] =	sbarrier.arrive $0xFFFF  }
0x20a: {  	[spmem:s19], [sflag:s17] =	dma.local [hbm:s6], $0x13C0  }
0x20b: {  	s28 =	rddreg [dreg:$0x8]  }
0x20c: {  	[tilespmem:s5], [sflag:$0x2] =	stream.linear.gather [hbm4b:s28+s5], $0x2800, $0x38;
	[tilespmem:$0x1FB80] =	vst v63  }
0x20d: {  	s28 =	rddreg [dreg:$0x9]  }
0x20e: {  	[tilespmem:s31], [sflag:$0x3] =	stream.linear.gather [hbm4b:s28+s5], $0x2800, $0x38;
	[tilespmem:$0x1FB80] =	vst v63  }
0x20f: {  	s28 =	rddreg [dreg:$0x1b]  }
0x210: {  	[spmem:s20], [sflag:s17] =	dma.local @p1 [hbm:s28], $0x1F40  }
0x211: {  	s20 =	rddreg [dreg:$0x1c]  }
0x212: {  	[spmem:s21], [sflag:s17] =	dma.local @p2 [hbm:s20], $0x1F40  }
0x213: {  	_ =	swait.ge [sflag:s7], $0x13C0  }
0x214: {  	[sflag:s7] =	ssyncset.done $0x0  }
0x215: {  	[sflag:s7] =	ssyncadd.s32 $0xFFFFEC40  }
0x216: {  	_ =	swait.ge [sflag:s8], $0x2800  }
0x217: {  	[sflag:s8] =	ssyncset.done $0x0  }
0x218: {  	[sflag:s8] =	ssyncadd.s32 $0xFFFFD800  }
0x219: {  	_ =	swait.ge [sflag:s1], $0x2800  }
0x21a: {  	[sflag:s1] =	ssyncset.done $0x0  }
0x21b: {  	s20 =	simm.s32 @!p4 $0x1;
	[sflag:s1] =	ssyncadd.s32 $0xFFFFD800  }
0x21c: {  	_ =	swait.ge @!p4 [sflag:s20], $0x1F40  }
0x21d: {  	[sflag:s20] =	ssyncset.done @!p4 $0x0  }
0x21e: {  	[sflag:s20] =	ssyncadd.s32 @!p4 $0xFFFFE0C0  }
0x21f: {  	s21 =	simm.s32 $0x0;
	[bflag:$0x0] =	sbarrier.arrive $0xFFFF  }
0x220: {  	[tilespmem:s12], [sflag:$0x1] =	stream.indirect.gather [spmem:s4], $0x40, s21, s10, $0xb8;
	[tilespmem:$0x1FB80] =	vst v63  }
0x221: {  	_ = 	snop  }
0x222: {  	[tilespmem:s13], [sflag:$0x2] =	stream.indirect.gather [spmem:s4], $0x40, s10, s10, $0xb8;
	[tilespmem:$0x1FB80] =	vst v63  }
0x223: {  	_ =	swait.ge [sflag:s7], $0x2000  }
0x224: {  	[sflag:s7] =	ssyncset.done $0x0  }
0x225: {  	s28 =	simm.s32 $0x2800;
	[sflag:s7] =	ssyncadd.s32 $0xFFFFE000  }
0x226: {  	[spmem:s2] =	stream.indirect.scatter.add.f32 [tilespmem:s12], [sflag:$0x3], $0x40, s28, s10, $0xb8;
	[tilespmem:$0x1FB80] =	vst v63  }
0x227: {  	_ =	swait.ge [sflag:s1], $0x2000  }
0x228: {  	[sflag:s1] =	ssyncset.done $0x0  }
0x229: {  	s21 =	simm.s32 $0x100;
	[sflag:s1] =	ssyncadd.s32 $0xFFFFE000  }
0x22a: {  	[tilespmem:s12], [sflag:$0x1] =	stream.indirect.gather [spmem:s4], $0x40, s21, s10, $0xb8;
	[tilespmem:$0x1FB80] =	vst v63  }
0x22b: {  	_ =	swait.ge [sflag:s8], $0x2000  }
0x22c: {  	[sflag:s8] =	ssyncset.done $0x0  }
0x22d: {  	s28 =	simm.s32 $0x2880;
	[sflag:s8] =	ssyncadd.s32 $0xFFFFE000  }
0x22e: {  	[spmem:s2] =	stream.indirect.scatter.add.f32 [tilespmem:s13], [sflag:$0x4], $0x40, s28, s10, $0xb8;
	[tilespmem:$0x1FB80] =	vst v63  }
0x22f: {  	_ =	swait.ge [sflag:s9], $0x2000  }
0x230: {  	[sflag:s9] =	ssyncset.done $0x0  }
0x231: {  	s20 =	simm.s32 $0x400;
	s21 =	simm.s32 $0x180;
	[sflag:s9] =	ssyncadd.s32 $0xFFFFE000  }
.LBB2_16:
0x232: {  	[tilespmem:s13], [sflag:$0x2] =	stream.indirect.gather [spmem:s4], $0x40, s21, s10, $0xb8;
	[tilespmem:$0x1FB80] =	vst v63  }
0x233: {  	s21 =	smov.u32 s20  }
0x234: {  	p5 =	sne.s32 s20, $0x9800;
	s20 =	sadd.s32 $0x400, s20;
	_ =	swait.ge [sflag:s7], $0x2000  }
0x235: {  	s21 =	sshra.s32 s21, $0x2;
	[sflag:s7] =	ssyncset.done $0x0  }
0x236: {  	s28 =	sadd.s32 $0x2800, s21;
	[sflag:s7] =	ssyncadd.s32 $0xFFFFE000  }
0x237: {  	[spmem:s2] =	stream.indirect.scatter.add.f32 [tilespmem:s12], [sflag:$0x3], $0x40, s28, s10, $0xb8;
	[tilespmem:$0x1FB80] =	vst v63  }
0x238: {  	_ =	swait.ge [sflag:s1], $0x2000  }
0x239: {  	[sflag:s1] =	ssyncset.done $0x0  }
0x23a: {  	s28 =	sadd.s32 $0x100, s21;
	[sflag:s1] =	ssyncadd.s32 $0xFFFFE000  }
0x23b: {  	[tilespmem:s12], [sflag:$0x1] =	stream.indirect.gather [spmem:s4], $0x40, s28, s10, $0xb8;
	[tilespmem:$0x1FB80] =	vst v63  }
0x23c: {  	_ =	swait.ge [sflag:s8], $0x2000  }
0x23d: {  	[sflag:s8] =	ssyncset.done $0x0  }
.Ltmp7:
0x23e: {  	s28 =	sadd.s32 $0x2880, s21;
	[sflag:s8] =	ssyncadd.s32 $0xFFFFE000;
	(pc) =	sbr.rel @p5 .LBB2_16-.Ltmp7, $4  }
0x23f: {  	[spmem:s2] =	stream.indirect.scatter.add.f32 [tilespmem:s13], [sflag:$0x4], $0x40, s28, s10, $0xb8;
	[tilespmem:$0x1FB80] =	vst v63  }
0x240: {  	_ =	swait.ge [sflag:s9], $0x2000  }
0x241: {  	[sflag:s9] =	ssyncset.done $0x0  }
0x242: {  	s21 =	sadd.s32 $0x180, s21;
	[sflag:s9] =	ssyncadd.s32 $0xFFFFE000  }
0x243: {  	[tilespmem:s13], [sflag:$0x2] =	stream.indirect.gather [spmem:s4], $0x40, s21, s10, $0xb8;
	[tilespmem:$0x1FB80] =	vst v63  }
0x244: {  	_ =	swait.ge [sflag:s7], $0x2000  }
0x245: {  	[sflag:s7] =	ssyncset.done $0x0  }
0x246: {  	[sflag:s7] =	ssyncadd.s32 $0xFFFFE000  }
0x247: {  	[spmem:s2] =	stream.indirect.scatter.add.f32 [tilespmem:s12], [sflag:$0x3], $0x40, s14, s10, $0xb8;
	[tilespmem:$0x1FB80] =	vst v63  }
0x248: {  	_ =	swait.ge [sflag:s8], $0x2000  }
0x249: {  	[sflag:s8] =	ssyncset.done $0x0  }
0x24a: {  	[sflag:s8] =	ssyncadd.s32 $0xFFFFE000  }
0x24b: {  	[spmem:s2] =	stream.indirect.scatter.add.f32 [tilespmem:s13], [sflag:$0x4], $0x40, s15, s10, $0xb8;
	[tilespmem:$0x1FB80] =	vst v63  }
0x24c: {  	_ =	swait.ge [sflag:s1], $0x2000  }
0x24d: {  	[sflag:s1] =	ssyncset.done $0x0  }
0x24e: {  	[sflag:s1] =	ssyncadd.s32 $0xFFFFE000  }
0x24f: {  	_ =	swait.ge [sflag:s9], $0x2000  }
0x250: {  	[sflag:s9] =	ssyncset.done $0x0  }
0x251: {  	[sflag:s9] =	ssyncadd.s32 $0xFFFFE000  }
0x252: {  	[bflag:$0x0] =	sbarrier.arrive $0xFFFF  }
0x253: {  	s20 =	simm.s32 $0x0;
	s21 =	rddreg [dreg:$0xb]  }
0x254: {  	[tilespmem:s20], [sflag:$0x2] =	stream.linear.gather [hbm4b:s21+s20], $0x2800, $0x38;
	[tilespmem:$0x1FB80] =	vst v63  }
0x255: {  	s21 =	rddreg [dreg:$0xc]  }
0x256: {  	[tilespmem:s31], [sflag:$0x3] =	stream.linear.gather [hbm4b:s21+s20], $0x2800, $0x38;
	[tilespmem:$0x1FB80] =	vst v63  }
0x257: {  	_ = 	snop  }
0x258: {  	[tilespmem:s12], [sflag:$0x5] =	stream.linear.gather [spmem:s23], $0x2000, $0x38;
	[tilespmem:$0x1FB80] =	vst v63  }
0x259: {  	_ =	swait.ge [sflag:s16], $0x2000  }
0x25a: {  	[sflag:s16] =	ssyncset.done $0x0  }
0x25b: {  	[sflag:s16] =	ssyncadd.s32 $0xFFFFE000  }
0x25c: {  	[tilespmem:s0], [sflag:$0x5] =	stream.linear.gather [spmem:s11], $0x800, $0x38;
	[tilespmem:$0x1FB80] =	vst v63  }
0x25d: {  	_ =	swait.ge [sflag:s16], $0x800  }
0x25e: {  	[sflag:s16] =	ssyncset.done $0x0  }
0x25f: {  	s21 =	simm.s32 $0x0;
	[sflag:s16] =	ssyncadd.s32 $0xFFFFF800  }
0x260: {  	v0 =	vld [tilespmem:s21+$0x9000];
	_ =	sdelay $0x4  }
0x261: {  	v0 =	vmax.f32 v0, $1.000000000e+00  }
0x262: {  	(erf) = vrcp.f32 v0;
	_ =	sdelay $0x3  }
0x263: {  	s20 =	simm.s32 $0x5020  }
0x264: {  	v62 =	vld [tilespmem:s20+$0xFFFFFFE0]  }
0x265: {  	v1 =	vld [tilespmem:s20+$0xFFFFFFF0]  }
0x266: {  	v2 =	vld [tilespmem:s20+$0x0]  }
0x267: {  	v3 =	vld [tilespmem:s20+$0x10]  }
0x268: {  	v4 =	vpop (erf)  }
0x269: {  	v0 =	vmul.f32 v4, v62  }
0x26a: {  	v1 =	vmul.f32 v1, v4  }
0x26b: {  	v2 =	vmul.f32 v2, v4;
	[tilespmem:s20+$0xFFFFFFE0] =	vst v0  }
0x26c: {  	v63 =	vmul.f32 v3, v4;
	[tilespmem:s20+$0xFFFFFFF0] =	vst v1  }
0x26d: {  	[tilespmem:s20+$0x0] =	vst v2  }
0x26e: {  	s28 =	simm.s32 $0x10;
	s21 =	simm.s32 $0x80;
	[tilespmem:s20+$0x10] =	vst v63  }
.LBB2_18:
0x26f: {  	p5 =	sne.s32 s21, $0x1FC0;
	v0 =	vld [tilespmem:s28+$0x9000];
	_ =	sdelay $0x4  }
0x270: {  	v0 =	vmax.f32 v0, $1.000000000e+00  }
0x271: {  	(erf) = vrcp.f32 v0;
	_ =	sdelay $0x1  }
0x272: {  	s20 =	sadd.s32 $0x40, s20  }
0x273: {  	v0 =	vld [tilespmem:s20+$0xFFFFFFF0]  }
0x274: {  	v1 =	vld [tilespmem:s20+$0x10]  }
0x275: {  	v2 =	vld [tilespmem:s20+$0xFFFFFFE0]  }
0x276: {  	v3 =	vld [tilespmem:s20+$0x0];
	_ =	sdelay $0x2  }
0x277: {  	v4 =	vpop (erf)  }
0x278: {  	v2 =	vmul.f32 v4, v2;
	v0 =	vmul.f32 v0, v4  }
.Ltmp8:
0x279: {  	v1 =	vmul.f32 v1, v4;
	v3 =	vmul.f32 v3, v4;
	(pc) =	sbr.rel @p5 .LBB2_18-.Ltmp8, $4  }
0x27a: {  	[tilespmem:s20+$0xFFFFFFE0] =	vst v2  }
0x27b: {  	[tilespmem:s20+$0xFFFFFFF0] =	vst v0  }
0x27c: {  	[tilespmem:s20+$0x0] =	vst v3  }
0x27d: {  	s28 =	sshra.s32 s21, $0x2;
	s21 =	sadd.s32 $0x40, s21;
	[tilespmem:s20+$0x10] =	vst v1  }
0x27e: {  	v0 =	vld [tilespmem:s28+$0x9000];
	_ =	sdelay $0x4  }
0x27f: {  	v0 =	vmax.f32 v0, $1.000000000e+00  }
0x280: {  	(erf) = vrcp.f32 v0;
	_ =	sdelay $0x3  }
0x281: {  	s20 =	sadd.s32 $0x40, s20  }
0x282: {  	v55 =	vld [tilespmem:s20+$0xFFFFFFE0]  }
0x283: {  	v1 =	vld [tilespmem:s20+$0xFFFFFFF0]  }
0x284: {  	v2 =	vld [tilespmem:s20+$0x0]  }
0x285: {  	v3 =	vld [tilespmem:s20+$0x10]  }
0x286: {  	v4 =	vpop (erf)  }
0x287: {  	v0 =	vmul.f32 v4, v55  }
0x288: {  	v1 =	vmul.f32 v1, v4  }
0x289: {  	v2 =	vmul.f32 v2, v4;
	[tilespmem:s20+$0xFFFFFFE0] =	vst v0  }
0x28a: {  	v56 =	vmul.f32 v3, v4;
	[tilespmem:s20+$0xFFFFFFF0] =	vst v1  }
0x28b: {  	[tilespmem:s20+$0x0] =	vst v2  }
0x28c: {  	s21 =	rddreg [dreg:$0x15];
	[tilespmem:s20+$0x10] =	vst v56  }
0x28d: {  	[spmem:s21] =	stream.linear.scatter [tilespmem:s12], [sflag:$0x5], $0x2000, $0x38;
	[tilespmem:$0x1FB80] =	vst v63  }
0x28e: {  	_ =	swait.ge [sflag:s16], $0x2000  }
0x28f: {  	[sflag:s16] =	ssyncset.done $0x0  }
0x290: {  	s21 =	rddreg [dreg:$0xd];
	[sflag:s16] =	ssyncadd.s32 $0xFFFFE000  }
0x291: {  	[tilespmem:s12], [sflag:$0x5] =	stream.linear.gather [spmem:s21], $0x2000, $0x38;
	[tilespmem:$0x1FB80] =	vst v63  }
0x292: {  	_ =	swait.ge [sflag:s16], $0x2000  }
0x293: {  	[sflag:s16] =	ssyncset.done $0x0  }
0x294: {  	s21 =	rddreg [dreg:$0xe];
	[sflag:s16] =	ssyncadd.s32 $0xFFFFE000  }
0x295: {  	[tilespmem:s0], [sflag:$0x5] =	stream.linear.gather [spmem:s21], $0x800, $0x38;
	[tilespmem:$0x1FB80] =	vst v63  }
0x296: {  	_ =	swait.ge [sflag:s16], $0x800  }
0x297: {  	[sflag:s16] =	ssyncset.done $0x0  }
0x298: {  	s21 =	simm.s32 $0x0;
	[sflag:s16] =	ssyncadd.s32 $0xFFFFF800  }
0x299: {  	v57 =	vld [tilespmem:s21+$0x9000];
	_ =	sdelay $0x4  }
0x29a: {  	v0 =	vmax.f32 v57, $1.000000000e+00  }
0x29b: {  	(erf) = vrcp.f32 v0;
	_ =	sdelay $0x3  }
0x29c: {  	s20 =	simm.s32 $0x5020  }
0x29d: {  	v58 =	vld [tilespmem:s20+$0xFFFFFFE0]  }
0x29e: {  	v59 =	vld [tilespmem:s20+$0xFFFFFFF0]  }
0x29f: {  	v60 =	vld [tilespmem:s20+$0x0]  }
0x2a0: {  	v61 =	vld [tilespmem:s20+$0x10]  }
0x2a1: {  	v62 =	vpop (erf)  }
0x2a2: {  	v0 =	vmul.f32 v62, v58  }
0x2a3: {  	v1 =	vmul.f32 v59, v62  }
0x2a4: {  	v2 =	vmul.f32 v60, v62;
	[tilespmem:s20+$0xFFFFFFE0] =	vst v0  }
0x2a5: {  	v63 =	vmul.f32 v61, v62;
	[tilespmem:s20+$0xFFFFFFF0] =	vst v1  }
0x2a6: {  	[tilespmem:s20+$0x0] =	vst v2  }
0x2a7: {  	s28 =	simm.s32 $0x10;
	s21 =	simm.s32 $0x80;
	[tilespmem:s20+$0x10] =	vst v63  }
.LBB2_20:
0x2a8: {  	p5 =	sne.s32 s21, $0x1FC0;
	v0 =	vld [tilespmem:s28+$0x9000];
	_ =	sdelay $0x4  }
0x2a9: {  	v0 =	vmax.f32 v0, $1.000000000e+00  }
0x2aa: {  	(erf) = vrcp.f32 v0;
	_ =	sdelay $0x1  }
0x2ab: {  	s20 =	sadd.s32 $0x40, s20  }
0x2ac: {  	v0 =	vld [tilespmem:s20+$0xFFFFFFF0]  }
0x2ad: {  	v1 =	vld [tilespmem:s20+$0x10]  }
0x2ae: {  	v2 =	vld [tilespmem:s20+$0xFFFFFFE0]  }
0x2af: {  	v3 =	vld [tilespmem:s20+$0x0];
	_ =	sdelay $0x2  }
0x2b0: {  	v4 =	vpop (erf)  }
0x2b1: {  	v2 =	vmul.f32 v4, v2;
	v0 =	vmul.f32 v0, v4  }
.Ltmp9:
0x2b2: {  	v1 =	vmul.f32 v1, v4;
	v3 =	vmul.f32 v3, v4;
	(pc) =	sbr.rel @p5 .LBB2_20-.Ltmp9, $4  }
0x2b3: {  	[tilespmem:s20+$0xFFFFFFE0] =	vst v2  }
0x2b4: {  	[tilespmem:s20+$0xFFFFFFF0] =	vst v0  }
0x2b5: {  	[tilespmem:s20+$0x0] =	vst v3  }
0x2b6: {  	s28 =	sshra.s32 s21, $0x2;
	s21 =	sadd.s32 $0x40, s21;
	[tilespmem:s20+$0x10] =	vst v1  }
0x2b7: {  	v0 =	vld [tilespmem:s28+$0x9000];
	_ =	sdelay $0x4  }
0x2b8: {  	v0 =	vmax.f32 v0, $1.000000000e+00  }
0x2b9: {  	(erf) = vrcp.f32 v0;
	_ =	sdelay $0x3  }
0x2ba: {  	s20 =	sadd.s32 $0x40, s20  }
0x2bb: {  	v55 =	vld [tilespmem:s20+$0xFFFFFFE0]  }
0x2bc: {  	v1 =	vld [tilespmem:s20+$0xFFFFFFF0]  }
0x2bd: {  	v2 =	vld [tilespmem:s20+$0x0]  }
0x2be: {  	v3 =	vld [tilespmem:s20+$0x10]  }
0x2bf: {  	v4 =	vpop (erf)  }
0x2c0: {  	v0 =	vmul.f32 v4, v55  }
0x2c1: {  	v1 =	vmul.f32 v1, v4  }
0x2c2: {  	v2 =	vmul.f32 v2, v4;
	[tilespmem:s20+$0xFFFFFFE0] =	vst v0  }
0x2c3: {  	v56 =	vmul.f32 v3, v4;
	[tilespmem:s20+$0xFFFFFFF0] =	vst v1  }
0x2c4: {  	[tilespmem:s20+$0x0] =	vst v2  }
0x2c5: {  	s21 =	rddreg [dreg:$0x10];
	[tilespmem:s20+$0x10] =	vst v56  }
0x2c6: {  	[spmem:s21] =	stream.linear.scatter [tilespmem:s12], [sflag:$0x5], $0x2000, $0x38;
	[tilespmem:$0x1FB80] =	vst v63  }
0x2c7: {  	_ =	swait.ge [sflag:s16], $0x2000  }
0x2c8: {  	[sflag:s16] =	ssyncset.done $0x0  }
0x2c9: {  	s21 =	rddreg [dreg:$0x12];
	[sflag:s16] =	ssyncadd.s32 $0xFFFFE000  }
0x2ca: {  	[tilespmem:s12], [sflag:$0x5] =	stream.linear.gather [spmem:s21], $0x2000, $0x38;
	[tilespmem:$0x1FB80] =	vst v63  }
0x2cb: {  	_ =	swait.ge [sflag:s16], $0x2000  }
0x2cc: {  	[sflag:s16] =	ssyncset.done $0x0  }
0x2cd: {  	s21 =	rddreg [dreg:$0x11];
	[sflag:s16] =	ssyncadd.s32 $0xFFFFE000  }
0x2ce: {  	[tilespmem:s0], [sflag:$0x5] =	stream.linear.gather [spmem:s21], $0x800, $0x38;
	[tilespmem:$0x1FB80] =	vst v63  }
0x2cf: {  	_ =	swait.ge [sflag:s16], $0x800  }
0x2d0: {  	[sflag:s16] =	ssyncset.done $0x0  }
0x2d1: {  	s21 =	simm.s32 $0x0;
	[sflag:s16] =	ssyncadd.s32 $0xFFFFF800  }
0x2d2: {  	v57 =	vld [tilespmem:s21+$0x9000];
	_ =	sdelay $0x4  }
0x2d3: {  	v0 =	vmax.f32 v57, $1.000000000e+00  }
0x2d4: {  	(erf) = vrcp.f32 v0;
	_ =	sdelay $0x3  }
0x2d5: {  	s20 =	simm.s32 $0x5020  }
0x2d6: {  	v58 =	vld [tilespmem:s20+$0xFFFFFFE0]  }
0x2d7: {  	v59 =	vld [tilespmem:s20+$0xFFFFFFF0]  }
0x2d8: {  	v60 =	vld [tilespmem:s20+$0x0]  }
0x2d9: {  	v61 =	vld [tilespmem:s20+$0x10]  }
0x2da: {  	v62 =	vpop (erf)  }
0x2db: {  	v0 =	vmul.f32 v62, v58  }
0x2dc: {  	v1 =	vmul.f32 v59, v62  }
0x2dd: {  	v2 =	vmul.f32 v60, v62;
	[tilespmem:s20+$0xFFFFFFE0] =	vst v0  }
0x2de: {  	v63 =	vmul.f32 v61, v62;
	[tilespmem:s20+$0xFFFFFFF0] =	vst v1  }
0x2df: {  	[tilespmem:s20+$0x0] =	vst v2  }
0x2e0: {  	s28 =	simm.s32 $0x10;
	s21 =	simm.s32 $0x80;
	[tilespmem:s20+$0x10] =	vst v63  }
.LBB2_22:
0x2e1: {  	p5 =	sne.s32 s21, $0x1FC0;
	v0 =	vld [tilespmem:s28+$0x9000];
	_ =	sdelay $0x4  }
0x2e2: {  	v0 =	vmax.f32 v0, $1.000000000e+00  }
0x2e3: {  	(erf) = vrcp.f32 v0;
	_ =	sdelay $0x1  }
0x2e4: {  	s20 =	sadd.s32 $0x40, s20  }
0x2e5: {  	v0 =	vld [tilespmem:s20+$0xFFFFFFF0]  }
0x2e6: {  	v1 =	vld [tilespmem:s20+$0x10]  }
0x2e7: {  	v2 =	vld [tilespmem:s20+$0xFFFFFFE0]  }
0x2e8: {  	v3 =	vld [tilespmem:s20+$0x0];
	_ =	sdelay $0x2  }
0x2e9: {  	v4 =	vpop (erf)  }
0x2ea: {  	v2 =	vmul.f32 v4, v2;
	v0 =	vmul.f32 v0, v4  }
.Ltmp10:
0x2eb: {  	v1 =	vmul.f32 v1, v4;
	v3 =	vmul.f32 v3, v4;
	(pc) =	sbr.rel @p5 .LBB2_22-.Ltmp10, $4  }
0x2ec: {  	[tilespmem:s20+$0xFFFFFFE0] =	vst v2  }
0x2ed: {  	[tilespmem:s20+$0xFFFFFFF0] =	vst v0  }
0x2ee: {  	[tilespmem:s20+$0x0] =	vst v3  }
0x2ef: {  	s28 =	sshra.s32 s21, $0x2;
	s21 =	sadd.s32 $0x40, s21;
	[tilespmem:s20+$0x10] =	vst v1  }
0x2f0: {  	v0 =	vld [tilespmem:s28+$0x9000];
	_ =	sdelay $0x4  }
0x2f1: {  	v0 =	vmax.f32 v0, $1.000000000e+00  }
0x2f2: {  	(erf) = vrcp.f32 v0;
	_ =	sdelay $0x3  }
0x2f3: {  	s20 =	sadd.s32 $0x40, s20  }
0x2f4: {  	v55 =	vld [tilespmem:s20+$0xFFFFFFE0]  }
0x2f5: {  	v1 =	vld [tilespmem:s20+$0xFFFFFFF0]  }
0x2f6: {  	v2 =	vld [tilespmem:s20+$0x0]  }
0x2f7: {  	v3 =	vld [tilespmem:s20+$0x10]  }
0x2f8: {  	v4 =	vpop (erf)  }
0x2f9: {  	v0 =	vmul.f32 v4, v55  }
0x2fa: {  	v1 =	vmul.f32 v1, v4  }
0x2fb: {  	v2 =	vmul.f32 v2, v4;
	[tilespmem:s20+$0xFFFFFFE0] =	vst v0  }
0x2fc: {  	v56 =	vmul.f32 v3, v4;
	[tilespmem:s20+$0xFFFFFFF0] =	vst v1  }
0x2fd: {  	[tilespmem:s20+$0x0] =	vst v2  }
0x2fe: {  	s21 =	rddreg [dreg:$0x13];
	[tilespmem:s20+$0x10] =	vst v56  }
0x2ff: {  	[spmem:s21] =	stream.linear.scatter [tilespmem:s12], [sflag:$0x5], $0x2000, $0x38;
	[tilespmem:$0x1FB80] =	vst v63  }
0x300: {  	_ =	swait.ge [sflag:s16], $0x2000  }
0x301: {  	[sflag:s16] =	ssyncset.done $0x0  }
0x302: {  	s21 =	rddreg [dreg:$0x16];
	[sflag:s16] =	ssyncadd.s32 $0xFFFFE000  }
0x303: {  	[tilespmem:s12], [sflag:$0x5] =	stream.linear.gather [spmem:s21], $0x2000, $0x38;
	[tilespmem:$0x1FB80] =	vst v63  }
0x304: {  	_ =	swait.ge [sflag:s16], $0x2000  }
0x305: {  	[sflag:s16] =	ssyncset.done $0x0  }
0x306: {  	s21 =	rddreg [dreg:$0x14];
	[sflag:s16] =	ssyncadd.s32 $0xFFFFE000  }
0x307: {  	[tilespmem:s0], [sflag:$0x5] =	stream.linear.gather [spmem:s21], $0x800, $0x38;
	[tilespmem:$0x1FB80] =	vst v63  }
0x308: {  	_ =	swait.ge [sflag:s16], $0x800  }
0x309: {  	[sflag:s16] =	ssyncset.done $0x0  }
0x30a: {  	s21 =	simm.s32 $0x0;
	[sflag:s16] =	ssyncadd.s32 $0xFFFFF800  }
0x30b: {  	v57 =	vld [tilespmem:s21+$0x9000];
	_ =	sdelay $0x4  }
0x30c: {  	v0 =	vmax.f32 v57, $1.000000000e+00  }
0x30d: {  	(erf) = vrcp.f32 v0;
	_ =	sdelay $0x3  }
0x30e: {  	s20 =	simm.s32 $0x5020  }
0x30f: {  	v58 =	vld [tilespmem:s20+$0xFFFFFFE0]  }
0x310: {  	v59 =	vld [tilespmem:s20+$0xFFFFFFF0]  }
0x311: {  	v60 =	vld [tilespmem:s20+$0x0]  }
0x312: {  	v61 =	vld [tilespmem:s20+$0x10]  }
0x313: {  	v62 =	vpop (erf)  }
0x314: {  	v0 =	vmul.f32 v62, v58  }
0x315: {  	v1 =	vmul.f32 v59, v62  }
0x316: {  	v2 =	vmul.f32 v60, v62;
	[tilespmem:s20+$0xFFFFFFE0] =	vst v0  }
0x317: {  	v63 =	vmul.f32 v61, v62;
	[tilespmem:s20+$0xFFFFFFF0] =	vst v1  }
0x318: {  	[tilespmem:s20+$0x0] =	vst v2  }
0x319: {  	s28 =	simm.s32 $0x10;
	s21 =	simm.s32 $0x80;
	[tilespmem:s20+$0x10] =	vst v63  }
.LBB2_24:
0x31a: {  	p5 =	sne.s32 s21, $0x1FC0;
	v0 =	vld [tilespmem:s28+$0x9000];
	_ =	sdelay $0x4  }
0x31b: {  	v0 =	vmax.f32 v0, $1.000000000e+00  }
0x31c: {  	(erf) = vrcp.f32 v0;
	_ =	sdelay $0x1  }
0x31d: {  	s20 =	sadd.s32 $0x40, s20  }
0x31e: {  	v0 =	vld [tilespmem:s20+$0xFFFFFFF0]  }
0x31f: {  	v1 =	vld [tilespmem:s20+$0x10]  }
0x320: {  	v2 =	vld [tilespmem:s20+$0xFFFFFFE0]  }
0x321: {  	v3 =	vld [tilespmem:s20+$0x0];
	_ =	sdelay $0x2  }
0x322: {  	v4 =	vpop (erf)  }
0x323: {  	v2 =	vmul.f32 v4, v2;
	v0 =	vmul.f32 v0, v4  }
.Ltmp11:
0x324: {  	v1 =	vmul.f32 v1, v4;
	v3 =	vmul.f32 v3, v4;
	(pc) =	sbr.rel @p5 .LBB2_24-.Ltmp11, $4  }
0x325: {  	[tilespmem:s20+$0xFFFFFFE0] =	vst v2  }
0x326: {  	[tilespmem:s20+$0xFFFFFFF0] =	vst v0  }
0x327: {  	[tilespmem:s20+$0x0] =	vst v3  }
0x328: {  	s28 =	sshra.s32 s21, $0x2;
	s21 =	sadd.s32 $0x40, s21;
	[tilespmem:s20+$0x10] =	vst v1  }
0x329: {  	v0 =	vld [tilespmem:s28+$0x9000];
	_ =	sdelay $0x4  }
0x32a: {  	v0 =	vmax.f32 v0, $1.000000000e+00  }
0x32b: {  	(erf) = vrcp.f32 v0;
	_ =	sdelay $0x3  }
0x32c: {  	s20 =	sadd.s32 $0x40, s20  }
0x32d: {  	v55 =	vld [tilespmem:s20+$0xFFFFFFE0]  }
0x32e: {  	v1 =	vld [tilespmem:s20+$0xFFFFFFF0]  }
0x32f: {  	v2 =	vld [tilespmem:s20+$0x0]  }
0x330: {  	v3 =	vld [tilespmem:s20+$0x10]  }
0x331: {  	v4 =	vpop (erf)  }
0x332: {  	v0 =	vmul.f32 v4, v55  }
0x333: {  	v1 =	vmul.f32 v1, v4  }
0x334: {  	v2 =	vmul.f32 v2, v4;
	[tilespmem:s20+$0xFFFFFFE0] =	vst v0  }
0x335: {  	v56 =	vmul.f32 v3, v4;
	[tilespmem:s20+$0xFFFFFFF0] =	vst v1  }
0x336: {  	[tilespmem:s20+$0x0] =	vst v2  }
0x337: {  	s21 =	rddreg [dreg:$0x17];
	[tilespmem:s20+$0x10] =	vst v56  }
0x338: {  	[spmem:s21] =	stream.linear.scatter [tilespmem:s12], [sflag:$0x5], $0x2000, $0x38;
	[tilespmem:$0x1FB80] =	vst v63  }
0x339: {  	_ =	swait.ge [sflag:s16], $0x2000  }
0x33a: {  	[sflag:s16] =	ssyncset.done $0x0  }
0x33b: {  	[sflag:s16] =	ssyncadd.s32 $0xFFFFE000  }
0x33c: {  	[tilespmem:s12], [sflag:$0x5] =	stream.linear.gather [spmem:s29], $0x1E00, $0x38;
	[tilespmem:$0x1FB80] =	vst v63  }
0x33d: {  	_ =	swait.ge [sflag:s16], $0x1E00  }
0x33e: {  	[sflag:s16] =	ssyncset.done $0x0  }
0x33f: {  	s21 =	rddreg [dreg:$0x18];
	[sflag:s16] =	ssyncadd.s32 $0xFFFFE200  }
0x340: {  	[tilespmem:s0], [sflag:$0x5] =	stream.linear.gather [spmem:s21], $0x780, $0x38;
	[tilespmem:$0x1FB80] =	vst v63  }
0x341: {  	_ =	swait.ge [sflag:s16], $0x780  }
0x342: {  	[sflag:s16] =	ssyncset.done $0x0  }
0x343: {  	s21 =	simm.s32 $0x0;
	[sflag:s16] =	ssyncadd.s32 $0xFFFFF880  }
0x344: {  	v57 =	vld [tilespmem:s21+$0x9000];
	_ =	sdelay $0x4  }
0x345: {  	v0 =	vmax.f32 v57, $1.000000000e+00  }
0x346: {  	(erf) = vrcp.f32 v0;
	_ =	sdelay $0x3  }
0x347: {  	s20 =	simm.s32 $0x5020  }
0x348: {  	v58 =	vld [tilespmem:s20+$0xFFFFFFE0]  }
0x349: {  	v59 =	vld [tilespmem:s20+$0xFFFFFFF0]  }
0x34a: {  	v60 =	vld [tilespmem:s20+$0x0]  }
0x34b: {  	v61 =	vld [tilespmem:s20+$0x10]  }
0x34c: {  	v62 =	vpop (erf)  }
0x34d: {  	v0 =	vmul.f32 v62, v58  }
0x34e: {  	v1 =	vmul.f32 v59, v62  }
0x34f: {  	v2 =	vmul.f32 v60, v62;
	[tilespmem:s20+$0xFFFFFFE0] =	vst v0  }
0x350: {  	v63 =	vmul.f32 v61, v62;
	[tilespmem:s20+$0xFFFFFFF0] =	vst v1  }
0x351: {  	[tilespmem:s20+$0x0] =	vst v2  }
0x352: {  	s28 =	simm.s32 $0x10;
	s21 =	simm.s32 $0x80;
	[tilespmem:s20+$0x10] =	vst v63  }
.LBB2_26:
0x353: {  	p5 =	sne.s32 s21, $0x1DC0;
	v0 =	vld [tilespmem:s28+$0x9000];
	_ =	sdelay $0x4  }
0x354: {  	v0 =	vmax.f32 v0, $1.000000000e+00  }
0x355: {  	(erf) = vrcp.f32 v0;
	_ =	sdelay $0x1  }
0x356: {  	s20 =	sadd.s32 $0x40, s20  }
0x357: {  	v0 =	vld [tilespmem:s20+$0xFFFFFFF0]  }
0x358: {  	v1 =	vld [tilespmem:s20+$0x10]  }
0x359: {  	v2 =	vld [tilespmem:s20+$0xFFFFFFE0]  }
0x35a: {  	v3 =	vld [tilespmem:s20+$0x0];
	_ =	sdelay $0x2  }
0x35b: {  	v4 =	vpop (erf)  }
0x35c: {  	v2 =	vmul.f32 v4, v2;
	v0 =	vmul.f32 v0, v4  }
.Ltmp12:
0x35d: {  	v1 =	vmul.f32 v1, v4;
	v3 =	vmul.f32 v3, v4;
	(pc) =	sbr.rel @p5 .LBB2_26-.Ltmp12, $4  }
0x35e: {  	[tilespmem:s20+$0xFFFFFFE0] =	vst v2  }
0x35f: {  	[tilespmem:s20+$0xFFFFFFF0] =	vst v0  }
0x360: {  	[tilespmem:s20+$0x0] =	vst v3  }
0x361: {  	s28 =	sshra.s32 s21, $0x2;
	s21 =	sadd.s32 $0x40, s21;
	[tilespmem:s20+$0x10] =	vst v1  }
0x362: {  	v0 =	vld [tilespmem:s28+$0x9000];
	_ =	sdelay $0x4  }
0x363: {  	v0 =	vmax.f32 v0, $1.000000000e+00  }
0x364: {  	(erf) = vrcp.f32 v0;
	_ =	sdelay $0x3  }
0x365: {  	s20 =	sadd.s32 $0x40, s20  }
0x366: {  	v62 =	vld [tilespmem:s20+$0xFFFFFFE0]  }
0x367: {  	v1 =	vld [tilespmem:s20+$0xFFFFFFF0]  }
0x368: {  	v2 =	vld [tilespmem:s20+$0x0]  }
0x369: {  	v3 =	vld [tilespmem:s20+$0x10]  }
0x36a: {  	v4 =	vpop (erf)  }
0x36b: {  	v0 =	vmul.f32 v4, v62  }
0x36c: {  	v1 =	vmul.f32 v1, v4  }
0x36d: {  	v2 =	vmul.f32 v2, v4;
	[tilespmem:s20+$0xFFFFFFE0] =	vst v0  }
0x36e: {  	v63 =	vmul.f32 v3, v4;
	[tilespmem:s20+$0xFFFFFFF0] =	vst v1  }
0x36f: {  	[tilespmem:s20+$0x0] =	vst v2  }
0x370: {  	[tilespmem:s20+$0x10] =	vst v63  }
0x371: {  	[spmem:s30] =	stream.linear.scatter [tilespmem:s12], [sflag:$0x5], $0x1E00, $0x38;
	[tilespmem:$0x1FB80] =	vst v63  }
0x372: {  	_ =	swait.ge [sflag:s16], $0x1E00  }
0x373: {  	[sflag:s16] =	ssyncset.done $0x0  }
0x374: {  	[sflag:s16] =	ssyncadd.s32 $0xFFFFE200  }
0x375: {  	[spmem:s19], [sflag:s17] =	dma.local [hbm:s6], $0x13C0  }
0x376: {  	_ =	swait.ge [sflag:s7], $0x13C0  }
0x377: {  	[sflag:s7] =	ssyncset.done $0x0  }
0x378: {  	[sflag:s7] =	ssyncadd.s32 $0xFFFFEC40  }
0x379: {  	_ =	swait.ge [sflag:s8], $0x2800  }
0x37a: {  	[sflag:s8] =	ssyncset.done $0x0  }
0x37b: {  	[sflag:s8] =	ssyncadd.s32 $0xFFFFD800  }
0x37c: {  	_ =	swait.ge [sflag:s1], $0x2800  }
0x37d: {  	[sflag:s1] =	ssyncset.done $0x0  }
0x37e: {  	[sflag:s1] =	ssyncadd.s32 $0xFFFFD800  }
0x37f: {  	s28 =	simm.s32 $0x0;
	[bflag:$0x0] =	sbarrier.arrive $0xFFFF  }
0x380: {  	[tilespmem:s12], [sflag:$0x1] =	stream.indirect.gather [spmem:s4], $0x40, s28, s10, $0xb8;
	[tilespmem:$0x1FB80] =	vst v63  }
0x381: {  	_ = 	snop  }
0x382: {  	[tilespmem:s13], [sflag:$0x2] =	stream.indirect.gather [spmem:s4], $0x40, s10, s10, $0xb8;
	[tilespmem:$0x1FB80] =	vst v63  }
0x383: {  	_ =	swait.ge [sflag:s7], $0x2000  }
0x384: {  	[sflag:s7] =	ssyncset.done $0x0  }
0x385: {  	s20 =	simm.s32 $0x2800;
	[sflag:s7] =	ssyncadd.s32 $0xFFFFE000  }
0x386: {  	[spmem:s2] =	stream.indirect.scatter.add.f32 [tilespmem:s12], [sflag:$0x3], $0x40, s20, s10, $0xb8;
	[tilespmem:$0x1FB80] =	vst v63  }
0x387: {  	_ =	swait.ge [sflag:s1], $0x2000  }
0x388: {  	[sflag:s1] =	ssyncset.done $0x0  }
0x389: {  	s21 =	simm.s32 $0x100;
	[sflag:s1] =	ssyncadd.s32 $0xFFFFE000  }
0x38a: {  	[tilespmem:s12], [sflag:$0x1] =	stream.indirect.gather [spmem:s4], $0x40, s21, s10, $0xb8;
	[tilespmem:$0x1FB80] =	vst v63  }
0x38b: {  	_ =	swait.ge [sflag:s8], $0x2000  }
0x38c: {  	[sflag:s8] =	ssyncset.done $0x0  }
0x38d: {  	s28 =	simm.s32 $0x2880;
	[sflag:s8] =	ssyncadd.s32 $0xFFFFE000  }
0x38e: {  	[spmem:s2] =	stream.indirect.scatter.add.f32 [tilespmem:s13], [sflag:$0x4], $0x40, s28, s10, $0xb8;
	[tilespmem:$0x1FB80] =	vst v63  }
0x38f: {  	_ =	swait.ge [sflag:s9], $0x2000  }
0x390: {  	[sflag:s9] =	ssyncset.done $0x0  }
0x391: {  	s19 =	simm.s32 $0x400;
	s20 =	simm.s32 $0x180;
	[sflag:s9] =	ssyncadd.s32 $0xFFFFE000  }
.LBB2_28:
0x392: {  	[tilespmem:s13], [sflag:$0x2] =	stream.indirect.gather [spmem:s4], $0x40, s20, s10, $0xb8;
	[tilespmem:$0x1FB80] =	vst v63  }
0x393: {  	s20 =	smov.u32 s19  }
0x394: {  	p5 =	sne.s32 s19, $0x9800;
	s19 =	sadd.s32 $0x400, s19;
	_ =	swait.ge [sflag:s7], $0x2000  }
0x395: {  	s20 =	sshra.s32 s20, $0x2;
	[sflag:s7] =	ssyncset.done $0x0  }
0x396: {  	s21 =	sadd.s32 $0x2800, s20;
	[sflag:s7] =	ssyncadd.s32 $0xFFFFE000  }
0x397: {  	[spmem:s2] =	stream.indirect.scatter.add.f32 [tilespmem:s12], [sflag:$0x3], $0x40, s21, s10, $0xb8;
	[tilespmem:$0x1FB80] =	vst v63  }
0x398: {  	_ =	swait.ge [sflag:s1], $0x2000  }
0x399: {  	[sflag:s1] =	ssyncset.done $0x0  }
0x39a: {  	s21 =	sadd.s32 $0x100, s20;
	[sflag:s1] =	ssyncadd.s32 $0xFFFFE000  }
0x39b: {  	[tilespmem:s12], [sflag:$0x1] =	stream.indirect.gather [spmem:s4], $0x40, s21, s10, $0xb8;
	[tilespmem:$0x1FB80] =	vst v63  }
0x39c: {  	_ =	swait.ge [sflag:s8], $0x2000  }
0x39d: {  	[sflag:s8] =	ssyncset.done $0x0  }
.Ltmp13:
0x39e: {  	s21 =	sadd.s32 $0x2880, s20;
	[sflag:s8] =	ssyncadd.s32 $0xFFFFE000;
	(pc) =	sbr.rel @p5 .LBB2_28-.Ltmp13, $4  }
0x39f: {  	[spmem:s2] =	stream.indirect.scatter.add.f32 [tilespmem:s13], [sflag:$0x4], $0x40, s21, s10, $0xb8;
	[tilespmem:$0x1FB80] =	vst v63  }
0x3a0: {  	_ =	swait.ge [sflag:s9], $0x2000  }
0x3a1: {  	[sflag:s9] =	ssyncset.done $0x0  }
0x3a2: {  	s20 =	sadd.s32 $0x180, s20;
	[sflag:s9] =	ssyncadd.s32 $0xFFFFE000  }
0x3a3: {  	[tilespmem:s13], [sflag:$0x2] =	stream.indirect.gather [spmem:s4], $0x40, s20, s10, $0xb8;
	[tilespmem:$0x1FB80] =	vst v63  }
0x3a4: {  	_ =	swait.ge [sflag:s7], $0x2000  }
0x3a5: {  	[sflag:s7] =	ssyncset.done $0x0  }
0x3a6: {  	[sflag:s7] =	ssyncadd.s32 $0xFFFFE000  }
0x3a7: {  	[spmem:s2] =	stream.indirect.scatter.add.f32 [tilespmem:s12], [sflag:$0x3], $0x40, s14, s10, $0xb8;
	[tilespmem:$0x1FB80] =	vst v63  }
0x3a8: {  	_ =	swait.ge [sflag:s8], $0x2000  }
0x3a9: {  	[sflag:s8] =	ssyncset.done $0x0  }
0x3aa: {  	[sflag:s8] =	ssyncadd.s32 $0xFFFFE000  }
0x3ab: {  	[spmem:s2] =	stream.indirect.scatter.add.f32 [tilespmem:s13], [sflag:$0x4], $0x40, s15, s10, $0xb8;
	[tilespmem:$0x1FB80] =	vst v63  }
0x3ac: {  	_ =	swait.ge [sflag:s1], $0x2000  }
0x3ad: {  	[sflag:s1] =	ssyncset.done $0x0  }
0x3ae: {  	[sflag:s1] =	ssyncadd.s32 $0xFFFFE000  }
0x3af: {  	_ =	swait.ge [sflag:s9], $0x2000  }
0x3b0: {  	[sflag:s9] =	ssyncset.done $0x0  }
0x3b1: {  	[sflag:s9] =	ssyncadd.s32 $0xFFFFE000  }
0x3b2: {  	[bflag:$0x0] =	sbarrier.arrive $0xFFFF  }
0x3b3: {  	s19 =	rddreg [dreg:$0x1e]  }
0x3b4: {  	[hbm:s19], [sflag:s22] =	dma.local @!p3 [spmem:s24], $0x13C0  }
0x3b5: {  	s19 =	simm.s32 @!p3 $0x5  }
0x3b6: {  	_ =	swait.ge @!p3 [sflag:s19], $0x13C0  }
0x3b7: {  	[sflag:s19] =	ssyncset.done @!p3 $0x0  }
0x3b8: {  	[sflag:s19] =	ssyncadd.s32 @!p3 $0xFFFFEC40;
	s19 =	rddreg [dreg:$0x1f]  }
0x3b9: {  	[hbm:s19], [sflag:s25] =	dma.local @p0 [spmem:s26], $0x13C0  }
0x3ba: {  	s19 =	simm.s32 @p0 $0x5  }
0x3bb: {  	_ =	swait.ge @p0 [sflag:s19], $0x13C0  }
0x3bc: {  	s28 =	sld [smem:$0x7FC];
	_ =	sdelay $0x1  }
0x3bd: {  	s18 =	sadd.s32 $0x1, s18  }
0x3be: {  	p5 =	sne.s32 s18, s28  }
.Ltmp14:
0x3bf: {  	_ = 	snop;
	(pc) =	sbr.rel @p5 .LBB2_1-.Ltmp14, $3  }
0x3c0: {  	_ =	sdelay $0x1  }
0x3c1: {  	[sflag:s19] =	ssyncset.done @p0 $0x0  }
0x3c2: {  	[sflag:s19] =	ssyncadd.s32 @p0 $0xFFFFEC40  }
0x3c3: {  	_ =	sfence.sel $0x180000  }
0x3c4: {  	[bflag:$0x0] =	sbarrier.arrive $0xFFFF  }
0x3c5: {  	_ =	strace $0x90000047  }
0x3c6: {  	s0 =	stileid.u32;
	[bflag:$0x2] =	sbarrier.arrive $0xFFFF  }
0x3c7: {  	p0 =	sne.s32 s0, $0x0;
	s0 =	rddreg [dreg:$0x5]  }
0x3c8: {  	s0 =	sadd.s32 @!p0 $0x100000, s0  }
0x3c9: {  	[sflag:s0] =	ssyncadd.tile.s32 @!p0 $0x1;
	_ =	shalt  }
.Lfunc_end2:
_tile_overlayer_lowered:
.L_overlay_start_2:
0x3ca: {  	(tag) =	ssettag $0x2  }
0x3cb: {  	s0 =	rddreg [dreg:$0x0];
	s2 =	stileid.u32  }
0x3cc: {  	s1 =	rddreg [dreg:$0x1];
	p0 =	sne.s32 s2, $0x0  }
0x3cd: {  	s3 =	rddreg [dreg:$0x2];
	[bflag:$0x3] =	sbarrier.arrive $0xFFFF;
	s2 =	simm.s32 @!p0 $0x1C05  }
0x3ce: {  	[timem:s3], [sflag:s2] =	dma.local @!p0 [hbm:s0], s1  }
0x3cf: {  	s0 =	simm.s32 @!p0 $0x5  }
0x3d0: {  	_ =	swait.ge @!p0 [sflag:s0], s1  }
0x3d1: {  	s1 =	ssub.s32 @!p0 $0x0, s1;
	[sflag:s0] =	ssyncset.done @!p0 $0x0  }
0x3d2: {  	[sflag:s0] =	ssyncadd.s32 @!p0 s1  }
0x3d3: {  	[bflag:$0x3] =	sbarrier.arrive $0xFFFF  }
0x3d4: {  	_ =	shalt  }

</sc_bundles>
